<compile_context>
chip_gen: v7x
topology: tpu7x:2x2x1
jax: 0.10.2.dev20260603
libtpu: 0.0.44.dev20260713+nightly
codegen_flags: <defaults>
</compile_context>

<pallas_src>
import functools

import jax
import jax.numpy as jnp
from jax import lax
from jax.experimental import pallas as pl
from jax.experimental.pallas import tpu as pltpu
from jax.experimental.pallas import tpu_sc as plsc

NUM_EXPERTS = 64
TOP_K = 8
BLOCK_R = 1024
N_WORKERS = 32
ROWS_PER_WORKER = 8192 // N_WORKERS


def _mm_kernel(x_ref, w_ref, o_ref):
    o_ref[...] = jax.lax.dot_general(
        x_ref[...], w_ref[...], (((1,), (1,)), ((), ())),
        preferred_element_type=jnp.float32,
    )


def _tc_logits(x, gate_weight):
    n, d = x.shape
    return pl.pallas_call(
        _mm_kernel,
        grid=(n // BLOCK_R,),
        in_specs=[
            pl.BlockSpec((BLOCK_R, d), lambda i: (i, 0)),
            pl.BlockSpec((NUM_EXPERTS, d), lambda i: (0, 0)),
        ],
        out_specs=pl.BlockSpec((BLOCK_R, NUM_EXPERTS), lambda i: (i, 0)),
        out_shape=jax.ShapeDtypeStruct((n, NUM_EXPERTS), jnp.float32),
    )(x, gate_weight)


def _merge(ka, va, kb, vb):
    kar = lax.rev(ka, (0,))
    var = lax.rev(va, (0,))
    sel = kar > kb
    hk = jnp.where(sel, kar, kb)
    hv = jnp.where(sel, var, vb)
    return plsc.sort_key_val(hk, hv, descending=True)


def _make_sc_topk(n_rows):
    rpw = n_rows // N_WORKERS

    def _sc_topk_body(lg_hbm, ow_hbm, oi_hbm, lg_v, w_v, i_v):
        wid = lax.axis_index("s") * 2 + lax.axis_index("c")
        base = wid * rpw
        pltpu.sync_copy(lg_hbm.at[pl.ds(base, rpw)], lg_v)
        iota = lax.iota(jnp.int32, 16)
        lane_lo = iota < TOP_K

        @plsc.parallel_loop(0, rpw, unroll=4)
        def row(r):
            s = [
                plsc.sort_key_val(
                    lg_v[r, pl.ds(16 * j, 16)], iota + 16 * j, descending=True
                )
                for j in range(4)
            ]
            m01 = _merge(*s[0], *s[1])
            m23 = _merge(*s[2], *s[3])
            kf, vf = _merge(*m01, *m23)
            mx = jnp.max(kf)
            e = jnp.exp(kf - mx)
            em = jnp.where(lane_lo, e, 0.0)
            w = em / jnp.sum(em)
            plsc.store_compressed(w_v.at[pl.ds(r * TOP_K, 16)], w, mask=lane_lo)
            plsc.store_compressed(i_v.at[pl.ds(r * TOP_K, 16)], vf, mask=lane_lo)
        out_elems = rpw * TOP_K
        pltpu.sync_copy(w_v.at[pl.ds(0, out_elems)],
                        ow_hbm.at[pl.ds(base * TOP_K, out_elems)])
        pltpu.sync_copy(i_v.at[pl.ds(0, out_elems)],
                        oi_hbm.at[pl.ds(base * TOP_K, out_elems)])

    return pl.kernel(
        _sc_topk_body,
        out_type=[
            jax.ShapeDtypeStruct((n_rows * TOP_K,), jnp.float32),
            jax.ShapeDtypeStruct((n_rows * TOP_K,), jnp.int32),
        ],
        mesh=plsc.VectorSubcoreMesh(
            core_axis_name="c", subcore_axis_name="s",
            num_cores=2, num_subcores=16,
        ),
        compiler_params=pltpu.CompilerParams(needs_layout_passes=False),
        scratch_types=[
            pltpu.VMEM((rpw, NUM_EXPERTS), jnp.float32),
            pltpu.VMEM((rpw * TOP_K + 16,), jnp.float32),
            pltpu.VMEM((rpw * TOP_K + 16,), jnp.int32),
        ],
    )


N_CHUNKS = 4


def kernel(x, gate_weight):
    n, _ = x.shape
    nc = n // N_CHUNKS
    sc_topk = _make_sc_topk(nc)
    ws, idxs = [], []
    for c in range(N_CHUNKS):
        logits = _tc_logits(x[c * nc:(c + 1) * nc], gate_weight)
        wf, idxf = sc_topk(logits)
        ws.append(wf.reshape(nc, TOP_K))
        idxs.append(idxf.reshape(nc, TOP_K))
    return jnp.concatenate(ws, axis=0), jnp.concatenate(idxs, axis=0)

# --- scband reference (transcript-rebuilt; emitter-appended) ---
"""Pipeline reference for scband-ggmlmo-egate-26216480375345 (READ-ONLY COPY).

The authoritative reference and input builder live on the scoring server;
editing this copy changes nothing except your own understanding.
"""

import jax, jax.numpy as jnp
import numpy as np

NUM_EXPERTS = 64
TOP_K = 8
D_MODEL = 4096
N_TOKENS = 8192  # batch=4 * seq_len=2048


def setup_inputs(seed: int = 0) -> dict:
    key = jax.random.key(seed)
    k1, k2 = jax.random.split(key)
    x = jax.random.normal(k1, (N_TOKENS, D_MODEL), dtype=jnp.float32)
    gate_weight = jax.random.normal(k2, (NUM_EXPERTS, D_MODEL), dtype=jnp.float32) * 0.02
    return {"x": x, "gate_weight": gate_weight}


def reference(x, gate_weight):
    # MoE gate: dense projection -> softmax -> top-k -> renormalize
    logits = jnp.dot(x, gate_weight.T)                     # [N, E]
    probs = jax.nn.softmax(logits.astype(jnp.float32), axis=-1)
    topk_weight, topk_idx = jax.lax.top_k(probs, TOP_K)    # [N, K]
    denom = jnp.sum(topk_weight, axis=-1, keepdims=True) + 1e-20
    topk_weight = topk_weight / denom
    return topk_weight, topk_idx.astype(jnp.int32)

if __name__ == "__main__":
    import jax
    _d = setup_inputs()
    print(jax.jit(kernel)(*tuple(_d.values())))

</pallas_src>

<mosaic_0001>
#map = affine_map<(d0, d1) -> (0, 0)>
#map1 = affine_map<(d0, d1) -> (0)>
module attributes {stable_mosaic.version = 14 : i64} {
  func.func @_sc_topk_body(%arg0: i32, %arg1: i32, %arg2: memref<2048x64xf32, #tpu.memory_space<hbm>>, %arg3: memref<16384xf32, #tpu.memory_space<hbm>>, %arg4: memref<16384xi32, #tpu.memory_space<hbm>>, %arg5: memref<64x64xf32, #tpu.memory_space<vmem>>, %arg6: memref<528xf32, #tpu.memory_space<vmem>>, %arg7: memref<528xi32, #tpu.memory_space<vmem>>) attributes {dimension_semantics = [#tpu.dimension_semantics<core_parallel>, #tpu.dimension_semantics<subcore_parallel>], iteration_bounds = array<i64: 2, 16>, scalar_prefetch = 0 : i64, scratch_operands = 3 : i64, tpu.core_type = #tpu.core_type<sc_vector_subcore>, window_params = [{transform_indices = #map}, {transform_indices = #map1}, {transform_indices = #map1}]} {
    %mul3A = arith.constant 2 : i32
    %mul3A_0 = arith.muli %arg1, %mul3A : i32
    %add3A = arith.addi %mul3A_0, %arg0 : i32
    %mul3A_1 = arith.constant 64 : i32
    %mul3A_2 = arith.muli %add3A, %mul3A_1 : i32
    "tpu.region"() ({
      %run_scoped3A = tpu.sem_alloc : memref<!tpu.dma_semaphore, #tpu.memory_space<semaphore_mem>>
      %dma_start3A = arith.constant 0 : i32
      %dma_start3A_11 = tpu.memref_slice %arg2[%mul3A_2, %dma_start3A] : memref<2048x64xf32, #tpu.memory_space<hbm>> -> memref<64x64xf32, #tpu.memory_space<hbm>>
      %dma_start3A_12 = arith.constant 0 : i32
      %dma_start3A_13 = tpu.memref_slice %arg2[%mul3A_2, %dma_start3A_12] : memref<2048x64xf32, #tpu.memory_space<hbm>> -> memref<64x64xf32, #tpu.memory_space<hbm>>
      tpu.enqueue_dma source(%dma_start3A_13 : memref<64x64xf32, #tpu.memory_space<hbm>>) target(%arg5 : memref<64x64xf32, #tpu.memory_space<vmem>>) target_semaphore(%run_scoped3A : memref<!tpu.dma_semaphore, #tpu.memory_space<semaphore_mem>>)
      %dma_wait3A = arith.constant 0 : i32
      %dma_wait3A_14 = tpu.memref_slice %arg2[%mul3A_2, %dma_wait3A] : memref<2048x64xf32, #tpu.memory_space<hbm>> -> memref<64x64xf32, #tpu.memory_space<hbm>>
      %dma_wait3A_15 = arith.constant 0 : i32
      %dma_wait3A_16 = tpu.memref_slice %arg2[%mul3A_2, %dma_wait3A_15] : memref<2048x64xf32, #tpu.memory_space<hbm>> -> memref<64x64xf32, #tpu.memory_space<hbm>>
      tpu.wait_dma2 semaphore(%run_scoped3A : memref<!tpu.dma_semaphore, #tpu.memory_space<semaphore_mem>>) src(%dma_wait3A_16 : memref<64x64xf32, #tpu.memory_space<hbm>>) dst(%arg5 : memref<64x64xf32, #tpu.memory_space<vmem>>)
      tpu.yield
    }) : () -> ()
    %iota3A = tpu.iota {dimensions = array<i32: 0>} : vector<16xi32>
    %lt3A = arith.constant 8 : i32
    %lt3A_3 = vector.broadcast %lt3A : i32 to vector<16xi32>
    %lt3A_4 = arith.cmpi slt, %iota3A, %lt3A_3 : vector<16xi32>
    %parallel_loop3A = arith.constant 0 : i32
    %parallel_loop3A_5 = arith.constant 64 : i32
    %parallel_loop3A_6 = arith.constant 1 : i32
    scf.for %parallel_loop3A_11 = %parallel_loop3A to %parallel_loop3A_5 step %parallel_loop3A_6  : i32 {
      %parallel_loop3A_12 = arith.index_cast %parallel_loop3A_11 : i32 to index
      %parallel_loop3A_13 = arith.constant 0 : index
      %parallel_loop3A_14 = tpu.vector_load %arg5[%parallel_loop3A_12, %parallel_loop3A_13] {strides = array<i32>} : memref<64x64xf32, #tpu.memory_space<vmem>>, vector<16xf32>,
      %parallel_loop3A_15 = arith.constant 0 : i32
      %parallel_loop3A_16 = vector.broadcast %parallel_loop3A_15 : i32 to vector<16xi32>
      %parallel_loop3A_17 = arith.addi %iota3A, %parallel_loop3A_16 : vector<16xi32>
      %parallel_loop3A_18 = arith.constant dense<true> : vector<16xi1>
      %parallel_loop3A_19, %parallel_loop3A_20, %parallel_loop3A_21 = tpu.sort %parallel_loop3A_14, %parallel_loop3A_17 masked %parallel_loop3A_18 {descending = true} : (vector<16xf32>, vector<16xi32>, vector<16xi1>) -> (vector<16xi1>, vector<16xf32>, vector<16xi32>)
      %parallel_loop3A_22 = arith.index_cast %parallel_loop3A_11 : i32 to index
      %parallel_loop3A_23 = arith.constant 16 : index
      %parallel_loop3A_24 = tpu.vector_load %arg5[%parallel_loop3A_22, %parallel_loop3A_23] {strides = array<i32>} : memref<64x64xf32, #tpu.memory_space<vmem>>, vector<16xf32>,
      %parallel_loop3A_25 = arith.constant 16 : i32
      %parallel_loop3A_26 = vector.broadcast %parallel_loop3A_25 : i32 to vector<16xi32>
      %parallel_loop3A_27 = arith.addi %iota3A, %parallel_loop3A_26 : vector<16xi32>
      %parallel_loop3A_28 = arith.constant dense<true> : vector<16xi1>
      %parallel_loop3A_29, %parallel_loop3A_30, %parallel_loop3A_31 = tpu.sort %parallel_loop3A_24, %parallel_loop3A_27 masked %parallel_loop3A_28 {descending = true} : (vector<16xf32>, vector<16xi32>, vector<16xi1>) -> (vector<16xi1>, vector<16xf32>, vector<16xi32>)
      %parallel_loop3A_32 = arith.index_cast %parallel_loop3A_11 : i32 to index
      %parallel_loop3A_33 = arith.constant 32 : index
      %parallel_loop3A_34 = tpu.vector_load %arg5[%parallel_loop3A_32, %parallel_loop3A_33] {strides = array<i32>} : memref<64x64xf32, #tpu.memory_space<vmem>>, vector<16xf32>,
      %parallel_loop3A_35 = arith.constant 32 : i32
      %parallel_loop3A_36 = vector.broadcast %parallel_loop3A_35 : i32 to vector<16xi32>
      %parallel_loop3A_37 = arith.addi %iota3A, %parallel_loop3A_36 : vector<16xi32>
      %parallel_loop3A_38 = arith.constant dense<true> : vector<16xi1>
      %parallel_loop3A_39, %parallel_loop3A_40, %parallel_loop3A_41 = tpu.sort %parallel_loop3A_34, %parallel_loop3A_37 masked %parallel_loop3A_38 {descending = true} : (vector<16xf32>, vector<16xi32>, vector<16xi1>) -> (vector<16xi1>, vector<16xf32>, vector<16xi32>)
      %parallel_loop3A_42 = arith.index_cast %parallel_loop3A_11 : i32 to index
      %parallel_loop3A_43 = arith.constant 48 : index
      %parallel_loop3A_44 = tpu.vector_load %arg5[%parallel_loop3A_42, %parallel_loop3A_43] {strides = array<i32>} : memref<64x64xf32, #tpu.memory_space<vmem>>, vector<16xf32>,
      %parallel_loop3A_45 = arith.constant 48 : i32
      %parallel_loop3A_46 = vector.broadcast %parallel_loop3A_45 : i32 to vector<16xi32>
      %parallel_loop3A_47 = arith.addi %iota3A, %parallel_loop3A_46 : vector<16xi32>
      %parallel_loop3A_48 = arith.constant dense<true> : vector<16xi1>
      %parallel_loop3A_49, %parallel_loop3A_50, %parallel_loop3A_51 = tpu.sort %parallel_loop3A_44, %parallel_loop3A_47 masked %parallel_loop3A_48 {descending = true} : (vector<16xf32>, vector<16xi32>, vector<16xi1>) -> (vector<16xi1>, vector<16xf32>, vector<16xi32>)
      %parallel_loop3A_52 = arith.constant 15 : i32
      %parallel_loop3A_53 = vector.broadcast %parallel_loop3A_52 : i32 to vector<16xi32>
      %parallel_loop3A_54 = tpu.iota {dimensions = array<i32: 0>} : vector<16xi32>
      %parallel_loop3A_55 = arith.subi %parallel_loop3A_53, %parallel_loop3A_54 : vector<16xi32>
      %parallel_loop3A_56 = tpu.dynamic_gather %parallel_loop3A_20[%parallel_loop3A_55] in [0] : vector<16xf32>, vector<16xi32> -> vector<16xf32>
      %parallel_loop3A_57 = arith.constant 15 : i32
      %parallel_loop3A_58 = vector.broadcast %parallel_loop3A_57 : i32 to vector<16xi32>
      %parallel_loop3A_59 = tpu.iota {dimensions = array<i32: 0>} : vector<16xi32>
      %parallel_loop3A_60 = arith.subi %parallel_loop3A_58, %parallel_loop3A_59 : vector<16xi32>
      %parallel_loop3A_61 = tpu.dynamic_gather %parallel_loop3A_21[%parallel_loop3A_60] in [0] : vector<16xi32>, vector<16xi32> -> vector<16xi32>
      %parallel_loop3A_62 = arith.cmpf ogt, %parallel_loop3A_56, %parallel_loop3A_30 : vector<16xf32>
      %parallel_loop3A_63 = arith.select %parallel_loop3A_62, %parallel_loop3A_56, %parallel_loop3A_30 : vector<16xi1>, vector<16xf32>
      %parallel_loop3A_64 = arith.select %parallel_loop3A_62, %parallel_loop3A_61, %parallel_loop3A_31 : vector<16xi1>, vector<16xi32>
      %parallel_loop3A_65 = arith.constant dense<true> : vector<16xi1>
      %parallel_loop3A_66, %parallel_loop3A_67, %parallel_loop3A_68 = tpu.sort %parallel_loop3A_63, %parallel_loop3A_64 masked %parallel_loop3A_65 {descending = true} : (vector<16xf32>, vector<16xi32>, vector<16xi1>) -> (vector<16xi1>, vector<16xf32>, vector<16xi32>)
      %parallel_loop3A_69 = arith.constant 15 : i32
      %parallel_loop3A_70 = vector.broadcast %parallel_loop3A_69 : i32 to vector<16xi32>
      %parallel_loop3A_71 = tpu.iota {dimensions = array<i32: 0>} : vector<16xi32>
      %parallel_loop3A_72 = arith.subi %parallel_loop3A_70, %parallel_loop3A_71 : vector<16xi32>
      %parallel_loop3A_73 = tpu.dynamic_gather %parallel_loop3A_40[%parallel_loop3A_72] in [0] : vector<16xf32>, vector<16xi32> -> vector<16xf32>
      %parallel_loop3A_74 = arith.constant 15 : i32
      %parallel_loop3A_75 = vector.broadcast %parallel_loop3A_74 : i32 to vector<16xi32>
      %parallel_loop3A_76 = tpu.iota {dimensions = array<i32: 0>} : vector<16xi32>
      %parallel_loop3A_77 = arith.subi %parallel_loop3A_75, %parallel_loop3A_76 : vector<16xi32>
      %parallel_loop3A_78 = tpu.dynamic_gather %parallel_loop3A_41[%parallel_loop3A_77] in [0] : vector<16xi32>, vector<16xi32> -> vector<16xi32>
      %parallel_loop3A_79 = arith.cmpf ogt, %parallel_loop3A_73, %parallel_loop3A_50 : vector<16xf32>
      %parallel_loop3A_80 = arith.select %parallel_loop3A_79, %parallel_loop3A_73, %parallel_loop3A_50 : vector<16xi1>, vector<16xf32>
      %parallel_loop3A_81 = arith.select %parallel_loop3A_79, %parallel_loop3A_78, %parallel_loop3A_51 : vector<16xi1>, vector<16xi32>
      %parallel_loop3A_82 = arith.constant dense<true> : vector<16xi1>
      %parallel_loop3A_83, %parallel_loop3A_84, %parallel_loop3A_85 = tpu.sort %parallel_loop3A_80, %parallel_loop3A_81 masked %parallel_loop3A_82 {descending = true} : (vector<16xf32>, vector<16xi32>, vector<16xi1>) -> (vector<16xi1>, vector<16xf32>, vector<16xi32>)
      %parallel_loop3A_86 = arith.constant 15 : i32
      %parallel_loop3A_87 = vector.broadcast %parallel_loop3A_86 : i32 to vector<16xi32>
      %parallel_loop3A_88 = tpu.iota {dimensions = array<i32: 0>} : vector<16xi32>
      %parallel_loop3A_89 = arith.subi %parallel_loop3A_87, %parallel_loop3A_88 : vector<16xi32>
      %parallel_loop3A_90 = tpu.dynamic_gather %parallel_loop3A_67[%parallel_loop3A_89] in [0] : vector<16xf32>, vector<16xi32> -> vector<16xf32>
      %parallel_loop3A_91 = arith.constant 15 : i32
      %parallel_loop3A_92 = vector.broadcast %parallel_loop3A_91 : i32 to vector<16xi32>
      %parallel_loop3A_93 = tpu.iota {dimensions = array<i32: 0>} : vector<16xi32>
      %parallel_loop3A_94 = arith.subi %parallel_loop3A_92, %parallel_loop3A_93 : vector<16xi32>
      %parallel_loop3A_95 = tpu.dynamic_gather %parallel_loop3A_68[%parallel_loop3A_94] in [0] : vector<16xi32>, vector<16xi32> -> vector<16xi32>
      %parallel_loop3A_96 = arith.cmpf ogt, %parallel_loop3A_90, %parallel_loop3A_84 : vector<16xf32>
      %parallel_loop3A_97 = arith.select %parallel_loop3A_96, %parallel_loop3A_90, %parallel_loop3A_84 : vector<16xi1>, vector<16xf32>
      %parallel_loop3A_98 = arith.select %parallel_loop3A_96, %parallel_loop3A_95, %parallel_loop3A_85 : vector<16xi1>, vector<16xi32>
      %parallel_loop3A_99 = arith.constant dense<true> : vector<16xi1>
      %parallel_loop3A_100, %parallel_loop3A_101, %parallel_loop3A_102 = tpu.sort %parallel_loop3A_97, %parallel_loop3A_98 masked %parallel_loop3A_99 {descending = true} : (vector<16xf32>, vector<16xi32>, vector<16xi1>) -> (vector<16xi1>, vector<16xf32>, vector<16xi32>)
      %parallel_loop3A_103 = arith.constant true
      %parallel_loop3A_104 = vector.broadcast %parallel_loop3A_103 : i1 to vector<16xi1>
      %parallel_loop3A_105 = tpu.scan <max>, %parallel_loop3A_101 masked %parallel_loop3A_104 : vector<16xf32>, vector<16xi1> -> vector<16xf32>
      %parallel_loop3A_106 = vector.extract %parallel_loop3A_105[15] : f32 from vector<16xf32>
      %parallel_loop3A_107 = vector.broadcast %parallel_loop3A_106 : f32 to vector<16xf32>
      %parallel_loop3A_108 = arith.subf %parallel_loop3A_101, %parallel_loop3A_107 : vector<16xf32>
      %parallel_loop3A_109 = math.exp %parallel_loop3A_108 : vector<16xf32>
      %parallel_loop3A_110 = arith.constant 0.000000e+00 : f32
      %parallel_loop3A_111 = vector.broadcast %parallel_loop3A_110 : f32 to vector<16xf32>
      %parallel_loop3A_112 = arith.select %lt3A_4, %parallel_loop3A_109, %parallel_loop3A_111 : vector<16xi1>, vector<16xf32>
      %parallel_loop3A_113 = arith.constant true
      %parallel_loop3A_114 = vector.broadcast %parallel_loop3A_113 : i1 to vector<16xi1>
      %parallel_loop3A_115 = tpu.scan <sum>, %parallel_loop3A_112 masked %parallel_loop3A_114 : vector<16xf32>, vector<16xi1> -> vector<16xf32>
      %parallel_loop3A_116 = vector.extract %parallel_loop3A_115[15] : f32 from vector<16xf32>
      %parallel_loop3A_117 = vector.broadcast %parallel_loop3A_116 : f32 to vector<16xf32>
      %parallel_loop3A_118 = arith.divf %parallel_loop3A_112, %parallel_loop3A_117 : vector<16xf32>
      %parallel_loop3A_119 = arith.constant 8 : i32
      %parallel_loop3A_120 = arith.muli %parallel_loop3A_11, %parallel_loop3A_119 : i32
      %parallel_loop3A_121 = arith.index_cast %parallel_loop3A_120 : i32 to index
      %parallel_loop3A_122 = tpu.vector_load %arg6[%parallel_loop3A_121] masked %lt3A_4 {strides = array<i32>} : memref<528xf32, #tpu.memory_space<vmem>>, vector<16xf32>, vector<16xi1>
      tpu.vector_store %arg6[%parallel_loop3A_121], %parallel_loop3A_118 masked %lt3A_4 {strides = array<i32>} : memref<528xf32, #tpu.memory_space<vmem>>, vector<16xf32>, vector<16xi1>
      %parallel_loop3A_123 = arith.constant 8 : i32
      %parallel_loop3A_124 = arith.muli %parallel_loop3A_11, %parallel_loop3A_123 : i32
      %parallel_loop3A_125 = arith.index_cast %parallel_loop3A_124 : i32 to index
      %parallel_loop3A_126 = tpu.vector_load %arg7[%parallel_loop3A_125] masked %lt3A_4 {strides = array<i32>} : memref<528xi32, #tpu.memory_space<vmem>>, vector<16xi32>, vector<16xi1>
      tpu.vector_store %arg7[%parallel_loop3A_125], %parallel_loop3A_102 masked %lt3A_4 {strides = array<i32>} : memref<528xi32, #tpu.memory_space<vmem>>, vector<16xi32>, vector<16xi1>
    } {sc.loop_unroll_factor = 4 : i64, sc.parallel_access}
    %mul3A_7 = arith.constant 8 : i32
    %mul3A_8 = arith.muli %mul3A_2, %mul3A_7 : i32
    "tpu.region"() ({
      %run_scoped3A = tpu.sem_alloc : memref<!tpu.dma_semaphore, #tpu.memory_space<semaphore_mem>>
      %dma_start3A = arith.constant 0 : i32
      %dma_start3A_11 = tpu.memref_slice %arg6[%dma_start3A] : memref<528xf32, #tpu.memory_space<vmem>> -> memref<512xf32, #tpu.memory_space<vmem>>
      %dma_start3A_12 = tpu.memref_slice %arg3[%mul3A_8] : memref<16384xf32, #tpu.memory_space<hbm>> -> memref<512xf32, #tpu.memory_space<hbm>>
      %dma_start3A_13 = tpu.memref_slice %arg3[%mul3A_8] : memref<16384xf32, #tpu.memory_space<hbm>> -> memref<512xf32, #tpu.memory_space<hbm>>
      %dma_start3A_14 = arith.constant 0 : i32
      %dma_start3A_15 = tpu.memref_slice %arg6[%dma_start3A_14] : memref<528xf32, #tpu.memory_space<vmem>> -> memref<512xf32, #tpu.memory_space<vmem>>
      tpu.enqueue_dma source(%dma_start3A_15 : memref<512xf32, #tpu.memory_space<vmem>>) target(%dma_start3A_13 : memref<512xf32, #tpu.memory_space<hbm>>) target_semaphore(%run_scoped3A : memref<!tpu.dma_semaphore, #tpu.memory_space<semaphore_mem>>)
      %dma_wait3A = arith.constant 0 : i32
      %dma_wait3A_16 = tpu.memref_slice %arg6[%dma_wait3A] : memref<528xf32, #tpu.memory_space<vmem>> -> memref<512xf32, #tpu.memory_space<vmem>>
      %dma_wait3A_17 = tpu.memref_slice %arg3[%mul3A_8] : memref<16384xf32, #tpu.memory_space<hbm>> -> memref<512xf32, #tpu.memory_space<hbm>>
      %dma_wait3A_18 = tpu.memref_slice %arg3[%mul3A_8] : memref<16384xf32, #tpu.memory_space<hbm>> -> memref<512xf32, #tpu.memory_space<hbm>>
      %dma_wait3A_19 = arith.constant 0 : i32
      %dma_wait3A_20 = tpu.memref_slice %arg6[%dma_wait3A_19] : memref<528xf32, #tpu.memory_space<vmem>> -> memref<512xf32, #tpu.memory_space<vmem>>
      tpu.wait_dma2 semaphore(%run_scoped3A : memref<!tpu.dma_semaphore, #tpu.memory_space<semaphore_mem>>) src(%dma_wait3A_20 : memref<512xf32, #tpu.memory_space<vmem>>) dst(%dma_wait3A_18 : memref<512xf32, #tpu.memory_space<hbm>>)
      tpu.yield
    }) : () -> ()
    %mul3A_9 = arith.constant 8 : i32
    %mul3A_10 = arith.muli %mul3A_2, %mul3A_9 : i32
    "tpu.region"() ({
      %run_scoped3A = tpu.sem_alloc : memref<!tpu.dma_semaphore, #tpu.memory_space<semaphore_mem>>
      %dma_start3A = arith.constant 0 : i32
      %dma_start3A_11 = tpu.memref_slice %arg7[%dma_start3A] : memref<528xi32, #tpu.memory_space<vmem>> -> memref<512xi32, #tpu.memory_space<vmem>>
      %dma_start3A_12 = tpu.memref_slice %arg4[%mul3A_10] : memref<16384xi32, #tpu.memory_space<hbm>> -> memref<512xi32, #tpu.memory_space<hbm>>
      %dma_start3A_13 = tpu.memref_slice %arg4[%mul3A_10] : memref<16384xi32, #tpu.memory_space<hbm>> -> memref<512xi32, #tpu.memory_space<hbm>>
      %dma_start3A_14 = arith.constant 0 : i32
      %dma_start3A_15 = tpu.memref_slice %arg7[%dma_start3A_14] : memref<528xi32, #tpu.memory_space<vmem>> -> memref<512xi32, #tpu.memory_space<vmem>>
      tpu.enqueue_dma source(%dma_start3A_15 : memref<512xi32, #tpu.memory_space<vmem>>) target(%dma_start3A_13 : memref<512xi32, #tpu.memory_space<hbm>>) target_semaphore(%run_scoped3A : memref<!tpu.dma_semaphore, #tpu.memory_space<semaphore_mem>>)
      %dma_wait3A = arith.constant 0 : i32
      %dma_wait3A_16 = tpu.memref_slice %arg7[%dma_wait3A] : memref<528xi32, #tpu.memory_space<vmem>> -> memref<512xi32, #tpu.memory_space<vmem>>
      %dma_wait3A_17 = tpu.memref_slice %arg4[%mul3A_10] : memref<16384xi32, #tpu.memory_space<hbm>> -> memref<512xi32, #tpu.memory_space<hbm>>
      %dma_wait3A_18 = tpu.memref_slice %arg4[%mul3A_10] : memref<16384xi32, #tpu.memory_space<hbm>> -> memref<512xi32, #tpu.memory_space<hbm>>
      %dma_wait3A_19 = arith.constant 0 : i32
      %dma_wait3A_20 = tpu.memref_slice %arg7[%dma_wait3A_19] : memref<528xi32, #tpu.memory_space<vmem>> -> memref<512xi32, #tpu.memory_space<vmem>>
      tpu.wait_dma2 semaphore(%run_scoped3A : memref<!tpu.dma_semaphore, #tpu.memory_space<semaphore_mem>>) src(%dma_wait3A_20 : memref<512xi32, #tpu.memory_space<vmem>>) dst(%dma_wait3A_18 : memref<512xi32, #tpu.memory_space<hbm>>)
      tpu.yield
    }) : () -> ()
    return
  }
}

#map = affine_map<(d0, d1) -> (0, 0)>
#map1 = affine_map<(d0, d1) -> (0)>
module attributes {stable_mosaic.version = 14 : i64} {
  func.func @_sc_topk_body(%arg0: i32, %arg1: i32, %arg2: memref<2048x64xf32, #tpu.memory_space<hbm>>, %arg3: memref<16384xf32, #tpu.memory_space<hbm>>, %arg4: memref<16384xi32, #tpu.memory_space<hbm>>, %arg5: memref<64x64xf32, #tpu.memory_space<vmem>>, %arg6: memref<528xf32, #tpu.memory_space<vmem>>, %arg7: memref<528xi32, #tpu.memory_space<vmem>>) attributes {dimension_semantics = [#tpu.dimension_semantics<core_parallel>, #tpu.dimension_semantics<subcore_parallel>], iteration_bounds = array<i64: 2, 16>, scalar_prefetch = 0 : i64, scratch_operands = 3 : i64, tpu.core_type = #tpu.core_type<sc_vector_subcore>, window_params = [{transform_indices = #map}, {transform_indices = #map1}, {transform_indices = #map1}]} {
    %mul3A = arith.constant 2 : i32
    %mul3A_0 = arith.muli %arg1, %mul3A : i32
    %add3A = arith.addi %mul3A_0, %arg0 : i32
    %mul3A_1 = arith.constant 64 : i32
    %mul3A_2 = arith.muli %add3A, %mul3A_1 : i32
    "tpu.region"() ({
      %run_scoped3A = tpu.sem_alloc : memref<!tpu.dma_semaphore, #tpu.memory_space<semaphore_mem>>
      %dma_start3A = arith.constant 0 : i32
      %dma_start3A_11 = tpu.memref_slice %arg2[%mul3A_2, %dma_start3A] : memref<2048x64xf32, #tpu.memory_space<hbm>> -> memref<64x64xf32, #tpu.memory_space<hbm>>
      %dma_start3A_12 = arith.constant 0 : i32
      %dma_start3A_13 = tpu.memref_slice %arg2[%mul3A_2, %dma_start3A_12] : memref<2048x64xf32, #tpu.memory_space<hbm>> -> memref<64x64xf32, #tpu.memory_space<hbm>>
      tpu.enqueue_dma source(%dma_start3A_13 : memref<64x64xf32, #tpu.memory_space<hbm>>) target(%arg5 : memref<64x64xf32, #tpu.memory_space<vmem>>) target_semaphore(%run_scoped3A : memref<!tpu.dma_semaphore, #tpu.memory_space<semaphore_mem>>)
      %dma_wait3A = arith.constant 0 : i32
      %dma_wait3A_14 = tpu.memref_slice %arg2[%mul3A_2, %dma_wait3A] : memref<2048x64xf32, #tpu.memory_space<hbm>> -> memref<64x64xf32, #tpu.memory_space<hbm>>
      %dma_wait3A_15 = arith.constant 0 : i32
      %dma_wait3A_16 = tpu.memref_slice %arg2[%mul3A_2, %dma_wait3A_15] : memref<2048x64xf32, #tpu.memory_space<hbm>> -> memref<64x64xf32, #tpu.memory_space<hbm>>
      tpu.wait_dma2 semaphore(%run_scoped3A : memref<!tpu.dma_semaphore, #tpu.memory_space<semaphore_mem>>) src(%dma_wait3A_16 : memref<64x64xf32, #tpu.memory_space<hbm>>) dst(%arg5 : memref<64x64xf32, #tpu.memory_space<vmem>>)
      tpu.yield
    }) : () -> ()
    %iota3A = tpu.iota {dimensions = array<i32: 0>} : vector<16xi32>
    %lt3A = arith.constant 8 : i32
    %lt3A_3 = vector.broadcast %lt3A : i32 to vector<16xi32>
    %lt3A_4 = arith.cmpi slt, %iota3A, %lt3A_3 : vector<16xi32>
    %parallel_loop3A = arith.constant 0 : i32
    %parallel_loop3A_5 = arith.constant 64 : i32
    %parallel_loop3A_6 = arith.constant 1 : i32
    scf.for %parallel_loop3A_11 = %parallel_loop3A to %parallel_loop3A_5 step %parallel_loop3A_6  : i32 {
      %parallel_loop3A_12 = arith.index_cast %parallel_loop3A_11 : i32 to index
      %parallel_loop3A_13 = arith.constant 0 : index
      %parallel_loop3A_14 = tpu.vector_load %arg5[%parallel_loop3A_12, %parallel_loop3A_13] {strides = array<i32>} : memref<64x64xf32, #tpu.memory_space<vmem>>, vector<16xf32>,
      %parallel_loop3A_15 = arith.constant 0 : i32
      %parallel_loop3A_16 = vector.broadcast %parallel_loop3A_15 : i32 to vector<16xi32>
      %parallel_loop3A_17 = arith.addi %iota3A, %parallel_loop3A_16 : vector<16xi32>
      %parallel_loop3A_18 = arith.constant dense<true> : vector<16xi1>
      %parallel_loop3A_19, %parallel_loop3A_20, %parallel_loop3A_21 = tpu.sort %parallel_loop3A_14, %parallel_loop3A_17 masked %parallel_loop3A_18 {descending = true} : (vector<16xf32>, vector<16xi32>, vector<16xi1>) -> (vector<16xi1>, vector<16xf32>, vector<16xi32>)
      %parallel_loop3A_22 = arith.index_cast %parallel_loop3A_11 : i32 to index
      %parallel_loop3A_23 = arith.constant 16 : index
      %parallel_loop3A_24 = tpu.vector_load %arg5[%parallel_loop3A_22, %parallel_loop3A_23] {strides = array<i32>} : memref<64x64xf32, #tpu.memory_space<vmem>>, vector<16xf32>,
      %parallel_loop3A_25 = arith.constant 16 : i32
      %parallel_loop3A_26 = vector.broadcast %parallel_loop3A_25 : i32 to vector<16xi32>
      %parallel_loop3A_27 = arith.addi %iota3A, %parallel_loop3A_26 : vector<16xi32>
      %parallel_loop3A_28 = arith.constant dense<true> : vector<16xi1>
      %parallel_loop3A_29, %parallel_loop3A_30, %parallel_loop3A_31 = tpu.sort %parallel_loop3A_24, %parallel_loop3A_27 masked %parallel_loop3A_28 {descending = true} : (vector<16xf32>, vector<16xi32>, vector<16xi1>) -> (vector<16xi1>, vector<16xf32>, vector<16xi32>)
      %parallel_loop3A_32 = arith.index_cast %parallel_loop3A_11 : i32 to index
      %parallel_loop3A_33 = arith.constant 32 : index
      %parallel_loop3A_34 = tpu.vector_load %arg5[%parallel_loop3A_32, %parallel_loop3A_33] {strides = array<i32>} : memref<64x64xf32, #tpu.memory_space<vmem>>, vector<16xf32>,
      %parallel_loop3A_35 = arith.constant 32 : i32
      %parallel_loop3A_36 = vector.broadcast %parallel_loop3A_35 : i32 to vector<16xi32>
      %parallel_loop3A_37 = arith.addi %iota3A, %parallel_loop3A_36 : vector<16xi32>
      %parallel_loop3A_38 = arith.constant dense<true> : vector<16xi1>
      %parallel_loop3A_39, %parallel_loop3A_40, %parallel_loop3A_41 = tpu.sort %parallel_loop3A_34, %parallel_loop3A_37 masked %parallel_loop3A_38 {descending = true} : (vector<16xf32>, vector<16xi32>, vector<16xi1>) -> (vector<16xi1>, vector<16xf32>, vector<16xi32>)
      %parallel_loop3A_42 = arith.index_cast %parallel_loop3A_11 : i32 to index
      %parallel_loop3A_43 = arith.constant 48 : index
      %parallel_loop3A_44 = tpu.vector_load %arg5[%parallel_loop3A_42, %parallel_loop3A_43] {strides = array<i32>} : memref<64x64xf32, #tpu.memory_space<vmem>>, vector<16xf32>,
      %parallel_loop3A_45 = arith.constant 48 : i32
      %parallel_loop3A_46 = vector.broadcast %parallel_loop3A_45 : i32 to vector<16xi32>
      %parallel_loop3A_47 = arith.addi %iota3A, %parallel_loop3A_46 : vector<16xi32>
      %parallel_loop3A_48 = arith.constant dense<true> : vector<16xi1>
      %parallel_loop3A_49, %parallel_loop3A_50, %parallel_loop3A_51 = tpu.sort %parallel_loop3A_44, %parallel_loop3A_47 masked %parallel_loop3A_48 {descending = true} : (vector<16xf32>, vector<16xi32>, vector<16xi1>) -> (vector<16xi1>, vector<16xf32>, vector<16xi32>)
      %parallel_loop3A_52 = arith.constant 15 : i32
      %parallel_loop3A_53 = vector.broadcast %parallel_loop3A_52 : i32 to vector<16xi32>
      %parallel_loop3A_54 = tpu.iota {dimensions = array<i32: 0>} : vector<16xi32>
      %parallel_loop3A_55 = arith.subi %parallel_loop3A_53, %parallel_loop3A_54 : vector<16xi32>
      %parallel_loop3A_56 = tpu.dynamic_gather %parallel_loop3A_20[%parallel_loop3A_55] in [0] : vector<16xf32>, vector<16xi32> -> vector<16xf32>
      %parallel_loop3A_57 = arith.constant 15 : i32
      %parallel_loop3A_58 = vector.broadcast %parallel_loop3A_57 : i32 to vector<16xi32>
      %parallel_loop3A_59 = tpu.iota {dimensions = array<i32: 0>} : vector<16xi32>
      %parallel_loop3A_60 = arith.subi %parallel_loop3A_58, %parallel_loop3A_59 : vector<16xi32>
      %parallel_loop3A_61 = tpu.dynamic_gather %parallel_loop3A_21[%parallel_loop3A_60] in [0] : vector<16xi32>, vector<16xi32> -> vector<16xi32>
      %parallel_loop3A_62 = arith.cmpf ogt, %parallel_loop3A_56, %parallel_loop3A_30 : vector<16xf32>
      %parallel_loop3A_63 = arith.select %parallel_loop3A_62, %parallel_loop3A_56, %parallel_loop3A_30 : vector<16xi1>, vector<16xf32>
      %parallel_loop3A_64 = arith.select %parallel_loop3A_62, %parallel_loop3A_61, %parallel_loop3A_31 : vector<16xi1>, vector<16xi32>
      %parallel_loop3A_65 = arith.constant dense<true> : vector<16xi1>
      %parallel_loop3A_66, %parallel_loop3A_67, %parallel_loop3A_68 = tpu.sort %parallel_loop3A_63, %parallel_loop3A_64 masked %parallel_loop3A_65 {descending = true} : (vector<16xf32>, vector<16xi32>, vector<16xi1>) -> (vector<16xi1>, vector<16xf32>, vector<16xi32>)
      %parallel_loop3A_69 = arith.constant 15 : i32
      %parallel_loop3A_70 = vector.broadcast %parallel_loop3A_69 : i32 to vector<16xi32>
      %parallel_loop3A_71 = tpu.iota {dimensions = array<i32: 0>} : vector<16xi32>
      %parallel_loop3A_72 = arith.subi %parallel_loop3A_70, %parallel_loop3A_71 : vector<16xi32>
      %parallel_loop3A_73 = tpu.dynamic_gather %parallel_loop3A_40[%parallel_loop3A_72] in [0] : vector<16xf32>, vector<16xi32> -> vector<16xf32>
      %parallel_loop3A_74 = arith.constant 15 : i32
      %parallel_loop3A_75 = vector.broadcast %parallel_loop3A_74 : i32 to vector<16xi32>
      %parallel_loop3A_76 = tpu.iota {dimensions = array<i32: 0>} : vector<16xi32>
      %parallel_loop3A_77 = arith.subi %parallel_loop3A_75, %parallel_loop3A_76 : vector<16xi32>
      %parallel_loop3A_78 = tpu.dynamic_gather %parallel_loop3A_41[%parallel_loop3A_77] in [0] : vector<16xi32>, vector<16xi32> -> vector<16xi32>
      %parallel_loop3A_79 = arith.cmpf ogt, %parallel_loop3A_73, %parallel_loop3A_50 : vector<16xf32>
      %parallel_loop3A_80 = arith.select %parallel_loop3A_79, %parallel_loop3A_73, %parallel_loop3A_50 : vector<16xi1>, vector<16xf32>
      %parallel_loop3A_81 = arith.select %parallel_loop3A_79, %parallel_loop3A_78, %parallel_loop3A_51 : vector<16xi1>, vector<16xi32>
      %parallel_loop3A_82 = arith.constant dense<true> : vector<16xi1>
      %parallel_loop3A_83, %parallel_loop3A_84, %parallel_loop3A_85 = tpu.sort %parallel_loop3A_80, %parallel_loop3A_81 masked %parallel_loop3A_82 {descending = true} : (vector<16xf32>, vector<16xi32>, vector<16xi1>) -> (vector<16xi1>, vector<16xf32>, vector<16xi32>)
      %parallel_loop3A_86 = arith.constant 15 : i32
      %parallel_loop3A_87 = vector.broadcast %parallel_loop3A_86 : i32 to vector<16xi32>
      %parallel_loop3A_88 = tpu.iota {dimensions = array<i32: 0>} : vector<16xi32>
      %parallel_loop3A_89 = arith.subi %parallel_loop3A_87, %parallel_loop3A_88 : vector<16xi32>
      %parallel_loop3A_90 = tpu.dynamic_gather %parallel_loop3A_67[%parallel_loop3A_89] in [0] : vector<16xf32>, vector<16xi32> -> vector<16xf32>
      %parallel_loop3A_91 = arith.constant 15 : i32
      %parallel_loop3A_92 = vector.broadcast %parallel_loop3A_91 : i32 to vector<16xi32>
      %parallel_loop3A_93 = tpu.iota {dimensions = array<i32: 0>} : vector<16xi32>
      %parallel_loop3A_94 = arith.subi %parallel_loop3A_92, %parallel_loop3A_93 : vector<16xi32>
      %parallel_loop3A_95 = tpu.dynamic_gather %parallel_loop3A_68[%parallel_loop3A_94] in [0] : vector<16xi32>, vector<16xi32> -> vector<16xi32>
      %parallel_loop3A_96 = arith.cmpf ogt, %parallel_loop3A_90, %parallel_loop3A_84 : vector<16xf32>
      %parallel_loop3A_97 = arith.select %parallel_loop3A_96, %parallel_loop3A_90, %parallel_loop3A_84 : vector<16xi1>, vector<16xf32>
      %parallel_loop3A_98 = arith.select %parallel_loop3A_96, %parallel_loop3A_95, %parallel_loop3A_85 : vector<16xi1>, vector<16xi32>
      %parallel_loop3A_99 = arith.constant dense<true> : vector<16xi1>
      %parallel_loop3A_100, %parallel_loop3A_101, %parallel_loop3A_102 = tpu.sort %parallel_loop3A_97, %parallel_loop3A_98 masked %parallel_loop3A_99 {descending = true} : (vector<16xf32>, vector<16xi32>, vector<16xi1>) -> (vector<16xi1>, vector<16xf32>, vector<16xi32>)
      %parallel_loop3A_103 = arith.constant true
      %parallel_loop3A_104 = vector.broadcast %parallel_loop3A_103 : i1 to vector<16xi1>
      %parallel_loop3A_105 = tpu.scan <max>, %parallel_loop3A_101 masked %parallel_loop3A_104 : vector<16xf32>, vector<16xi1> -> vector<16xf32>
      %parallel_loop3A_106 = vector.extract %parallel_loop3A_105[15] : f32 from vector<16xf32>
      %parallel_loop3A_107 = vector.broadcast %parallel_loop3A_106 : f32 to vector<16xf32>
      %parallel_loop3A_108 = arith.subf %parallel_loop3A_101, %parallel_loop3A_107 : vector<16xf32>
      %parallel_loop3A_109 = math.exp %parallel_loop3A_108 : vector<16xf32>
      %parallel_loop3A_110 = arith.constant 0.000000e+00 : f32
      %parallel_loop3A_111 = vector.broadcast %parallel_loop3A_110 : f32 to vector<16xf32>
      %parallel_loop3A_112 = arith.select %lt3A_4, %parallel_loop3A_109, %parallel_loop3A_111 : vector<16xi1>, vector<16xf32>
      %parallel_loop3A_113 = arith.constant true
      %parallel_loop3A_114 = vector.broadcast %parallel_loop3A_113 : i1 to vector<16xi1>
      %parallel_loop3A_115 = tpu.scan <sum>, %parallel_loop3A_112 masked %parallel_loop3A_114 : vector<16xf32>, vector<16xi1> -> vector<16xf32>
      %parallel_loop3A_116 = vector.extract %parallel_loop3A_115[15] : f32 from vector<16xf32>
      %parallel_loop3A_117 = vector.broadcast %parallel_loop3A_116 : f32 to vector<16xf32>
      %parallel_loop3A_118 = arith.divf %parallel_loop3A_112, %parallel_loop3A_117 : vector<16xf32>
      %parallel_loop3A_119 = arith.constant 8 : i32
      %parallel_loop3A_120 = arith.muli %parallel_loop3A_11, %parallel_loop3A_119 : i32
      %parallel_loop3A_121 = arith.index_cast %parallel_loop3A_120 : i32 to index
      %parallel_loop3A_122 = tpu.vector_load %arg6[%parallel_loop3A_121] masked %lt3A_4 {strides = array<i32>} : memref<528xf32, #tpu.memory_space<vmem>>, vector<16xf32>, vector<16xi1>
      tpu.vector_store %arg6[%parallel_loop3A_121], %parallel_loop3A_118 masked %lt3A_4 {strides = array<i32>} : memref<528xf32, #tpu.memory_space<vmem>>, vector<16xf32>, vector<16xi1>
      %parallel_loop3A_123 = arith.constant 8 : i32
      %parallel_loop3A_124 = arith.muli %parallel_loop3A_11, %parallel_loop3A_123 : i32
      %parallel_loop3A_125 = arith.index_cast %parallel_loop3A_124 : i32 to index
      %parallel_loop3A_126 = tpu.vector_load %arg7[%parallel_loop3A_125] masked %lt3A_4 {strides = array<i32>} : memref<528xi32, #tpu.memory_space<vmem>>, vector<16xi32>, vector<16xi1>
      tpu.vector_store %arg7[%parallel_loop3A_125], %parallel_loop3A_102 masked %lt3A_4 {strides = array<i32>} : memref<528xi32, #tpu.memory_space<vmem>>, vector<16xi32>, vector<16xi1>
    } {sc.loop_unroll_factor = 4 : i64, sc.parallel_access}
    %mul3A_7 = arith.constant 8 : i32
    %mul3A_8 = arith.muli %mul3A_2, %mul3A_7 : i32
    "tpu.region"() ({
      %run_scoped3A = tpu.sem_alloc : memref<!tpu.dma_semaphore, #tpu.memory_space<semaphore_mem>>
      %dma_start3A = arith.constant 0 : i32
      %dma_start3A_11 = tpu.memref_slice %arg6[%dma_start3A] : memref<528xf32, #tpu.memory_space<vmem>> -> memref<512xf32, #tpu.memory_space<vmem>>
      %dma_start3A_12 = tpu.memref_slice %arg3[%mul3A_8] : memref<16384xf32, #tpu.memory_space<hbm>> -> memref<512xf32, #tpu.memory_space<hbm>>
      %dma_start3A_13 = tpu.memref_slice %arg3[%mul3A_8] : memref<16384xf32, #tpu.memory_space<hbm>> -> memref<512xf32, #tpu.memory_space<hbm>>
      %dma_start3A_14 = arith.constant 0 : i32
      %dma_start3A_15 = tpu.memref_slice %arg6[%dma_start3A_14] : memref<528xf32, #tpu.memory_space<vmem>> -> memref<512xf32, #tpu.memory_space<vmem>>
      tpu.enqueue_dma source(%dma_start3A_15 : memref<512xf32, #tpu.memory_space<vmem>>) target(%dma_start3A_13 : memref<512xf32, #tpu.memory_space<hbm>>) target_semaphore(%run_scoped3A : memref<!tpu.dma_semaphore, #tpu.memory_space<semaphore_mem>>)
      %dma_wait3A = arith.constant 0 : i32
      %dma_wait3A_16 = tpu.memref_slice %arg6[%dma_wait3A] : memref<528xf32, #tpu.memory_space<vmem>> -> memref<512xf32, #tpu.memory_space<vmem>>
      %dma_wait3A_17 = tpu.memref_slice %arg3[%mul3A_8] : memref<16384xf32, #tpu.memory_space<hbm>> -> memref<512xf32, #tpu.memory_space<hbm>>
      %dma_wait3A_18 = tpu.memref_slice %arg3[%mul3A_8] : memref<16384xf32, #tpu.memory_space<hbm>> -> memref<512xf32, #tpu.memory_space<hbm>>
      %dma_wait3A_19 = arith.constant 0 : i32
      %dma_wait3A_20 = tpu.memref_slice %arg6[%dma_wait3A_19] : memref<528xf32, #tpu.memory_space<vmem>> -> memref<512xf32, #tpu.memory_space<vmem>>
      tpu.wait_dma2 semaphore(%run_scoped3A : memref<!tpu.dma_semaphore, #tpu.memory_space<semaphore_mem>>) src(%dma_wait3A_20 : memref<512xf32, #tpu.memory_space<vmem>>) dst(%dma_wait3A_18 : memref<512xf32, #tpu.memory_space<hbm>>)
      tpu.yield
    }) : () -> ()
    %mul3A_9 = arith.constant 8 : i32
    %mul3A_10 = arith.muli %mul3A_2, %mul3A_9 : i32
    "tpu.region"() ({
      %run_scoped3A = tpu.sem_alloc : memref<!tpu.dma_semaphore, #tpu.memory_space<semaphore_mem>>
      %dma_start3A = arith.constant 0 : i32
      %dma_start3A_11 = tpu.memref_slice %arg7[%dma_start3A] : memref<528xi32, #tpu.memory_space<vmem>> -> memref<512xi32, #tpu.memory_space<vmem>>
      %dma_start3A_12 = tpu.memref_slice %arg4[%mul3A_10] : memref<16384xi32, #tpu.memory_space<hbm>> -> memref<512xi32, #tpu.memory_space<hbm>>
      %dma_start3A_13 = tpu.memref_slice %arg4[%mul3A_10] : memref<16384xi32, #tpu.memory_space<hbm>> -> memref<512xi32, #tpu.memory_space<hbm>>
      %dma_start3A_14 = arith.constant 0 : i32
      %dma_start3A_15 = tpu.memref_slice %arg7[%dma_start3A_14] : memref<528xi32, #tpu.memory_space<vmem>> -> memref<512xi32, #tpu.memory_space<vmem>>
      tpu.enqueue_dma source(%dma_start3A_15 : memref<512xi32, #tpu.memory_space<vmem>>) target(%dma_start3A_13 : memref<512xi32, #tpu.memory_space<hbm>>) target_semaphore(%run_scoped3A : memref<!tpu.dma_semaphore, #tpu.memory_space<semaphore_mem>>)
      %dma_wait3A = arith.constant 0 : i32
      %dma_wait3A_16 = tpu.memref_slice %arg7[%dma_wait3A] : memref<528xi32, #tpu.memory_space<vmem>> -> memref<512xi32, #tpu.memory_space<vmem>>
      %dma_wait3A_17 = tpu.memref_slice %arg4[%mul3A_10] : memref<16384xi32, #tpu.memory_space<hbm>> -> memref<512xi32, #tpu.memory_space<hbm>>
      %dma_wait3A_18 = tpu.memref_slice %arg4[%mul3A_10] : memref<16384xi32, #tpu.memory_space<hbm>> -> memref<512xi32, #tpu.memory_space<hbm>>
      %dma_wait3A_19 = arith.constant 0 : i32
      %dma_wait3A_20 = tpu.memref_slice %arg7[%dma_wait3A_19] : memref<528xi32, #tpu.memory_space<vmem>> -> memref<512xi32, #tpu.memory_space<vmem>>
      tpu.wait_dma2 semaphore(%run_scoped3A : memref<!tpu.dma_semaphore, #tpu.memory_space<semaphore_mem>>) src(%dma_wait3A_20 : memref<512xi32, #tpu.memory_space<vmem>>) dst(%dma_wait3A_18 : memref<512xi32, #tpu.memory_space<hbm>>)
      tpu.yield
    }) : () -> ()
    return
  }
}

#map = affine_map<(d0, d1) -> (0, 0)>
#map1 = affine_map<(d0, d1) -> (0)>
module attributes {stable_mosaic.version = 14 : i64} {
  func.func @_sc_topk_body(%arg0: i32, %arg1: i32, %arg2: memref<2048x64xf32, #tpu.memory_space<hbm>>, %arg3: memref<16384xf32, #tpu.memory_space<hbm>>, %arg4: memref<16384xi32, #tpu.memory_space<hbm>>, %arg5: memref<64x64xf32, #tpu.memory_space<vmem>>, %arg6: memref<528xf32, #tpu.memory_space<vmem>>, %arg7: memref<528xi32, #tpu.memory_space<vmem>>) attributes {dimension_semantics = [#tpu.dimension_semantics<core_parallel>, #tpu.dimension_semantics<subcore_parallel>], iteration_bounds = array<i64: 2, 16>, scalar_prefetch = 0 : i64, scratch_operands = 3 : i64, tpu.core_type = #tpu.core_type<sc_vector_subcore>, window_params = [{transform_indices = #map}, {transform_indices = #map1}, {transform_indices = #map1}]} {
    %mul3A = arith.constant 2 : i32
    %mul3A_0 = arith.muli %arg1, %mul3A : i32
    %add3A = arith.addi %mul3A_0, %arg0 : i32
    %mul3A_1 = arith.constant 64 : i32
    %mul3A_2 = arith.muli %add3A, %mul3A_1 : i32
    "tpu.region"() ({
      %run_scoped3A = tpu.sem_alloc : memref<!tpu.dma_semaphore, #tpu.memory_space<semaphore_mem>>
      %dma_start3A = arith.constant 0 : i32
      %dma_start3A_11 = tpu.memref_slice %arg2[%mul3A_2, %dma_start3A] : memref<2048x64xf32, #tpu.memory_space<hbm>> -> memref<64x64xf32, #tpu.memory_space<hbm>>
      %dma_start3A_12 = arith.constant 0 : i32
      %dma_start3A_13 = tpu.memref_slice %arg2[%mul3A_2, %dma_start3A_12] : memref<2048x64xf32, #tpu.memory_space<hbm>> -> memref<64x64xf32, #tpu.memory_space<hbm>>
      tpu.enqueue_dma source(%dma_start3A_13 : memref<64x64xf32, #tpu.memory_space<hbm>>) target(%arg5 : memref<64x64xf32, #tpu.memory_space<vmem>>) target_semaphore(%run_scoped3A : memref<!tpu.dma_semaphore, #tpu.memory_space<semaphore_mem>>)
      %dma_wait3A = arith.constant 0 : i32
      %dma_wait3A_14 = tpu.memref_slice %arg2[%mul3A_2, %dma_wait3A] : memref<2048x64xf32, #tpu.memory_space<hbm>> -> memref<64x64xf32, #tpu.memory_space<hbm>>
      %dma_wait3A_15 = arith.constant 0 : i32
      %dma_wait3A_16 = tpu.memref_slice %arg2[%mul3A_2, %dma_wait3A_15] : memref<2048x64xf32, #tpu.memory_space<hbm>> -> memref<64x64xf32, #tpu.memory_space<hbm>>
      tpu.wait_dma2 semaphore(%run_scoped3A : memref<!tpu.dma_semaphore, #tpu.memory_space<semaphore_mem>>) src(%dma_wait3A_16 : memref<64x64xf32, #tpu.memory_space<hbm>>) dst(%arg5 : memref<64x64xf32, #tpu.memory_space<vmem>>)
      tpu.yield
    }) : () -> ()
    %iota3A = tpu.iota {dimensions = array<i32: 0>} : vector<16xi32>
    %lt3A = arith.constant 8 : i32
    %lt3A_3 = vector.broadcast %lt3A : i32 to vector<16xi32>
    %lt3A_4 = arith.cmpi slt, %iota3A, %lt3A_3 : vector<16xi32>
    %parallel_loop3A = arith.constant 0 : i32
    %parallel_loop3A_5 = arith.constant 64 : i32
    %parallel_loop3A_6 = arith.constant 1 : i32
    scf.for %parallel_loop3A_11 = %parallel_loop3A to %parallel_loop3A_5 step %parallel_loop3A_6  : i32 {
      %parallel_loop3A_12 = arith.index_cast %parallel_loop3A_11 : i32 to index
      %parallel_loop3A_13 = arith.constant 0 : index
      %parallel_loop3A_14 = tpu.vector_load %arg5[%parallel_loop3A_12, %parallel_loop3A_13] {strides = array<i32>} : memref<64x64xf32, #tpu.memory_space<vmem>>, vector<16xf32>,
      %parallel_loop3A_15 = arith.constant 0 : i32
      %parallel_loop3A_16 = vector.broadcast %parallel_loop3A_15 : i32 to vector<16xi32>
      %parallel_loop3A_17 = arith.addi %iota3A, %parallel_loop3A_16 : vector<16xi32>
      %parallel_loop3A_18 = arith.constant dense<true> : vector<16xi1>
      %parallel_loop3A_19, %parallel_loop3A_20, %parallel_loop3A_21 = tpu.sort %parallel_loop3A_14, %parallel_loop3A_17 masked %parallel_loop3A_18 {descending = true} : (vector<16xf32>, vector<16xi32>, vector<16xi1>) -> (vector<16xi1>, vector<16xf32>, vector<16xi32>)
      %parallel_loop3A_22 = arith.index_cast %parallel_loop3A_11 : i32 to index
      %parallel_loop3A_23 = arith.constant 16 : index
      %parallel_loop3A_24 = tpu.vector_load %arg5[%parallel_loop3A_22, %parallel_loop3A_23] {strides = array<i32>} : memref<64x64xf32, #tpu.memory_space<vmem>>, vector<16xf32>,
      %parallel_loop3A_25 = arith.constant 16 : i32
      %parallel_loop3A_26 = vector.broadcast %parallel_loop3A_25 : i32 to vector<16xi32>
      %parallel_loop3A_27 = arith.addi %iota3A, %parallel_loop3A_26 : vector<16xi32>
      %parallel_loop3A_28 = arith.constant dense<true> : vector<16xi1>
      %parallel_loop3A_29, %parallel_loop3A_30, %parallel_loop3A_31 = tpu.sort %parallel_loop3A_24, %parallel_loop3A_27 masked %parallel_loop3A_28 {descending = true} : (vector<16xf32>, vector<16xi32>, vector<16xi1>) -> (vector<16xi1>, vector<16xf32>, vector<16xi32>)
      %parallel_loop3A_32 = arith.index_cast %parallel_loop3A_11 : i32 to index
      %parallel_loop3A_33 = arith.constant 32 : index
      %parallel_loop3A_34 = tpu.vector_load %arg5[%parallel_loop3A_32, %parallel_loop3A_33] {strides = array<i32>} : memref<64x64xf32, #tpu.memory_space<vmem>>, vector<16xf32>,
      %parallel_loop3A_35 = arith.constant 32 : i32
      %parallel_loop3A_36 = vector.broadcast %parallel_loop3A_35 : i32 to vector<16xi32>
      %parallel_loop3A_37 = arith.addi %iota3A, %parallel_loop3A_36 : vector<16xi32>
      %parallel_loop3A_38 = arith.constant dense<true> : vector<16xi1>
      %parallel_loop3A_39, %parallel_loop3A_40, %parallel_loop3A_41 = tpu.sort %parallel_loop3A_34, %parallel_loop3A_37 masked %parallel_loop3A_38 {descending = true} : (vector<16xf32>, vector<16xi32>, vector<16xi1>) -> (vector<16xi1>, vector<16xf32>, vector<16xi32>)
      %parallel_loop3A_42 = arith.index_cast %parallel_loop3A_11 : i32 to index
      %parallel_loop3A_43 = arith.constant 48 : index
      %parallel_loop3A_44 = tpu.vector_load %arg5[%parallel_loop3A_42, %parallel_loop3A_43] {strides = array<i32>} : memref<64x64xf32, #tpu.memory_space<vmem>>, vector<16xf32>,
      %parallel_loop3A_45 = arith.constant 48 : i32
      %parallel_loop3A_46 = vector.broadcast %parallel_loop3A_45 : i32 to vector<16xi32>
      %parallel_loop3A_47 = arith.addi %iota3A, %parallel_loop3A_46 : vector<16xi32>
      %parallel_loop3A_48 = arith.constant dense<true> : vector<16xi1>
      %parallel_loop3A_49, %parallel_loop3A_50, %parallel_loop3A_51 = tpu.sort %parallel_loop3A_44, %parallel_loop3A_47 masked %parallel_loop3A_48 {descending = true} : (vector<16xf32>, vector<16xi32>, vector<16xi1>) -> (vector<16xi1>, vector<16xf32>, vector<16xi32>)
      %parallel_loop3A_52 = arith.constant 15 : i32
      %parallel_loop3A_53 = vector.broadcast %parallel_loop3A_52 : i32 to vector<16xi32>
      %parallel_loop3A_54 = tpu.iota {dimensions = array<i32: 0>} : vector<16xi32>
      %parallel_loop3A_55 = arith.subi %parallel_loop3A_53, %parallel_loop3A_54 : vector<16xi32>
      %parallel_loop3A_56 = tpu.dynamic_gather %parallel_loop3A_20[%parallel_loop3A_55] in [0] : vector<16xf32>, vector<16xi32> -> vector<16xf32>
      %parallel_loop3A_57 = arith.constant 15 : i32
      %parallel_loop3A_58 = vector.broadcast %parallel_loop3A_57 : i32 to vector<16xi32>
      %parallel_loop3A_59 = tpu.iota {dimensions = array<i32: 0>} : vector<16xi32>
      %parallel_loop3A_60 = arith.subi %parallel_loop3A_58, %parallel_loop3A_59 : vector<16xi32>
      %parallel_loop3A_61 = tpu.dynamic_gather %parallel_loop3A_21[%parallel_loop3A_60] in [0] : vector<16xi32>, vector<16xi32> -> vector<16xi32>
      %parallel_loop3A_62 = arith.cmpf ogt, %parallel_loop3A_56, %parallel_loop3A_30 : vector<16xf32>
      %parallel_loop3A_63 = arith.select %parallel_loop3A_62, %parallel_loop3A_56, %parallel_loop3A_30 : vector<16xi1>, vector<16xf32>
      %parallel_loop3A_64 = arith.select %parallel_loop3A_62, %parallel_loop3A_61, %parallel_loop3A_31 : vector<16xi1>, vector<16xi32>
      %parallel_loop3A_65 = arith.constant dense<true> : vector<16xi1>
      %parallel_loop3A_66, %parallel_loop3A_67, %parallel_loop3A_68 = tpu.sort %parallel_loop3A_63, %parallel_loop3A_64 masked %parallel_loop3A_65 {descending = true} : (vector<16xf32>, vector<16xi32>, vector<16xi1>) -> (vector<16xi1>, vector<16xf32>, vector<16xi32>)
      %parallel_loop3A_69 = arith.constant 15 : i32
      %parallel_loop3A_70 = vector.broadcast %parallel_loop3A_69 : i32 to vector<16xi32>
      %parallel_loop3A_71 = tpu.iota {dimensions = array<i32: 0>} : vector<16xi32>
      %parallel_loop3A_72 = arith.subi %parallel_loop3A_70, %parallel_loop3A_71 : vector<16xi32>
      %parallel_loop3A_73 = tpu.dynamic_gather %parallel_loop3A_40[%parallel_loop3A_72] in [0] : vector<16xf32>, vector<16xi32> -> vector<16xf32>
      %parallel_loop3A_74 = arith.constant 15 : i32
      %parallel_loop3A_75 = vector.broadcast %parallel_loop3A_74 : i32 to vector<16xi32>
      %parallel_loop3A_76 = tpu.iota {dimensions = array<i32: 0>} : vector<16xi32>
      %parallel_loop3A_77 = arith.subi %parallel_loop3A_75, %parallel_loop3A_76 : vector<16xi32>
      %parallel_loop3A_78 = tpu.dynamic_gather %parallel_loop3A_41[%parallel_loop3A_77] in [0] : vector<16xi32>, vector<16xi32> -> vector<16xi32>
      %parallel_loop3A_79 = arith.cmpf ogt, %parallel_loop3A_73, %parallel_loop3A_50 : vector<16xf32>
      %parallel_loop3A_80 = arith.select %parallel_loop3A_79, %parallel_loop3A_73, %parallel_loop3A_50 : vector<16xi1>, vector<16xf32>
      %parallel_loop3A_81 = arith.select %parallel_loop3A_79, %parallel_loop3A_78, %parallel_loop3A_51 : vector<16xi1>, vector<16xi32>
      %parallel_loop3A_82 = arith.constant dense<true> : vector<16xi1>
      %parallel_loop3A_83, %parallel_loop3A_84, %parallel_loop3A_85 = tpu.sort %parallel_loop3A_80, %parallel_loop3A_81 masked %parallel_loop3A_82 {descending = true} : (vector<16xf32>, vector<16xi32>, vector<16xi1>) -> (vector<16xi1>, vector<16xf32>, vector<16xi32>)
      %parallel_loop3A_86 = arith.constant 15 : i32
      %parallel_loop3A_87 = vector.broadcast %parallel_loop3A_86 : i32 to vector<16xi32>
      %parallel_loop3A_88 = tpu.iota {dimensions = array<i32: 0>} : vector<16xi32>
      %parallel_loop3A_89 = arith.subi %parallel_loop3A_87, %parallel_loop3A_88 : vector<16xi32>
      %parallel_loop3A_90 = tpu.dynamic_gather %parallel_loop3A_67[%parallel_loop3A_89] in [0] : vector<16xf32>, vector<16xi32> -> vector<16xf32>
      %parallel_loop3A_91 = arith.constant 15 : i32
      %parallel_loop3A_92 = vector.broadcast %parallel_loop3A_91 : i32 to vector<16xi32>
      %parallel_loop3A_93 = tpu.iota {dimensions = array<i32: 0>} : vector<16xi32>
      %parallel_loop3A_94 = arith.subi %parallel_loop3A_92, %parallel_loop3A_93 : vector<16xi32>
      %parallel_loop3A_95 = tpu.dynamic_gather %parallel_loop3A_68[%parallel_loop3A_94] in [0] : vector<16xi32>, vector<16xi32> -> vector<16xi32>
      %parallel_loop3A_96 = arith.cmpf ogt, %parallel_loop3A_90, %parallel_loop3A_84 : vector<16xf32>
      %parallel_loop3A_97 = arith.select %parallel_loop3A_96, %parallel_loop3A_90, %parallel_loop3A_84 : vector<16xi1>, vector<16xf32>
      %parallel_loop3A_98 = arith.select %parallel_loop3A_96, %parallel_loop3A_95, %parallel_loop3A_85 : vector<16xi1>, vector<16xi32>
      %parallel_loop3A_99 = arith.constant dense<true> : vector<16xi1>
      %parallel_loop3A_100, %parallel_loop3A_101, %parallel_loop3A_102 = tpu.sort %parallel_loop3A_97, %parallel_loop3A_98 masked %parallel_loop3A_99 {descending = true} : (vector<16xf32>, vector<16xi32>, vector<16xi1>) -> (vector<16xi1>, vector<16xf32>, vector<16xi32>)
      %parallel_loop3A_103 = arith.constant true
      %parallel_loop3A_104 = vector.broadcast %parallel_loop3A_103 : i1 to vector<16xi1>
      %parallel_loop3A_105 = tpu.scan <max>, %parallel_loop3A_101 masked %parallel_loop3A_104 : vector<16xf32>, vector<16xi1> -> vector<16xf32>
      %parallel_loop3A_106 = vector.extract %parallel_loop3A_105[15] : f32 from vector<16xf32>
      %parallel_loop3A_107 = vector.broadcast %parallel_loop3A_106 : f32 to vector<16xf32>
      %parallel_loop3A_108 = arith.subf %parallel_loop3A_101, %parallel_loop3A_107 : vector<16xf32>
      %parallel_loop3A_109 = math.exp %parallel_loop3A_108 : vector<16xf32>
      %parallel_loop3A_110 = arith.constant 0.000000e+00 : f32
      %parallel_loop3A_111 = vector.broadcast %parallel_loop3A_110 : f32 to vector<16xf32>
      %parallel_loop3A_112 = arith.select %lt3A_4, %parallel_loop3A_109, %parallel_loop3A_111 : vector<16xi1>, vector<16xf32>
      %parallel_loop3A_113 = arith.constant true
      %parallel_loop3A_114 = vector.broadcast %parallel_loop3A_113 : i1 to vector<16xi1>
      %parallel_loop3A_115 = tpu.scan <sum>, %parallel_loop3A_112 masked %parallel_loop3A_114 : vector<16xf32>, vector<16xi1> -> vector<16xf32>
      %parallel_loop3A_116 = vector.extract %parallel_loop3A_115[15] : f32 from vector<16xf32>
      %parallel_loop3A_117 = vector.broadcast %parallel_loop3A_116 : f32 to vector<16xf32>
      %parallel_loop3A_118 = arith.divf %parallel_loop3A_112, %parallel_loop3A_117 : vector<16xf32>
      %parallel_loop3A_119 = arith.constant 8 : i32
      %parallel_loop3A_120 = arith.muli %parallel_loop3A_11, %parallel_loop3A_119 : i32
      %parallel_loop3A_121 = arith.index_cast %parallel_loop3A_120 : i32 to index
      %parallel_loop3A_122 = tpu.vector_load %arg6[%parallel_loop3A_121] masked %lt3A_4 {strides = array<i32>} : memref<528xf32, #tpu.memory_space<vmem>>, vector<16xf32>, vector<16xi1>
      tpu.vector_store %arg6[%parallel_loop3A_121], %parallel_loop3A_118 masked %lt3A_4 {strides = array<i32>} : memref<528xf32, #tpu.memory_space<vmem>>, vector<16xf32>, vector<16xi1>
      %parallel_loop3A_123 = arith.constant 8 : i32
      %parallel_loop3A_124 = arith.muli %parallel_loop3A_11, %parallel_loop3A_123 : i32
      %parallel_loop3A_125 = arith.index_cast %parallel_loop3A_124 : i32 to index
      %parallel_loop3A_126 = tpu.vector_load %arg7[%parallel_loop3A_125] masked %lt3A_4 {strides = array<i32>} : memref<528xi32, #tpu.memory_space<vmem>>, vector<16xi32>, vector<16xi1>
      tpu.vector_store %arg7[%parallel_loop3A_125], %parallel_loop3A_102 masked %lt3A_4 {strides = array<i32>} : memref<528xi32, #tpu.memory_space<vmem>>, vector<16xi32>, vector<16xi1>
    } {sc.loop_unroll_factor = 4 : i64, sc.parallel_access}
    %mul3A_7 = arith.constant 8 : i32
    %mul3A_8 = arith.muli %mul3A_2, %mul3A_7 : i32
    "tpu.region"() ({
      %run_scoped3A = tpu.sem_alloc : memref<!tpu.dma_semaphore, #tpu.memory_space<semaphore_mem>>
      %dma_start3A = arith.constant 0 : i32
      %dma_start3A_11 = tpu.memref_slice %arg6[%dma_start3A] : memref<528xf32, #tpu.memory_space<vmem>> -> memref<512xf32, #tpu.memory_space<vmem>>
      %dma_start3A_12 = tpu.memref_slice %arg3[%mul3A_8] : memref<16384xf32, #tpu.memory_space<hbm>> -> memref<512xf32, #tpu.memory_space<hbm>>
      %dma_start3A_13 = tpu.memref_slice %arg3[%mul3A_8] : memref<16384xf32, #tpu.memory_space<hbm>> -> memref<512xf32, #tpu.memory_space<hbm>>
      %dma_start3A_14 = arith.constant 0 : i32
      %dma_start3A_15 = tpu.memref_slice %arg6[%dma_start3A_14] : memref<528xf32, #tpu.memory_space<vmem>> -> memref<512xf32, #tpu.memory_space<vmem>>
      tpu.enqueue_dma source(%dma_start3A_15 : memref<512xf32, #tpu.memory_space<vmem>>) target(%dma_start3A_13 : memref<512xf32, #tpu.memory_space<hbm>>) target_semaphore(%run_scoped3A : memref<!tpu.dma_semaphore, #tpu.memory_space<semaphore_mem>>)
      %dma_wait3A = arith.constant 0 : i32
      %dma_wait3A_16 = tpu.memref_slice %arg6[%dma_wait3A] : memref<528xf32, #tpu.memory_space<vmem>> -> memref<512xf32, #tpu.memory_space<vmem>>
      %dma_wait3A_17 = tpu.memref_slice %arg3[%mul3A_8] : memref<16384xf32, #tpu.memory_space<hbm>> -> memref<512xf32, #tpu.memory_space<hbm>>
      %dma_wait3A_18 = tpu.memref_slice %arg3[%mul3A_8] : memref<16384xf32, #tpu.memory_space<hbm>> -> memref<512xf32, #tpu.memory_space<hbm>>
      %dma_wait3A_19 = arith.constant 0 : i32
      %dma_wait3A_20 = tpu.memref_slice %arg6[%dma_wait3A_19] : memref<528xf32, #tpu.memory_space<vmem>> -> memref<512xf32, #tpu.memory_space<vmem>>
      tpu.wait_dma2 semaphore(%run_scoped3A : memref<!tpu.dma_semaphore, #tpu.memory_space<semaphore_mem>>) src(%dma_wait3A_20 : memref<512xf32, #tpu.memory_space<vmem>>) dst(%dma_wait3A_18 : memref<512xf32, #tpu.memory_space<hbm>>)
      tpu.yield
    }) : () -> ()
    %mul3A_9 = arith.constant 8 : i32
    %mul3A_10 = arith.muli %mul3A_2, %mul3A_9 : i32
    "tpu.region"() ({
      %run_scoped3A = tpu.sem_alloc : memref<!tpu.dma_semaphore, #tpu.memory_space<semaphore_mem>>
      %dma_start3A = arith.constant 0 : i32
      %dma_start3A_11 = tpu.memref_slice %arg7[%dma_start3A] : memref<528xi32, #tpu.memory_space<vmem>> -> memref<512xi32, #tpu.memory_space<vmem>>
      %dma_start3A_12 = tpu.memref_slice %arg4[%mul3A_10] : memref<16384xi32, #tpu.memory_space<hbm>> -> memref<512xi32, #tpu.memory_space<hbm>>
      %dma_start3A_13 = tpu.memref_slice %arg4[%mul3A_10] : memref<16384xi32, #tpu.memory_space<hbm>> -> memref<512xi32, #tpu.memory_space<hbm>>
      %dma_start3A_14 = arith.constant 0 : i32
      %dma_start3A_15 = tpu.memref_slice %arg7[%dma_start3A_14] : memref<528xi32, #tpu.memory_space<vmem>> -> memref<512xi32, #tpu.memory_space<vmem>>
      tpu.enqueue_dma source(%dma_start3A_15 : memref<512xi32, #tpu.memory_space<vmem>>) target(%dma_start3A_13 : memref<512xi32, #tpu.memory_space<hbm>>) target_semaphore(%run_scoped3A : memref<!tpu.dma_semaphore, #tpu.memory_space<semaphore_mem>>)
      %dma_wait3A = arith.constant 0 : i32
      %dma_wait3A_16 = tpu.memref_slice %arg7[%dma_wait3A] : memref<528xi32, #tpu.memory_space<vmem>> -> memref<512xi32, #tpu.memory_space<vmem>>
      %dma_wait3A_17 = tpu.memref_slice %arg4[%mul3A_10] : memref<16384xi32, #tpu.memory_space<hbm>> -> memref<512xi32, #tpu.memory_space<hbm>>
      %dma_wait3A_18 = tpu.memref_slice %arg4[%mul3A_10] : memref<16384xi32, #tpu.memory_space<hbm>> -> memref<512xi32, #tpu.memory_space<hbm>>
      %dma_wait3A_19 = arith.constant 0 : i32
      %dma_wait3A_20 = tpu.memref_slice %arg7[%dma_wait3A_19] : memref<528xi32, #tpu.memory_space<vmem>> -> memref<512xi32, #tpu.memory_space<vmem>>
      tpu.wait_dma2 semaphore(%run_scoped3A : memref<!tpu.dma_semaphore, #tpu.memory_space<semaphore_mem>>) src(%dma_wait3A_20 : memref<512xi32, #tpu.memory_space<vmem>>) dst(%dma_wait3A_18 : memref<512xi32, #tpu.memory_space<hbm>>)
      tpu.yield
    }) : () -> ()
    return
  }
}

#map = affine_map<(d0, d1) -> (0, 0)>
#map1 = affine_map<(d0, d1) -> (0)>
module attributes {stable_mosaic.version = 14 : i64} {
  func.func @_sc_topk_body(%arg0: i32, %arg1: i32, %arg2: memref<2048x64xf32, #tpu.memory_space<hbm>>, %arg3: memref<16384xf32, #tpu.memory_space<hbm>>, %arg4: memref<16384xi32, #tpu.memory_space<hbm>>, %arg5: memref<64x64xf32, #tpu.memory_space<vmem>>, %arg6: memref<528xf32, #tpu.memory_space<vmem>>, %arg7: memref<528xi32, #tpu.memory_space<vmem>>) attributes {dimension_semantics = [#tpu.dimension_semantics<core_parallel>, #tpu.dimension_semantics<subcore_parallel>], iteration_bounds = array<i64: 2, 16>, scalar_prefetch = 0 : i64, scratch_operands = 3 : i64, tpu.core_type = #tpu.core_type<sc_vector_subcore>, window_params = [{transform_indices = #map}, {transform_indices = #map1}, {transform_indices = #map1}]} {
    %mul3A = arith.constant 2 : i32
    %mul3A_0 = arith.muli %arg1, %mul3A : i32
    %add3A = arith.addi %mul3A_0, %arg0 : i32
    %mul3A_1 = arith.constant 64 : i32
    %mul3A_2 = arith.muli %add3A, %mul3A_1 : i32
    "tpu.region"() ({
      %run_scoped3A = tpu.sem_alloc : memref<!tpu.dma_semaphore, #tpu.memory_space<semaphore_mem>>
      %dma_start3A = arith.constant 0 : i32
      %dma_start3A_11 = tpu.memref_slice %arg2[%mul3A_2, %dma_start3A] : memref<2048x64xf32, #tpu.memory_space<hbm>> -> memref<64x64xf32, #tpu.memory_space<hbm>>
      %dma_start3A_12 = arith.constant 0 : i32
      %dma_start3A_13 = tpu.memref_slice %arg2[%mul3A_2, %dma_start3A_12] : memref<2048x64xf32, #tpu.memory_space<hbm>> -> memref<64x64xf32, #tpu.memory_space<hbm>>
      tpu.enqueue_dma source(%dma_start3A_13 : memref<64x64xf32, #tpu.memory_space<hbm>>) target(%arg5 : memref<64x64xf32, #tpu.memory_space<vmem>>) target_semaphore(%run_scoped3A : memref<!tpu.dma_semaphore, #tpu.memory_space<semaphore_mem>>)
      %dma_wait3A = arith.constant 0 : i32
      %dma_wait3A_14 = tpu.memref_slice %arg2[%mul3A_2, %dma_wait3A] : memref<2048x64xf32, #tpu.memory_space<hbm>> -> memref<64x64xf32, #tpu.memory_space<hbm>>
      %dma_wait3A_15 = arith.constant 0 : i32
      %dma_wait3A_16 = tpu.memref_slice %arg2[%mul3A_2, %dma_wait3A_15] : memref<2048x64xf32, #tpu.memory_space<hbm>> -> memref<64x64xf32, #tpu.memory_space<hbm>>
      tpu.wait_dma2 semaphore(%run_scoped3A : memref<!tpu.dma_semaphore, #tpu.memory_space<semaphore_mem>>) src(%dma_wait3A_16 : memref<64x64xf32, #tpu.memory_space<hbm>>) dst(%arg5 : memref<64x64xf32, #tpu.memory_space<vmem>>)
      tpu.yield
    }) : () -> ()
    %iota3A = tpu.iota {dimensions = array<i32: 0>} : vector<16xi32>
    %lt3A = arith.constant 8 : i32
    %lt3A_3 = vector.broadcast %lt3A : i32 to vector<16xi32>
    %lt3A_4 = arith.cmpi slt, %iota3A, %lt3A_3 : vector<16xi32>
    %parallel_loop3A = arith.constant 0 : i32
    %parallel_loop3A_5 = arith.constant 64 : i32
    %parallel_loop3A_6 = arith.constant 1 : i32
    scf.for %parallel_loop3A_11 = %parallel_loop3A to %parallel_loop3A_5 step %parallel_loop3A_6  : i32 {
      %parallel_loop3A_12 = arith.index_cast %parallel_loop3A_11 : i32 to index
      %parallel_loop3A_13 = arith.constant 0 : index
      %parallel_loop3A_14 = tpu.vector_load %arg5[%parallel_loop3A_12, %parallel_loop3A_13] {strides = array<i32>} : memref<64x64xf32, #tpu.memory_space<vmem>>, vector<16xf32>,
      %parallel_loop3A_15 = arith.constant 0 : i32
      %parallel_loop3A_16 = vector.broadcast %parallel_loop3A_15 : i32 to vector<16xi32>
      %parallel_loop3A_17 = arith.addi %iota3A, %parallel_loop3A_16 : vector<16xi32>
      %parallel_loop3A_18 = arith.constant dense<true> : vector<16xi1>
      %parallel_loop3A_19, %parallel_loop3A_20, %parallel_loop3A_21 = tpu.sort %parallel_loop3A_14, %parallel_loop3A_17 masked %parallel_loop3A_18 {descending = true} : (vector<16xf32>, vector<16xi32>, vector<16xi1>) -> (vector<16xi1>, vector<16xf32>, vector<16xi32>)
      %parallel_loop3A_22 = arith.index_cast %parallel_loop3A_11 : i32 to index
      %parallel_loop3A_23 = arith.constant 16 : index
      %parallel_loop3A_24 = tpu.vector_load %arg5[%parallel_loop3A_22, %parallel_loop3A_23] {strides = array<i32>} : memref<64x64xf32, #tpu.memory_space<vmem>>, vector<16xf32>,
      %parallel_loop3A_25 = arith.constant 16 : i32
      %parallel_loop3A_26 = vector.broadcast %parallel_loop3A_25 : i32 to vector<16xi32>
      %parallel_loop3A_27 = arith.addi %iota3A, %parallel_loop3A_26 : vector<16xi32>
      %parallel_loop3A_28 = arith.constant dense<true> : vector<16xi1>
      %parallel_loop3A_29, %parallel_loop3A_30, %parallel_loop3A_31 = tpu.sort %parallel_loop3A_24, %parallel_loop3A_27 masked %parallel_loop3A_28 {descending = true} : (vector<16xf32>, vector<16xi32>, vector<16xi1>) -> (vector<16xi1>, vector<16xf32>, vector<16xi32>)
      %parallel_loop3A_32 = arith.index_cast %parallel_loop3A_11 : i32 to index
      %parallel_loop3A_33 = arith.constant 32 : index
      %parallel_loop3A_34 = tpu.vector_load %arg5[%parallel_loop3A_32, %parallel_loop3A_33] {strides = array<i32>} : memref<64x64xf32, #tpu.memory_space<vmem>>, vector<16xf32>,
      %parallel_loop3A_35 = arith.constant 32 : i32
      %parallel_loop3A_36 = vector.broadcast %parallel_loop3A_35 : i32 to vector<16xi32>
      %parallel_loop3A_37 = arith.addi %iota3A, %parallel_loop3A_36 : vector<16xi32>
      %parallel_loop3A_38 = arith.constant dense<true> : vector<16xi1>
      %parallel_loop3A_39, %parallel_loop3A_40, %parallel_loop3A_41 = tpu.sort %parallel_loop3A_34, %parallel_loop3A_37 masked %parallel_loop3A_38 {descending = true} : (vector<16xf32>, vector<16xi32>, vector<16xi1>) -> (vector<16xi1>, vector<16xf32>, vector<16xi32>)
      %parallel_loop3A_42 = arith.index_cast %parallel_loop3A_11 : i32 to index
      %parallel_loop3A_43 = arith.constant 48 : index
      %parallel_loop3A_44 = tpu.vector_load %arg5[%parallel_loop3A_42, %parallel_loop3A_43] {strides = array<i32>} : memref<64x64xf32, #tpu.memory_space<vmem>>, vector<16xf32>,
      %parallel_loop3A_45 = arith.constant 48 : i32
      %parallel_loop3A_46 = vector.broadcast %parallel_loop3A_45 : i32 to vector<16xi32>
      %parallel_loop3A_47 = arith.addi %iota3A, %parallel_loop3A_46 : vector<16xi32>
      %parallel_loop3A_48 = arith.constant dense<true> : vector<16xi1>
      %parallel_loop3A_49, %parallel_loop3A_50, %parallel_loop3A_51 = tpu.sort %parallel_loop3A_44, %parallel_loop3A_47 masked %parallel_loop3A_48 {descending = true} : (vector<16xf32>, vector<16xi32>, vector<16xi1>) -> (vector<16xi1>, vector<16xf32>, vector<16xi32>)
      %parallel_loop3A_52 = arith.constant 15 : i32
      %parallel_loop3A_53 = vector.broadcast %parallel_loop3A_52 : i32 to vector<16xi32>
      %parallel_loop3A_54 = tpu.iota {dimensions = array<i32: 0>} : vector<16xi32>
      %parallel_loop3A_55 = arith.subi %parallel_loop3A_53, %parallel_loop3A_54 : vector<16xi32>
      %parallel_loop3A_56 = tpu.dynamic_gather %parallel_loop3A_20[%parallel_loop3A_55] in [0] : vector<16xf32>, vector<16xi32> -> vector<16xf32>
      %parallel_loop3A_57 = arith.constant 15 : i32
      %parallel_loop3A_58 = vector.broadcast %parallel_loop3A_57 : i32 to vector<16xi32>
      %parallel_loop3A_59 = tpu.iota {dimensions = array<i32: 0>} : vector<16xi32>
      %parallel_loop3A_60 = arith.subi %parallel_loop3A_58, %parallel_loop3A_59 : vector<16xi32>
      %parallel_loop3A_61 = tpu.dynamic_gather %parallel_loop3A_21[%parallel_loop3A_60] in [0] : vector<16xi32>, vector<16xi32> -> vector<16xi32>
      %parallel_loop3A_62 = arith.cmpf ogt, %parallel_loop3A_56, %parallel_loop3A_30 : vector<16xf32>
      %parallel_loop3A_63 = arith.select %parallel_loop3A_62, %parallel_loop3A_56, %parallel_loop3A_30 : vector<16xi1>, vector<16xf32>
      %parallel_loop3A_64 = arith.select %parallel_loop3A_62, %parallel_loop3A_61, %parallel_loop3A_31 : vector<16xi1>, vector<16xi32>
      %parallel_loop3A_65 = arith.constant dense<true> : vector<16xi1>
      %parallel_loop3A_66, %parallel_loop3A_67, %parallel_loop3A_68 = tpu.sort %parallel_loop3A_63, %parallel_loop3A_64 masked %parallel_loop3A_65 {descending = true} : (vector<16xf32>, vector<16xi32>, vector<16xi1>) -> (vector<16xi1>, vector<16xf32>, vector<16xi32>)
      %parallel_loop3A_69 = arith.constant 15 : i32
      %parallel_loop3A_70 = vector.broadcast %parallel_loop3A_69 : i32 to vector<16xi32>
      %parallel_loop3A_71 = tpu.iota {dimensions = array<i32: 0>} : vector<16xi32>
      %parallel_loop3A_72 = arith.subi %parallel_loop3A_70, %parallel_loop3A_71 : vector<16xi32>
      %parallel_loop3A_73 = tpu.dynamic_gather %parallel_loop3A_40[%parallel_loop3A_72] in [0] : vector<16xf32>, vector<16xi32> -> vector<16xf32>
      %parallel_loop3A_74 = arith.constant 15 : i32
      %parallel_loop3A_75 = vector.broadcast %parallel_loop3A_74 : i32 to vector<16xi32>
      %parallel_loop3A_76 = tpu.iota {dimensions = array<i32: 0>} : vector<16xi32>
      %parallel_loop3A_77 = arith.subi %parallel_loop3A_75, %parallel_loop3A_76 : vector<16xi32>
      %parallel_loop3A_78 = tpu.dynamic_gather %parallel_loop3A_41[%parallel_loop3A_77] in [0] : vector<16xi32>, vector<16xi32> -> vector<16xi32>
      %parallel_loop3A_79 = arith.cmpf ogt, %parallel_loop3A_73, %parallel_loop3A_50 : vector<16xf32>
      %parallel_loop3A_80 = arith.select %parallel_loop3A_79, %parallel_loop3A_73, %parallel_loop3A_50 : vector<16xi1>, vector<16xf32>
      %parallel_loop3A_81 = arith.select %parallel_loop3A_79, %parallel_loop3A_78, %parallel_loop3A_51 : vector<16xi1>, vector<16xi32>
      %parallel_loop3A_82 = arith.constant dense<true> : vector<16xi1>
      %parallel_loop3A_83, %parallel_loop3A_84, %parallel_loop3A_85 = tpu.sort %parallel_loop3A_80, %parallel_loop3A_81 masked %parallel_loop3A_82 {descending = true} : (vector<16xf32>, vector<16xi32>, vector<16xi1>) -> (vector<16xi1>, vector<16xf32>, vector<16xi32>)
      %parallel_loop3A_86 = arith.constant 15 : i32
      %parallel_loop3A_87 = vector.broadcast %parallel_loop3A_86 : i32 to vector<16xi32>
      %parallel_loop3A_88 = tpu.iota {dimensions = array<i32: 0>} : vector<16xi32>
      %parallel_loop3A_89 = arith.subi %parallel_loop3A_87, %parallel_loop3A_88 : vector<16xi32>
      %parallel_loop3A_90 = tpu.dynamic_gather %parallel_loop3A_67[%parallel_loop3A_89] in [0] : vector<16xf32>, vector<16xi32> -> vector<16xf32>
      %parallel_loop3A_91 = arith.constant 15 : i32
      %parallel_loop3A_92 = vector.broadcast %parallel_loop3A_91 : i32 to vector<16xi32>
      %parallel_loop3A_93 = tpu.iota {dimensions = array<i32: 0>} : vector<16xi32>
      %parallel_loop3A_94 = arith.subi %parallel_loop3A_92, %parallel_loop3A_93 : vector<16xi32>
      %parallel_loop3A_95 = tpu.dynamic_gather %parallel_loop3A_68[%parallel_loop3A_94] in [0] : vector<16xi32>, vector<16xi32> -> vector<16xi32>
      %parallel_loop3A_96 = arith.cmpf ogt, %parallel_loop3A_90, %parallel_loop3A_84 : vector<16xf32>
      %parallel_loop3A_97 = arith.select %parallel_loop3A_96, %parallel_loop3A_90, %parallel_loop3A_84 : vector<16xi1>, vector<16xf32>
      %parallel_loop3A_98 = arith.select %parallel_loop3A_96, %parallel_loop3A_95, %parallel_loop3A_85 : vector<16xi1>, vector<16xi32>
      %parallel_loop3A_99 = arith.constant dense<true> : vector<16xi1>
      %parallel_loop3A_100, %parallel_loop3A_101, %parallel_loop3A_102 = tpu.sort %parallel_loop3A_97, %parallel_loop3A_98 masked %parallel_loop3A_99 {descending = true} : (vector<16xf32>, vector<16xi32>, vector<16xi1>) -> (vector<16xi1>, vector<16xf32>, vector<16xi32>)
      %parallel_loop3A_103 = arith.constant true
      %parallel_loop3A_104 = vector.broadcast %parallel_loop3A_103 : i1 to vector<16xi1>
      %parallel_loop3A_105 = tpu.scan <max>, %parallel_loop3A_101 masked %parallel_loop3A_104 : vector<16xf32>, vector<16xi1> -> vector<16xf32>
      %parallel_loop3A_106 = vector.extract %parallel_loop3A_105[15] : f32 from vector<16xf32>
      %parallel_loop3A_107 = vector.broadcast %parallel_loop3A_106 : f32 to vector<16xf32>
      %parallel_loop3A_108 = arith.subf %parallel_loop3A_101, %parallel_loop3A_107 : vector<16xf32>
      %parallel_loop3A_109 = math.exp %parallel_loop3A_108 : vector<16xf32>
      %parallel_loop3A_110 = arith.constant 0.000000e+00 : f32
      %parallel_loop3A_111 = vector.broadcast %parallel_loop3A_110 : f32 to vector<16xf32>
      %parallel_loop3A_112 = arith.select %lt3A_4, %parallel_loop3A_109, %parallel_loop3A_111 : vector<16xi1>, vector<16xf32>
      %parallel_loop3A_113 = arith.constant true
      %parallel_loop3A_114 = vector.broadcast %parallel_loop3A_113 : i1 to vector<16xi1>
      %parallel_loop3A_115 = tpu.scan <sum>, %parallel_loop3A_112 masked %parallel_loop3A_114 : vector<16xf32>, vector<16xi1> -> vector<16xf32>
      %parallel_loop3A_116 = vector.extract %parallel_loop3A_115[15] : f32 from vector<16xf32>
      %parallel_loop3A_117 = vector.broadcast %parallel_loop3A_116 : f32 to vector<16xf32>
      %parallel_loop3A_118 = arith.divf %parallel_loop3A_112, %parallel_loop3A_117 : vector<16xf32>
      %parallel_loop3A_119 = arith.constant 8 : i32
      %parallel_loop3A_120 = arith.muli %parallel_loop3A_11, %parallel_loop3A_119 : i32
      %parallel_loop3A_121 = arith.index_cast %parallel_loop3A_120 : i32 to index
      %parallel_loop3A_122 = tpu.vector_load %arg6[%parallel_loop3A_121] masked %lt3A_4 {strides = array<i32>} : memref<528xf32, #tpu.memory_space<vmem>>, vector<16xf32>, vector<16xi1>
      tpu.vector_store %arg6[%parallel_loop3A_121], %parallel_loop3A_118 masked %lt3A_4 {strides = array<i32>} : memref<528xf32, #tpu.memory_space<vmem>>, vector<16xf32>, vector<16xi1>
      %parallel_loop3A_123 = arith.constant 8 : i32
      %parallel_loop3A_124 = arith.muli %parallel_loop3A_11, %parallel_loop3A_123 : i32
      %parallel_loop3A_125 = arith.index_cast %parallel_loop3A_124 : i32 to index
      %parallel_loop3A_126 = tpu.vector_load %arg7[%parallel_loop3A_125] masked %lt3A_4 {strides = array<i32>} : memref<528xi32, #tpu.memory_space<vmem>>, vector<16xi32>, vector<16xi1>
      tpu.vector_store %arg7[%parallel_loop3A_125], %parallel_loop3A_102 masked %lt3A_4 {strides = array<i32>} : memref<528xi32, #tpu.memory_space<vmem>>, vector<16xi32>, vector<16xi1>
    } {sc.loop_unroll_factor = 4 : i64, sc.parallel_access}
    %mul3A_7 = arith.constant 8 : i32
    %mul3A_8 = arith.muli %mul3A_2, %mul3A_7 : i32
    "tpu.region"() ({
      %run_scoped3A = tpu.sem_alloc : memref<!tpu.dma_semaphore, #tpu.memory_space<semaphore_mem>>
      %dma_start3A = arith.constant 0 : i32
      %dma_start3A_11 = tpu.memref_slice %arg6[%dma_start3A] : memref<528xf32, #tpu.memory_space<vmem>> -> memref<512xf32, #tpu.memory_space<vmem>>
      %dma_start3A_12 = tpu.memref_slice %arg3[%mul3A_8] : memref<16384xf32, #tpu.memory_space<hbm>> -> memref<512xf32, #tpu.memory_space<hbm>>
      %dma_start3A_13 = tpu.memref_slice %arg3[%mul3A_8] : memref<16384xf32, #tpu.memory_space<hbm>> -> memref<512xf32, #tpu.memory_space<hbm>>
      %dma_start3A_14 = arith.constant 0 : i32
      %dma_start3A_15 = tpu.memref_slice %arg6[%dma_start3A_14] : memref<528xf32, #tpu.memory_space<vmem>> -> memref<512xf32, #tpu.memory_space<vmem>>
      tpu.enqueue_dma source(%dma_start3A_15 : memref<512xf32, #tpu.memory_space<vmem>>) target(%dma_start3A_13 : memref<512xf32, #tpu.memory_space<hbm>>) target_semaphore(%run_scoped3A : memref<!tpu.dma_semaphore, #tpu.memory_space<semaphore_mem>>)
      %dma_wait3A = arith.constant 0 : i32
      %dma_wait3A_16 = tpu.memref_slice %arg6[%dma_wait3A] : memref<528xf32, #tpu.memory_space<vmem>> -> memref<512xf32, #tpu.memory_space<vmem>>
      %dma_wait3A_17 = tpu.memref_slice %arg3[%mul3A_8] : memref<16384xf32, #tpu.memory_space<hbm>> -> memref<512xf32, #tpu.memory_space<hbm>>
      %dma_wait3A_18 = tpu.memref_slice %arg3[%mul3A_8] : memref<16384xf32, #tpu.memory_space<hbm>> -> memref<512xf32, #tpu.memory_space<hbm>>
      %dma_wait3A_19 = arith.constant 0 : i32
      %dma_wait3A_20 = tpu.memref_slice %arg6[%dma_wait3A_19] : memref<528xf32, #tpu.memory_space<vmem>> -> memref<512xf32, #tpu.memory_space<vmem>>
      tpu.wait_dma2 semaphore(%run_scoped3A : memref<!tpu.dma_semaphore, #tpu.memory_space<semaphore_mem>>) src(%dma_wait3A_20 : memref<512xf32, #tpu.memory_space<vmem>>) dst(%dma_wait3A_18 : memref<512xf32, #tpu.memory_space<hbm>>)
      tpu.yield
    }) : () -> ()
    %mul3A_9 = arith.constant 8 : i32
    %mul3A_10 = arith.muli %mul3A_2, %mul3A_9 : i32
    "tpu.region"() ({
      %run_scoped3A = tpu.sem_alloc : memref<!tpu.dma_semaphore, #tpu.memory_space<semaphore_mem>>
      %dma_start3A = arith.constant 0 : i32
      %dma_start3A_11 = tpu.memref_slice %arg7[%dma_start3A] : memref<528xi32, #tpu.memory_space<vmem>> -> memref<512xi32, #tpu.memory_space<vmem>>
      %dma_start3A_12 = tpu.memref_slice %arg4[%mul3A_10] : memref<16384xi32, #tpu.memory_space<hbm>> -> memref<512xi32, #tpu.memory_space<hbm>>
      %dma_start3A_13 = tpu.memref_slice %arg4[%mul3A_10] : memref<16384xi32, #tpu.memory_space<hbm>> -> memref<512xi32, #tpu.memory_space<hbm>>
      %dma_start3A_14 = arith.constant 0 : i32
      %dma_start3A_15 = tpu.memref_slice %arg7[%dma_start3A_14] : memref<528xi32, #tpu.memory_space<vmem>> -> memref<512xi32, #tpu.memory_space<vmem>>
      tpu.enqueue_dma source(%dma_start3A_15 : memref<512xi32, #tpu.memory_space<vmem>>) target(%dma_start3A_13 : memref<512xi32, #tpu.memory_space<hbm>>) target_semaphore(%run_scoped3A : memref<!tpu.dma_semaphore, #tpu.memory_space<semaphore_mem>>)
      %dma_wait3A = arith.constant 0 : i32
      %dma_wait3A_16 = tpu.memref_slice %arg7[%dma_wait3A] : memref<528xi32, #tpu.memory_space<vmem>> -> memref<512xi32, #tpu.memory_space<vmem>>
      %dma_wait3A_17 = tpu.memref_slice %arg4[%mul3A_10] : memref<16384xi32, #tpu.memory_space<hbm>> -> memref<512xi32, #tpu.memory_space<hbm>>
      %dma_wait3A_18 = tpu.memref_slice %arg4[%mul3A_10] : memref<16384xi32, #tpu.memory_space<hbm>> -> memref<512xi32, #tpu.memory_space<hbm>>
      %dma_wait3A_19 = arith.constant 0 : i32
      %dma_wait3A_20 = tpu.memref_slice %arg7[%dma_wait3A_19] : memref<528xi32, #tpu.memory_space<vmem>> -> memref<512xi32, #tpu.memory_space<vmem>>
      tpu.wait_dma2 semaphore(%run_scoped3A : memref<!tpu.dma_semaphore, #tpu.memory_space<semaphore_mem>>) src(%dma_wait3A_20 : memref<512xi32, #tpu.memory_space<vmem>>) dst(%dma_wait3A_18 : memref<512xi32, #tpu.memory_space<hbm>>)
      tpu.yield
    }) : () -> ()
    return
  }
}

module attributes {stable_mosaic.version = 14 : i64} {
  func.func @_mm_kernel(%arg0: i32, %arg1: memref<1024x4096xf32, #tpu.memory_space<vmem>>, %arg2: memref<64x4096xf32, #tpu.memory_space<vmem>>, %arg3: memref<1024x64xf32, #tpu.memory_space<vmem>>) attributes {dimension_semantics = [#tpu.dimension_semantics<arbitrary>], iteration_bounds = array<i64: 2>, scalar_prefetch = 0 : i64, scratch_operands = 0 : i64, tpu.core_type = #tpu.core_type<tc>, window_params = [{transform_indices = @transform_0, window_bounds = array<i64: 1024, 4096>}, {pipeline_mode = #tpu.pipeline_mode<synchronous>, transform_indices = @transform_1, window_bounds = array<i64: 64, 4096>}, {transform_indices = @transform_2, window_bounds = array<i64: 1024, 64>}]} {
    %get3A = arith.constant 0 : index
    %get3A_0 = arith.constant 0 : index
    %get3A_1 = vector.load %arg1[%get3A, %get3A_0] : memref<1024x4096xf32, #tpu.memory_space<vmem>>, vector<1024x4096xf32>
    %get3A_2 = arith.constant 0 : index
    %get3A_3 = arith.constant 0 : index
    %get3A_4 = vector.load %arg2[%get3A_2, %get3A_3] : memref<64x4096xf32, #tpu.memory_space<vmem>>, vector<64x4096xf32>
    %dot_general3A = arith.constant dense<0.000000e+00> : vector<1024x64xf32>
    %dot_general3A_5 = tpu.matmul %get3A_1, %get3A_4, %dot_general3A {dimension_numbers = #tpu.dot_dimension_numbers<[1], [1], [0], [0], [0, 0, 1, 0], [], []>, transpose_lhs_hint = false} : vector<1024x4096xf32>, vector<64x4096xf32>, vector<1024x64xf32> -> vector<1024x64xf32>
    %swap3A = arith.constant 0 : index
    %swap3A_6 = arith.constant 0 : index
    %swap3A_7 = vector.load %arg3[%swap3A, %swap3A_6] : memref<1024x64xf32, #tpu.memory_space<vmem>>, vector<1024x64xf32>
    tpu.vector_store %arg3[%swap3A, %swap3A_6], %dot_general3A_5 {strides = array<i32>} : memref<1024x64xf32, #tpu.memory_space<vmem>>, vector<1024x64xf32>,
    return
  }
  func.func @transform_0(%arg0: i32) -> (i32, i32) {
    %c0_i32 = arith.constant 0 : i32
    %c0_i32_0 = arith.constant 0 : i32
    return %arg0, %c0_i32 : i32, i32
  }
  func.func @transform_1(%arg0: i32) -> (i32, i32) {
    %c0_i32 = arith.constant 0 : i32
    %c0_i32_0 = arith.constant 0 : i32
    %c0_i32_1 = arith.constant 0 : i32
    return %c0_i32, %c0_i32_0 : i32, i32
  }
  func.func @transform_2(%arg0: i32) -> (i32, i32) {
    %c0_i32 = arith.constant 0 : i32
    %c0_i32_0 = arith.constant 0 : i32
    return %arg0, %c0_i32 : i32, i32
  }
}

</mosaic_0001>

<sc_bundles>
// kernel: kernel.10.cloned.1.call-start
scs
__scs_entry_jumppad:
0x0: {  	(pc) =	sbr.rel $0x88, $3  }
0x1: {  	(tag) =	ssettag $0x0;
	lr =	simm.s32 $0x1  }
0x2: {  	[smem:$0x3F9F] =	sst lr;
	_ =	strace $0xD0000000  }
0x3: {  	_ = 	snop  }
0x4: {  	_ = 	snop  }
0x5: {  	_ = 	snop  }
0x6: {  	_ = 	snop  }
0x7: {  	_ = 	snop  }
__scs_overlays_trampoline_lowered:
0x8: {  	[smem:$0x3FAE] =	sst s0  }
0x9: {  	[smem:$0x3FAF] =	sst s1  }
0xa: {  	[smem:$0x3FB0] =	sst s2  }
0xb: {  	[smem:$0x3FB1] =	sst s3  }
0xc: {  	[smem:$0x3FB2] =	sst s4  }
0xd: {  	[smem:$0x3FB3] =	sst s5  }
0xe: {  	[smem:$0x3FB4] =	sst s6  }
0xf: {  	[smem:$0x3FB5] =	sst s7  }
0x10: {  	[smem:$0x3FB6] =	sst s8  }
0x11: {  	[smem:$0x3FB7] =	sst s9;
	s0 =	simm.s32 @!p0 $0x0  }
0x12: {  	s1 =	sld [smem:$0x3F9D];
	s0 =	simm.s32 @p0 $0x1  }
0x13: {  	[smem:$0x3FB8] =	sst s0;
	s0 =	simm.s32 @!p1 $0x0  }
0x14: {  	s2 =	sld [smem:$0x3F9C];
	s0 =	simm.s32 @p1 $0x1  }
0x15: {  	[smem:$0x3FB9] =	sst s0;
	s0 =	simm.s32 @!p2 $0x0  }
0x16: {  	s3 =	sld [smem:$0x3FDB];
	s0 =	simm.s32 @p2 $0x1  }
0x17: {  	s4 =	simm.s32 $0x1BF5;
	[smem:$0x3FBB] =	sst s0  }
0x18: {  	s0 =	sld [smem:$0x3F9E];
	_ =	swait.ge [sflag:s4], $0x0  }
0x19: {  	s7 =	sld [smem:$0x3F9F]  }
0x1a: {  	s8 =	sadd.s32 $0xFFFFE003, lr  }
0x1b: {  	s9 =	sadd.s32 $0xFFFFFEF7, lr;
	s5 =	simm.s32 $0xFFFFFFFF;
	p2 =	slt.u32 s8, $0xFFFFF086  }
0x1c: {  	p1 =	slt.u32 s9, $0xF7A;
	s5 =	simm.s32 @!p2 $0x0  }
0x1d: {  	s5 =	simm.s32 @p1 $0x1;
	p0 =	seq.s32 s7, s2  }
0x1e: {  	s7 =	smul.u32 @!p0 $0xF7A, s2;
	p2 =	seq.s32 @!p0 s5, $0x0  }
0x1f: {  	s9 =	smul.u32 $0xF7A, s1;
	s8 =	simm.s32 @!p0 $0x1BF5;
	p2 =	por !p2, p0  }
0x20: {  	[sflag:s8] =	ssyncset.s32 @!p0 $0xFFFFF086;
	s6 =	sadd.s32 @!p0 s3, s7;
	s7 =	simm.s32 @!p0 $0x108  }
0x21: {  	s3 =	sadd.s32 s3, s9;
	s6 =	sadd.s32 @!p0 $0x88, s6;
	s7 =	simm.s32 @p2 $0x1082  }
0x22: {  	[simem:s7], [sflag:s8] =	dma.local @!p0 [hbm:s6], $0xF7A  }
0x23: {  	s9 =	sor.u32 $0xD0000000, s2;
	s6 =	simm.s32 $0x108;
	_ =	swait.ge @!p0 [sflag:s8], $0x0  }
0x24: {  	s3 =	sadd.s32 $0x88, s3;
	s6 =	simm.s32 @!p1 $0x1082;
	[sflag:s4] =	ssyncset.s32 $0xFFFFF086  }
0x25: {  	[simem:s6], [sflag:s4] =	dma.local [hbm:s3], $0xF7A  }
0x26: {  	[smem:$0x3F9F] =	sst s1;
	(tag) =	ssettag s2;
	_ =	strace s9  }
0x27: {  	s1 =	sld [smem:$0x3FAF]  }
0x28: {  	s2 =	sld [smem:$0x3FB0]  }
0x29: {  	s4 =	sld [smem:$0x3FB2]  }
0x2a: {  	p0 =	seq.s32 s5, $0x0;
	s5 =	sld [smem:$0x3FB3]  }
0x2b: {  	s6 =	sld [smem:$0x3FB4]  }
0x2c: {  	s7 =	sld [smem:$0x3FB5]  }
0x2d: {  	s3 =	simm.s32 $0x108;
	s8 =	sld [smem:$0x3FB6]  }
0x2e: {  	s3 =	simm.s32 @!p0 $0x1082;
	s9 =	sld [smem:$0x3FB7]  }
0x2f: {  	lr =	sadd.s32 s0, s3;
	s0 =	sld [smem:$0x3FAE]  }
0x30: {  	s3 =	sld [smem:$0x3FB1]  }
0x31: {  	[smem:$0x3FBA] =	sst s10  }
0x32: {  	s10 =	sld [smem:$0x3FB8];
	_ =	sdelay $0x3  }
0x33: {  	p0 =	seq.s32 s10, $0x1;
	s10 =	sld [smem:$0x3FBA];
	_ =	sdelay $0x3  }
0x34: {  	[smem:$0x3FBA] =	sst s10  }
0x35: {  	s10 =	sld [smem:$0x3FB9];
	_ =	sdelay $0x3  }
0x36: {  	p1 =	seq.s32 s10, $0x1;
	s10 =	sld [smem:$0x3FBA];
	_ =	sdelay $0x3  }
0x37: {  	[smem:$0x3FBA] =	sst s10  }
0x38: {  	s10 =	sld [smem:$0x3FBB]  }
0x39: {  	_ = 	snop;
	(pc) =	sbr.ind lr, $3  }
0x3a: {  	_ = 	snop  }
0x3b: {  	_ = 	snop  }
0x3c: {  	p2 =	seq.s32 s10, $0x1;
	s10 =	sld [smem:$0x3FBA]  }
0x3d: {  	_ =	shalt  }
0x3e: {  	_ =	shalt  }
0x3f: {  	_ =	shalt  }
0x40: {  	_ =	shalt  }
0x41: {  	_ =	shalt  }
0x42: {  	_ =	shalt  }
0x43: {  	_ =	shalt  }
0x44: {  	_ =	shalt  }
0x45: {  	_ =	shalt  }
0x46: {  	_ =	shalt  }
0x47: {  	_ =	shalt  }
0x48: {  	_ =	shalt  }
0x49: {  	_ =	shalt  }
0x4a: {  	_ =	shalt  }
0x4b: {  	_ =	shalt  }
0x4c: {  	_ =	shalt  }
0x4d: {  	_ =	shalt  }
0x4e: {  	_ =	shalt  }
0x4f: {  	_ =	shalt  }
0x50: {  	_ =	shalt  }
0x51: {  	_ =	shalt  }
0x52: {  	_ =	shalt  }
0x53: {  	_ =	shalt  }
0x54: {  	_ =	shalt  }
0x55: {  	_ =	shalt  }
0x56: {  	_ =	shalt  }
0x57: {  	_ =	shalt  }
0x58: {  	_ =	shalt  }
0x59: {  	_ =	shalt  }
0x5a: {  	_ =	shalt  }
0x5b: {  	_ =	shalt  }
0x5c: {  	_ =	shalt  }
0x5d: {  	_ =	shalt  }
0x5e: {  	_ =	shalt  }
0x5f: {  	_ =	shalt  }
0x60: {  	_ =	shalt  }
0x61: {  	_ =	shalt  }
0x62: {  	_ =	shalt  }
0x63: {  	_ =	shalt  }
0x64: {  	_ =	shalt  }
0x65: {  	_ =	shalt  }
0x66: {  	_ =	shalt  }
0x67: {  	_ =	shalt  }
0x68: {  	_ =	shalt  }
0x69: {  	_ =	shalt  }
0x6a: {  	_ =	shalt  }
0x6b: {  	_ =	shalt  }
0x6c: {  	_ =	shalt  }
0x6d: {  	_ =	shalt  }
0x6e: {  	_ =	shalt  }
0x6f: {  	_ =	shalt  }
0x70: {  	_ =	shalt  }
0x71: {  	_ =	shalt  }
0x72: {  	_ =	shalt  }
0x73: {  	_ =	shalt  }
0x74: {  	_ =	shalt  }
0x75: {  	_ =	shalt  }
0x76: {  	_ =	shalt  }
0x77: {  	_ =	shalt  }
0x78: {  	_ =	shalt  }
0x79: {  	_ =	shalt  }
0x7a: {  	_ =	shalt  }
0x7b: {  	_ =	shalt  }
0x7c: {  	_ =	shalt  }
0x7d: {  	_ =	shalt  }
0x7e: {  	_ =	shalt  }
0x7f: {  	_ =	shalt  }
0x80: {  	_ =	shalt  }
0x81: {  	_ =	shalt  }
0x82: {  	_ =	shalt  }
0x83: {  	_ =	shalt  }
0x84: {  	_ =	shalt  }
0x85: {  	_ =	shalt  }
0x86: {  	_ =	shalt  }
0x87: {  	_ =	shalt  }
.Lfunc_end0:
.L_simem_size_0:
called_computation_lowered:
.L_overlay_start_0:
0x88: {  	s2 =	sld [smem:$0x3FD9]  }
0x89: {  	s3 =	sld [smem:$0x3FFE];
	_ =	sdelay $0x1  }
0x8a: {  	s1 =	srdreg.scid  }
0x8b: {  	s0 =	sand.u32 $0x1, s1  }
0x8c: {  	s16 =	sshll.u32 s0, $0xA;
	s2 =	sadd.s32 s3, s2  }
0x8d: {  	s2 =	sadd.s32 s2, s16  }
0x8e: {  	[smem:$0x3FC6] =	sst s2  }
0x8f: {  	_ = 	snop  }
0x90: {  	(tm) =	ssettm $0x1  }
0x91: {  	s17 =	sld [smem:$0x3FFB];
	_ =	sdelay $0x3  }
0x92: {  	_ =	strace s17  }
0x93: {  	s2 =	sld [smem:$0x3FFC];
	_ =	sdelay $0x3  }
0x94: {  	_ =	strace s2  }
0x95: {  	s2 =	sld [smem:$0x3FFD];
	_ =	sdelay $0x3  }
0x96: {  	_ =	strace s2  }
0x97: {  	_ =	strace $0x8FFFFFFF  }
0x98: {  	s18 =	sld [smem:$0x3FDB];
	_ =	sdelay $0x1  }
0x99: {  	s19 =	simm.s32 $_scs_section_size  }
0x9a: {  	s4 =	simm.s32 $_size__tile_overlayer_lowered;
	s5 =	simm.s32 $_tile_overlayer_lowered  }
0x9b: {  	s22 =	simm.s32 $0x1BFF;
	s21 =	sshll.u32 s5, $0x1;
	s2 =	sadd.s32 s19, s18  }
0x9c: {  	s6 =	simm.s32 $0x0;
	s20 =	sshll.u32 s4, $0x1;
	s4 =	sadd.s32 s21, s2  }
0x9d: {  	[timem:s6], [sflag:s22] =	dma.local [hbm:s4], s20  }
0x9e: {  	_ =	swait.ge [sflag:s22], s20  }
0x9f: {  	s3 =	ssub.s32 $0x0, s20;
	[sflag:s22] =	ssyncset.done $0x0  }
0xa0: {  	[sflag:s22] =	ssyncadd.s32 s3;
	_ =	sdelay $0x1  }
0xa1: {  	s23 =	simm.s32 $0x1B8B  }
0xa2: {  	_ =	swait.ge [sflag:s23], $0x1  }
0xa3: {  	[sflag:s23] =	ssyncset.done $0x0  }
0xa4: {  	s25 =	simm.s32 $0x1B8E;
	s24 =	sld [smem:$0x3FFE];
	[sflag:s23] =	ssyncadd.s32 $0xFFFFFFFF  }
0xa5: {  	s26 =	simm.s32 $execute0_lowered;
	[smem:$0x3FD2] =	sst s25  }
0xa6: {  	s4 =	sshll.u32 s26, $0x1;
	_ =	strace $0x80000046;
	[dreg:$0x1] =	wrdreg $0xFFFFFFFF  }
0xa7: {  	s28 =	simm.s32 $_size_execute0_lowered;
	s2 =	sadd.s32 s2, s4;
	[dreg:$0x0] =	wrdreg $0x0  }
0xa8: {  	s4 =	sshll.u32 s28, $0x1;
	[dreg:$0x2] =	wrdreg s2  }
0xa9: {  	[dreg:$0x3] =	wrdreg s4  }
0xaa: {  	[dreg:$0x4] =	wrdreg $0xC0  }
0xab: {  	_ =	task [dreg:s6], $0x5FFFF  }
0xac: {  	[dreg:$0x1] =	wrdreg $0xFFFFFFFF  }
0xad: {  	[dreg:$0x0] =	wrdreg $0x60  }
0xae: {  	[dreg:$0x2] =	wrdreg s24  }
0xaf: {  	[dreg:$0x3] =	wrdreg $0x9  }
0xb0: {  	_ =	task.clear_ibuf [dreg:s6], $0x4FFFF;
	_ =	strace $0x90000046  }
0xb1: {  	s29 =	simm.s32 $0x9;
	_ =	strace $0x80000048  }
0xb2: {  	_ =	swait.ge [sflag:s29], $0x1  }
0xb3: {  	[sflag:s29] =	ssyncadd.s32 $0xFFFFFFFF  }
0xb4: {  	_ =	strace $0x90000048  }
0xb5: {  	_ =	sfence  }
0xb6: {  	s30 =	sld [smem:$0x0];
	_ =	sdelay $0x2  }
0xb7: {  	s31 =	sshll.u32 s1, $0xD;
	s1 =	sshrl.u32 s1, $0x2  }
0xb8: {  	s3 =	sand.u32 $0x4000, s31;
	s1 =	sadd.s32 s1, s30  }
0xb9: {  	s0 =	sor.u32 s3, s0;
	s1 =	sshll.u32 s1, $0x11  }
0xba: {  	s0 =	sor.u32 s1, s0  }
0xbb: {  	s0 =	sadd.s32 $0x8F2B, s0  }
0xbc: {  	[sflag:s0] =	ssyncadd.remote.s32 $0x1  }
0xbd: {  	_ =	sfence.sel $0xFFFF  }
0xbe: {  	[dreg:$0x0] =	wrdreg $0xFFFFFFFF;
	(pc) =	sbr.abs _section_cstart, $3  }
0xbf: {  	[dreg:$0x1] =	wrdreg $0xFFFFFFFF  }
0xc0: {  	_ =	task.clear_ibuf [dreg:s6], $0x2FFFF;
	_ =	strace $0x9FFFFFFF  }
0xc1: {  	(tm) =	ssettm $0x7FFFFFFF  }
tec
execute0_lowered:
.L_overlay_start_1:
0x0: {  	(tag) =	ssettag $0x1  }
0x1: {  	s0 =	rddreg [dreg:$0x0];
	s2 =	simm.s32 $0x0;
	s1 =	srdreg.scid  }
0x2: {  	s3 =	stileid.u32;
	s7 =	simm.s32 $0x1;
	s8 =	simm.s32 $0x2000  }
0x3: {  	s9 =	simm.s32 $0x2280;
	s1 =	sand.u32 $0x1, s1;
	s3 =	sshll.u32 s3, $0x1  }
0x4: {  	s10 =	simm.s32 $0x0;
	[smem:$0x7FF] =	sst s2;
	s3 =	sor.u32 s1, s3  }
0x5: {  	v0 =	vlaneseq.u32;
	_ =	strace $0x80000047;
	s1 =	ssub.s32 $0x2, s1;
	s4 =	sshll.u32 s3, $0xA  }
0x6: {  	v4 =	vmul.u32 $0xFFFFFFFF, v0;
	s3 =	sshll.u32 s3, $0x6;
	s31 =	sshrl.u32 s1, $0x1;
	s4 =	sadd.s32 s4, s0  }
0x7: {  	vm0 =	vmmov $0xff;
	v1 =	vor.u32 $0x10, v0;
	s0 =	sadd.s32 s3, s0;
	s1 =	ssub.s32 s1, s31;
	s3 =	sadd.s32 $0x2C00, s4  }
0x8: {  	v2 =	vor.u32 $0x20, v0;
	v3 =	vor.u32 $0x30, v0;
	v4 =	vadd.s32 $0xF, v4;
	s4 =	sadd.s32 $0xAC00, s0;
	s5 =	sadd.s32 $0xB400, s0;
	s6 =	smax.u32 s1, $0x1  }
.LBB2_1:
0x9: {  	[tilespmem:s2], [sflag:$0x1] =	stream.linear.gather [hbm4b:s3+s2], $0x2000, $0x38;
	[tilespmem:$0x2500] =	vst v63  }
0xa: {  	_ =	swait.ge [sflag:s7], $0x2000  }
0xb: {  	[sflag:s7] =	ssyncset.done $0x0  }
0xc: {  	s26 =	simm.s32 $0x100;
	[sflag:s7] =	ssyncadd.s32 $0xFFFFE000  }
0xd: {  	v5 =	vld [tilespmem:s26+$0xFFFFFF10]  }
0xe: {  	v6 =	vld [tilespmem:s26+$0xFFFFFF00];
	_ =	sdelay $0x2  }
0xf: {  	v7 =	vld [tilespmem:s26+$0xFFFFFF20]  }
0x10: {  	(xrf1) =	vsort.dscd.msk.f32 $0xffff, v5, v1  }
0x11: {  	v5 =	vld [tilespmem:s26+$0xFFFFFF30];
	(xrf1) =	vsort.dscd.msk.f32 $0xffff, v6, v0;
	_ =	sdelay $0x2  }
0x12: {  	(xrf1) =	vsort.dscd.msk.f32 $0xffff, v7, v2;
	_ =	sdelay $0x1  }
0x13: {  	(xrf1) =	vsort.dscd.msk.f32 $0xffff, v5, v3;
	_ =	sdelay $0x7  }
0x14: {  	v5, v6, _ =	vpop (xrf1)  }
0x15: {  	v7, v8, _ =	vpop (xrf1)  }
0x16: {  	v8 =	vperm.xlane v8, v4  }
0x17: {  	v7 =	vperm.xlane v7, v4  }
0x18: {  	v9, v10, _ =	vpop (xrf1)  }
0x19: {  	v9 =	vperm.xlane v9, v4;
	vm1 =	vgt.f32 v7, v5  }
0x1a: {  	v5 =	vsel vm1, v7, v5;
	v6 =	vsel vm1, v8, v6;
	v7 =	vperm.xlane v10, v4;
	v8, v10, _ =	vpop (xrf1)  }
0x1b: {  	(xrf1) =	vsort.dscd.msk.f32 $0xffff, v5, v6;
	vm1 =	vgt.f32 v9, v8  }
0x1c: {  	v5 =	vsel vm1, v9, v8;
	v6 =	vsel vm1, v7, v10  }
0x1d: {  	(xrf1) =	vsort.dscd.msk.f32 $0xffff, v5, v6;
	_ =	sdelay $0x8  }
0x1e: {  	s28 =	simm.s32 $0x300  }
0x1f: {  	v5 =	vld [tilespmem:s28+$0xFFFFFF10]  }
0x20: {  	v6 =	vld [tilespmem:s28+$0xFFFFFF00]  }
0x21: {  	v7, v8, _ =	vpop (xrf1)  }
0x22: {  	v7 =	vperm.xlane v7, v4  }
0x23: {  	v8 =	vperm.xlane v8, v4;
	v9, v10, _ =	vpop (xrf1)  }
0x24: {  	(xrf1) =	vsort.dscd.msk.f32 $0xffff, v5, v1;
	vm1 =	vgt.f32 v7, v9  }
0x25: {  	(xrf1) =	vsort.dscd.msk.f32 $0xffff, v6, v0;
	v5 =	vsel vm1, v7, v9;
	v7 =	vsel vm1, v8, v10  }
0x26: {  	(xrf1) =	vsort.dscd.msk.f32 $0xffff, v5, v7;
	_ =	sdelay $0x6  }
0x27: {  	v5 =	vld [tilespmem:s28+$0xFFFFFF20]  }
0x28: {  	v6 =	vld [tilespmem:s28+$0xFFFFFF30];
	_ =	sdelay $0x3  }
0x29: {  	(xrf1) =	vsort.dscd.msk.f32 $0xffff, v5, v2;
	v5, v7, _ =	vpop (xrf1)  }
0x2a: {  	(xrf1) =	vsort.dscd.msk.f32 $0xffff, v6, v3;
	v6, v8, _ =	vpop (xrf1)  }
0x2b: {  	v9, v10, _ =	vpop (xrf1)  }
0x2c: {  	(xrf0) =	vmax.scan.msk.f32 $0xffff, v9;
	_ =	sdelay $0x5  }
0x2d: {  	v11, _, _ =	vpop (xrf0)  }
0x2e: {  	v11 =	vbroadcast v11, $0xF;
	_ =	sdelay $0x1  }
0x2f: {  	v6 =	vperm.xlane v6, v4;
	_ =	sdelay $0x1  }
0x30: {  	v8 =	vperm.xlane v8, v4;
	vm1 =	vgt.f32 v6, v5;
	v9 =	vsub.f32 v9, v11;
	v11, v12, _ =	vpop (xrf1)  }
0x31: {  	v5 =	vsel vm1, v6, v5;
	v6 =	vperm.xlane v11, v4  }
0x32: {  	v7 =	vsel vm1, v8, v7;
	v8 =	vmul.f32 $1.442695020e+00, v9;
	v9 =	vperm.xlane v12, v4;
	v11, v12, _ =	vpop (xrf1)  }
0x33: {  	(xrf1) =	vsort.dscd.msk.f32 $0xffff, v5, v7;
	vm1 =	vgt.f32 v6, v11  }
0x34: {  	(erf) = vpow2.f32 v8;
	v5 =	vsel vm1, v6, v11;
	v6 =	vsel vm1, v9, v12  }
0x35: {  	(xrf1) =	vsort.dscd.msk.f32 $0xffff, v5, v6;
	_ =	sdelay $0x7  }
0x36: {  	v5 =	vpop (erf)  }
0x37: {  	s25 =	simm.s32 $0x500;
	v5 =	vnsel vm0, $0x0, v5  }
0x38: {  	v6 =	vld [tilespmem:s25+$0xFFFFFF10];
	(xrf2) =	vadd.scan.msk.f32 $0xffff, v5  }
0x39: {  	v7 =	vld [tilespmem:s25+$0xFFFFFF00]  }
0x3a: {  	v8, v9, _ =	vpop (xrf1)  }
0x3b: {  	v8 =	vperm.xlane v8, v4  }
0x3c: {  	v9 =	vperm.xlane v9, v4;
	v11, v12, _ =	vpop (xrf1)  }
0x3d: {  	(xrf1) =	vsort.dscd.msk.f32 $0xffff, v6, v1;
	vm1 =	vgt.f32 v8, v11  }
0x3e: {  	(xrf1) =	vsort.dscd.msk.f32 $0xffff, v7, v0;
	v6 =	vsel vm1, v8, v11;
	v8 =	vsel vm1, v9, v12  }
0x3f: {  	(xrf1) =	vsort.dscd.msk.f32 $0xffff, v6, v8;
	_ =	sdelay $0x2  }
0x40: {  	v6, _, _ =	vpop (xrf2)  }
0x41: {  	v6 =	vbroadcast v6, $0xF;
	_ =	sdelay $0x1  }
0x42: {  	(erf) = vrcp.f32 v6;
	_ =	sdelay $0x5  }
0x43: {  	v11 =	vld [tilespmem:s25+$0xFFFFFF20];
	v6, v7, _ =	vpop (xrf1)  }
0x44: {  	v8, v9, _ =	vpop (xrf1)  }
0x45: {  	v15 =	vld [tilespmem:s25+$0xFFFFFF30];
	v12, v13, _ =	vpop (xrf1)  }
0x46: {  	v14 =	vpop (erf)  }
0x47: {  	(xrf0) =	vmax.scan.msk.f32 $0xffff, v12;
	v5 =	vmul.f32 v14, v5  }
0x48: {  	s11 =	simm.s32 $0x2010;
	(xrf1) =	vsort.dscd.msk.f32 $0xffff, v11, v2  }
0x49: {  	s12 =	simm.s32 $0x2290;
	[tilespmem:s11+$0xFFFFFFF0] =	vst.msk $0xff, v5  }
0x4a: {  	(xrf1) =	vsort.dscd.msk.f32 $0xffff, v15, v3;
	v5 =	vperm.xlane v8, v4;
	[tilespmem:s12+$0xFFFFFFF0] =	vst.msk $0xff, v10  }
0x4b: {  	v8 =	vperm.xlane v9, v4;
	v9 =	vld [tilespmem:s26+$0xFFFFFF80]  }
0x4c: {  	vm1 =	vgt.f32 v5, v6;
	v10 =	vld [tilespmem:s26+$0xFFFFFFA0]  }
0x4d: {  	v5 =	vsel vm1, v5, v6;
	v6 =	vsel vm1, v8, v7;
	v8 =	vld [tilespmem:s26+$0xFFFFFF90];
	v7, _, _ =	vpop (xrf0)  }
0x4e: {  	(xrf1) =	vsort.dscd.msk.f32 $0xffff, v5, v6;
	v5 =	vbroadcast v7, $0xF  }
0x4f: {  	v6 =	vld [tilespmem:s26+$0xFFFFFFB0]  }
0x50: {  	v5 =	vsub.f32 v12, v5;
	(xrf1) =	vsort.dscd.msk.f32 $0xffff, v9, v0  }
0x51: {  	(xrf1) =	vsort.dscd.msk.f32 $0xffff, v10, v2  }
0x52: {  	v5 =	vmul.f32 $1.442695020e+00, v5;
	(xrf1) =	vsort.dscd.msk.f32 $0xffff, v8, v1;
	_ =	sdelay $0x1  }
0x53: {  	(xrf1) =	vsort.dscd.msk.f32 $0xffff, v6, v3;
	(erf) = vpow2.f32 v5;
	_ =	sdelay $0x1  }
0x54: {  	v5, v6, _ =	vpop (xrf1)  }
0x55: {  	v5 =	vperm.xlane v5, v4  }
0x56: {  	v7, v8, _ =	vpop (xrf1)  }
0x57: {  	v6 =	vperm.xlane v6, v4;
	vm1 =	vgt.f32 v5, v7  }
0x58: {  	v5 =	vsel vm1, v5, v7  }
0x59: {  	v6 =	vsel vm1, v6, v8  }
0x5a: {  	v7, v8, _ =	vpop (xrf1)  }
0x5b: {  	(xrf1) =	vsort.dscd.msk.f32 $0xffff, v5, v6;
	v5 =	vpop (erf)  }
0x5c: {  	v6, v9, _ =	vpop (xrf1)  }
0x5d: {  	v6 =	vperm.xlane v6, v4;
	v10, v11, _ =	vpop (xrf1)  }
0x5e: {  	v9 =	vperm.xlane v9, v4;
	v12, v14, _ =	vpop (xrf1)  }
0x5f: {  	v5 =	vnsel vm0, $0x0, v5;
	v10 =	vperm.xlane v10, v4;
	vm1 =	vgt.f32 v6, v12  }
0x60: {  	(xrf2) =	vadd.scan.msk.f32 $0xffff, v5;
	v11 =	vperm.xlane v11, v4;
	v15, v16, _ =	vpop (xrf1);
	v6 =	vsel vm1, v6, v12;
	v9 =	vsel vm1, v9, v14  }
0x61: {  	vm1 =	vgt.f32 v10, v15;
	(xrf1) =	vsort.dscd.msk.f32 $0xffff, v6, v9  }
0x62: {  	v6 =	vsel vm1, v10, v15;
	v9 =	vsel vm1, v11, v16  }
0x63: {  	(xrf1) =	vsort.dscd.msk.f32 $0xffff, v6, v9  }
0x64: {  	s24 =	simm.s32 $0x700  }
0x65: {  	v6 =	vld [tilespmem:s24+$0xFFFFFF10];
	_ =	sdelay $0x1  }
0x66: {  	v9 =	vld [tilespmem:s24+$0xFFFFFF00]  }
0x67: {  	v7 =	vperm.xlane v7, v4  }
0x68: {  	v10, v11, _ =	vpop (xrf1)  }
0x69: {  	v8 =	vperm.xlane v8, v4;
	(xrf1) =	vsort.dscd.msk.f32 $0xffff, v6, v1;
	v6, _, _ =	vpop (xrf2);
	vm1 =	vgt.f32 v7, v10  }
0x6a: {  	v6 =	vbroadcast v6, $0xF;
	v7 =	vsel vm1, v7, v10  }
0x6b: {  	(xrf1) =	vsort.dscd.msk.f32 $0xffff, v9, v0;
	v8 =	vsel vm1, v8, v11  }
0x6c: {  	(xrf1) =	vsort.dscd.msk.f32 $0xffff, v7, v8;
	(erf) = vrcp.f32 v6;
	_ =	sdelay $0x1  }
0x6d: {  	v6, v7, _ =	vpop (xrf1)  }
0x6e: {  	v6 =	vperm.xlane v6, v4  }
0x6f: {  	v8, v9, _ =	vpop (xrf1);
	v7 =	vperm.xlane v7, v4  }
0x70: {  	vm1 =	vgt.f32 v6, v8  }
0x71: {  	v7 =	vsel vm1, v7, v9  }
0x72: {  	v6 =	vsel vm1, v6, v8  }
0x73: {  	(xrf1) =	vsort.dscd.msk.f32 $0xffff, v6, v7;
	v6 =	vld [tilespmem:s24+$0xFFFFFF20]  }
0x74: {  	v8 =	vld [tilespmem:s24+$0xFFFFFF30];
	v7 =	vpop (erf)  }
0x75: {  	v5 =	vmul.f32 v7, v5;
	_ =	sdelay $0x1  }
0x76: {  	v7, v9, _ =	vpop (xrf1)  }
0x77: {  	s13 =	simm.s32 $0x2030;
	v10, v11, _ =	vpop (xrf1);
	(xrf1) =	vsort.dscd.msk.f32 $0xffff, v6, v2  }
0x78: {  	[tilespmem:s13+$0xFFFFFFF0] =	vst.msk $0xff, v5;
	(xrf1) =	vsort.dscd.msk.f32 $0xffff, v8, v3;
	v5, v12, _ =	vpop (xrf1)  }
0x79: {  	s14 =	simm.s32 $0x22B0;
	v6 =	vperm.xlane v10, v4;
	(xrf0) =	vmax.scan.msk.f32 $0xffff, v5  }
0x7a: {  	[tilespmem:s14+$0xFFFFFFF0] =	vst.msk $0xff, v13;
	v8 =	vperm.xlane v11, v4  }
0x7b: {  	v10 =	vld [tilespmem:s28+$0xFFFFFF80];
	vm1 =	vgt.f32 v6, v7  }
0x7c: {  	v11 =	vld [tilespmem:s28+$0xFFFFFFA0];
	v6 =	vsel vm1, v6, v7;
	v7 =	vsel vm1, v8, v9  }
0x7d: {  	v13 =	vld [tilespmem:s28+$0xFFFFFF90];
	_ =	sdelay $0x1  }
0x7e: {  	(xrf1) =	vsort.dscd.msk.f32 $0xffff, v6, v7;
	v6 =	vld [tilespmem:s28+$0xFFFFFFB0];
	v7, _, _ =	vpop (xrf0)  }
0x7f: {  	(xrf1) =	vsort.dscd.msk.f32 $0xffff, v10, v0;
	v7 =	vbroadcast v7, $0xF  }
0x80: {  	(xrf1) =	vsort.dscd.msk.f32 $0xffff, v11, v2  }
0x81: {  	v8, v9, _ =	vpop (xrf1);
	(xrf1) =	vsort.dscd.msk.f32 $0xffff, v13, v1;
	v5 =	vsub.f32 v5, v7  }
0x82: {  	(xrf0) =	vmax.scan.msk.f32 $0xffff, v8  }
0x83: {  	(xrf1) =	vsort.dscd.msk.f32 $0xffff, v6, v3;
	v5 =	vmul.f32 $1.442695020e+00, v5  }
0x84: {  	v6, v7, _ =	vpop (xrf1)  }
0x85: {  	(erf) = vpow2.f32 v5;
	v5 =	vperm.xlane v6, v4  }
0x86: {  	v7 =	vperm.xlane v7, v4;
	v10, v11, _ =	vpop (xrf1)  }
0x87: {  	vm1 =	vgt.f32 v5, v10  }
0x88: {  	v6, _, _ =	vpop (xrf0);
	v7 =	vsel vm1, v7, v11  }
0x89: {  	v6 =	vbroadcast v6, $0xF;
	v5 =	vsel vm1, v5, v10  }
0x8a: {  	(xrf1) =	vsort.dscd.msk.f32 $0xffff, v5, v7  }
0x8b: {  	v6 =	vsub.f32 v8, v6  }
0x8c: {  	v5, v7, _ =	vpop (xrf1)  }
0x8d: {  	v6 =	vmul.f32 $1.442695020e+00, v6;
	v8, v10, _ =	vpop (xrf1)  }
0x8e: {  	v8 =	vperm.xlane v8, v4;
	v11, v13, _ =	vpop (xrf1)  }
0x8f: {  	(erf) = vpow2.f32 v6;
	v6 =	vperm.xlane v10, v4;
	v10, v14, _ =	vpop (xrf1)  }
0x90: {  	v15 =	vpop (erf);
	v11 =	vperm.xlane v11, v4;
	vm1 =	vgt.f32 v8, v10  }
0x91: {  	v16, v17, _ =	vpop (xrf1);
	v8 =	vsel vm1, v8, v10;
	v6 =	vsel vm1, v6, v14;
	v10 =	vperm.xlane v13, v4  }
0x92: {  	s21 =	simm.s32 $0x900;
	v13 =	vnsel vm0, $0x0, v15;
	vm1 =	vgt.f32 v11, v16;
	(xrf1) =	vsort.dscd.msk.f32 $0xffff, v8, v6  }
0x93: {  	(xrf2) =	vadd.scan.msk.f32 $0xffff, v13;
	v8 =	vsel vm1, v10, v17;
	v10 =	vld [tilespmem:s21+$0xFFFFFF10];
	_ =	sdelay $0x1  }
0x94: {  	v6 =	vsel vm1, v11, v16  }
0x95: {  	(xrf1) =	vsort.dscd.msk.f32 $0xffff, v6, v8  }
0x96: {  	v5 =	vperm.xlane v5, v4;
	v6 =	vld [tilespmem:s21+$0xFFFFFF00]  }
0x97: {  	(xrf1) =	vsort.dscd.msk.f32 $0xffff, v10, v1;
	v10, v11, _ =	vpop (xrf1)  }
0x98: {  	v8 =	vpop (erf);
	vm1 =	vgt.f32 v5, v10  }
0x99: {  	v7 =	vperm.xlane v7, v4;
	v8 =	vnsel vm0, $0x0, v8;
	v5 =	vsel vm1, v5, v10  }
0x9a: {  	(xrf2) =	vadd.scan.msk.f32 $0xffff, v8  }
0x9b: {  	(xrf1) =	vsort.dscd.msk.f32 $0xffff, v6, v0;
	v7 =	vsel vm1, v7, v11  }
0x9c: {  	(xrf1) =	vsort.dscd.msk.f32 $0xffff, v5, v7;
	v5, _, _ =	vpop (xrf2)  }
0x9d: {  	v5 =	vbroadcast v5, $0xF;
	_ =	sdelay $0x2  }
0x9e: {  	(erf) = vrcp.f32 v5  }
0x9f: {  	v5, v6, _ =	vpop (xrf1)  }
0xa0: {  	v5 =	vperm.xlane v5, v4  }
0xa1: {  	v7 =	vld [tilespmem:s21+$0xFFFFFF20];
	v10, v11, _ =	vpop (xrf1);
	v6 =	vperm.xlane v6, v4  }
0xa2: {  	vm1 =	vgt.f32 v5, v10  }
0xa3: {  	v14 =	vld [tilespmem:s21+$0xFFFFFF30];
	v15, _, _ =	vpop (xrf2);
	v5 =	vsel vm1, v5, v10;
	v6 =	vsel vm1, v6, v11  }
0xa4: {  	(xrf1) =	vsort.dscd.msk.f32 $0xffff, v5, v6;
	v5 =	vbroadcast v15, $0xF;
	_ =	sdelay $0x1  }
0xa5: {  	(xrf1) =	vsort.dscd.msk.f32 $0xffff, v7, v2;
	(erf) = vrcp.f32 v5  }
0xa6: {  	v7 =	vpop (erf)  }
0xa7: {  	(xrf1) =	vsort.dscd.msk.f32 $0xffff, v14, v3;
	v5, v6, _ =	vpop (xrf1)  }
0xa8: {  	v13 =	vmul.f32 v7, v13;
	v10, v11, _ =	vpop (xrf1)  }
0xa9: {  	s15 =	simm.s32 $0x2050;
	v14, v7, _ =	vpop (xrf1)  }
0xaa: {  	s16 =	simm.s32 $0x22D0;
	[tilespmem:s15+$0xFFFFFFF0] =	vst.msk $0xff, v13;
	v10 =	vperm.xlane v10, v4;
	(xrf0) =	vmax.scan.msk.f32 $0xffff, v14  }
0xab: {  	[tilespmem:s16+$0xFFFFFFF0] =	vst.msk $0xff, v12  }
0xac: {  	v11 =	vperm.xlane v11, v4;
	v12 =	vld [tilespmem:s25+$0xFFFFFF80];
	vm1 =	vgt.f32 v10, v5  }
0xad: {  	v5 =	vsel vm1, v10, v5  }
0xae: {  	v15 =	vpop (erf)  }
0xaf: {  	v13 =	vld [tilespmem:s25+$0xFFFFFFA0];
	v6 =	vsel vm1, v11, v6;
	v8 =	vmul.f32 v15, v8  }
0xb0: {  	v10 =	vld [tilespmem:s25+$0xFFFFFF90];
	(xrf1) =	vsort.dscd.msk.f32 $0xffff, v5, v6;
	v11, _, _ =	vpop (xrf0)  }
0xb1: {  	(xrf1) =	vsort.dscd.msk.f32 $0xffff, v12, v0;
	v12, v5, _ =	vpop (xrf1);
	[tilespmem:s11+$0xFFFFFFF8] =	vst.msk $0xff, v8  }
0xb2: {  	v6 =	vld [tilespmem:s25+$0xFFFFFFB0];
	(xrf0) =	vmax.scan.msk.f32 $0xffff, v12;
	[tilespmem:s12+$0xFFFFFFF8] =	vst.msk $0xff, v9;
	v9 =	vbroadcast v11, $0xF  }
0xb3: {  	v8, v15, _ =	vpop (xrf1)  }
0xb4: {  	(xrf1) =	vsort.dscd.msk.f32 $0xffff, v13, v2;
	v8 =	vperm.xlane v8, v4;
	v9 =	vsub.f32 v14, v9  }
0xb5: {  	(xrf1) =	vsort.dscd.msk.f32 $0xffff, v10, v1;
	v11 =	vld [tilespmem:s26+$0x20];
	v13 =	vperm.xlane v15, v4;
	v15, v16, _ =	vpop (xrf1)  }
0xb6: {  	v10 =	vld [tilespmem:s26+$0x0];
	vm1 =	vgt.f32 v8, v15  }
0xb7: {  	(xrf1) =	vsort.dscd.msk.f32 $0xffff, v6, v3;
	v6 =	vsel vm1, v8, v15;
	v8 =	vsel vm1, v13, v16;
	v13 =	vld [tilespmem:s26+$0x30]  }
0xb8: {  	(xrf1) =	vsort.dscd.msk.f32 $0xffff, v6, v8;
	v6 =	vld [tilespmem:s26+$0x10];
	v8 =	vmul.f32 $1.442695020e+00, v9;
	v9, _, _ =	vpop (xrf0)  }
0xb9: {  	v9 =	vbroadcast v9, $0xF  }
0xba: {  	(xrf1) =	vsort.dscd.msk.f32 $0xffff, v11, v2  }
0xbb: {  	(xrf1) =	vsort.dscd.msk.f32 $0xffff, v10, v0;
	(erf) = vpow2.f32 v8;
	v8 =	vsub.f32 v12, v9  }
0xbc: {  	(xrf1) =	vsort.dscd.msk.f32 $0xffff, v13, v3  }
0xbd: {  	(xrf1) =	vsort.dscd.msk.f32 $0xffff, v6, v1;
	v6 =	vmul.f32 $1.442695020e+00, v8;
	_ =	sdelay $0x2  }
0xbe: {  	v8, v9, _ =	vpop (xrf1)  }
0xbf: {  	(erf) = vpow2.f32 v6;
	v6, v10, _ =	vpop (xrf1)  }
0xc0: {  	v6 =	vperm.xlane v6, v4;
	v11, v12, _ =	vpop (xrf1)  }
0xc1: {  	v10 =	vperm.xlane v10, v4;
	v13, v14, _ =	vpop (xrf1)  }
0xc2: {  	v15 =	vpop (erf);
	v11 =	vperm.xlane v11, v4;
	vm1 =	vgt.f32 v6, v13  }
0xc3: {  	v12 =	vperm.xlane v12, v4;
	v17, v18, _ =	vpop (xrf1);
	v6 =	vsel vm1, v6, v13;
	v10 =	vsel vm1, v10, v14  }
0xc4: {  	s22 =	simm.s32 $0xB00;
	v14 =	vnsel vm0, $0x0, v15;
	vm1 =	vgt.f32 v11, v17;
	(xrf1) =	vsort.dscd.msk.f32 $0xffff, v6, v10  }
0xc5: {  	v16 =	vld [tilespmem:s22+$0xFFFFFF10];
	(xrf2) =	vadd.scan.msk.f32 $0xffff, v14;
	v10 =	vsel vm1, v12, v18  }
0xc6: {  	v13 =	vld [tilespmem:s22+$0xFFFFFF00];
	v6 =	vperm.xlane v9, v4;
	v9 =	vsel vm1, v11, v17  }
0xc7: {  	v8 =	vperm.xlane v8, v4;
	v15, v19, _ =	vpop (xrf1)  }
0xc8: {  	(xrf1) =	vsort.dscd.msk.f32 $0xffff, v9, v10;
	v11, v12, _ =	vpop (xrf1)  }
0xc9: {  	vm1 =	vgt.f32 v8, v15;
	v11 =	vperm.xlane v11, v4;
	v9, v10, _ =	vpop (xrf1)  }
0xca: {  	v8 =	vsel vm1, v8, v15;
	(xrf1) =	vsort.dscd.msk.f32 $0xffff, v16, v1;
	v6 =	vsel vm1, v6, v19;
	v16, v17, _ =	vpop (xrf1)  }
0xcb: {  	v15 =	vpop (erf);
	v12 =	vperm.xlane v12, v4;
	(xrf1) =	vsort.dscd.msk.f32 $0xffff, v13, v0;
	vm1 =	vgt.f32 v11, v16  }
0xcc: {  	v13 =	vnsel vm0, $0x0, v15;
	v9 =	vperm.xlane v9, v4;
	(xrf1) =	vsort.dscd.msk.f32 $0xffff, v8, v6;
	v6 =	vsel vm1, v11, v16  }
0xcd: {  	v10 =	vperm.xlane v10, v4;
	(xrf2) =	vadd.scan.msk.f32 $0xffff, v13;
	v15, v18, _ =	vpop (xrf1)  }
0xce: {  	vm2 =	vgt.f32 v9, v15;
	v8 =	vsel vm1, v12, v17  }
0xcf: {  	v9 =	vsel vm2, v9, v15;
	v10 =	vsel vm2, v10, v18;
	(xrf1) =	vsort.dscd.msk.f32 $0xffff, v6, v8;
	v6, _, _ =	vpop (xrf2)  }
0xd0: {  	(xrf1) =	vsort.dscd.msk.f32 $0xffff, v9, v10;
	v6 =	vbroadcast v6, $0xF;
	_ =	sdelay $0x3  }
0xd1: {  	(erf) = vrcp.f32 v6;
	v6, v8, _ =	vpop (xrf1)  }
0xd2: {  	v6 =	vperm.xlane v6, v4  }
0xd3: {  	v10, v11, _ =	vpop (xrf1);
	v8 =	vperm.xlane v8, v4  }
0xd4: {  	v12, _, _ =	vpop (xrf2);
	vm1 =	vgt.f32 v6, v10  }
0xd5: {  	v9 =	vld [tilespmem:s22+$0xFFFFFF20];
	v16, v17, _ =	vpop (xrf1);
	v6 =	vsel vm1, v6, v10;
	v8 =	vsel vm1, v8, v11  }
0xd6: {  	v15 =	vld [tilespmem:s22+$0xFFFFFF30];
	v10, v11, _ =	vpop (xrf1);
	(xrf1) =	vsort.dscd.msk.f32 $0xffff, v6, v8;
	v8 =	vbroadcast v12, $0xF;
	_ =	sdelay $0x2  }
0xd7: {  	v12, v6, _ =	vpop (xrf1)  }
0xd8: {  	(erf) = vrcp.f32 v8;
	(xrf1) =	vsort.dscd.msk.f32 $0xffff, v9, v2;
	v8, v9, _ =	vpop (xrf1)  }
0xd9: {  	(xrf1) =	vsort.dscd.msk.f32 $0xffff, v15, v3;
	v15, v18, _ =	vpop (xrf1)  }
0xda: {  	v19 =	vpop (erf);
	(xrf0) =	vmax.scan.msk.f32 $0xffff, v12;
	v15 =	vperm.xlane v15, v4  }
0xdb: {  	v14 =	vmul.f32 v19, v14;
	v18 =	vperm.xlane v18, v4  }
0xdc: {  	s18 =	simm.s32 $0x2070;
	vm1 =	vgt.f32 v15, v8  }
0xdd: {  	s17 =	simm.s32 $0x22F0;
	v10 =	vperm.xlane v10, v4;
	[tilespmem:s18+$0xFFFFFFF0] =	vst.msk $0xff, v14;
	v9 =	vsel vm1, v18, v9  }
0xde: {  	[tilespmem:s17+$0xFFFFFFF0] =	vst.msk $0xff, v7;
	v7 =	vperm.xlane v11, v4  }
0xdf: {  	v8 =	vsel vm1, v15, v8;
	vm1 =	vgt.f32 v10, v16  }
0xe0: {  	(xrf1) =	vsort.dscd.msk.f32 $0xffff, v8, v9;
	v8 =	vld [tilespmem:s24+$0xFFFFFF80];
	v10 =	vsel vm1, v10, v16;
	v7 =	vsel vm1, v7, v17;
	v9, _, _ =	vpop (xrf0)  }
0xe1: {  	v11 =	vld [tilespmem:s24+$0xFFFFFFA0];
	v14 =	vpop (erf);
	(xrf1) =	vsort.dscd.msk.f32 $0xffff, v10, v7;
	v7 =	vbroadcast v9, $0xF  }
0xe2: {  	v10 =	vmul.f32 v14, v13;
	v9 =	vld [tilespmem:s24+$0xFFFFFF90];
	_ =	sdelay $0x2  }
0xe3: {  	v13 =	vld [tilespmem:s24+$0xFFFFFFB0];
	v12 =	vsub.f32 v12, v7;
	(xrf1) =	vsort.dscd.msk.f32 $0xffff, v8, v0  }
0xe4: {  	(xrf1) =	vsort.dscd.msk.f32 $0xffff, v11, v2;
	v14, v7, _ =	vpop (xrf1)  }
0xe5: {  	[tilespmem:s13+$0xFFFFFFF8] =	vst.msk $0xff, v10;
	(xrf1) =	vsort.dscd.msk.f32 $0xffff, v9, v1;
	v8, v10, _ =	vpop (xrf1)  }
0xe6: {  	[tilespmem:s14+$0xFFFFFFF8] =	vst.msk $0xff, v5;
	(xrf0) =	vmax.scan.msk.f32 $0xffff, v14;
	v5 =	vperm.xlane v8, v4  }
0xe7: {  	v11 =	vld [tilespmem:s28+$0x20];
	v8 =	vmul.f32 $1.442695020e+00, v12;
	v10 =	vperm.xlane v10, v4;
	v12, v15, _ =	vpop (xrf1)  }
0xe8: {  	v9 =	vld [tilespmem:s28+$0x0];
	(xrf1) =	vsort.dscd.msk.f32 $0xffff, v13, v3;
	vm1 =	vgt.f32 v5, v12  }
0xe9: {  	(erf) = vpow2.f32 v8;
	v8 =	vsel vm1, v10, v15;
	v10 =	vld [tilespmem:s28+$0x30]  }
0xea: {  	v5 =	vsel vm1, v5, v12  }
0xeb: {  	(xrf1) =	vsort.dscd.msk.f32 $0xffff, v5, v8;
	v5 =	vld [tilespmem:s28+$0x10]  }
0xec: {  	(xrf1) =	vsort.dscd.msk.f32 $0xffff, v11, v2;
	v8, _, _ =	vpop (xrf0)  }
0xed: {  	(xrf1) =	vsort.dscd.msk.f32 $0xffff, v9, v0;
	v11 =	vbroadcast v8, $0xF  }
0xee: {  	v9, v8, _ =	vpop (xrf1);
	(xrf1) =	vsort.dscd.msk.f32 $0xffff, v10, v3  }
0xef: {  	(xrf0) =	vmax.scan.msk.f32 $0xffff, v9;
	v11 =	vsub.f32 v14, v11  }
0xf0: {  	(xrf1) =	vsort.dscd.msk.f32 $0xffff, v5, v1;
	v5, v10, _ =	vpop (xrf1)  }
0xf1: {  	v13, v14, _ =	vpop (xrf1);
	v11 =	vmul.f32 $1.442695020e+00, v11  }
0xf2: {  	v12 =	vpop (erf)  }
0xf3: {  	v15, v16, _ =	vpop (xrf1)  }
0xf4: {  	v13 =	vperm.xlane v13, v4;
	v14 =	vperm.xlane v14, v4;
	v17, v18, _ =	vpop (xrf1)  }
0xf5: {  	v12 =	vnsel vm0, $0x0, v12;
	v15 =	vperm.xlane v15, v4;
	(erf) = vpow2.f32 v11;
	v11, _, _ =	vpop (xrf0)  }
0xf6: {  	v16 =	vperm.xlane v16, v4;
	vm1 =	vgt.f32 v13, v17;
	v19, v20, _ =	vpop (xrf1);
	v11 =	vbroadcast v11, $0xF  }
0xf7: {  	s23 =	simm.s32 $0xD00;
	(xrf2) =	vadd.scan.msk.f32 $0xffff, v12;
	v13 =	vsel vm1, v13, v17;
	v14 =	vsel vm1, v14, v18;
	vm1 =	vgt.f32 v15, v19  }
0xf8: {  	(xrf1) =	vsort.dscd.msk.f32 $0xffff, v13, v14;
	v14 =	vsel vm1, v16, v20;
	v9 =	vsub.f32 v9, v11;
	v11 =	vld [tilespmem:s23+$0xFFFFFF10]  }
0xf9: {  	v17 =	vld [tilespmem:s23+$0xFFFFFF00];
	v13 =	vsel vm1, v15, v19  }
0xfa: {  	v5 =	vperm.xlane v5, v4;
	v18, v21, _ =	vpop (xrf1)  }
0xfb: {  	(xrf1) =	vsort.dscd.msk.f32 $0xffff, v13, v14;
	v15, v16, _ =	vpop (xrf1);
	v9 =	vmul.f32 $1.442695020e+00, v9  }
0xfc: {  	v10 =	vperm.xlane v10, v4;
	vm1 =	vgt.f32 v5, v18;
	v13, v14, _ =	vpop (xrf1);
	v15 =	vperm.xlane v15, v4  }
0xfd: {  	v5 =	vsel vm1, v5, v18;
	(erf) = vpow2.f32 v9;
	(xrf1) =	vsort.dscd.msk.f32 $0xffff, v11, v1;
	v11 =	vperm.xlane v13, v4;
	v13, v18, _ =	vpop (xrf1)  }
0xfe: {  	v10 =	vsel vm1, v10, v21;
	(xrf1) =	vsort.dscd.msk.f32 $0xffff, v17, v0;
	vm1 =	vgt.f32 v15, v13  }
0xff: {  	v16 =	vperm.xlane v16, v4;
	v9 =	vpop (erf);
	(xrf1) =	vsort.dscd.msk.f32 $0xffff, v5, v10;
	v5 =	vsel vm1, v15, v13  }
0x100: {  	v14 =	vperm.xlane v14, v4;
	v17, v19, _ =	vpop (xrf1);
	v9 =	vnsel vm0, $0x0, v9  }
0x101: {  	vm2 =	vgt.f32 v11, v17;
	v10 =	vsel vm1, v16, v18;
	(xrf2) =	vadd.scan.msk.f32 $0xffff, v9  }
0x102: {  	v11 =	vsel vm2, v11, v17;
	v13 =	vsel vm2, v14, v19;
	(xrf1) =	vsort.dscd.msk.f32 $0xffff, v5, v10;
	v5, _, _ =	vpop (xrf2)  }
0x103: {  	(xrf1) =	vsort.dscd.msk.f32 $0xffff, v11, v13;
	v5 =	vbroadcast v5, $0xF;
	_ =	sdelay $0x2  }
0x104: {  	v10 =	vpop (erf);
	(erf) = vrcp.f32 v5  }
0x105: {  	v5, v11, _ =	vpop (xrf1)  }
0x106: {  	v10 =	vnsel vm0, $0x0, v10;
	v5 =	vperm.xlane v5, v4  }
0x107: {  	(xrf2) =	vadd.scan.msk.f32 $0xffff, v10;
	v14, v15, _ =	vpop (xrf1);
	v11 =	vperm.xlane v11, v4  }
0x108: {  	v13 =	vld [tilespmem:s23+$0xFFFFFF20];
	vm1 =	vgt.f32 v5, v14  }
0x109: {  	v16, _, _ =	vpop (xrf2);
	v14 =	vsel vm1, v5, v14;
	v11 =	vsel vm1, v11, v15  }
0x10a: {  	v17 =	vld [tilespmem:s23+$0xFFFFFF30];
	v18, v19, _ =	vpop (xrf1);
	(xrf1) =	vsort.dscd.msk.f32 $0xffff, v14, v11;
	v11 =	vbroadcast v16, $0xF  }
0x10b: {  	v20, v21, _ =	vpop (xrf1)  }
0x10c: {  	v15, v5, _ =	vpop (xrf1)  }
0x10d: {  	(xrf1) =	vsort.dscd.msk.f32 $0xffff, v13, v2;
	v13 =	vpop (erf)  }
0x10e: {  	(erf) = vrcp.f32 v11;
	v11, v14, _ =	vpop (xrf1)  }
0x10f: {  	(xrf1) =	vsort.dscd.msk.f32 $0xffff, v17, v3;
	v16, v17, _ =	vpop (xrf1)  }
0x110: {  	(xrf0) =	vmax.scan.msk.f32 $0xffff, v15;
	v12 =	vmul.f32 v13, v12;
	v13 =	vperm.xlane v16, v4  }
0x111: {  	v16, _, _ =	vpop (xrf2);
	v17 =	vperm.xlane v17, v4  }
0x112: {  	s19 =	simm.s32 $0x2090;
	v16 =	vbroadcast v16, $0xF;
	vm1 =	vgt.f32 v13, v11  }
0x113: {  	s20 =	simm.s32 $0x2310;
	[tilespmem:s19+$0xFFFFFFF0] =	vst.msk $0xff, v12;
	v11 =	vsel vm1, v13, v11;
	v12 =	vsel vm1, v17, v14;
	v13 =	vperm.xlane v20, v4  }
0x114: {  	[tilespmem:s20+$0xFFFFFFF0] =	vst.msk $0xff, v6;
	v6 =	vperm.xlane v21, v4  }
0x115: {  	(erf) = vrcp.f32 v16;
	vm1 =	vgt.f32 v13, v18  }
0x116: {  	(xrf1) =	vsort.dscd.msk.f32 $0xffff, v11, v12;
	v11 =	vld [tilespmem:s21+$0xFFFFFF80];
	v12, _, _ =	vpop (xrf0);
	v13 =	vsel vm1, v13, v18;
	v6 =	vsel vm1, v6, v19  }
0x117: {  	v14 =	vld [tilespmem:s21+$0xFFFFFFA0];
	(xrf1) =	vsort.dscd.msk.f32 $0xffff, v13, v6;
	v6 =	vbroadcast v12, $0xF  }
0x118: {  	v16 =	vpop (erf)  }
0x119: {  	v9 =	vmul.f32 v16, v9  }
0x11a: {  	v12 =	vld [tilespmem:s21+$0xFFFFFF90];
	v15 =	vsub.f32 v15, v6  }
0x11b: {  	(xrf1) =	vsort.dscd.msk.f32 $0xffff, v11, v0  }
0x11c: {  	v13 =	vld [tilespmem:s21+$0xFFFFFFB0];
	(xrf1) =	vsort.dscd.msk.f32 $0xffff, v14, v2;
	v11, v6, _ =	vpop (xrf1)  }
0x11d: {  	[tilespmem:s15+$0xFFFFFFF8] =	vst.msk $0xff, v9;
	v9, v16, _ =	vpop (xrf1);
	(xrf0) =	vmax.scan.msk.f32 $0xffff, v11  }
0x11e: {  	[tilespmem:s16+$0xFFFFFFF8] =	vst.msk $0xff, v7;
	v7 =	vperm.xlane v9, v4;
	v9 =	vmul.f32 $1.442695020e+00, v15;
	v15 =	vpop (erf)  }
0x11f: {  	v14 =	vld [tilespmem:s25+$0x20];
	(xrf1) =	vsort.dscd.msk.f32 $0xffff, v12, v1;
	v16 =	vperm.xlane v16, v4;
	v17, v18, _ =	vpop (xrf1)  }
0x120: {  	v12 =	vld [tilespmem:s25+$0x0];
	v10 =	vmul.f32 v15, v10;
	vm1 =	vgt.f32 v7, v17  }
0x121: {  	(xrf1) =	vsort.dscd.msk.f32 $0xffff, v13, v3;
	(erf) = vpow2.f32 v9;
	v9 =	vsel vm1, v16, v18  }
0x122: {  	v13 =	vld [tilespmem:s25+$0x30];
	v7 =	vsel vm1, v7, v17;
	[tilespmem:s11+$0x0] =	vst.msk $0xff, v10  }
0x123: {  	(xrf1) =	vsort.dscd.msk.f32 $0xffff, v7, v9;
	v7 =	vld [tilespmem:s25+$0x10];
	[tilespmem:s12+$0x0] =	vst.msk $0xff, v8;
	v8, _, _ =	vpop (xrf0)  }
0x124: {  	(xrf1) =	vsort.dscd.msk.f32 $0xffff, v14, v2;
	v8 =	vbroadcast v8, $0xF  }
0x125: {  	v10 =	vld [tilespmem:s26+$0x80];
	(xrf1) =	vsort.dscd.msk.f32 $0xffff, v12, v0;
	v12, v9, _ =	vpop (xrf1)  }
0x126: {  	v14 =	vld [tilespmem:s26+$0x90];
	(xrf0) =	vmax.scan.msk.f32 $0xffff, v12;
	v8 =	vsub.f32 v11, v8  }
0x127: {  	(xrf1) =	vsort.dscd.msk.f32 $0xffff, v13, v3  }
0x128: {  	v11 =	vld [tilespmem:s26+$0xA0];
	(xrf1) =	vsort.dscd.msk.f32 $0xffff, v7, v1;
	v7 =	vmul.f32 $1.442695020e+00, v8  }
0x129: {  	v13, v15, _ =	vpop (xrf1)  }
0x12a: {  	v16, v17, _ =	vpop (xrf1);
	(xrf1) =	vsort.dscd.msk.f32 $0xffff, v10, v0;
	v10 =	vld [tilespmem:s26+$0xB0]  }
0x12b: {  	(xrf1) =	vsort.dscd.msk.f32 $0xffff, v14, v1;
	v14 =	vperm.xlane v16, v4;
	v16, v18, _ =	vpop (xrf1)  }
0x12c: {  	(erf) = vpow2.f32 v7;
	v7, _, _ =	vpop (xrf0)  }
0x12d: {  	(xrf1) =	vsort.dscd.msk.f32 $0xffff, v11, v2;
	v11 =	vperm.xlane v17, v4;
	v17, v19, _ =	vpop (xrf1);
	v7 =	vbroadcast v7, $0xF  }
0x12e: {  	v8 =	vpop (erf);
	v16 =	vperm.xlane v16, v4;
	vm1 =	vgt.f32 v14, v17  }
0x12f: {  	v8 =	vnsel vm0, $0x0, v8;
	(xrf1) =	vsort.dscd.msk.f32 $0xffff, v10, v3;
	v10 =	vperm.xlane v13, v4;
	v7 =	vsub.f32 v12, v7;
	v12, v13, _ =	vpop (xrf1)  }
0x130: {  	s26 =	simm.s32 $0xF00;
	v14 =	vsel vm1, v14, v17;
	v11 =	vsel vm1, v11, v19;
	vm1 =	vgt.f32 v16, v12  }
0x131: {  	v20 =	vld [tilespmem:s26+$0xFFFFFF10];
	v17 =	vperm.xlane v18, v4;
	v7 =	vmul.f32 $1.442695020e+00, v7;
	v12 =	vsel vm1, v16, v12  }
0x132: {  	(xrf2) =	vadd.scan.msk.f32 $0xffff, v8;
	v18 =	vld [tilespmem:s26+$0xFFFFFF00]  }
0x133: {  	(xrf1) =	vsort.dscd.msk.f32 $0xffff, v14, v11;
	v19, v21, _ =	vpop (xrf1)  }
0x134: {  	v11 =	vperm.xlane v15, v4;
	v13 =	vsel vm1, v17, v13;
	v14, v15, _ =	vpop (xrf1);
	vm1 =	vgt.f32 v10, v19  }
0x135: {  	(xrf1) =	vsort.dscd.msk.f32 $0xffff, v12, v13;
	v10 =	vsel vm1, v10, v19;
	(erf) = vpow2.f32 v7;
	v7, v12, _ =	vpop (xrf1)  }
0x136: {  	v14 =	vperm.xlane v14, v4;
	(xrf1) =	vsort.dscd.msk.f32 $0xffff, v20, v1;
	v7 =	vperm.xlane v7, v4;
	v16, v17, _ =	vpop (xrf1)  }
0x137: {  	v11 =	vsel vm1, v11, v21;
	(xrf1) =	vsort.dscd.msk.f32 $0xffff, v18, v0;
	v12 =	vperm.xlane v12, v4;
	v18, v19, _ =	vpop (xrf1)  }
0x138: {  	v15 =	vperm.xlane v15, v4;
	vm2 =	vgt.f32 v7, v18  }
0x139: {  	vm1 =	vgt.f32 v14, v16;
	v12 =	vsel vm2, v12, v19  }
0x13a: {  	v13 =	vpop (erf);
	v15 =	vsel vm1, v15, v17;
	v7 =	vsel vm2, v7, v18  }
0x13b: {  	(xrf1) =	vsort.dscd.msk.f32 $0xffff, v10, v11;
	v10, v11, _ =	vpop (xrf1);
	v14 =	vsel vm1, v14, v16  }
0x13c: {  	v16, _, _ =	vpop (xrf2);
	(xrf1) =	vsort.dscd.msk.f32 $0xffff, v14, v15  }
0x13d: {  	v13 =	vnsel vm0, $0x0, v13;
	(xrf1) =	vsort.dscd.msk.f32 $0xffff, v7, v12;
	v7, v12, _ =	vpop (xrf1)  }
0x13e: {  	(xrf2) =	vadd.scan.msk.f32 $0xffff, v13;
	v16 =	vbroadcast v16, $0xF;
	v14, v15, _ =	vpop (xrf1)  }
0x13f: {  	v10 =	vperm.xlane v10, v4;
	v14 =	vperm.xlane v14, v4  }
0x140: {  	v11 =	vperm.xlane v11, v4;
	(erf) = vrcp.f32 v16  }
0x141: {  	v17 =	vpop (erf);
	vm1 =	vgt.f32 v10, v7  }
0x142: {  	v7 =	vsel vm1, v10, v7;
	v10 =	vsel vm1, v11, v12;
	v11 =	vperm.xlane v15, v4;
	v12, v15, _ =	vpop (xrf1)  }
0x143: {  	(xrf1) =	vsort.dscd.msk.f32 $0xffff, v7, v10;
	v10 =	vnsel vm0, $0x0, v17;
	vm1 =	vgt.f32 v14, v12  }
0x144: {  	(xrf2) =	vadd.scan.msk.f32 $0xffff, v10;
	v7 =	vsel vm1, v14, v12;
	v11 =	vsel vm1, v11, v15;
	v12, v14, _ =	vpop (xrf1)  }
0x145: {  	(xrf1) =	vsort.dscd.msk.f32 $0xffff, v7, v11;
	v7 =	vperm.xlane v12, v4  }
0x146: {  	v12, v15, _ =	vpop (xrf1)  }
0x147: {  	v14 =	vperm.xlane v14, v4;
	vm1 =	vgt.f32 v7, v12  }
0x148: {  	v16, _, _ =	vpop (xrf2);
	v11 =	vld [tilespmem:s26+$0xFFFFFF20];
	v7 =	vsel vm1, v7, v12  }
0x149: {  	v22 =	vpop (erf);
	v12 =	vsel vm1, v14, v15  }
0x14a: {  	v17 =	vld [tilespmem:s26+$0xFFFFFF30];
	v16 =	vbroadcast v16, $0xF;
	v18, v19, _ =	vpop (xrf1)  }
0x14b: {  	v14, v15, _ =	vpop (xrf1)  }
0x14c: {  	(xrf1) =	vsort.dscd.msk.f32 $0xffff, v7, v12;
	v12, v7, _ =	vpop (xrf1)  }
0x14d: {  	(xrf1) =	vsort.dscd.msk.f32 $0xffff, v11, v2;
	v11, v20, _ =	vpop (xrf1)  }
0x14e: {  	(erf) = vrcp.f32 v16;
	v16, v21, _ =	vpop (xrf1)  }
0x14f: {  	v8 =	vmul.f32 v22, v8;
	(xrf1) =	vsort.dscd.msk.f32 $0xffff, v17, v3;
	v17, _, _ =	vpop (xrf2)  }
0x150: {  	v16 =	vperm.xlane v16, v4;
	v17 =	vbroadcast v17, $0xF  }
0x151: {  	v14 =	vperm.xlane v14, v4;
	v21 =	vperm.xlane v21, v4  }
0x152: {  	s0 =	simm.s32 $0x20B0;
	v15 =	vperm.xlane v15, v4;
	(xrf0) =	vmax.scan.msk.f32 $0xffff, v12;
	vm1 =	vgt.f32 v16, v11  }
0x153: {  	s31 =	simm.s32 $0x2330;
	[tilespmem:s0+$0xFFFFFFF0] =	vst.msk $0xff, v8;
	v22, v23, _ =	vpop (xrf1);
	v8 =	vsel vm1, v16, v11;
	v11 =	vsel vm1, v21, v20;
	vm1 =	vgt.f32 v14, v18  }
0x154: {  	[tilespmem:s31+$0xFFFFFFF0] =	vst.msk $0xff, v5;
	v5 =	vperm.xlane v22, v4;
	(erf) = vrcp.f32 v17;
	v15 =	vsel vm1, v15, v19  }
0x155: {  	(xrf1) =	vsort.dscd.msk.f32 $0xffff, v8, v11;
	v11 =	vperm.xlane v23, v4;
	v16, v17, _ =	vpop (xrf1)  }
0x156: {  	v8 =	vld [tilespmem:s22+$0xFFFFFF80];
	v14 =	vsel vm1, v14, v18;
	vm1 =	vgt.f32 v5, v16  }
0x157: {  	(xrf1) =	vsort.dscd.msk.f32 $0xffff, v14, v15;
	v5 =	vsel vm1, v5, v16;
	v11 =	vsel vm1, v11, v17;
	v15 =	vpop (erf)  }
0x158: {  	v18, _, _ =	vpop (xrf0);
	v14 =	vld [tilespmem:s22+$0xFFFFFFA0];
	(xrf1) =	vsort.dscd.msk.f32 $0xffff, v5, v11;
	v5 =	vmul.f32 v15, v13  }
0x159: {  	v16 =	vbroadcast v18, $0xF;
	v17 =	vld [tilespmem:s22+$0xFFFFFF90];
	_ =	sdelay $0x1  }
0x15a: {  	v11 =	vld [tilespmem:s22+$0xFFFFFFB0];
	v12 =	vsub.f32 v12, v16;
	(xrf1) =	vsort.dscd.msk.f32 $0xffff, v8, v0;
	v13, v8, _ =	vpop (xrf1)  }
0x15b: {  	[tilespmem:s18+$0xFFFFFFF8] =	vst.msk $0xff, v5;
	(xrf0) =	vmax.scan.msk.f32 $0xffff, v13;
	v5, v15, _ =	vpop (xrf1)  }
0x15c: {  	(xrf1) =	vsort.dscd.msk.f32 $0xffff, v14, v2;
	[tilespmem:s17+$0xFFFFFFF8] =	vst.msk $0xff, v6;
	v6 =	vmul.f32 $1.442695020e+00, v12;
	v14 =	vpop (erf);
	v5 =	vperm.xlane v5, v4  }
0x15d: {  	v12 =	vld [tilespmem:s24+$0x20];
	(xrf1) =	vsort.dscd.msk.f32 $0xffff, v17, v1;
	v15 =	vperm.xlane v15, v4;
	v16, v17, _ =	vpop (xrf1)  }
0x15e: {  	v10 =	vmul.f32 v14, v10;
	(erf) = vpow2.f32 v6;
	v6 =	vld [tilespmem:s24+$0x0];
	vm1 =	vgt.f32 v5, v16  }
0x15f: {  	(xrf1) =	vsort.dscd.msk.f32 $0xffff, v11, v3;
	v11 =	vsel vm1, v15, v17  }
0x160: {  	v14 =	vld [tilespmem:s24+$0x30];
	[tilespmem:s13+$0x0] =	vst.msk $0xff, v10;
	v5 =	vsel vm1, v5, v16  }
0x161: {  	[tilespmem:s14+$0x0] =	vst.msk $0xff, v9;
	(xrf1) =	vsort.dscd.msk.f32 $0xffff, v5, v11;
	v5 =	vld [tilespmem:s24+$0x10]  }
0x162: {  	v10 =	vld [tilespmem:s28+$0x80];
	(xrf1) =	vsort.dscd.msk.f32 $0xffff, v12, v2;
	v11, _, _ =	vpop (xrf0)  }
0x163: {  	v19, v9, _ =	vpop (xrf1);
	(xrf1) =	vsort.dscd.msk.f32 $0xffff, v6, v0;
	v12 =	vbroadcast v11, $0xF  }
0x164: {  	(xrf0) =	vmax.scan.msk.f32 $0xffff, v19  }
0x165: {  	v15 =	vld [tilespmem:s28+$0x90];
	(xrf1) =	vsort.dscd.msk.f32 $0xffff, v14, v3;
	v12 =	vsub.f32 v13, v12  }
0x166: {  	v16 =	vld [tilespmem:s28+$0xA0];
	v14, v11, _ =	vpop (xrf1);
	(xrf1) =	vsort.dscd.msk.f32 $0xffff, v5, v1  }
0x167: {  	v6, v5, _ =	vpop (xrf1);
	(xrf1) =	vsort.dscd.msk.f32 $0xffff, v10, v0;
	v23 =	vmul.f32 $1.442695020e+00, v12  }
0x168: {  	v22 =	vld [tilespmem:s28+$0xB0];
	v10 =	vpop (erf);
	(xrf0) =	vmax.scan.msk.f32 $0xffff, v6  }
0x169: {  	v13, v17, _ =	vpop (xrf1);
	(erf) = vpow2.f32 v23  }
0x16a: {  	v12 =	vperm.xlane v14, v4;
	(xrf1) =	vsort.dscd.msk.f32 $0xffff, v15, v1;
	v18, _, _ =	vpop (xrf0)  }
0x16b: {  	v10 =	vnsel vm0, $0x0, v10;
	v15 =	vperm.xlane v13, v4;
	v13, v14, _ =	vpop (xrf1);
	(xrf1) =	vsort.dscd.msk.f32 $0xffff, v16, v2;
	v24 =	vbroadcast v18, $0xF  }
0x16c: {  	s30 =	simm.s32 $0x1C;
	(xrf2) =	vadd.scan.msk.f32 $0xffff, v10;
	v13 =	vperm.xlane v13, v4;
	v18 =	vperm.xlane v17, v4;
	v21, v20, _ =	vpop (xrf1)  }
0x16d: {  	s1 =	simm.s32 $0x1100;
	s29 =	simm.s32 $0x20B0;
	s28 =	simm.s32 $0x2330;
	(xrf1) =	vsort.dscd.msk.f32 $0xffff, v22, v3;
	vm1 =	vgt.f32 v15, v21;
	v17, v16, _ =	vpop (xrf1);
	v19 =	vsub.f32 v19, v24  }
.LBB2_2:
0x16e: {  	v22 =	vld [tilespmem:s1+$0xFFFFFF10];
	v15 =	vsel vm1, v15, v21;
	v18 =	vsel vm1, v18, v20;
	v26 =	vperm.xlane v14, v4;
	v20, _, _ =	vpop (xrf0)  }
0x16f: {  	vm1 =	vgt.f32 v13, v17;
	v21 =	vld [tilespmem:s1+$0xFFFFFF00];
	v23, v24, _ =	vpop (xrf1);
	(xrf1) =	vsort.dscd.msk.f32 $0xffff, v15, v18;
	v25 =	vmul.f32 $1.442695020e+00, v19;
	v18 =	vbroadcast v20, $0xF  }
0x170: {  	v11 =	vperm.xlane v11, v4;
	v27 =	vsel vm1, v13, v17;
	v20 =	vsel vm1, v26, v16;
	v16, v17, _ =	vpop (xrf1)  }
0x171: {  	vm1 =	vgt.f32 v12, v23;
	(xrf1) =	vsort.dscd.msk.f32 $0xffff, v27, v20;
	v13, v14, _ =	vpop (xrf1);
	(erf) = vpow2.f32 v25;
	v6 =	vsub.f32 v6, v18  }
0x172: {  	v25 =	vsel vm1, v12, v23;
	v16 =	vperm.xlane v16, v4;
	v17 =	vperm.xlane v17, v4;
	v15 =	vpop (erf)  }
0x173: {  	v13 =	vperm.xlane v13, v4;
	(xrf1) =	vsort.dscd.msk.f32 $0xffff, v22, v1;
	v22 =	vsel vm1, v11, v24;
	v18, v19, _ =	vpop (xrf1);
	v23 =	vmul.f32 $1.442695020e+00, v6  }
0x174: {  	v15 =	vnsel vm0, $0x0, v15;
	v24 =	vperm.xlane v14, v4;
	(xrf1) =	vsort.dscd.msk.f32 $0xffff, v21, v0;
	v20, v21, _ =	vpop (xrf1);
	vm2 =	vgt.f32 v16, v18  }
0x175: {  	(xrf1) =	vsort.dscd.msk.f32 $0xffff, v25, v22;
	vm1 =	vgt.f32 v13, v20;
	v11, v12, _ =	vpop (xrf1);
	(erf) = vpow2.f32 v23;
	v17 =	vsel vm2, v17, v19  }
0x176: {  	v16 =	vsel vm2, v16, v18;
	v6, _, _ =	vpop (xrf2);
	(xrf2) =	vadd.scan.msk.f32 $0xffff, v15;
	v20 =	vsel vm1, v13, v20  }
0x177: {  	v18 =	vsel vm1, v24, v21;
	v11 =	vperm.xlane v11, v4;
	(xrf1) =	vsort.dscd.msk.f32 $0xffff, v16, v17  }
0x178: {  	v12 =	vperm.xlane v12, v4;
	(xrf1) =	vsort.dscd.msk.f32 $0xffff, v20, v18;
	v13, v14, _ =	vpop (xrf1)  }
0x179: {  	v6 =	vbroadcast v6, $0xF;
	vm1 =	vgt.f32 v11, v13;
	v16, v17, _ =	vpop (xrf1)  }
0x17a: {  	v18 =	vpop (erf);
	v11 =	vsel vm1, v11, v13;
	v12 =	vsel vm1, v12, v14;
	v13 =	vperm.xlane v16, v4  }
0x17b: {  	v19 =	vperm.xlane v17, v4;
	(erf) = vrcp.f32 v6;
	v14, v16, _ =	vpop (xrf1);
	(xrf1) =	vsort.dscd.msk.f32 $0xffff, v11, v12  }
0x17c: {  	v11 =	vnsel vm0, $0x0, v18;
	vm1 =	vgt.f32 v13, v14  }
0x17d: {  	v12, v17, _ =	vpop (xrf1);
	(xrf2) =	vadd.scan.msk.f32 $0xffff, v11;
	v13 =	vsel vm1, v13, v14;
	v18 =	vsel vm1, v19, v16  }
0x17e: {  	(xrf1) =	vsort.dscd.msk.f32 $0xffff, v13, v18;
	v6 =	vpop (erf);
	v17 =	vperm.xlane v17, v4  }
0x17f: {  	v12 =	vperm.xlane v12, v4;
	v13 =	vld [tilespmem:s1+$0xFFFFFF20];
	v14, v16, _ =	vpop (xrf1);
	v6 =	vnsel vm0, $0x0, v6  }
0x180: {  	v18, _, _ =	vpop (xrf2);
	(xrf2) =	vadd.scan.msk.f32 $0xffff, v6  }
0x181: {  	vm1 =	vgt.f32 v12, v14;
	v19 =	vld [tilespmem:s1+$0xFFFFFF30];
	v20, v21, _ =	vpop (xrf1)  }
0x182: {  	v12 =	vsel vm1, v12, v14;
	v24 =	vsel vm1, v17, v16;
	v22, v23, _ =	vpop (xrf1)  }
0x183: {  	v18 =	vbroadcast v18, $0xF;
	v16, v17, _ =	vpop (xrf1);
	(xrf1) =	vsort.dscd.msk.f32 $0xffff, v12, v24  }
0x184: {  	(xrf1) =	vsort.dscd.msk.f32 $0xffff, v13, v2;
	v13 =	vpop (erf)  }
0x185: {  	(erf) = vrcp.f32 v18;
	v12, v14, _ =	vpop (xrf1)  }
0x186: {  	v18 =	vperm.xlane v22, v4;
	(xrf1) =	vsort.dscd.msk.f32 $0xffff, v19, v3;
	v19, v22, _ =	vpop (xrf1)  }
0x187: {  	v10 =	vmul.f32 v13, v10;
	(xrf0) =	vmax.scan.msk.f32 $0xffff, v16;
	v26 =	vperm.xlane v19, v4;
	v19, _, _ =	vpop (xrf2)  }
0x188: {  	v22 =	vperm.xlane v22, v4;
	v27 =	vbroadcast v19, $0xF  }
0x189: {  	s0 =	sadd.s32 $0x20, s0;
	v23 =	vperm.xlane v23, v4;
	vm1 =	vgt.f32 v18, v20;
	vm2 =	vgt.f32 v26, v12;
	v24, v25, _ =	vpop (xrf1)  }
0x18a: {  	s31 =	sadd.s32 $0x20, s31;
	[tilespmem:s0+$0xFFFFFFF0] =	vst.msk $0xff, v10;
	v10 =	vsel vm2, v26, v12;
	v12 =	vsel vm2, v22, v14;
	(erf) = vrcp.f32 v27;
	v13, _, _ =	vpop (xrf2)  }
0x18b: {  	[tilespmem:s31+$0xFFFFFFF0] =	vst.msk $0xff, v7;
	(xrf1) =	vsort.dscd.msk.f32 $0xffff, v10, v12;
	v10 =	vperm.xlane v24, v4;
	v12 =	vbroadcast v13, $0xF;
	v7 =	vmovc v17  }
0x18c: {  	v22 =	vsel vm1, v18, v20;
	v17 =	vperm.xlane v25, v4;
	v14 =	vld [tilespmem:s23+$0xFFFFFF80];
	v18, v19, _ =	vpop (xrf1)  }
0x18d: {  	v20 =	vsel vm1, v23, v21;
	v21, _, _ =	vpop (xrf0);
	vm1 =	vgt.f32 v10, v18;
	(erf) = vrcp.f32 v12  }
0x18e: {  	(xrf1) =	vsort.dscd.msk.f32 $0xffff, v22, v20;
	v12 =	vld [tilespmem:s23+$0xFFFFFFA0];
	v13 =	vpop (erf);
	v10 =	vsel vm1, v10, v18;
	v17 =	vsel vm1, v17, v19  }
0x18f: {  	v18 =	vbroadcast v21, $0xF;
	v19 =	vld [tilespmem:s23+$0xFFFFFF90];
	v20 =	vmul.f32 v13, v15;
	(xrf1) =	vsort.dscd.msk.f32 $0xffff, v10, v17  }
0x190: {  	v10 =	vld [tilespmem:s23+$0xFFFFFFB0]  }
0x191: {  	v15 =	vsub.f32 v16, v18;
	(xrf1) =	vsort.dscd.msk.f32 $0xffff, v14, v0;
	v14, v16, _ =	vpop (xrf1);
	[tilespmem:s19+$0xFFFFFFF8] =	vst.msk $0xff, v20  }
0x192: {  	v13, v17, _ =	vpop (xrf1);
	(xrf0) =	vmax.scan.msk.f32 $0xffff, v14;
	[tilespmem:s20+$0xFFFFFFF8] =	vst.msk $0xff, v8;
	v8 =	vmov v16  }
0x193: {  	v15 =	vmul.f32 $1.442695020e+00, v15;
	v13 =	vperm.xlane v13, v4;
	(xrf1) =	vsort.dscd.msk.f32 $0xffff, v12, v2;
	v12 =	vld [tilespmem:s21+$0x20];
	v16 =	vpop (erf)  }
0x194: {  	v17 =	vperm.xlane v17, v4;
	v18, v20, _ =	vpop (xrf1);
	(xrf1) =	vsort.dscd.msk.f32 $0xffff, v19, v1;
	v19 =	vld [tilespmem:s21+$0x0];
	v16 =	vmul.f32 v16, v11  }
0x195: {  	vm1 =	vgt.f32 v13, v18;
	(erf) = vpow2.f32 v15;
	(xrf1) =	vsort.dscd.msk.f32 $0xffff, v10, v3  }
0x196: {  	v10 =	vsel vm1, v13, v18;
	v17 =	vsel vm1, v17, v20;
	v15 =	vld [tilespmem:s21+$0x30];
	[tilespmem:s15+$0x0] =	vst.msk $0xff, v16;
	v11 =	vpop (erf)  }
0x197: {  	(xrf1) =	vsort.dscd.msk.f32 $0xffff, v10, v17;
	v10 =	vld [tilespmem:s21+$0x10];
	[tilespmem:s16+$0x0] =	vst.msk $0xff, v9;
	v6 =	vmul.f32 v11, v6  }
0x198: {  	v13, _, _ =	vpop (xrf0)  }
0x199: {  	v11 =	vbroadcast v13, $0xF  }
0x19a: {  	(xrf1) =	vsort.dscd.msk.f32 $0xffff, v12, v2;
	v12 =	vld [tilespmem:s25+$0x80]  }
0x19b: {  	(xrf1) =	vsort.dscd.msk.f32 $0xffff, v19, v0;
	v19, v9, _ =	vpop (xrf1);
	[tilespmem:s11+$0x8] =	vst.msk $0xff, v6;
	s11 =	smov.u32 s13;
	s13 =	smov.u32 s15;
	s15 =	smov.u32 s18  }
0x19c: {  	s18 =	smov.u32 s19;
	s19 =	smov.u32 s29;
	s29 =	smov.u32 s0;
	(xrf0) =	vmax.scan.msk.f32 $0xffff, v19;
	[tilespmem:s12+$0x8] =	vst.msk $0xff, v5  }
0x19d: {  	s30 =	sadd.s32 $0x4, s30;
	s12 =	smov.u32 s14;
	s14 =	smov.u32 s16;
	v17 =	vsub.f32 v14, v11;
	(xrf1) =	vsort.dscd.msk.f32 $0xffff, v15, v3;
	v13 =	vld [tilespmem:s25+$0x90]  }
0x19e: {  	p0 =	slt.u32 s30, $0x3C;
	s16 =	smov.u32 s17;
	s17 =	smov.u32 s20;
	v16 =	vld [tilespmem:s25+$0xA0];
	v14, v11, _ =	vpop (xrf1);
	(xrf1) =	vsort.dscd.msk.f32 $0xffff, v10, v1  }
0x19f: {  	s20 =	smov.u32 s28;
	s28 =	smov.u32 s31;
	v10 =	vmul.f32 $1.442695020e+00, v17;
	(xrf1) =	vsort.dscd.msk.f32 $0xffff, v12, v0;
	v6, v5, _ =	vpop (xrf1)  }
0x1a0: {  	v15 =	vpop (erf);
	v22 =	vld [tilespmem:s25+$0xB0];
	(xrf0) =	vmax.scan.msk.f32 $0xffff, v6;
	s25 =	smov.u32 s24;
	s24 =	smov.u32 s21;
	s21 =	smov.u32 s22  }
.Ltmp0:
0x1a1: {  	s22 =	smov.u32 s23;
	s23 =	smov.u32 s26;
	v17, v18, _ =	vpop (xrf1);
	(erf) = vpow2.f32 v10;
	(pc) =	sbr.rel @p0 .LBB2_2-.Ltmp0, $4  }
0x1a2: {  	v12 =	vperm.xlane v14, v4;
	s26 =	smov.u32 s1;
	v20, _, _ =	vpop (xrf0);
	(xrf1) =	vsort.dscd.msk.f32 $0xffff, v13, v1  }
0x1a3: {  	v10 =	vnsel vm0, $0x0, v15;
	v15 =	vperm.xlane v17, v4;
	v13, v14, _ =	vpop (xrf1);
	v23 =	vbroadcast v20, $0xF;
	(xrf1) =	vsort.dscd.msk.f32 $0xffff, v16, v2  }
0x1a4: {  	v18 =	vperm.xlane v18, v4;
	(xrf2) =	vadd.scan.msk.f32 $0xffff, v10;
	v13 =	vperm.xlane v13, v4;
	v21, v20, _ =	vpop (xrf1)  }
0x1a5: {  	s1 =	sadd.s32 $0x200, s1;
	vm1 =	vgt.f32 v15, v21;
	v17, v16, _ =	vpop (xrf1);
	v19 =	vsub.f32 v19, v23;
	(xrf1) =	vsort.dscd.msk.f32 $0xffff, v22, v3  }
0x1a6: {  	v14 =	vperm.xlane v14, v4  }
0x1a7: {  	v15 =	vsel vm1, v15, v21;
	v18 =	vsel vm1, v18, v20;
	vm1 =	vgt.f32 v13, v17  }
0x1a8: {  	v42, _, _ =	vpop (xrf0);
	v44 =	vmul.f32 $1.442695020e+00, v19;
	v14 =	vsel vm1, v14, v16  }
0x1a9: {  	v43, v22, _ =	vpop (xrf1);
	v13 =	vsel vm1, v13, v17  }
0x1aa: {  	(xrf1) =	vsort.dscd.msk.f32 $0xffff, v15, v18;
	v45 =	vbroadcast v42, $0xF;
	v47, v46, _ =	vpop (xrf1);
	(erf) = vpow2.f32 v44  }
0x1ab: {  	v11 =	vperm.xlane v11, v4;
	v48 =	vpop (erf)  }
0x1ac: {  	vm1 =	vgt.f32 v12, v43;
	(xrf1) =	vsort.dscd.msk.f32 $0xffff, v13, v14;
	v6 =	vsub.f32 v6, v45;
	v13, v14, _ =	vpop (xrf1)  }
0x1ad: {  	v12 =	vsel vm1, v12, v43;
	v16 =	vperm.xlane v47, v4;
	v13 =	vperm.xlane v13, v4;
	v50, v49, _ =	vpop (xrf1)  }
0x1ae: {  	v11 =	vsel vm1, v11, v22;
	v17 =	vperm.xlane v46, v4;
	v14 =	vperm.xlane v14, v4;
	v51, v52, _ =	vpop (xrf1)  }
0x1af: {  	v15 =	vnsel vm0, $0x0, v48;
	(xrf1) =	vsort.dscd.msk.f32 $0xffff, v12, v11;
	vm1 =	vgt.f32 v16, v50;
	vm2 =	vgt.f32 v13, v51  }
0x1b0: {  	(xrf2) =	vadd.scan.msk.f32 $0xffff, v15;
	v53 =	vsel vm1, v16, v50;
	v54 =	vsel vm1, v17, v49;
	v14 =	vsel vm2, v14, v52  }
0x1b1: {  	v13 =	vsel vm2, v13, v51;
	(xrf1) =	vsort.dscd.msk.f32 $0xffff, v53, v54  }
0x1b2: {  	v6 =	vmul.f32 $1.442695020e+00, v6;
	v11, v12, _ =	vpop (xrf1);
	(xrf1) =	vsort.dscd.msk.f32 $0xffff, v13, v14  }
0x1b3: {  	v57 =	vpop (erf)  }
0x1b4: {  	(erf) = vpow2.f32 v6;
	v11 =	vperm.xlane v11, v4;
	v13, v14, _ =	vpop (xrf1)  }
0x1b5: {  	v6 =	vperm.xlane v12, v4;
	v56, v55, _ =	vpop (xrf1)  }
0x1b6: {  	v61, _, _ =	vpop (xrf2);
	v17 =	vnsel vm0, $0x0, v57;
	vm1 =	vgt.f32 v11, v13;
	v12 =	vperm.xlane v56, v4  }
0x1b7: {  	(xrf2) =	vadd.scan.msk.f32 $0xffff, v17;
	v11 =	vsel vm1, v11, v13;
	v6 =	vsel vm1, v6, v14;
	v58 =	vperm.xlane v55, v4;
	v59, v60, _ =	vpop (xrf1)  }
0x1b8: {  	(xrf1) =	vsort.dscd.msk.f32 $0xffff, v11, v6;
	v6 =	vbroadcast v61, $0xF;
	v62, v63, _ =	vpop (xrf1);
	vm1 =	vgt.f32 v12, v59  }
0x1b9: {  	v11 =	vperm.xlane v62, v4;
	v12 =	vsel vm1, v12, v59;
	v13 =	vsel vm1, v58, v60  }
0x1ba: {  	(erf) = vrcp.f32 v6;
	(xrf1) =	vsort.dscd.msk.f32 $0xffff, v12, v13  }
0x1bb: {  	v22, _, _ =	vpop (xrf2)  }
0x1bc: {  	v21 =	vperm.xlane v63, v4;
	v6, v20, _ =	vpop (xrf1)  }
0x1bd: {  	v24 =	vpop (erf);
	vm1 =	vgt.f32 v11, v6  }
0x1be: {  	v25 =	vbroadcast v22, $0xF;
	v6 =	vsel vm1, v11, v6;
	v23 =	vsel vm1, v21, v20;
	v26, v11, _ =	vpop (xrf1)  }
0x1bf: {  	(xrf1) =	vsort.dscd.msk.f32 $0xffff, v6, v23;
	v27, v28, _ =	vpop (xrf1)  }
0x1c0: {  	(erf) = vrcp.f32 v25;
	v6 =	vnsel vm0, $0x0, v24;
	(xrf0) =	vmax.scan.msk.f32 $0xffff, v26;
	v29, v30, _ =	vpop (xrf1)  }
0x1c1: {  	(xrf2) =	vadd.scan.msk.f32 $0xffff, v6;
	v16 =	vperm.xlane v29, v4  }
0x1c2: {  	v31, _, _ =	vpop (xrf2);
	v18 =	vperm.xlane v30, v4  }
0x1c3: {  	v19 =	vbroadcast v31, $0xF;
	v32 =	vpop (erf);
	vm1 =	vgt.f32 v16, v27  }
0x1c4: {  	v10 =	vmul.f32 v32, v10;
	v12 =	vsel vm1, v16, v27;
	v13 =	vsel vm1, v18, v28  }
0x1c5: {  	s30 =	sadd.s32 $0x20, s0;
	(erf) = vrcp.f32 v19;
	(xrf1) =	vsort.dscd.msk.f32 $0xffff, v12, v13  }
0x1c6: {  	s31 =	sadd.s32 $0x20, s31;
	v33, v34, _ =	vpop (xrf1);
	[tilespmem:s30+$0xFFFFFFF0] =	vst.msk $0xff, v10  }
0x1c7: {  	v38, _, _ =	vpop (xrf0);
	v35 =	vperm.xlane v33, v4;
	[tilespmem:s31+$0xFFFFFFF0] =	vst.msk $0xff, v7  }
0x1c8: {  	v7 =	vperm.xlane v34, v4;
	v36 =	vld [tilespmem:s23+$0xFFFFFF80];
	v12, v13, _ =	vpop (xrf1)  }
0x1c9: {  	v37 =	vpop (erf);
	v42 =	vbroadcast v38, $0xF;
	v39 =	vld [tilespmem:s23+$0xFFFFFFA0];
	vm1 =	vgt.f32 v35, v12  }
0x1ca: {  	v40 =	vmul.f32 v37, v15;
	v43 =	vld [tilespmem:s23+$0xFFFFFF90];
	v10 =	vsel vm1, v35, v12;
	v7 =	vsel vm1, v7, v13  }
0x1cb: {  	v46 =	vsub.f32 v26, v42;
	v41, _, _ =	vpop (xrf2);
	(xrf1) =	vsort.dscd.msk.f32 $0xffff, v10, v7  }
0x1cc: {  	[tilespmem:s19+$0xFFFFFFF8] =	vst.msk $0xff, v40;
	v45 =	vbroadcast v41, $0xF;
	v7 =	vld [tilespmem:s23+$0xFFFFFFB0]  }
0x1cd: {  	[tilespmem:s20+$0xFFFFFFF8] =	vst.msk $0xff, v8;
	v47 =	vmul.f32 $1.442695020e+00, v46;
	(xrf1) =	vsort.dscd.msk.f32 $0xffff, v36, v0  }
0x1ce: {  	v8 =	vld [tilespmem:s21+$0x20];
	v48 =	vpop (erf);
	(erf) = vrcp.f32 v45;
	(xrf1) =	vsort.dscd.msk.f32 $0xffff, v39, v2  }
0x1cf: {  	(erf) = vpow2.f32 v47;
	v44, v10, _ =	vpop (xrf1);
	(xrf1) =	vsort.dscd.msk.f32 $0xffff, v43, v1  }
0x1d0: {  	v49 =	vld [tilespmem:s21+$0x0];
	v13 =	vmul.f32 v48, v17;
	(xrf0) =	vmax.scan.msk.f32 $0xffff, v44  }
0x1d1: {  	(xrf1) =	vsort.dscd.msk.f32 $0xffff, v7, v3;
	v7 =	vld [tilespmem:s21+$0x30]  }
0x1d2: {  	v50 =	vld [tilespmem:s21+$0x10];
	[tilespmem:s15+$0x0] =	vst.msk $0xff, v13  }
0x1d3: {  	[tilespmem:s16+$0x0] =	vst.msk $0xff, v9;
	(xrf1) =	vsort.dscd.msk.f32 $0xffff, v8, v2;
	v54, v12, _ =	vpop (xrf1)  }
0x1d4: {  	v52 =	vld [tilespmem:s25+$0x80];
	(xrf0) =	vmax.scan.msk.f32 $0xffff, v54  }
0x1d5: {  	v56 =	vld [tilespmem:s25+$0x90];
	(xrf1) =	vsort.dscd.msk.f32 $0xffff, v49, v0  }
0x1d6: {  	v51, _, _ =	vpop (xrf0);
	(xrf1) =	vsort.dscd.msk.f32 $0xffff, v7, v3  }
0x1d7: {  	v57 =	vld [tilespmem:s25+$0xA0];
	v8 =	vpop (erf);
	v53 =	vbroadcast v51, $0xF;
	(xrf1) =	vsort.dscd.msk.f32 $0xffff, v50, v1  }
0x1d8: {  	v59 =	vld [tilespmem:s25+$0xB0];
	v60 =	vpop (erf)  }
0x1d9: {  	(xrf1) =	vsort.dscd.msk.f32 $0xffff, v52, v0;
	v55 =	vsub.f32 v44, v53;
	v58, v7, _ =	vpop (xrf1)  }
0x1da: {  	v61, _, _ =	vpop (xrf0);
	(xrf1) =	vsort.dscd.msk.f32 $0xffff, v56, v1  }
0x1db: {  	v14 =	vmul.f32 $1.442695020e+00, v55;
	(xrf0) =	vmax.scan.msk.f32 $0xffff, v58;
	v63, v62, _ =	vpop (xrf1)  }
0x1dc: {  	(xrf1) =	vsort.dscd.msk.f32 $0xffff, v57, v2;
	v24, v20, _ =	vpop (xrf1)  }
0x1dd: {  	v18 =	vnsel vm0, $0x0, v60;
	(erf) = vpow2.f32 v14;
	v14 =	vbroadcast v61, $0xF;
	v26, v25, _ =	vpop (xrf1);
	(xrf1) =	vsort.dscd.msk.f32 $0xffff, v59, v3  }
0x1de: {  	(xrf2) =	vadd.scan.msk.f32 $0xffff, v18  }
0x1df: {  	v16 =	vperm.xlane v63, v4;
	v20 =	vperm.xlane v20, v4;
	v9 =	vsub.f32 v54, v14  }
0x1e0: {  	v27 =	vperm.xlane v62, v4;
	v28, v29, _ =	vpop (xrf1)  }
0x1e1: {  	v13 =	vperm.xlane v24, v4;
	vm1 =	vgt.f32 v16, v26;
	v31, v32, _ =	vpop (xrf1);
	v9 =	vmul.f32 $1.442695020e+00, v9  }
0x1e2: {  	v16 =	vsel vm1, v16, v26;
	v14 =	vsel vm1, v27, v25;
	v23, _, _ =	vpop (xrf0)  }
0x1e3: {  	vm1 =	vgt.f32 v13, v28;
	(xrf1) =	vsort.dscd.msk.f32 $0xffff, v16, v14;
	v24, v25, _ =	vpop (xrf1);
	v37 =	vperm.xlane v31, v4;
	(erf) = vpow2.f32 v9  }
0x1e4: {  	v33 =	vsel vm1, v13, v28;
	v36 =	vsel vm1, v20, v29;
	v40 =	vperm.xlane v32, v4;
	v19, v20, _ =	vpop (xrf1)  }
0x1e5: {  	v30 =	vbroadcast v23, $0xF;
	v38 =	vperm.xlane v24, v4;
	(xrf1) =	vsort.dscd.msk.f32 $0xffff, v33, v36;
	v42, v41, _ =	vpop (xrf1);
	vm2 =	vgt.f32 v37, v19  }
0x1e6: {  	v43 =	vperm.xlane v25, v4;
	v35 =	vpop (erf);
	v16 =	vsel vm2, v37, v19;
	v14 =	vsel vm2, v40, v20  }
0x1e7: {  	v34 =	vsub.f32 v58, v30;
	vm1 =	vgt.f32 v38, v42;
	v45, v44, _ =	vpop (xrf1);
	v13 =	vnsel vm0, $0x0, v35;
	(xrf1) =	vsort.dscd.msk.f32 $0xffff, v16, v14  }
0x1e8: {  	v46, _, _ =	vpop (xrf2);
	v15 =	vsel vm1, v38, v42;
	v47 =	vsel vm1, v43, v41;
	v48 =	vperm.xlane v45, v4;
	(xrf2) =	vadd.scan.msk.f32 $0xffff, v13  }
0x1e9: {  	v39 =	vmul.f32 $1.442695020e+00, v34;
	(xrf1) =	vsort.dscd.msk.f32 $0xffff, v15, v47;
	v49, v50, _ =	vpop (xrf1)  }
0x1ea: {  	v17 =	vbroadcast v46, $0xF;
	v51 =	vperm.xlane v44, v4;
	vm1 =	vgt.f32 v48, v49;
	v53, v52, _ =	vpop (xrf1)  }
0x1eb: {  	(erf) = vpow2.f32 v39;
	v9 =	vsel vm1, v48, v49;
	v55 =	vperm.xlane v53, v4;
	v58, v57, _ =	vpop (xrf1)  }
0x1ec: {  	v15 =	vsel vm1, v51, v50;
	v56 =	vperm.xlane v52, v4;
	v54 =	vpop (erf);
	(erf) = vrcp.f32 v17  }
0x1ed: {  	(xrf1) =	vsort.dscd.msk.f32 $0xffff, v9, v15;
	vm1 =	vgt.f32 v55, v58;
	v59 =	vnsel vm0, $0x0, v54  }
0x1ee: {  	v60 =	vsel vm1, v55, v58;
	v61 =	vsel vm1, v56, v57;
	(xrf2) =	vadd.scan.msk.f32 $0xffff, v59  }
0x1ef: {  	(xrf1) =	vsort.dscd.msk.f32 $0xffff, v60, v61;
	_ =	sdelay $0x1  }
0x1f0: {  	v9, v14, _ =	vpop (xrf1)  }
0x1f1: {  	v63, _, _ =	vpop (xrf2)  }
0x1f2: {  	v9 =	vperm.xlane v9, v4;
	v25, v24, _ =	vpop (xrf1);
	v17 =	vbroadcast v63, $0xF  }
0x1f3: {  	v14 =	vperm.xlane v14, v4;
	v62 =	vpop (erf)  }
0x1f4: {  	vm1 =	vgt.f32 v9, v25;
	v26 =	vpop (erf);
	(erf) = vrcp.f32 v17  }
0x1f5: {  	v9 =	vsel vm1, v9, v25;
	v14 =	vsel vm1, v14, v24;
	v28, v27, _ =	vpop (xrf1)  }
0x1f6: {  	(xrf1) =	vsort.dscd.msk.f32 $0xffff, v9, v14;
	v29, v30, _ =	vpop (xrf1)  }
0x1f7: {  	v31 =	vmul.f32 v26, v18;
	v32 =	vperm.xlane v29, v4;
	v33, _, _ =	vpop (xrf2)  }
0x1f8: {  	s0 =	sadd.s32 $0x20, s30;
	v34 =	vperm.xlane v30, v4;
	v18 =	vbroadcast v33, $0xF  }
0x1f9: {  	s1 =	sadd.s32 $0x20, s31;
	[tilespmem:s0+$0xFFFFFFF0] =	vst.msk $0xff, v31;
	vm1 =	vgt.f32 v32, v28  }
0x1fa: {  	v36, v35, _ =	vpop (xrf1);
	[tilespmem:s1+$0xFFFFFFF0] =	vst.msk $0xff, v11;
	v14 =	vsel vm1, v32, v28;
	v37 =	vsel vm1, v34, v27;
	(erf) = vrcp.f32 v18  }
0x1fb: {  	v38 =	vperm.xlane v36, v4;
	v39 =	vld [tilespmem:s26+$0xFFFFFF80];
	(xrf1) =	vsort.dscd.msk.f32 $0xffff, v14, v37  }
0x1fc: {  	v40 =	vperm.xlane v35, v4;
	v43 =	vld [tilespmem:s26+$0xFFFFFFA0];
	v42, v41, _ =	vpop (xrf1)  }
0x1fd: {  	v9 =	vnsel vm0, $0x0, v62;
	v44 =	vld [tilespmem:s26+$0xFFFFFF90];
	vm1 =	vgt.f32 v38, v42;
	v45 =	vpop (erf)  }
0x1fe: {  	(xrf2) =	vadd.scan.msk.f32 $0xffff, v9;
	v11 =	vsel vm1, v38, v42;
	v17 =	vsel vm1, v40, v41;
	v13 =	vmul.f32 v45, v13  }
0x1ff: {  	v46 =	vld [tilespmem:s26+$0xFFFFFFB0];
	(xrf1) =	vsort.dscd.msk.f32 $0xffff, v11, v17  }
0x200: {  	(xrf1) =	vsort.dscd.msk.f32 $0xffff, v39, v0;
	[tilespmem:s29+$0xFFFFFFF8] =	vst.msk $0xff, v13  }
0x201: {  	(xrf1) =	vsort.dscd.msk.f32 $0xffff, v43, v2;
	[tilespmem:s28+$0xFFFFFFF8] =	vst.msk $0xff, v10  }
0x202: {  	(xrf1) =	vsort.dscd.msk.f32 $0xffff, v44, v1;
	v10 =	vld [tilespmem:s22+$0x20]  }
0x203: {  	v48 =	vld [tilespmem:s22+$0x0];
	v47 =	vpop (erf)  }
0x204: {  	(xrf1) =	vsort.dscd.msk.f32 $0xffff, v46, v3;
	v49, v14, _ =	vpop (xrf1);
	v50 =	vld [tilespmem:s22+$0x30];
	v13 =	vmul.f32 v47, v59  }
0x205: {  	(xrf0) =	vmax.scan.msk.f32 $0xffff, v49  }
0x206: {  	v51 =	vld [tilespmem:s22+$0x10]  }
0x207: {  	[tilespmem:s18+$0x0] =	vst.msk $0xff, v13;
	(xrf1) =	vsort.dscd.msk.f32 $0xffff, v10, v2  }
0x208: {  	v54, _, _ =	vpop (xrf2);
	[tilespmem:s17+$0x0] =	vst.msk $0xff, v12;
	(xrf1) =	vsort.dscd.msk.f32 $0xffff, v48, v0  }
0x209: {  	v52 =	vld [tilespmem:s24+$0x80];
	v53, v13, _ =	vpop (xrf1);
	(xrf1) =	vsort.dscd.msk.f32 $0xffff, v50, v3  }
0x20a: {  	v16 =	vbroadcast v54, $0xF;
	v55 =	vld [tilespmem:s24+$0x90];
	(xrf0) =	vmax.scan.msk.f32 $0xffff, v53  }
0x20b: {  	v56 =	vld [tilespmem:s24+$0xA0];
	v58, _, _ =	vpop (xrf0);
	(xrf1) =	vsort.dscd.msk.f32 $0xffff, v51, v1  }
0x20c: {  	(erf) = vrcp.f32 v16;
	v59 =	vbroadcast v58, $0xF  }
0x20d: {  	v57 =	vld [tilespmem:s24+$0xB0];
	v60, v10, _ =	vpop (xrf1)  }
0x20e: {  	v11 =	vsub.f32 v49, v59;
	(xrf1) =	vsort.dscd.msk.f32 $0xffff, v52, v0;
	v62, v61, _ =	vpop (xrf1)  }
0x20f: {  	(xrf1) =	vsort.dscd.msk.f32 $0xffff, v55, v1;
	v63 =	vperm.xlane v62, v4;
	v27, v28, _ =	vpop (xrf1)  }
0x210: {  	v29 =	vperm.xlane v61, v4;
	v11 =	vmul.f32 $1.442695020e+00, v11;
	(xrf1) =	vsort.dscd.msk.f32 $0xffff, v56, v2;
	v31, v30, _ =	vpop (xrf1)  }
0x211: {  	v18 =	vperm.xlane v27, v4;
	v20 =	vperm.xlane v28, v4;
	v32, _, _ =	vpop (xrf0);
	vm1 =	vgt.f32 v63, v31  }
0x212: {  	(xrf1) =	vsort.dscd.msk.f32 $0xffff, v57, v3;
	v34, v33, _ =	vpop (xrf1);
	v16 =	vsel vm1, v63, v31;
	v15 =	vsel vm1, v29, v30  }
0x213: {  	(erf) = vpow2.f32 v11;
	v35 =	vbroadcast v32, $0xF;
	vm1 =	vgt.f32 v18, v34;
	(xrf1) =	vsort.dscd.msk.f32 $0xffff, v16, v15  }
0x214: {  	(xrf0) =	vmax.scan.msk.f32 $0xffff, v60;
	v36 =	vsel vm1, v18, v34;
	v37 =	vsel vm1, v20, v33  }
0x215: {  	v11 =	vpop (erf);
	v12 =	vsub.f32 v53, v35;
	(xrf1) =	vsort.dscd.msk.f32 $0xffff, v36, v37  }
0x216: {  	v40, v39, _ =	vpop (xrf1)  }
0x217: {  	v12 =	vmul.f32 $1.442695020e+00, v12;
	v41, v42, _ =	vpop (xrf1);
	v43 =	vperm.xlane v40, v4  }
0x218: {  	v18 =	vperm.xlane v39, v4;
	v44 =	vperm.xlane v41, v4;
	v46, v45, _ =	vpop (xrf1)  }
0x219: {  	(erf) = vpow2.f32 v12;
	v20 =	vperm.xlane v42, v4;
	v47, v48, _ =	vpop (xrf1);
	vm1 =	vgt.f32 v43, v46  }
0x21a: {  	vm2 =	vgt.f32 v44, v47;
	v12 =	vsel vm1, v43, v46;
	v18 =	vsel vm1, v18, v45  }
0x21b: {  	v38, _, _ =	vpop (xrf0);
	v16 =	vsel vm2, v44, v47;
	v20 =	vsel vm2, v20, v48;
	(xrf1) =	vsort.dscd.msk.f32 $0xffff, v12, v18  }
0x21c: {  	v49 =	vpop (erf);
	(xrf1) =	vsort.dscd.msk.f32 $0xffff, v16, v20  }
0x21d: {  	v55 =	vnsel vm0, $0x0, v49;
	v50, v51, _ =	vpop (xrf1)  }
0x21e: {  	v15 =	vbroadcast v38, $0xF;
	(xrf2) =	vadd.scan.msk.f32 $0xffff, v55;
	v54, v53, _ =	vpop (xrf1)  }
0x21f: {  	v52 =	vperm.xlane v50, v4;
	v57, v56, _ =	vpop (xrf1)  }
0x220: {  	v15 =	vsub.f32 v60, v15;
	v21 =	vperm.xlane v51, v4;
	v58, v59, _ =	vpop (xrf1)  }
0x221: {  	vm1 =	vgt.f32 v52, v54;
	v60 =	vperm.xlane v57, v4;
	v28 =	vperm.xlane v56, v4;
	v61, v62, _ =	vpop (xrf1)  }
0x222: {  	v12 =	vsel vm1, v52, v54;
	v18 =	vsel vm1, v21, v53;
	v63 =	vpop (erf);
	v17 =	vperm.xlane v61, v4  }
0x223: {  	(xrf1) =	vsort.dscd.msk.f32 $0xffff, v12, v18;
	vm1 =	vgt.f32 v60, v58;
	v29 =	vnsel vm0, $0x0, v63;
	v31, v30, _ =	vpop (xrf1);
	v20 =	vperm.xlane v62, v4  }
0x224: {  	v16 =	vsel vm1, v60, v58;
	v21 =	vsel vm1, v28, v59;
	(xrf2) =	vadd.scan.msk.f32 $0xffff, v29;
	vm1 =	vgt.f32 v17, v31  }
0x225: {  	(xrf1) =	vsort.dscd.msk.f32 $0xffff, v16, v21;
	v12 =	vsel vm1, v17, v31;
	v32 =	vsel vm1, v20, v30  }
0x226: {  	v15 =	vmul.f32 $1.442695020e+00, v15;
	(xrf1) =	vsort.dscd.msk.f32 $0xffff, v12, v32;
	_ =	sdelay $0x1  }
0x227: {  	(erf) = vpow2.f32 v15;
	v33, _, _ =	vpop (xrf2)  }
0x228: {  	v35, v34, _ =	vpop (xrf1)  }
0x229: {  	v36, v37, _ =	vpop (xrf1)  }
0x22a: {  	v12 =	vbroadcast v33, $0xF;
	v17 =	vperm.xlane v36, v4  }
0x22b: {  	v20 =	vperm.xlane v37, v4  }
0x22c: {  	(erf) = vrcp.f32 v12;
	vm1 =	vgt.f32 v17, v35  }
0x22d: {  	v38, _, _ =	vpop (xrf2);
	v16 =	vsel vm1, v20, v34  }
0x22e: {  	v12 =	vbroadcast v38, $0xF;
	v15 =	vsel vm1, v17, v35  }
0x22f: {  	(xrf1) =	vsort.dscd.msk.f32 $0xffff, v15, v16  }
0x230: {  	v39 =	vpop (erf);
	(erf) = vrcp.f32 v12  }
0x231: {  	v12 =	vnsel vm0, $0x0, v39;
	v15, v16, _ =	vpop (xrf1)  }
0x232: {  	(xrf2) =	vadd.scan.msk.f32 $0xffff, v12;
	v41, v40, _ =	vpop (xrf1)  }
0x233: {  	v42, v22, _ =	vpop (xrf1)  }
0x234: {  	(xrf0) =	vmax.scan.msk.f32 $0xffff, v42  }
0x235: {  	v43 =	vpop (erf);
	v15 =	vperm.xlane v15, v4  }
0x236: {  	v16 =	vperm.xlane v16, v4;
	v44 =	vmul.f32 v43, v55  }
0x237: {  	vm1 =	vgt.f32 v15, v41  }
0x238: {  	[tilespmem:s30+$0xFFFFFFF8] =	vst.msk $0xff, v44;
	v15 =	vsel vm1, v15, v41;
	v16 =	vsel vm1, v16, v40  }
0x239: {  	[tilespmem:s31+$0xFFFFFFF8] =	vst.msk $0xff, v14;
	(xrf1) =	vsort.dscd.msk.f32 $0xffff, v15, v16;
	v45 =	vpop (erf)  }
0x23a: {  	v47 =	vld [tilespmem:s23+$0x20];
	v46, _, _ =	vpop (xrf0)  }
0x23b: {  	v17 =	vld [tilespmem:s23+$0x0];
	v15 =	vmul.f32 v45, v29;
	v14 =	vbroadcast v46, $0xF  }
0x23c: {  	v48, _, _ =	vpop (xrf2)  }
0x23d: {  	v49 =	vld [tilespmem:s23+$0x30];
	[tilespmem:s19+$0x0] =	vst.msk $0xff, v15;
	v52, v21, _ =	vpop (xrf1);
	v14 =	vsub.f32 v42, v14  }
0x23e: {  	v51 =	vld [tilespmem:s23+$0x10];
	v50 =	vbroadcast v48, $0xF;
	[tilespmem:s20+$0x0] =	vst.msk $0xff, v13;
	(xrf0) =	vmax.scan.msk.f32 $0xffff, v52  }
0x23f: {  	(xrf1) =	vsort.dscd.msk.f32 $0xffff, v47, v2;
	v13 =	vld [tilespmem:s21+$0x80];
	v14 =	vmul.f32 $1.442695020e+00, v14  }
0x240: {  	(xrf1) =	vsort.dscd.msk.f32 $0xffff, v17, v0;
	(erf) = vrcp.f32 v50;
	v53 =	vld [tilespmem:s21+$0x90]  }
0x241: {  	v54 =	vld [tilespmem:s21+$0xA0];
	(erf) = vpow2.f32 v14  }
0x242: {  	(xrf1) =	vsort.dscd.msk.f32 $0xffff, v49, v3  }
0x243: {  	(xrf1) =	vsort.dscd.msk.f32 $0xffff, v51, v1  }
0x244: {  	v55 =	vld [tilespmem:s21+$0xB0];
	(xrf1) =	vsort.dscd.msk.f32 $0xffff, v13, v0;
	v56, _, _ =	vpop (xrf0)  }
0x245: {  	(xrf1) =	vsort.dscd.msk.f32 $0xffff, v53, v1;
	v14 =	vbroadcast v56, $0xF  }
0x246: {  	(xrf1) =	vsort.dscd.msk.f32 $0xffff, v54, v2  }
0x247: {  	v57, v13, _ =	vpop (xrf1)  }
0x248: {  	(xrf0) =	vmax.scan.msk.f32 $0xffff, v57;
	v58 =	vsub.f32 v52, v14  }
0x249: {  	(xrf1) =	vsort.dscd.msk.f32 $0xffff, v55, v3;
	v14 =	vpop (erf)  }
0x24a: {  	v16 =	vmul.f32 $1.442695020e+00, v58;
	v59 =	vpop (erf)  }
0x24b: {  	v17 =	vnsel vm0, $0x0, v59  }
0x24c: {  	(erf) = vpow2.f32 v16;
	(xrf2) =	vadd.scan.msk.f32 $0xffff, v17  }
0x24d: {  	v62, v61, _ =	vpop (xrf1)  }
0x24e: {  	v31, v63, _ =	vpop (xrf1)  }
0x24f: {  	v60, _, _ =	vpop (xrf0)  }
0x250: {  	v18 =	vperm.xlane v62, v4;
	v33, v32, _ =	vpop (xrf1)  }
0x251: {  	v20 =	vperm.xlane v31, v4;
	v16 =	vbroadcast v60, $0xF;
	v26, v27, _ =	vpop (xrf1)  }
0x252: {  	v34 =	vperm.xlane v61, v4;
	v23 =	vperm.xlane v63, v4;
	vm2 =	vgt.f32 v18, v33;
	v35, v28, _ =	vpop (xrf1)  }
0x253: {  	vm1 =	vgt.f32 v20, v26;
	v18 =	vsel vm2, v18, v33;
	v15 =	vsub.f32 v57, v16;
	v36, v29, _ =	vpop (xrf1)  }
0x254: {  	v20 =	vsel vm1, v20, v26;
	v16 =	vsel vm2, v34, v32;
	v19 =	vperm.xlane v35, v4;
	v37, v38, _ =	vpop (xrf1)  }
0x255: {  	v23 =	vsel vm1, v23, v27;
	(xrf1) =	vsort.dscd.msk.f32 $0xffff, v18, v16;
	v15 =	vmul.f32 $1.442695020e+00, v15;
	v39 =	vperm.xlane v28, v4;
	v40 =	vpop (erf)  }
0x256: {  	vm2 =	vgt.f32 v19, v36;
	v24 =	vperm.xlane v37, v4;
	v42 =	vperm.xlane v38, v4;
	v41, _, _ =	vpop (xrf2)  }
0x257: {  	(xrf1) =	vsort.dscd.msk.f32 $0xffff, v20, v23;
	v43, v44, _ =	vpop (xrf1);
	v19 =	vsel vm2, v19, v36;
	v16 =	vsel vm2, v39, v29;
	v26 =	vbroadcast v41, $0xF  }
0x258: {  	(erf) = vpow2.f32 v15;
	v45 =	vnsel vm0, $0x0, v40;
	(xrf1) =	vsort.dscd.msk.f32 $0xffff, v19, v16;
	vm1 =	vgt.f32 v24, v43  }
0x259: {  	(xrf2) =	vadd.scan.msk.f32 $0xffff, v45;
	v46 =	vsel vm1, v24, v43;
	v47 =	vsel vm1, v42, v44;
	(erf) = vrcp.f32 v26  }
0x25a: {  	(xrf1) =	vsort.dscd.msk.f32 $0xffff, v46, v47;
	_ =	sdelay $0x6  }
0x25b: {  	v48 =	vpop (erf)  }
0x25c: {  	v49 =	vpop (erf)  }
0x25d: {  	v50, v51, _ =	vpop (xrf1);
	v17 =	vmul.f32 v49, v17  }
0x25e: {  	v52, _, _ =	vpop (xrf2)  }
0x25f: {  	v23, v24, _ =	vpop (xrf1);
	v18 =	vbroadcast v52, $0xF;
	[tilespmem:s0+$0xFFFFFFF8] =	vst.msk $0xff, v17  }
0x260: {  	v53 =	vperm.xlane v23, v4;
	v54 =	vperm.xlane v24, v4;
	v56, v55, _ =	vpop (xrf1);
	[tilespmem:s1+$0xFFFFFFF8] =	vst.msk $0xff, v22  }
0x261: {  	(erf) = vrcp.f32 v18;
	v57 =	vperm.xlane v56, v4;
	v22 =	vld [tilespmem:s26+$0x20]  }
0x262: {  	v15 =	vnsel vm0, $0x0, v48;
	vm1 =	vgt.f32 v53, v50;
	v58 =	vperm.xlane v55, v4;
	v60, v59, _ =	vpop (xrf1);
	v61 =	vld [tilespmem:s26+$0x0]  }
0x263: {  	(xrf2) =	vadd.scan.msk.f32 $0xffff, v15;
	v62 =	vsel vm1, v54, v51;
	v17 =	vsel vm1, v53, v50;
	vm1 =	vgt.f32 v57, v60;
	v63 =	vld [tilespmem:s26+$0x30]  }
0x264: {  	(xrf1) =	vsort.dscd.msk.f32 $0xffff, v17, v62;
	v28 =	vsel vm1, v57, v60;
	v29 =	vsel vm1, v58, v59;
	v30 =	vld [tilespmem:s26+$0x10]  }
0x265: {  	(xrf1) =	vsort.dscd.msk.f32 $0xffff, v28, v29  }
0x266: {  	(xrf1) =	vsort.dscd.msk.f32 $0xffff, v22, v2  }
0x267: {  	(xrf1) =	vsort.dscd.msk.f32 $0xffff, v61, v0  }
0x268: {  	(xrf1) =	vsort.dscd.msk.f32 $0xffff, v63, v3  }
0x269: {  	(xrf1) =	vsort.dscd.msk.f32 $0xffff, v30, v1  }
0x26a: {  	v31 =	vpop (erf)  }
0x26b: {  	v16 =	vmul.f32 v31, v45;
	_ =	sdelay $0x1  }
0x26c: {  	[tilespmem:s29+$0x0] =	vst.msk $0xff, v16  }
0x26d: {  	[tilespmem:s28+$0x0] =	vst.msk $0xff, v21  }
0x26e: {  	v32 =	vld [tilespmem:s22+$0x80]  }
0x26f: {  	v33 =	vld [tilespmem:s22+$0x90]  }
0x270: {  	v34, _, _ =	vpop (xrf2);
	v35 =	vld [tilespmem:s22+$0xA0]  }
0x271: {  	v21 =	vld [tilespmem:s22+$0xB0];
	v36, v23, _ =	vpop (xrf1)  }
0x272: {  	(xrf0) =	vmax.scan.msk.f32 $0xffff, v36;
	v37, v16, _ =	vpop (xrf1)  }
0x273: {  	(xrf1) =	vsort.dscd.msk.f32 $0xffff, v32, v0;
	v39, v38, _ =	vpop (xrf1)  }
0x274: {  	(xrf1) =	vsort.dscd.msk.f32 $0xffff, v33, v1;
	v41, v40, _ =	vpop (xrf1);
	v17 =	vperm.xlane v39, v4  }
0x275: {  	(xrf1) =	vsort.dscd.msk.f32 $0xffff, v35, v2;
	v25 =	vperm.xlane v38, v4;
	v18 =	vperm.xlane v41, v4;
	v43, v42, _ =	vpop (xrf1)  }
0x276: {  	v19 =	vbroadcast v34, $0xF;
	(xrf1) =	vsort.dscd.msk.f32 $0xffff, v21, v3;
	v44 =	vperm.xlane v40, v4;
	v45, v46, _ =	vpop (xrf1);
	vm1 =	vgt.f32 v17, v43  }
0x277: {  	vm2 =	vgt.f32 v18, v45;
	v17 =	vsel vm1, v17, v43;
	v47 =	vsel vm1, v25, v42  }
0x278: {  	(erf) = vrcp.f32 v19;
	v18 =	vsel vm2, v18, v45;
	v19 =	vsel vm2, v44, v46;
	(xrf1) =	vsort.dscd.msk.f32 $0xffff, v17, v47  }
0x279: {  	v48, _, _ =	vpop (xrf0);
	(xrf1) =	vsort.dscd.msk.f32 $0xffff, v18, v19  }
0x27a: {  	v49 =	vbroadcast v48, $0xF  }
0x27b: {  	(xrf0) =	vmax.scan.msk.f32 $0xffff, v37  }
0x27c: {  	v17 =	vsub.f32 v36, v49;
	_ =	sdelay $0x1  }
0x27d: {  	v17 =	vmul.f32 $1.442695020e+00, v17;
	_ =	sdelay $0x1  }
0x27e: {  	(erf) = vpow2.f32 v17  }
0x27f: {  	v50, _, _ =	vpop (xrf0)  }
0x280: {  	v52, v51, _ =	vpop (xrf1)  }
0x281: {  	v53, v54, _ =	vpop (xrf1)  }
0x282: {  	v19 =	vperm.xlane v52, v4;
	v56, v55, _ =	vpop (xrf1)  }
0x283: {  	v20 =	vperm.xlane v51, v4;
	v58, v57, _ =	vpop (xrf1)  }
0x284: {  	vm1 =	vgt.f32 v19, v53;
	v60 =	vperm.xlane v56, v4;
	v59, v30, _ =	vpop (xrf1)  }
0x285: {  	v19 =	vsel vm1, v19, v53;
	v20 =	vsel vm1, v20, v54;
	v26 =	vperm.xlane v55, v4;
	v61, v62, _ =	vpop (xrf1)  }
0x286: {  	v18 =	vbroadcast v50, $0xF;
	v17 =	vpop (erf);
	(xrf1) =	vsort.dscd.msk.f32 $0xffff, v19, v20;
	vm1 =	vgt.f32 v60, v58;
	v22 =	vperm.xlane v61, v4  }
0x287: {  	v63 =	vpop (erf);
	v21 =	vsel vm1, v60, v58;
	v33 =	vsel vm1, v26, v57;
	v32 =	vperm.xlane v62, v4  }
0x288: {  	v18 =	vsub.f32 v37, v18;
	v31 =	vnsel vm0, $0x0, v63;
	(xrf1) =	vsort.dscd.msk.f32 $0xffff, v21, v33;
	vm1 =	vgt.f32 v22, v59  }
0x289: {  	(xrf2) =	vadd.scan.msk.f32 $0xffff, v31;
	v34 =	vsel vm1, v22, v59;
	v20 =	vsel vm1, v32, v30  }
0x28a: {  	v18 =	vmul.f32 $1.442695020e+00, v18;
	(xrf1) =	vsort.dscd.msk.f32 $0xffff, v34, v20;
	_ =	sdelay $0x1  }
0x28b: {  	(erf) = vpow2.f32 v18;
	_ =	sdelay $0x7  }
0x28c: {  	v35, _, _ =	vpop (xrf2)  }
0x28d: {  	v36 =	vpop (erf);
	v18 =	vbroadcast v35, $0xF  }
0x28e: {  	v38, v37, _ =	vpop (xrf1)  }
0x28f: {  	(erf) = vrcp.f32 v18;
	v18 =	vnsel vm0, $0x0, v36;
	v39, v24, _ =	vpop (xrf1)  }
0x290: {  	(xrf2) =	vadd.scan.msk.f32 $0xffff, v18;
	v40, v41, _ =	vpop (xrf1)  }
0x291: {  	(xrf0) =	vmax.scan.msk.f32 $0xffff, v40;
	_ =	sdelay $0x1  }
0x292: {  	v20 =	vperm.xlane v38, v4  }
0x293: {  	v21 =	vperm.xlane v37, v4  }
0x294: {  	vm1 =	vgt.f32 v20, v39  }
0x295: {  	v20 =	vsel vm1, v20, v39;
	v21 =	vsel vm1, v21, v24  }
0x296: {  	(xrf1) =	vsort.dscd.msk.f32 $0xffff, v20, v21;
	v43, _, _ =	vpop (xrf0)  }
0x297: {  	v42 =	vpop (erf);
	v44 =	vbroadcast v43, $0xF  }
0x298: {  	v19 =	vmul.f32 v42, v31  }
0x299: {  	v45, _, _ =	vpop (xrf2);
	v46 =	vsub.f32 v40, v44  }
0x29a: {  	v21 =	vbroadcast v45, $0xF;
	[tilespmem:s30+$0x0] =	vst.msk $0xff, v19  }
0x29b: {  	[tilespmem:s31+$0x0] =	vst.msk $0xff, v23;
	v19 =	vmul.f32 $1.442695020e+00, v46  }
0x29c: {  	(erf) = vrcp.f32 v21;
	v47 =	vld [tilespmem:s23+$0x80]  }
0x29d: {  	v48 =	vld [tilespmem:s23+$0x90];
	(erf) = vpow2.f32 v19  }
0x29e: {  	v49 =	vld [tilespmem:s23+$0xA0];
	_ =	sdelay $0x1  }
0x29f: {  	v50 =	vld [tilespmem:s23+$0xB0]  }
0x2a0: {  	(xrf1) =	vsort.dscd.msk.f32 $0xffff, v47, v0  }
0x2a1: {  	(xrf1) =	vsort.dscd.msk.f32 $0xffff, v48, v1  }
0x2a2: {  	(xrf1) =	vsort.dscd.msk.f32 $0xffff, v49, v2  }
0x2a3: {  	v51, v21, _ =	vpop (xrf1)  }
0x2a4: {  	(xrf1) =	vsort.dscd.msk.f32 $0xffff, v50, v3;
	v19 =	vpop (erf)  }
0x2a5: {  	(xrf0) =	vmax.scan.msk.f32 $0xffff, v51;
	v52 =	vpop (erf)  }
0x2a6: {  	v22 =	vnsel vm0, $0x0, v52  }
0x2a7: {  	(xrf2) =	vadd.scan.msk.f32 $0xffff, v22;
	_ =	sdelay $0x3  }
0x2a8: {  	v53, _, _ =	vpop (xrf0)  }
0x2a9: {  	v23 =	vbroadcast v53, $0xF;
	_ =	sdelay $0x1  }
0x2aa: {  	v20 =	vsub.f32 v51, v23;
	v54, v55, _ =	vpop (xrf1)  }
0x2ab: {  	v24 =	vperm.xlane v54, v4;
	v57, v56, _ =	vpop (xrf1)  }
0x2ac: {  	v20 =	vmul.f32 $1.442695020e+00, v20;
	v25 =	vperm.xlane v55, v4;
	v58, v59, _ =	vpop (xrf1)  }
0x2ad: {  	vm1 =	vgt.f32 v24, v57;
	v60 =	vperm.xlane v58, v4;
	v62 =	vperm.xlane v59, v4;
	v61, _, _ =	vpop (xrf2)  }
0x2ae: {  	v33, v63, _ =	vpop (xrf1);
	v23 =	vsel vm1, v24, v57;
	v25 =	vsel vm1, v25, v56;
	v28 =	vbroadcast v61, $0xF  }
0x2af: {  	(erf) = vpow2.f32 v20;
	(xrf1) =	vsort.dscd.msk.f32 $0xffff, v23, v25;
	vm1 =	vgt.f32 v60, v33  }
0x2b0: {  	v34 =	vsel vm1, v60, v33;
	v35 =	vsel vm1, v62, v63;
	(erf) = vrcp.f32 v28  }
0x2b1: {  	(xrf1) =	vsort.dscd.msk.f32 $0xffff, v34, v35;
	_ =	sdelay $0x6  }
0x2b2: {  	v36 =	vpop (erf)  }
0x2b3: {  	v37 =	vpop (erf)  }
0x2b4: {  	v22 =	vmul.f32 v37, v22;
	_ =	sdelay $0x1  }
0x2b5: {  	[tilespmem:s0+$0x0] =	vst.msk $0xff, v22  }
0x2b6: {  	v38, v23, _ =	vpop (xrf1);
	[tilespmem:s1+$0x0] =	vst.msk $0xff, v41  }
0x2b7: {  	v22 =	vperm.xlane v38, v4;
	v39 =	vld [tilespmem:s26+$0x80]  }
0x2b8: {  	v23 =	vperm.xlane v23, v4;
	v40, v41, _ =	vpop (xrf1);
	v42 =	vld [tilespmem:s26+$0x90]  }
0x2b9: {  	vm1 =	vgt.f32 v22, v40;
	v43 =	vld [tilespmem:s26+$0xA0]  }
0x2ba: {  	v22 =	vsel vm1, v22, v40;
	v23 =	vsel vm1, v23, v41  }
0x2bb: {  	v44 =	vld [tilespmem:s26+$0xB0];
	(xrf1) =	vsort.dscd.msk.f32 $0xffff, v22, v23  }
0x2bc: {  	(xrf1) =	vsort.dscd.msk.f32 $0xffff, v39, v0  }
0x2bd: {  	(xrf1) =	vsort.dscd.msk.f32 $0xffff, v42, v1  }
0x2be: {  	(xrf1) =	vsort.dscd.msk.f32 $0xffff, v43, v2;
	_ =	sdelay $0x1  }
0x2bf: {  	(xrf1) =	vsort.dscd.msk.f32 $0xffff, v44, v3;
	_ =	sdelay $0x8  }
0x2c0: {  	v22, v23, _ =	vpop (xrf1)  }
0x2c1: {  	v24, v45, _ =	vpop (xrf1)  }
0x2c2: {  	v24 =	vperm.xlane v24, v4;
	v46, v27, _ =	vpop (xrf1)  }
0x2c3: {  	v25 =	vperm.xlane v45, v4;
	v28, v47, _ =	vpop (xrf1)  }
0x2c4: {  	vm1 =	vgt.f32 v24, v46;
	v28 =	vperm.xlane v28, v4  }
0x2c5: {  	v48 =	vperm.xlane v47, v4;
	v49, v50, _ =	vpop (xrf1);
	v24 =	vsel vm1, v24, v46;
	v25 =	vsel vm1, v25, v27  }
0x2c6: {  	(xrf1) =	vsort.dscd.msk.f32 $0xffff, v24, v25;
	vm1 =	vgt.f32 v28, v49  }
0x2c7: {  	v51 =	vsel vm1, v28, v49;
	v52 =	vsel vm1, v48, v50  }
0x2c8: {  	(xrf1) =	vsort.dscd.msk.f32 $0xffff, v51, v52;
	_ =	sdelay $0x4  }
0x2c9: {  	v20 =	vnsel vm0, $0x0, v36  }
0x2ca: {  	(xrf2) =	vadd.scan.msk.f32 $0xffff, v20  }
0x2cb: {  	(xrf0) =	vmax.scan.msk.f32 $0xffff, v22;
	_ =	sdelay $0x4  }
0x2cc: {  	v24, v25, _ =	vpop (xrf1)  }
0x2cd: {  	v53, _, _ =	vpop (xrf0);
	v24 =	vperm.xlane v24, v4  }
0x2ce: {  	v26 =	vbroadcast v53, $0xF;
	v25 =	vperm.xlane v25, v4;
	v27, v28, _ =	vpop (xrf1)  }
0x2cf: {  	vm1 =	vgt.f32 v24, v27  }
0x2d0: {  	v54, _, _ =	vpop (xrf2);
	v22 =	vsub.f32 v22, v26;
	v24 =	vsel vm1, v24, v27;
	v25 =	vsel vm1, v25, v28  }
0x2d1: {  	v55 =	vbroadcast v54, $0xF;
	(xrf1) =	vsort.dscd.msk.f32 $0xffff, v24, v25  }
0x2d2: {  	v22 =	vmul.f32 $1.442695020e+00, v22  }
0x2d3: {  	(erf) = vrcp.f32 v55  }
0x2d4: {  	(erf) = vpow2.f32 v22;
	_ =	sdelay $0x7  }
0x2d5: {  	v56 =	vpop (erf)  }
0x2d6: {  	v57 =	vpop (erf)  }
0x2d7: {  	v24 =	vnsel vm0, $0x0, v57  }
0x2d8: {  	(xrf2) =	vadd.scan.msk.f32 $0xffff, v24;
	v25, v58, _ =	vpop (xrf1)  }
0x2d9: {  	(xrf0) =	vmax.scan.msk.f32 $0xffff, v25;
	_ =	sdelay $0x5  }
0x2da: {  	v59, _, _ =	vpop (xrf0)  }
0x2db: {  	v27 =	vbroadcast v59, $0xF;
	_ =	sdelay $0x1  }
0x2dc: {  	v60, _, _ =	vpop (xrf2);
	v25 =	vsub.f32 v25, v27  }
0x2dd: {  	v27 =	vbroadcast v60, $0xF  }
0x2de: {  	v25 =	vmul.f32 $1.442695020e+00, v25  }
0x2df: {  	(erf) = vrcp.f32 v27  }
0x2e0: {  	(erf) = vpow2.f32 v25;
	_ =	sdelay $0x7  }
0x2e1: {  	v61 =	vpop (erf)  }
0x2e2: {  	v62 =	vpop (erf)  }
0x2e3: {  	v27 =	vnsel vm0, $0x0, v62  }
0x2e4: {  	(xrf2) =	vadd.scan.msk.f32 $0xffff, v27;
	_ =	sdelay $0x8  }
0x2e5: {  	v6 =	vmul.f32 v8, v6  }
0x2e6: {  	v63, _, _ =	vpop (xrf2)  }
0x2e7: {  	[tilespmem:s11+$0x8] =	vst.msk $0xff, v6;
	v6 =	vmul.f32 v11, v9;
	v8 =	vbroadcast v63, $0xF  }
0x2e8: {  	[tilespmem:s12+$0x8] =	vst.msk $0xff, v5  }
0x2e9: {  	[tilespmem:s13+$0x8] =	vst.msk $0xff, v6;
	v5 =	vmul.f32 v14, v12;
	(erf) = vrcp.f32 v8  }
0x2ea: {  	[tilespmem:s14+$0x8] =	vst.msk $0xff, v7  }
0x2eb: {  	[tilespmem:s15+$0x8] =	vst.msk $0xff, v5;
	v5 =	vmul.f32 v17, v15  }
0x2ec: {  	[tilespmem:s16+$0x8] =	vst.msk $0xff, v10  }
0x2ed: {  	[tilespmem:s18+$0x8] =	vst.msk $0xff, v5;
	v5 =	vmul.f32 v19, v18  }
0x2ee: {  	[tilespmem:s17+$0x8] =	vst.msk $0xff, v13  }
0x2ef: {  	[tilespmem:s19+$0x8] =	vst.msk $0xff, v5;
	v5 =	vmul.f32 v56, v20  }
0x2f0: {  	[tilespmem:s20+$0x8] =	vst.msk $0xff, v16  }
0x2f1: {  	[tilespmem:s29+$0x8] =	vst.msk $0xff, v5;
	v5 =	vmul.f32 v61, v24  }
0x2f2: {  	[tilespmem:s28+$0x8] =	vst.msk $0xff, v21;
	v6 =	vpop (erf)  }
0x2f3: {  	[tilespmem:s30+$0x8] =	vst.msk $0xff, v5;
	v5 =	vmul.f32 v6, v27  }
0x2f4: {  	[tilespmem:s31+$0x8] =	vst.msk $0xff, v23  }
0x2f5: {  	[tilespmem:s0+$0x8] =	vst.msk $0xff, v5  }
0x2f6: {  	[tilespmem:s1+$0x8] =	vst.msk $0xff, v58  }
0x2f7: {  	[hbm4b:s4+s2] =	stream.linear.scatter [tilespmem:s8], [sflag:$0x1], $0x200, $0x38;
	[tilespmem:$0x2500] =	vst v63  }
0x2f8: {  	s10 =	sadd.s32 $0x1, s10;
	_ =	swait.ge [sflag:s7], $0x200  }
0x2f9: {  	p0 =	sne.s32 s10, s6;
	[sflag:s7] =	ssyncset.done $0x0  }
.Ltmp1:
0x2fa: {  	[sflag:s7] =	ssyncadd.s32 $0xFFFFFE00;
	(pc) =	sbr.rel @p0 .LBB2_1-.Ltmp1, $4  }
0x2fb: {  	[hbm4b:s5+s2] =	stream.linear.scatter [tilespmem:s9], [sflag:$0x1], $0x200, $0x38;
	[tilespmem:$0x2500] =	vst v63  }
0x2fc: {  	_ =	swait.ge [sflag:s7], $0x200  }
0x2fd: {  	[sflag:s7] =	ssyncset.done $0x0  }
0x2fe: {  	[sflag:s7] =	ssyncadd.s32 $0xFFFFFE00  }
0x2ff: {  	_ =	sfence.sel $0x180000  }
0x300: {  	[bflag:$0x0] =	sbarrier.arrive $0xFFFF  }
0x301: {  	_ =	strace $0x90000047  }
0x302: {  	s0 =	stileid.u32;
	[bflag:$0x2] =	sbarrier.arrive $0xFFFF  }
0x303: {  	p0 =	sne.s32 s0, $0x0;
	s0 =	rddreg [dreg:$0x1]  }
0x304: {  	s0 =	sadd.s32 @!p0 $0x100000, s0  }
0x305: {  	[sflag:s0] =	ssyncadd.tile.s32 @!p0 $0x1;
	_ =	shalt  }
.Lfunc_end2:
_tile_overlayer_lowered:
.L_overlay_start_2:
0x306: {  	(tag) =	ssettag $0x2  }
0x307: {  	s0 =	rddreg [dreg:$0x0];
	s2 =	stileid.u32  }
0x308: {  	s1 =	rddreg [dreg:$0x1];
	p0 =	sne.s32 s2, $0x0  }
0x309: {  	s3 =	rddreg [dreg:$0x2];
	[bflag:$0x3] =	sbarrier.arrive $0xFFFF;
	s2 =	simm.s32 @!p0 $0x1C01  }
0x30a: {  	[timem:s3], [sflag:s2] =	dma.local @!p0 [hbm:s0], s1  }
0x30b: {  	s0 =	simm.s32 @!p0 $0x1  }
0x30c: {  	_ =	swait.ge @!p0 [sflag:s0], s1  }
0x30d: {  	s1 =	ssub.s32 @!p0 $0x0, s1;
	[sflag:s0] =	ssyncset.done @!p0 $0x0  }
0x30e: {  	[sflag:s0] =	ssyncadd.s32 @!p0 s1  }
0x30f: {  	[bflag:$0x3] =	sbarrier.arrive $0xFFFF  }
0x310: {  	_ =	shalt  }

// kernel: kernel.13.cloned.1.call-start
scs
__scs_entry_jumppad:
0x0: {  	(pc) =	sbr.rel $0x88, $3  }
0x1: {  	(tag) =	ssettag $0x0;
	lr =	simm.s32 $0x1  }
0x2: {  	[smem:$0x3F9F] =	sst lr;
	_ =	strace $0xD0000000  }
0x3: {  	_ = 	snop  }
0x4: {  	_ = 	snop  }
0x5: {  	_ = 	snop  }
0x6: {  	_ = 	snop  }
0x7: {  	_ = 	snop  }
__scs_overlays_trampoline_lowered:
0x8: {  	[smem:$0x3FAE] =	sst s0  }
0x9: {  	[smem:$0x3FAF] =	sst s1  }
0xa: {  	[smem:$0x3FB0] =	sst s2  }
0xb: {  	[smem:$0x3FB1] =	sst s3  }
0xc: {  	[smem:$0x3FB2] =	sst s4  }
0xd: {  	[smem:$0x3FB3] =	sst s5  }
0xe: {  	[smem:$0x3FB4] =	sst s6  }
0xf: {  	[smem:$0x3FB5] =	sst s7  }
0x10: {  	[smem:$0x3FB6] =	sst s8  }
0x11: {  	[smem:$0x3FB7] =	sst s9;
	s0 =	simm.s32 @!p0 $0x0  }
0x12: {  	s1 =	sld [smem:$0x3F9D];
	s0 =	simm.s32 @p0 $0x1  }
0x13: {  	[smem:$0x3FB8] =	sst s0;
	s0 =	simm.s32 @!p1 $0x0  }
0x14: {  	s2 =	sld [smem:$0x3F9C];
	s0 =	simm.s32 @p1 $0x1  }
0x15: {  	[smem:$0x3FB9] =	sst s0;
	s0 =	simm.s32 @!p2 $0x0  }
0x16: {  	s3 =	sld [smem:$0x3FDB];
	s0 =	simm.s32 @p2 $0x1  }
0x17: {  	s4 =	simm.s32 $0x1BF5;
	[smem:$0x3FBB] =	sst s0  }
0x18: {  	s0 =	sld [smem:$0x3F9E];
	_ =	swait.ge [sflag:s4], $0x0  }
0x19: {  	s7 =	sld [smem:$0x3F9F]  }
0x1a: {  	s8 =	sadd.s32 $0xFFFFE003, lr  }
0x1b: {  	s9 =	sadd.s32 $0xFFFFFEF7, lr;
	s5 =	simm.s32 $0xFFFFFFFF;
	p2 =	slt.u32 s8, $0xFFFFF086  }
0x1c: {  	p1 =	slt.u32 s9, $0xF7A;
	s5 =	simm.s32 @!p2 $0x0  }
0x1d: {  	s5 =	simm.s32 @p1 $0x1;
	p0 =	seq.s32 s7, s2  }
0x1e: {  	s7 =	smul.u32 @!p0 $0xF7A, s2;
	p2 =	seq.s32 @!p0 s5, $0x0  }
0x1f: {  	s9 =	smul.u32 $0xF7A, s1;
	s8 =	simm.s32 @!p0 $0x1BF5;
	p2 =	por !p2, p0  }
0x20: {  	[sflag:s8] =	ssyncset.s32 @!p0 $0xFFFFF086;
	s6 =	sadd.s32 @!p0 s3, s7;
	s7 =	simm.s32 @!p0 $0x108  }
0x21: {  	s3 =	sadd.s32 s3, s9;
	s6 =	sadd.s32 @!p0 $0x88, s6;
	s7 =	simm.s32 @p2 $0x1082  }
0x22: {  	[simem:s7], [sflag:s8] =	dma.local @!p0 [hbm:s6], $0xF7A  }
0x23: {  	s9 =	sor.u32 $0xD0000000, s2;
	s6 =	simm.s32 $0x108;
	_ =	swait.ge @!p0 [sflag:s8], $0x0  }
0x24: {  	s3 =	sadd.s32 $0x88, s3;
	s6 =	simm.s32 @!p1 $0x1082;
	[sflag:s4] =	ssyncset.s32 $0xFFFFF086  }
0x25: {  	[simem:s6], [sflag:s4] =	dma.local [hbm:s3], $0xF7A  }
0x26: {  	[smem:$0x3F9F] =	sst s1;
	(tag) =	ssettag s2;
	_ =	strace s9  }
0x27: {  	s1 =	sld [smem:$0x3FAF]  }
0x28: {  	s2 =	sld [smem:$0x3FB0]  }
0x29: {  	s4 =	sld [smem:$0x3FB2]  }
0x2a: {  	p0 =	seq.s32 s5, $0x0;
	s5 =	sld [smem:$0x3FB3]  }
0x2b: {  	s6 =	sld [smem:$0x3FB4]  }
0x2c: {  	s7 =	sld [smem:$0x3FB5]  }
0x2d: {  	s3 =	simm.s32 $0x108;
	s8 =	sld [smem:$0x3FB6]  }
0x2e: {  	s3 =	simm.s32 @!p0 $0x1082;
	s9 =	sld [smem:$0x3FB7]  }
0x2f: {  	lr =	sadd.s32 s0, s3;
	s0 =	sld [smem:$0x3FAE]  }
0x30: {  	s3 =	sld [smem:$0x3FB1]  }
0x31: {  	[smem:$0x3FBA] =	sst s10  }
0x32: {  	s10 =	sld [smem:$0x3FB8];
	_ =	sdelay $0x3  }
0x33: {  	p0 =	seq.s32 s10, $0x1;
	s10 =	sld [smem:$0x3FBA];
	_ =	sdelay $0x3  }
0x34: {  	[smem:$0x3FBA] =	sst s10  }
0x35: {  	s10 =	sld [smem:$0x3FB9];
	_ =	sdelay $0x3  }
0x36: {  	p1 =	seq.s32 s10, $0x1;
	s10 =	sld [smem:$0x3FBA];
	_ =	sdelay $0x3  }
0x37: {  	[smem:$0x3FBA] =	sst s10  }
0x38: {  	s10 =	sld [smem:$0x3FBB]  }
0x39: {  	_ = 	snop;
	(pc) =	sbr.ind lr, $3  }
0x3a: {  	_ = 	snop  }
0x3b: {  	_ = 	snop  }
0x3c: {  	p2 =	seq.s32 s10, $0x1;
	s10 =	sld [smem:$0x3FBA]  }
0x3d: {  	_ =	shalt  }
0x3e: {  	_ =	shalt  }
0x3f: {  	_ =	shalt  }
0x40: {  	_ =	shalt  }
0x41: {  	_ =	shalt  }
0x42: {  	_ =	shalt  }
0x43: {  	_ =	shalt  }
0x44: {  	_ =	shalt  }
0x45: {  	_ =	shalt  }
0x46: {  	_ =	shalt  }
0x47: {  	_ =	shalt  }
0x48: {  	_ =	shalt  }
0x49: {  	_ =	shalt  }
0x4a: {  	_ =	shalt  }
0x4b: {  	_ =	shalt  }
0x4c: {  	_ =	shalt  }
0x4d: {  	_ =	shalt  }
0x4e: {  	_ =	shalt  }
0x4f: {  	_ =	shalt  }
0x50: {  	_ =	shalt  }
0x51: {  	_ =	shalt  }
0x52: {  	_ =	shalt  }
0x53: {  	_ =	shalt  }
0x54: {  	_ =	shalt  }
0x55: {  	_ =	shalt  }
0x56: {  	_ =	shalt  }
0x57: {  	_ =	shalt  }
0x58: {  	_ =	shalt  }
0x59: {  	_ =	shalt  }
0x5a: {  	_ =	shalt  }
0x5b: {  	_ =	shalt  }
0x5c: {  	_ =	shalt  }
0x5d: {  	_ =	shalt  }
0x5e: {  	_ =	shalt  }
0x5f: {  	_ =	shalt  }
0x60: {  	_ =	shalt  }
0x61: {  	_ =	shalt  }
0x62: {  	_ =	shalt  }
0x63: {  	_ =	shalt  }
0x64: {  	_ =	shalt  }
0x65: {  	_ =	shalt  }
0x66: {  	_ =	shalt  }
0x67: {  	_ =	shalt  }
0x68: {  	_ =	shalt  }
0x69: {  	_ =	shalt  }
0x6a: {  	_ =	shalt  }
0x6b: {  	_ =	shalt  }
0x6c: {  	_ =	shalt  }
0x6d: {  	_ =	shalt  }
0x6e: {  	_ =	shalt  }
0x6f: {  	_ =	shalt  }
0x70: {  	_ =	shalt  }
0x71: {  	_ =	shalt  }
0x72: {  	_ =	shalt  }
0x73: {  	_ =	shalt  }
0x74: {  	_ =	shalt  }
0x75: {  	_ =	shalt  }
0x76: {  	_ =	shalt  }
0x77: {  	_ =	shalt  }
0x78: {  	_ =	shalt  }
0x79: {  	_ =	shalt  }
0x7a: {  	_ =	shalt  }
0x7b: {  	_ =	shalt  }
0x7c: {  	_ =	shalt  }
0x7d: {  	_ =	shalt  }
0x7e: {  	_ =	shalt  }
0x7f: {  	_ =	shalt  }
0x80: {  	_ =	shalt  }
0x81: {  	_ =	shalt  }
0x82: {  	_ =	shalt  }
0x83: {  	_ =	shalt  }
0x84: {  	_ =	shalt  }
0x85: {  	_ =	shalt  }
0x86: {  	_ =	shalt  }
0x87: {  	_ =	shalt  }
.Lfunc_end0:
.L_simem_size_0:
called_computation.1_lowered:
.L_overlay_start_0:
0x88: {  	s2 =	sld [smem:$0x3FD9]  }
0x89: {  	s3 =	sld [smem:$0x3FFE];
	_ =	sdelay $0x1  }
0x8a: {  	s1 =	srdreg.scid  }
0x8b: {  	s0 =	sand.u32 $0x1, s1  }
0x8c: {  	s15 =	sshll.u32 s0, $0xA;
	s2 =	sadd.s32 s3, s2  }
0x8d: {  	s2 =	sadd.s32 s2, s15  }
0x8e: {  	[smem:$0x3FC6] =	sst s2  }
0x8f: {  	_ = 	snop  }
0x90: {  	s2 =	sld [smem:$0x3FD0];
	_ =	sdelay $0x2  }
0x91: {  	s4 =	simm.s32 $0xD;
	s16 =	simm.s32 $0x10  }
0x92: {  	[smem:s16], [sflag:s4] =	dma.local [hbm:s2], $0x1  }
0x93: {  	_ =	swait.eq [sflag:s4], $0x1  }
0x94: {  	[sflag:s4] =	ssyncset.done $0x0  }
0x95: {  	s17 =	sld [smem:$0x10];
	[sflag:s4] =	ssyncadd.s32 $0xFFFFFFFF  }
0x96: {  	s18 =	sld [smem:$0x11];
	(tm) =	ssettm $0x1  }
0x97: {  	s19 =	sld [smem:$0x3FFB];
	_ =	sdelay $0x3  }
0x98: {  	_ =	strace s19  }
0x99: {  	s2 =	sld [smem:$0x3FFC];
	_ =	sdelay $0x3  }
0x9a: {  	_ =	strace s2  }
0x9b: {  	s2 =	sld [smem:$0x3FFD];
	_ =	sdelay $0x3  }
0x9c: {  	_ =	strace s2  }
0x9d: {  	_ =	strace $0x8FFFFFFF  }
0x9e: {  	s20 =	sld [smem:$0x3FDB];
	_ =	sdelay $0x1  }
0x9f: {  	s5 =	simm.s32 $_scs_section_size  }
0xa0: {  	s6 =	simm.s32 $_size__tile_overlayer_lowered;
	s7 =	simm.s32 $_tile_overlayer_lowered  }
0xa1: {  	s8 =	simm.s32 $0x1BFF;
	s21 =	sshll.u32 s7, $0x1;
	s5 =	sadd.s32 s5, s20  }
0xa2: {  	s22 =	simm.s32 $0x0;
	s6 =	sshll.u32 s6, $0x1;
	s7 =	sadd.s32 s21, s5  }
0xa3: {  	[timem:s22], [sflag:s8] =	dma.local [hbm:s7], s6  }
0xa4: {  	_ =	swait.ge [sflag:s8], s6  }
0xa5: {  	s6 =	ssub.s32 $0x0, s6;
	[sflag:s8] =	ssyncset.done $0x0  }
0xa6: {  	[sflag:s8] =	ssyncadd.s32 s6;
	_ =	sdelay $0x1  }
0xa7: {  	s23 =	simm.s32 $0x1B8B  }
0xa8: {  	_ =	swait.ge [sflag:s23], $0x1  }
0xa9: {  	[sflag:s23] =	ssyncset.done $0x0  }
0xaa: {  	[sflag:s23] =	ssyncadd.s32 $0xFFFFFFFF  }
0xab: {  	s6 =	sld [smem:$0x0]  }
0xac: {  	s7 =	sand.u32 $0xFFFFFFFE, s1  }
0xad: {  	p0 =	sne.s32 s1, s7  }
0xae: {  	s7 =	sshll.u32 @p0 s7, $0xE  }
0xaf: {  	s7 =	sadd.s32 @p0 $0x11B8D, s7;
	s8 =	sshll.u32 @p0 s6, $0x11  }
0xb0: {  	s7 =	sor.u32 @p0 s8, s7  }
0xb1: {  	[sflag:s7] =	ssyncadd.remote.s32 @p0 $0x1;
	_ =	sdelay $0x1  }
0xb2: {  	s7 =	simm.s32 @p0 $0x1B8D  }
0xb3: {  	_ =	swait.eq @p0 [sflag:s7], $0x1  }
0xb4: {  	[sflag:s7] =	ssyncadd.s32 @p0 $0xFFFFFFFF  }
0xb5: {  	s8 =	sshll.u32 @!p0 s1, $0xE  }
0xb6: {  	s8 =	sor.u32 @!p0 $0x4000, s8;
	s7 =	simm.s32 @!p0 $0x1B8D  }
0xb7: {  	s6 =	sshll.u32 @!p0 s6, $0x11;
	s8 =	sadd.s32 @!p0 $0x11B8D, s8;
	_ =	swait.eq @!p0 [sflag:s7], $0x1  }
0xb8: {  	s6 =	sor.u32 @!p0 s6, s8;
	[sflag:s7] =	ssyncadd.s32 @!p0 $0xFFFFFFFF  }
0xb9: {  	s25 =	simm.s32 $0x1B8E;
	s24 =	sld [smem:$0x3FFE];
	[sflag:s6] =	ssyncadd.remote.s32 @!p0 $0x1  }
0xba: {  	s26 =	simm.s32 $execute0_lowered;
	[smem:$0x3FD2] =	sst s25  }
0xbb: {  	s7 =	sshll.u32 s26, $0x1;
	_ =	strace $0x8000004F;
	[dreg:$0x1] =	wrdreg $0xFFFFFFFF  }
0xbc: {  	s28 =	simm.s32 $_size_execute0_lowered;
	s5 =	sadd.s32 s5, s7;
	[dreg:$0x0] =	wrdreg $0x0  }
0xbd: {  	s7 =	sshll.u32 s28, $0x1;
	[dreg:$0x2] =	wrdreg s5  }
0xbe: {  	[dreg:$0x3] =	wrdreg s7  }
0xbf: {  	[dreg:$0x4] =	wrdreg $0xC0  }
0xc0: {  	_ =	task [dreg:s22], $0x5FFFF  }
0xc1: {  	[dreg:$0x1] =	wrdreg $0xFFFFFFFF  }
0xc2: {  	[dreg:$0x0] =	wrdreg $0x60  }
0xc3: {  	[dreg:$0x2] =	wrdreg s24  }
0xc4: {  	[dreg:$0x3] =	wrdreg s18  }
0xc5: {  	[dreg:$0x4] =	wrdreg s17  }
0xc6: {  	[dreg:$0x5] =	wrdreg $0xA  }
0xc7: {  	_ =	task.clear_ibuf [dreg:s22], $0x6FFFF;
	_ =	strace $0x9000004F  }
0xc8: {  	s29 =	simm.s32 $0xA;
	_ =	strace $0x80000051  }
0xc9: {  	_ =	swait.ge [sflag:s29], $0x1  }
0xca: {  	[sflag:s29] =	ssyncadd.s32 $0xFFFFFFFF  }
0xcb: {  	_ =	strace $0x90000051  }
0xcc: {  	_ =	sfence  }
0xcd: {  	s30 =	sld [smem:$0x0];
	_ =	sdelay $0x2  }
0xce: {  	s31 =	sshll.u32 s1, $0xD;
	s1 =	sshrl.u32 s1, $0x2  }
0xcf: {  	s4 =	sand.u32 $0x4000, s31;
	s1 =	sadd.s32 s1, s30  }
0xd0: {  	s0 =	sor.u32 s4, s0;
	s1 =	sshll.u32 s1, $0x11  }
0xd1: {  	s0 =	sor.u32 s1, s0  }
0xd2: {  	s0 =	sadd.s32 $0x8F2B, s0  }
0xd3: {  	[sflag:s0] =	ssyncadd.remote.s32 $0x1  }
0xd4: {  	_ =	sfence.sel $0xFFFF  }
0xd5: {  	[dreg:$0x0] =	wrdreg $0xFFFFFFFF;
	(pc) =	sbr.abs _section_cstart, $3  }
0xd6: {  	[dreg:$0x1] =	wrdreg $0xFFFFFFFF  }
0xd7: {  	_ =	task.clear_ibuf [dreg:s22], $0x2FFFF;
	_ =	strace $0x9FFFFFFF  }
0xd8: {  	(tm) =	ssettm $0x7FFFFFFF  }
0xd9: {  	_ =	shalt  }
tec
execute0_lowered:
.L_overlay_start_1:
0x0: {  	(tag) =	ssettag $0x1  }
0x1: {  	s0 =	rddreg [dreg:$0x0]  }
0x2: {  	s1 =	rddreg [dreg:$0x1]  }
0x3: {  	s5 =	rddreg [dreg:$0x2];
	s3 =	srdreg.scid  }
0x4: {  	s4 =	stileid.u32;
	s2 =	simm.s32 $0x0;
	s8 =	simm.s32 $0x2000  }
0x5: {  	s9 =	simm.s32 $0x2280;
	s3 =	sand.u32 $0x1, s3;
	s4 =	sshll.u32 s4, $0x1  }
0x6: {  	s10 =	simm.s32 $0x0;
	[smem:$0x7FF] =	sst s2;
	s4 =	sor.u32 s3, s4  }
0x7: {  	v0 =	vlaneseq.u32;
	_ =	strace $0x80000050;
	s3 =	ssub.s32 $0x2, s3;
	s6 =	sshll.u32 s4, $0xA  }
0x8: {  	v4 =	vmul.u32 $0xFFFFFFFF, v0;
	s31 =	sshrl.u32 s3, $0x1;
	s7 =	sshll.u32 s4, $0x6;
	s0 =	sadd.s32 s6, s0  }
0x9: {  	vm0 =	vmmov $0xff;
	v1 =	vor.u32 $0x10, v0;
	s6 =	ssub.s32 s3, s31;
	s4 =	sadd.s32 s1, s7;
	s5 =	sadd.s32 s5, s7  }
0xa: {  	v2 =	vor.u32 $0x20, v0;
	v3 =	vor.u32 $0x30, v0;
	v4 =	vadd.s32 $0xF, v4;
	s7 =	simm.s32 $0x1;
	s3 =	sadd.s32 $0x1DC00, s0;
	s6 =	smax.u32 s6, $0x1  }
.LBB2_1:
0xb: {  	[tilespmem:s2], [sflag:$0x1] =	stream.linear.gather [hbm4b:s3+s2], $0x2000, $0x38;
	[tilespmem:$0x2500] =	vst v63  }
0xc: {  	_ =	swait.ge [sflag:s7], $0x2000  }
0xd: {  	[sflag:s7] =	ssyncset.done $0x0  }
0xe: {  	s26 =	simm.s32 $0x100;
	[sflag:s7] =	ssyncadd.s32 $0xFFFFE000  }
0xf: {  	v5 =	vld [tilespmem:s26+$0xFFFFFF10]  }
0x10: {  	v6 =	vld [tilespmem:s26+$0xFFFFFF00];
	_ =	sdelay $0x2  }
0x11: {  	v7 =	vld [tilespmem:s26+$0xFFFFFF20]  }
0x12: {  	(xrf1) =	vsort.dscd.msk.f32 $0xffff, v5, v1  }
0x13: {  	v5 =	vld [tilespmem:s26+$0xFFFFFF30];
	(xrf1) =	vsort.dscd.msk.f32 $0xffff, v6, v0;
	_ =	sdelay $0x2  }
0x14: {  	(xrf1) =	vsort.dscd.msk.f32 $0xffff, v7, v2;
	_ =	sdelay $0x1  }
0x15: {  	(xrf1) =	vsort.dscd.msk.f32 $0xffff, v5, v3;
	_ =	sdelay $0x7  }
0x16: {  	v5, v6, _ =	vpop (xrf1)  }
0x17: {  	v7, v8, _ =	vpop (xrf1)  }
0x18: {  	v8 =	vperm.xlane v8, v4  }
0x19: {  	v7 =	vperm.xlane v7, v4  }
0x1a: {  	v9, v10, _ =	vpop (xrf1)  }
0x1b: {  	v9 =	vperm.xlane v9, v4;
	vm1 =	vgt.f32 v7, v5  }
0x1c: {  	v5 =	vsel vm1, v7, v5;
	v6 =	vsel vm1, v8, v6;
	v7 =	vperm.xlane v10, v4;
	v8, v10, _ =	vpop (xrf1)  }
0x1d: {  	(xrf1) =	vsort.dscd.msk.f32 $0xffff, v5, v6;
	vm1 =	vgt.f32 v9, v8  }
0x1e: {  	v5 =	vsel vm1, v9, v8;
	v6 =	vsel vm1, v7, v10  }
0x1f: {  	(xrf1) =	vsort.dscd.msk.f32 $0xffff, v5, v6;
	_ =	sdelay $0x8  }
0x20: {  	s28 =	simm.s32 $0x300  }
0x21: {  	v5 =	vld [tilespmem:s28+$0xFFFFFF10]  }
0x22: {  	v6 =	vld [tilespmem:s28+$0xFFFFFF00]  }
0x23: {  	v7, v8, _ =	vpop (xrf1)  }
0x24: {  	v7 =	vperm.xlane v7, v4  }
0x25: {  	v8 =	vperm.xlane v8, v4;
	v9, v10, _ =	vpop (xrf1)  }
0x26: {  	(xrf1) =	vsort.dscd.msk.f32 $0xffff, v5, v1;
	vm1 =	vgt.f32 v7, v9  }
0x27: {  	(xrf1) =	vsort.dscd.msk.f32 $0xffff, v6, v0;
	v5 =	vsel vm1, v7, v9;
	v7 =	vsel vm1, v8, v10  }
0x28: {  	(xrf1) =	vsort.dscd.msk.f32 $0xffff, v5, v7;
	_ =	sdelay $0x6  }
0x29: {  	v5 =	vld [tilespmem:s28+$0xFFFFFF20]  }
0x2a: {  	v6 =	vld [tilespmem:s28+$0xFFFFFF30];
	_ =	sdelay $0x3  }
0x2b: {  	(xrf1) =	vsort.dscd.msk.f32 $0xffff, v5, v2;
	v5, v7, _ =	vpop (xrf1)  }
0x2c: {  	(xrf1) =	vsort.dscd.msk.f32 $0xffff, v6, v3;
	v6, v8, _ =	vpop (xrf1)  }
0x2d: {  	v9, v10, _ =	vpop (xrf1)  }
0x2e: {  	(xrf0) =	vmax.scan.msk.f32 $0xffff, v9;
	_ =	sdelay $0x5  }
0x2f: {  	v11, _, _ =	vpop (xrf0)  }
0x30: {  	v11 =	vbroadcast v11, $0xF;
	_ =	sdelay $0x1  }
0x31: {  	v6 =	vperm.xlane v6, v4;
	_ =	sdelay $0x1  }
0x32: {  	v8 =	vperm.xlane v8, v4;
	vm1 =	vgt.f32 v6, v5;
	v9 =	vsub.f32 v9, v11;
	v11, v12, _ =	vpop (xrf1)  }
0x33: {  	v5 =	vsel vm1, v6, v5;
	v6 =	vperm.xlane v11, v4  }
0x34: {  	v7 =	vsel vm1, v8, v7;
	v8 =	vmul.f32 $1.442695020e+00, v9;
	v9 =	vperm.xlane v12, v4;
	v11, v12, _ =	vpop (xrf1)  }
0x35: {  	(xrf1) =	vsort.dscd.msk.f32 $0xffff, v5, v7;
	vm1 =	vgt.f32 v6, v11  }
0x36: {  	(erf) = vpow2.f32 v8;
	v5 =	vsel vm1, v6, v11;
	v6 =	vsel vm1, v9, v12  }
0x37: {  	(xrf1) =	vsort.dscd.msk.f32 $0xffff, v5, v6;
	_ =	sdelay $0x7  }
0x38: {  	v5 =	vpop (erf)  }
0x39: {  	s25 =	simm.s32 $0x500;
	v5 =	vnsel vm0, $0x0, v5  }
0x3a: {  	v6 =	vld [tilespmem:s25+$0xFFFFFF10];
	(xrf2) =	vadd.scan.msk.f32 $0xffff, v5  }
0x3b: {  	v7 =	vld [tilespmem:s25+$0xFFFFFF00]  }
0x3c: {  	v8, v9, _ =	vpop (xrf1)  }
0x3d: {  	v8 =	vperm.xlane v8, v4  }
0x3e: {  	v9 =	vperm.xlane v9, v4;
	v11, v12, _ =	vpop (xrf1)  }
0x3f: {  	(xrf1) =	vsort.dscd.msk.f32 $0xffff, v6, v1;
	vm1 =	vgt.f32 v8, v11  }
0x40: {  	(xrf1) =	vsort.dscd.msk.f32 $0xffff, v7, v0;
	v6 =	vsel vm1, v8, v11;
	v8 =	vsel vm1, v9, v12  }
0x41: {  	(xrf1) =	vsort.dscd.msk.f32 $0xffff, v6, v8;
	_ =	sdelay $0x2  }
0x42: {  	v6, _, _ =	vpop (xrf2)  }
0x43: {  	v6 =	vbroadcast v6, $0xF;
	_ =	sdelay $0x1  }
0x44: {  	(erf) = vrcp.f32 v6;
	_ =	sdelay $0x5  }
0x45: {  	v11 =	vld [tilespmem:s25+$0xFFFFFF20];
	v6, v7, _ =	vpop (xrf1)  }
0x46: {  	v8, v9, _ =	vpop (xrf1)  }
0x47: {  	v15 =	vld [tilespmem:s25+$0xFFFFFF30];
	v12, v13, _ =	vpop (xrf1)  }
0x48: {  	v14 =	vpop (erf)  }
0x49: {  	(xrf0) =	vmax.scan.msk.f32 $0xffff, v12;
	v5 =	vmul.f32 v14, v5  }
0x4a: {  	s11 =	simm.s32 $0x2010;
	(xrf1) =	vsort.dscd.msk.f32 $0xffff, v11, v2  }
0x4b: {  	s12 =	simm.s32 $0x2290;
	[tilespmem:s11+$0xFFFFFFF0] =	vst.msk $0xff, v5  }
0x4c: {  	(xrf1) =	vsort.dscd.msk.f32 $0xffff, v15, v3;
	v5 =	vperm.xlane v8, v4;
	[tilespmem:s12+$0xFFFFFFF0] =	vst.msk $0xff, v10  }
0x4d: {  	v8 =	vperm.xlane v9, v4;
	v9 =	vld [tilespmem:s26+$0xFFFFFF80]  }
0x4e: {  	vm1 =	vgt.f32 v5, v6;
	v10 =	vld [tilespmem:s26+$0xFFFFFFA0]  }
0x4f: {  	v5 =	vsel vm1, v5, v6;
	v6 =	vsel vm1, v8, v7;
	v8 =	vld [tilespmem:s26+$0xFFFFFF90];
	v7, _, _ =	vpop (xrf0)  }
0x50: {  	(xrf1) =	vsort.dscd.msk.f32 $0xffff, v5, v6;
	v5 =	vbroadcast v7, $0xF  }
0x51: {  	v6 =	vld [tilespmem:s26+$0xFFFFFFB0]  }
0x52: {  	v5 =	vsub.f32 v12, v5;
	(xrf1) =	vsort.dscd.msk.f32 $0xffff, v9, v0  }
0x53: {  	(xrf1) =	vsort.dscd.msk.f32 $0xffff, v10, v2  }
0x54: {  	v5 =	vmul.f32 $1.442695020e+00, v5;
	(xrf1) =	vsort.dscd.msk.f32 $0xffff, v8, v1;
	_ =	sdelay $0x1  }
0x55: {  	(xrf1) =	vsort.dscd.msk.f32 $0xffff, v6, v3;
	(erf) = vpow2.f32 v5;
	_ =	sdelay $0x1  }
0x56: {  	v5, v6, _ =	vpop (xrf1)  }
0x57: {  	v5 =	vperm.xlane v5, v4  }
0x58: {  	v7, v8, _ =	vpop (xrf1)  }
0x59: {  	v6 =	vperm.xlane v6, v4;
	vm1 =	vgt.f32 v5, v7  }
0x5a: {  	v5 =	vsel vm1, v5, v7  }
0x5b: {  	v6 =	vsel vm1, v6, v8  }
0x5c: {  	v7, v8, _ =	vpop (xrf1)  }
0x5d: {  	(xrf1) =	vsort.dscd.msk.f32 $0xffff, v5, v6;
	v5 =	vpop (erf)  }
0x5e: {  	v6, v9, _ =	vpop (xrf1)  }
0x5f: {  	v6 =	vperm.xlane v6, v4;
	v10, v11, _ =	vpop (xrf1)  }
0x60: {  	v9 =	vperm.xlane v9, v4;
	v12, v14, _ =	vpop (xrf1)  }
0x61: {  	v5 =	vnsel vm0, $0x0, v5;
	v10 =	vperm.xlane v10, v4;
	vm1 =	vgt.f32 v6, v12  }
0x62: {  	(xrf2) =	vadd.scan.msk.f32 $0xffff, v5;
	v11 =	vperm.xlane v11, v4;
	v15, v16, _ =	vpop (xrf1);
	v6 =	vsel vm1, v6, v12;
	v9 =	vsel vm1, v9, v14  }
0x63: {  	vm1 =	vgt.f32 v10, v15;
	(xrf1) =	vsort.dscd.msk.f32 $0xffff, v6, v9  }
0x64: {  	v6 =	vsel vm1, v10, v15;
	v9 =	vsel vm1, v11, v16  }
0x65: {  	(xrf1) =	vsort.dscd.msk.f32 $0xffff, v6, v9  }
0x66: {  	s24 =	simm.s32 $0x700  }
0x67: {  	v6 =	vld [tilespmem:s24+$0xFFFFFF10];
	_ =	sdelay $0x1  }
0x68: {  	v9 =	vld [tilespmem:s24+$0xFFFFFF00]  }
0x69: {  	v7 =	vperm.xlane v7, v4  }
0x6a: {  	v10, v11, _ =	vpop (xrf1)  }
0x6b: {  	v8 =	vperm.xlane v8, v4;
	(xrf1) =	vsort.dscd.msk.f32 $0xffff, v6, v1;
	v6, _, _ =	vpop (xrf2);
	vm1 =	vgt.f32 v7, v10  }
0x6c: {  	v6 =	vbroadcast v6, $0xF;
	v7 =	vsel vm1, v7, v10  }
0x6d: {  	(xrf1) =	vsort.dscd.msk.f32 $0xffff, v9, v0;
	v8 =	vsel vm1, v8, v11  }
0x6e: {  	(xrf1) =	vsort.dscd.msk.f32 $0xffff, v7, v8;
	(erf) = vrcp.f32 v6;
	_ =	sdelay $0x1  }
0x6f: {  	v6, v7, _ =	vpop (xrf1)  }
0x70: {  	v6 =	vperm.xlane v6, v4  }
0x71: {  	v8, v9, _ =	vpop (xrf1);
	v7 =	vperm.xlane v7, v4  }
0x72: {  	vm1 =	vgt.f32 v6, v8  }
0x73: {  	v7 =	vsel vm1, v7, v9  }
0x74: {  	v6 =	vsel vm1, v6, v8  }
0x75: {  	(xrf1) =	vsort.dscd.msk.f32 $0xffff, v6, v7;
	v6 =	vld [tilespmem:s24+$0xFFFFFF20]  }
0x76: {  	v8 =	vld [tilespmem:s24+$0xFFFFFF30];
	v7 =	vpop (erf)  }
0x77: {  	v5 =	vmul.f32 v7, v5;
	_ =	sdelay $0x1  }
0x78: {  	v7, v9, _ =	vpop (xrf1)  }
0x79: {  	s13 =	simm.s32 $0x2030;
	v10, v11, _ =	vpop (xrf1);
	(xrf1) =	vsort.dscd.msk.f32 $0xffff, v6, v2  }
0x7a: {  	[tilespmem:s13+$0xFFFFFFF0] =	vst.msk $0xff, v5;
	(xrf1) =	vsort.dscd.msk.f32 $0xffff, v8, v3;
	v5, v12, _ =	vpop (xrf1)  }
0x7b: {  	s14 =	simm.s32 $0x22B0;
	v6 =	vperm.xlane v10, v4;
	(xrf0) =	vmax.scan.msk.f32 $0xffff, v5  }
0x7c: {  	[tilespmem:s14+$0xFFFFFFF0] =	vst.msk $0xff, v13;
	v8 =	vperm.xlane v11, v4  }
0x7d: {  	v10 =	vld [tilespmem:s28+$0xFFFFFF80];
	vm1 =	vgt.f32 v6, v7  }
0x7e: {  	v11 =	vld [tilespmem:s28+$0xFFFFFFA0];
	v6 =	vsel vm1, v6, v7;
	v7 =	vsel vm1, v8, v9  }
0x7f: {  	v13 =	vld [tilespmem:s28+$0xFFFFFF90];
	_ =	sdelay $0x1  }
0x80: {  	(xrf1) =	vsort.dscd.msk.f32 $0xffff, v6, v7;
	v6 =	vld [tilespmem:s28+$0xFFFFFFB0];
	v7, _, _ =	vpop (xrf0)  }
0x81: {  	(xrf1) =	vsort.dscd.msk.f32 $0xffff, v10, v0;
	v7 =	vbroadcast v7, $0xF  }
0x82: {  	(xrf1) =	vsort.dscd.msk.f32 $0xffff, v11, v2  }
0x83: {  	v8, v9, _ =	vpop (xrf1);
	(xrf1) =	vsort.dscd.msk.f32 $0xffff, v13, v1;
	v5 =	vsub.f32 v5, v7  }
0x84: {  	(xrf0) =	vmax.scan.msk.f32 $0xffff, v8  }
0x85: {  	(xrf1) =	vsort.dscd.msk.f32 $0xffff, v6, v3;
	v5 =	vmul.f32 $1.442695020e+00, v5  }
0x86: {  	v6, v7, _ =	vpop (xrf1)  }
0x87: {  	(erf) = vpow2.f32 v5;
	v5 =	vperm.xlane v6, v4  }
0x88: {  	v7 =	vperm.xlane v7, v4;
	v10, v11, _ =	vpop (xrf1)  }
0x89: {  	vm1 =	vgt.f32 v5, v10  }
0x8a: {  	v6, _, _ =	vpop (xrf0);
	v7 =	vsel vm1, v7, v11  }
0x8b: {  	v6 =	vbroadcast v6, $0xF;
	v5 =	vsel vm1, v5, v10  }
0x8c: {  	(xrf1) =	vsort.dscd.msk.f32 $0xffff, v5, v7  }
0x8d: {  	v6 =	vsub.f32 v8, v6  }
0x8e: {  	v5, v7, _ =	vpop (xrf1)  }
0x8f: {  	v6 =	vmul.f32 $1.442695020e+00, v6;
	v8, v10, _ =	vpop (xrf1)  }
0x90: {  	v8 =	vperm.xlane v8, v4;
	v11, v13, _ =	vpop (xrf1)  }
0x91: {  	(erf) = vpow2.f32 v6;
	v6 =	vperm.xlane v10, v4;
	v10, v14, _ =	vpop (xrf1)  }
0x92: {  	v15 =	vpop (erf);
	v11 =	vperm.xlane v11, v4;
	vm1 =	vgt.f32 v8, v10  }
0x93: {  	v16, v17, _ =	vpop (xrf1);
	v8 =	vsel vm1, v8, v10;
	v6 =	vsel vm1, v6, v14;
	v10 =	vperm.xlane v13, v4  }
0x94: {  	s21 =	simm.s32 $0x900;
	v13 =	vnsel vm0, $0x0, v15;
	vm1 =	vgt.f32 v11, v16;
	(xrf1) =	vsort.dscd.msk.f32 $0xffff, v8, v6  }
0x95: {  	(xrf2) =	vadd.scan.msk.f32 $0xffff, v13;
	v8 =	vsel vm1, v10, v17;
	v10 =	vld [tilespmem:s21+$0xFFFFFF10];
	_ =	sdelay $0x1  }
0x96: {  	v6 =	vsel vm1, v11, v16  }
0x97: {  	(xrf1) =	vsort.dscd.msk.f32 $0xffff, v6, v8  }
0x98: {  	v5 =	vperm.xlane v5, v4;
	v6 =	vld [tilespmem:s21+$0xFFFFFF00]  }
0x99: {  	(xrf1) =	vsort.dscd.msk.f32 $0xffff, v10, v1;
	v10, v11, _ =	vpop (xrf1)  }
0x9a: {  	v8 =	vpop (erf);
	vm1 =	vgt.f32 v5, v10  }
0x9b: {  	v7 =	vperm.xlane v7, v4;
	v8 =	vnsel vm0, $0x0, v8;
	v5 =	vsel vm1, v5, v10  }
0x9c: {  	(xrf2) =	vadd.scan.msk.f32 $0xffff, v8  }
0x9d: {  	(xrf1) =	vsort.dscd.msk.f32 $0xffff, v6, v0;
	v7 =	vsel vm1, v7, v11  }
0x9e: {  	(xrf1) =	vsort.dscd.msk.f32 $0xffff, v5, v7;
	v5, _, _ =	vpop (xrf2)  }
0x9f: {  	v5 =	vbroadcast v5, $0xF;
	_ =	sdelay $0x2  }
0xa0: {  	(erf) = vrcp.f32 v5  }
0xa1: {  	v5, v6, _ =	vpop (xrf1)  }
0xa2: {  	v5 =	vperm.xlane v5, v4  }
0xa3: {  	v7 =	vld [tilespmem:s21+$0xFFFFFF20];
	v10, v11, _ =	vpop (xrf1);
	v6 =	vperm.xlane v6, v4  }
0xa4: {  	vm1 =	vgt.f32 v5, v10  }
0xa5: {  	v14 =	vld [tilespmem:s21+$0xFFFFFF30];
	v15, _, _ =	vpop (xrf2);
	v5 =	vsel vm1, v5, v10;
	v6 =	vsel vm1, v6, v11  }
0xa6: {  	(xrf1) =	vsort.dscd.msk.f32 $0xffff, v5, v6;
	v5 =	vbroadcast v15, $0xF;
	_ =	sdelay $0x1  }
0xa7: {  	(xrf1) =	vsort.dscd.msk.f32 $0xffff, v7, v2;
	(erf) = vrcp.f32 v5  }
0xa8: {  	v7 =	vpop (erf)  }
0xa9: {  	(xrf1) =	vsort.dscd.msk.f32 $0xffff, v14, v3;
	v5, v6, _ =	vpop (xrf1)  }
0xaa: {  	v13 =	vmul.f32 v7, v13;
	v10, v11, _ =	vpop (xrf1)  }
0xab: {  	s15 =	simm.s32 $0x2050;
	v14, v7, _ =	vpop (xrf1)  }
0xac: {  	s16 =	simm.s32 $0x22D0;
	[tilespmem:s15+$0xFFFFFFF0] =	vst.msk $0xff, v13;
	v10 =	vperm.xlane v10, v4;
	(xrf0) =	vmax.scan.msk.f32 $0xffff, v14  }
0xad: {  	[tilespmem:s16+$0xFFFFFFF0] =	vst.msk $0xff, v12  }
0xae: {  	v11 =	vperm.xlane v11, v4;
	v12 =	vld [tilespmem:s25+$0xFFFFFF80];
	vm1 =	vgt.f32 v10, v5  }
0xaf: {  	v5 =	vsel vm1, v10, v5  }
0xb0: {  	v15 =	vpop (erf)  }
0xb1: {  	v13 =	vld [tilespmem:s25+$0xFFFFFFA0];
	v6 =	vsel vm1, v11, v6;
	v8 =	vmul.f32 v15, v8  }
0xb2: {  	v10 =	vld [tilespmem:s25+$0xFFFFFF90];
	(xrf1) =	vsort.dscd.msk.f32 $0xffff, v5, v6;
	v11, _, _ =	vpop (xrf0)  }
0xb3: {  	(xrf1) =	vsort.dscd.msk.f32 $0xffff, v12, v0;
	v12, v5, _ =	vpop (xrf1);
	[tilespmem:s11+$0xFFFFFFF8] =	vst.msk $0xff, v8  }
0xb4: {  	v6 =	vld [tilespmem:s25+$0xFFFFFFB0];
	(xrf0) =	vmax.scan.msk.f32 $0xffff, v12;
	[tilespmem:s12+$0xFFFFFFF8] =	vst.msk $0xff, v9;
	v9 =	vbroadcast v11, $0xF  }
0xb5: {  	v8, v15, _ =	vpop (xrf1)  }
0xb6: {  	(xrf1) =	vsort.dscd.msk.f32 $0xffff, v13, v2;
	v8 =	vperm.xlane v8, v4;
	v9 =	vsub.f32 v14, v9  }
0xb7: {  	(xrf1) =	vsort.dscd.msk.f32 $0xffff, v10, v1;
	v11 =	vld [tilespmem:s26+$0x20];
	v13 =	vperm.xlane v15, v4;
	v15, v16, _ =	vpop (xrf1)  }
0xb8: {  	v10 =	vld [tilespmem:s26+$0x0];
	vm1 =	vgt.f32 v8, v15  }
0xb9: {  	(xrf1) =	vsort.dscd.msk.f32 $0xffff, v6, v3;
	v6 =	vsel vm1, v8, v15;
	v8 =	vsel vm1, v13, v16;
	v13 =	vld [tilespmem:s26+$0x30]  }
0xba: {  	(xrf1) =	vsort.dscd.msk.f32 $0xffff, v6, v8;
	v6 =	vld [tilespmem:s26+$0x10];
	v8 =	vmul.f32 $1.442695020e+00, v9;
	v9, _, _ =	vpop (xrf0)  }
0xbb: {  	v9 =	vbroadcast v9, $0xF  }
0xbc: {  	(xrf1) =	vsort.dscd.msk.f32 $0xffff, v11, v2  }
0xbd: {  	(xrf1) =	vsort.dscd.msk.f32 $0xffff, v10, v0;
	(erf) = vpow2.f32 v8;
	v8 =	vsub.f32 v12, v9  }
0xbe: {  	(xrf1) =	vsort.dscd.msk.f32 $0xffff, v13, v3  }
0xbf: {  	(xrf1) =	vsort.dscd.msk.f32 $0xffff, v6, v1;
	v6 =	vmul.f32 $1.442695020e+00, v8;
	_ =	sdelay $0x2  }
0xc0: {  	v8, v9, _ =	vpop (xrf1)  }
0xc1: {  	(erf) = vpow2.f32 v6;
	v6, v10, _ =	vpop (xrf1)  }
0xc2: {  	v6 =	vperm.xlane v6, v4;
	v11, v12, _ =	vpop (xrf1)  }
0xc3: {  	v10 =	vperm.xlane v10, v4;
	v13, v14, _ =	vpop (xrf1)  }
0xc4: {  	v15 =	vpop (erf);
	v11 =	vperm.xlane v11, v4;
	vm1 =	vgt.f32 v6, v13  }
0xc5: {  	v12 =	vperm.xlane v12, v4;
	v17, v18, _ =	vpop (xrf1);
	v6 =	vsel vm1, v6, v13;
	v10 =	vsel vm1, v10, v14  }
0xc6: {  	s22 =	simm.s32 $0xB00;
	v14 =	vnsel vm0, $0x0, v15;
	vm1 =	vgt.f32 v11, v17;
	(xrf1) =	vsort.dscd.msk.f32 $0xffff, v6, v10  }
0xc7: {  	v16 =	vld [tilespmem:s22+$0xFFFFFF10];
	(xrf2) =	vadd.scan.msk.f32 $0xffff, v14;
	v10 =	vsel vm1, v12, v18  }
0xc8: {  	v13 =	vld [tilespmem:s22+$0xFFFFFF00];
	v6 =	vperm.xlane v9, v4;
	v9 =	vsel vm1, v11, v17  }
0xc9: {  	v8 =	vperm.xlane v8, v4;
	v15, v19, _ =	vpop (xrf1)  }
0xca: {  	(xrf1) =	vsort.dscd.msk.f32 $0xffff, v9, v10;
	v11, v12, _ =	vpop (xrf1)  }
0xcb: {  	vm1 =	vgt.f32 v8, v15;
	v11 =	vperm.xlane v11, v4;
	v9, v10, _ =	vpop (xrf1)  }
0xcc: {  	v8 =	vsel vm1, v8, v15;
	(xrf1) =	vsort.dscd.msk.f32 $0xffff, v16, v1;
	v6 =	vsel vm1, v6, v19;
	v16, v17, _ =	vpop (xrf1)  }
0xcd: {  	v15 =	vpop (erf);
	v12 =	vperm.xlane v12, v4;
	(xrf1) =	vsort.dscd.msk.f32 $0xffff, v13, v0;
	vm1 =	vgt.f32 v11, v16  }
0xce: {  	v13 =	vnsel vm0, $0x0, v15;
	v9 =	vperm.xlane v9, v4;
	(xrf1) =	vsort.dscd.msk.f32 $0xffff, v8, v6;
	v6 =	vsel vm1, v11, v16  }
0xcf: {  	v10 =	vperm.xlane v10, v4;
	(xrf2) =	vadd.scan.msk.f32 $0xffff, v13;
	v15, v18, _ =	vpop (xrf1)  }
0xd0: {  	vm2 =	vgt.f32 v9, v15;
	v8 =	vsel vm1, v12, v17  }
0xd1: {  	v9 =	vsel vm2, v9, v15;
	v10 =	vsel vm2, v10, v18;
	(xrf1) =	vsort.dscd.msk.f32 $0xffff, v6, v8;
	v6, _, _ =	vpop (xrf2)  }
0xd2: {  	(xrf1) =	vsort.dscd.msk.f32 $0xffff, v9, v10;
	v6 =	vbroadcast v6, $0xF;
	_ =	sdelay $0x3  }
0xd3: {  	(erf) = vrcp.f32 v6;
	v6, v8, _ =	vpop (xrf1)  }
0xd4: {  	v6 =	vperm.xlane v6, v4  }
0xd5: {  	v10, v11, _ =	vpop (xrf1);
	v8 =	vperm.xlane v8, v4  }
0xd6: {  	v12, _, _ =	vpop (xrf2);
	vm1 =	vgt.f32 v6, v10  }
0xd7: {  	v9 =	vld [tilespmem:s22+$0xFFFFFF20];
	v16, v17, _ =	vpop (xrf1);
	v6 =	vsel vm1, v6, v10;
	v8 =	vsel vm1, v8, v11  }
0xd8: {  	v15 =	vld [tilespmem:s22+$0xFFFFFF30];
	v10, v11, _ =	vpop (xrf1);
	(xrf1) =	vsort.dscd.msk.f32 $0xffff, v6, v8;
	v8 =	vbroadcast v12, $0xF;
	_ =	sdelay $0x2  }
0xd9: {  	v12, v6, _ =	vpop (xrf1)  }
0xda: {  	(erf) = vrcp.f32 v8;
	(xrf1) =	vsort.dscd.msk.f32 $0xffff, v9, v2;
	v8, v9, _ =	vpop (xrf1)  }
0xdb: {  	(xrf1) =	vsort.dscd.msk.f32 $0xffff, v15, v3;
	v15, v18, _ =	vpop (xrf1)  }
0xdc: {  	v19 =	vpop (erf);
	(xrf0) =	vmax.scan.msk.f32 $0xffff, v12;
	v15 =	vperm.xlane v15, v4  }
0xdd: {  	v14 =	vmul.f32 v19, v14;
	v18 =	vperm.xlane v18, v4  }
0xde: {  	s18 =	simm.s32 $0x2070;
	vm1 =	vgt.f32 v15, v8  }
0xdf: {  	s17 =	simm.s32 $0x22F0;
	v10 =	vperm.xlane v10, v4;
	[tilespmem:s18+$0xFFFFFFF0] =	vst.msk $0xff, v14;
	v9 =	vsel vm1, v18, v9  }
0xe0: {  	[tilespmem:s17+$0xFFFFFFF0] =	vst.msk $0xff, v7;
	v7 =	vperm.xlane v11, v4  }
0xe1: {  	v8 =	vsel vm1, v15, v8;
	vm1 =	vgt.f32 v10, v16  }
0xe2: {  	(xrf1) =	vsort.dscd.msk.f32 $0xffff, v8, v9;
	v8 =	vld [tilespmem:s24+$0xFFFFFF80];
	v10 =	vsel vm1, v10, v16;
	v7 =	vsel vm1, v7, v17;
	v9, _, _ =	vpop (xrf0)  }
0xe3: {  	v11 =	vld [tilespmem:s24+$0xFFFFFFA0];
	v14 =	vpop (erf);
	(xrf1) =	vsort.dscd.msk.f32 $0xffff, v10, v7;
	v7 =	vbroadcast v9, $0xF  }
0xe4: {  	v10 =	vmul.f32 v14, v13;
	v9 =	vld [tilespmem:s24+$0xFFFFFF90];
	_ =	sdelay $0x2  }
0xe5: {  	v13 =	vld [tilespmem:s24+$0xFFFFFFB0];
	v12 =	vsub.f32 v12, v7;
	(xrf1) =	vsort.dscd.msk.f32 $0xffff, v8, v0  }
0xe6: {  	(xrf1) =	vsort.dscd.msk.f32 $0xffff, v11, v2;
	v14, v7, _ =	vpop (xrf1)  }
0xe7: {  	[tilespmem:s13+$0xFFFFFFF8] =	vst.msk $0xff, v10;
	(xrf1) =	vsort.dscd.msk.f32 $0xffff, v9, v1;
	v8, v10, _ =	vpop (xrf1)  }
0xe8: {  	[tilespmem:s14+$0xFFFFFFF8] =	vst.msk $0xff, v5;
	(xrf0) =	vmax.scan.msk.f32 $0xffff, v14;
	v5 =	vperm.xlane v8, v4  }
0xe9: {  	v11 =	vld [tilespmem:s28+$0x20];
	v8 =	vmul.f32 $1.442695020e+00, v12;
	v10 =	vperm.xlane v10, v4;
	v12, v15, _ =	vpop (xrf1)  }
0xea: {  	v9 =	vld [tilespmem:s28+$0x0];
	(xrf1) =	vsort.dscd.msk.f32 $0xffff, v13, v3;
	vm1 =	vgt.f32 v5, v12  }
0xeb: {  	(erf) = vpow2.f32 v8;
	v8 =	vsel vm1, v10, v15;
	v10 =	vld [tilespmem:s28+$0x30]  }
0xec: {  	v5 =	vsel vm1, v5, v12  }
0xed: {  	(xrf1) =	vsort.dscd.msk.f32 $0xffff, v5, v8;
	v5 =	vld [tilespmem:s28+$0x10]  }
0xee: {  	(xrf1) =	vsort.dscd.msk.f32 $0xffff, v11, v2;
	v8, _, _ =	vpop (xrf0)  }
0xef: {  	(xrf1) =	vsort.dscd.msk.f32 $0xffff, v9, v0;
	v11 =	vbroadcast v8, $0xF  }
0xf0: {  	v9, v8, _ =	vpop (xrf1);
	(xrf1) =	vsort.dscd.msk.f32 $0xffff, v10, v3  }
0xf1: {  	(xrf0) =	vmax.scan.msk.f32 $0xffff, v9;
	v11 =	vsub.f32 v14, v11  }
0xf2: {  	(xrf1) =	vsort.dscd.msk.f32 $0xffff, v5, v1;
	v5, v10, _ =	vpop (xrf1)  }
0xf3: {  	v13, v14, _ =	vpop (xrf1);
	v11 =	vmul.f32 $1.442695020e+00, v11  }
0xf4: {  	v12 =	vpop (erf)  }
0xf5: {  	v15, v16, _ =	vpop (xrf1)  }
0xf6: {  	v13 =	vperm.xlane v13, v4;
	v14 =	vperm.xlane v14, v4;
	v17, v18, _ =	vpop (xrf1)  }
0xf7: {  	v12 =	vnsel vm0, $0x0, v12;
	v15 =	vperm.xlane v15, v4;
	(erf) = vpow2.f32 v11;
	v11, _, _ =	vpop (xrf0)  }
0xf8: {  	v16 =	vperm.xlane v16, v4;
	vm1 =	vgt.f32 v13, v17;
	v19, v20, _ =	vpop (xrf1);
	v11 =	vbroadcast v11, $0xF  }
0xf9: {  	s23 =	simm.s32 $0xD00;
	(xrf2) =	vadd.scan.msk.f32 $0xffff, v12;
	v13 =	vsel vm1, v13, v17;
	v14 =	vsel vm1, v14, v18;
	vm1 =	vgt.f32 v15, v19  }
0xfa: {  	(xrf1) =	vsort.dscd.msk.f32 $0xffff, v13, v14;
	v14 =	vsel vm1, v16, v20;
	v9 =	vsub.f32 v9, v11;
	v11 =	vld [tilespmem:s23+$0xFFFFFF10]  }
0xfb: {  	v17 =	vld [tilespmem:s23+$0xFFFFFF00];
	v13 =	vsel vm1, v15, v19  }
0xfc: {  	v5 =	vperm.xlane v5, v4;
	v18, v21, _ =	vpop (xrf1)  }
0xfd: {  	(xrf1) =	vsort.dscd.msk.f32 $0xffff, v13, v14;
	v15, v16, _ =	vpop (xrf1);
	v9 =	vmul.f32 $1.442695020e+00, v9  }
0xfe: {  	v10 =	vperm.xlane v10, v4;
	vm1 =	vgt.f32 v5, v18;
	v13, v14, _ =	vpop (xrf1);
	v15 =	vperm.xlane v15, v4  }
0xff: {  	v5 =	vsel vm1, v5, v18;
	(erf) = vpow2.f32 v9;
	(xrf1) =	vsort.dscd.msk.f32 $0xffff, v11, v1;
	v11 =	vperm.xlane v13, v4;
	v13, v18, _ =	vpop (xrf1)  }
0x100: {  	v10 =	vsel vm1, v10, v21;
	(xrf1) =	vsort.dscd.msk.f32 $0xffff, v17, v0;
	vm1 =	vgt.f32 v15, v13  }
0x101: {  	v16 =	vperm.xlane v16, v4;
	v9 =	vpop (erf);
	(xrf1) =	vsort.dscd.msk.f32 $0xffff, v5, v10;
	v5 =	vsel vm1, v15, v13  }
0x102: {  	v14 =	vperm.xlane v14, v4;
	v17, v19, _ =	vpop (xrf1);
	v9 =	vnsel vm0, $0x0, v9  }
0x103: {  	vm2 =	vgt.f32 v11, v17;
	v10 =	vsel vm1, v16, v18;
	(xrf2) =	vadd.scan.msk.f32 $0xffff, v9  }
0x104: {  	v11 =	vsel vm2, v11, v17;
	v13 =	vsel vm2, v14, v19;
	(xrf1) =	vsort.dscd.msk.f32 $0xffff, v5, v10;
	v5, _, _ =	vpop (xrf2)  }
0x105: {  	(xrf1) =	vsort.dscd.msk.f32 $0xffff, v11, v13;
	v5 =	vbroadcast v5, $0xF;
	_ =	sdelay $0x2  }
0x106: {  	v10 =	vpop (erf);
	(erf) = vrcp.f32 v5  }
0x107: {  	v5, v11, _ =	vpop (xrf1)  }
0x108: {  	v10 =	vnsel vm0, $0x0, v10;
	v5 =	vperm.xlane v5, v4  }
0x109: {  	(xrf2) =	vadd.scan.msk.f32 $0xffff, v10;
	v14, v15, _ =	vpop (xrf1);
	v11 =	vperm.xlane v11, v4  }
0x10a: {  	v13 =	vld [tilespmem:s23+$0xFFFFFF20];
	vm1 =	vgt.f32 v5, v14  }
0x10b: {  	v16, _, _ =	vpop (xrf2);
	v14 =	vsel vm1, v5, v14;
	v11 =	vsel vm1, v11, v15  }
0x10c: {  	v17 =	vld [tilespmem:s23+$0xFFFFFF30];
	v18, v19, _ =	vpop (xrf1);
	(xrf1) =	vsort.dscd.msk.f32 $0xffff, v14, v11;
	v11 =	vbroadcast v16, $0xF  }
0x10d: {  	v20, v21, _ =	vpop (xrf1)  }
0x10e: {  	v15, v5, _ =	vpop (xrf1)  }
0x10f: {  	(xrf1) =	vsort.dscd.msk.f32 $0xffff, v13, v2;
	v13 =	vpop (erf)  }
0x110: {  	(erf) = vrcp.f32 v11;
	v11, v14, _ =	vpop (xrf1)  }
0x111: {  	(xrf1) =	vsort.dscd.msk.f32 $0xffff, v17, v3;
	v16, v17, _ =	vpop (xrf1)  }
0x112: {  	(xrf0) =	vmax.scan.msk.f32 $0xffff, v15;
	v12 =	vmul.f32 v13, v12;
	v13 =	vperm.xlane v16, v4  }
0x113: {  	v16, _, _ =	vpop (xrf2);
	v17 =	vperm.xlane v17, v4  }
0x114: {  	s19 =	simm.s32 $0x2090;
	v16 =	vbroadcast v16, $0xF;
	vm1 =	vgt.f32 v13, v11  }
0x115: {  	s20 =	simm.s32 $0x2310;
	[tilespmem:s19+$0xFFFFFFF0] =	vst.msk $0xff, v12;
	v11 =	vsel vm1, v13, v11;
	v12 =	vsel vm1, v17, v14;
	v13 =	vperm.xlane v20, v4  }
0x116: {  	[tilespmem:s20+$0xFFFFFFF0] =	vst.msk $0xff, v6;
	v6 =	vperm.xlane v21, v4  }
0x117: {  	(erf) = vrcp.f32 v16;
	vm1 =	vgt.f32 v13, v18  }
0x118: {  	(xrf1) =	vsort.dscd.msk.f32 $0xffff, v11, v12;
	v11 =	vld [tilespmem:s21+$0xFFFFFF80];
	v12, _, _ =	vpop (xrf0);
	v13 =	vsel vm1, v13, v18;
	v6 =	vsel vm1, v6, v19  }
0x119: {  	v14 =	vld [tilespmem:s21+$0xFFFFFFA0];
	(xrf1) =	vsort.dscd.msk.f32 $0xffff, v13, v6;
	v6 =	vbroadcast v12, $0xF  }
0x11a: {  	v16 =	vpop (erf)  }
0x11b: {  	v9 =	vmul.f32 v16, v9  }
0x11c: {  	v12 =	vld [tilespmem:s21+$0xFFFFFF90];
	v15 =	vsub.f32 v15, v6  }
0x11d: {  	(xrf1) =	vsort.dscd.msk.f32 $0xffff, v11, v0  }
0x11e: {  	v13 =	vld [tilespmem:s21+$0xFFFFFFB0];
	(xrf1) =	vsort.dscd.msk.f32 $0xffff, v14, v2;
	v11, v6, _ =	vpop (xrf1)  }
0x11f: {  	[tilespmem:s15+$0xFFFFFFF8] =	vst.msk $0xff, v9;
	v9, v16, _ =	vpop (xrf1);
	(xrf0) =	vmax.scan.msk.f32 $0xffff, v11  }
0x120: {  	[tilespmem:s16+$0xFFFFFFF8] =	vst.msk $0xff, v7;
	v7 =	vperm.xlane v9, v4;
	v9 =	vmul.f32 $1.442695020e+00, v15;
	v15 =	vpop (erf)  }
0x121: {  	v14 =	vld [tilespmem:s25+$0x20];
	(xrf1) =	vsort.dscd.msk.f32 $0xffff, v12, v1;
	v16 =	vperm.xlane v16, v4;
	v17, v18, _ =	vpop (xrf1)  }
0x122: {  	v12 =	vld [tilespmem:s25+$0x0];
	v10 =	vmul.f32 v15, v10;
	vm1 =	vgt.f32 v7, v17  }
0x123: {  	(xrf1) =	vsort.dscd.msk.f32 $0xffff, v13, v3;
	(erf) = vpow2.f32 v9;
	v9 =	vsel vm1, v16, v18  }
0x124: {  	v13 =	vld [tilespmem:s25+$0x30];
	v7 =	vsel vm1, v7, v17;
	[tilespmem:s11+$0x0] =	vst.msk $0xff, v10  }
0x125: {  	(xrf1) =	vsort.dscd.msk.f32 $0xffff, v7, v9;
	v7 =	vld [tilespmem:s25+$0x10];
	[tilespmem:s12+$0x0] =	vst.msk $0xff, v8;
	v8, _, _ =	vpop (xrf0)  }
0x126: {  	(xrf1) =	vsort.dscd.msk.f32 $0xffff, v14, v2;
	v8 =	vbroadcast v8, $0xF  }
0x127: {  	v10 =	vld [tilespmem:s26+$0x80];
	(xrf1) =	vsort.dscd.msk.f32 $0xffff, v12, v0;
	v12, v9, _ =	vpop (xrf1)  }
0x128: {  	v14 =	vld [tilespmem:s26+$0x90];
	(xrf0) =	vmax.scan.msk.f32 $0xffff, v12;
	v8 =	vsub.f32 v11, v8  }
0x129: {  	(xrf1) =	vsort.dscd.msk.f32 $0xffff, v13, v3  }
0x12a: {  	v11 =	vld [tilespmem:s26+$0xA0];
	(xrf1) =	vsort.dscd.msk.f32 $0xffff, v7, v1;
	v7 =	vmul.f32 $1.442695020e+00, v8  }
0x12b: {  	v13, v15, _ =	vpop (xrf1)  }
0x12c: {  	v16, v17, _ =	vpop (xrf1);
	(xrf1) =	vsort.dscd.msk.f32 $0xffff, v10, v0;
	v10 =	vld [tilespmem:s26+$0xB0]  }
0x12d: {  	(xrf1) =	vsort.dscd.msk.f32 $0xffff, v14, v1;
	v14 =	vperm.xlane v16, v4;
	v16, v18, _ =	vpop (xrf1)  }
0x12e: {  	(erf) = vpow2.f32 v7;
	v7, _, _ =	vpop (xrf0)  }
0x12f: {  	(xrf1) =	vsort.dscd.msk.f32 $0xffff, v11, v2;
	v11 =	vperm.xlane v17, v4;
	v17, v19, _ =	vpop (xrf1);
	v7 =	vbroadcast v7, $0xF  }
0x130: {  	v8 =	vpop (erf);
	v16 =	vperm.xlane v16, v4;
	vm1 =	vgt.f32 v14, v17  }
0x131: {  	v8 =	vnsel vm0, $0x0, v8;
	(xrf1) =	vsort.dscd.msk.f32 $0xffff, v10, v3;
	v10 =	vperm.xlane v13, v4;
	v7 =	vsub.f32 v12, v7;
	v12, v13, _ =	vpop (xrf1)  }
0x132: {  	s26 =	simm.s32 $0xF00;
	v14 =	vsel vm1, v14, v17;
	v11 =	vsel vm1, v11, v19;
	vm1 =	vgt.f32 v16, v12  }
0x133: {  	v20 =	vld [tilespmem:s26+$0xFFFFFF10];
	v17 =	vperm.xlane v18, v4;
	v7 =	vmul.f32 $1.442695020e+00, v7;
	v12 =	vsel vm1, v16, v12  }
0x134: {  	(xrf2) =	vadd.scan.msk.f32 $0xffff, v8;
	v18 =	vld [tilespmem:s26+$0xFFFFFF00]  }
0x135: {  	(xrf1) =	vsort.dscd.msk.f32 $0xffff, v14, v11;
	v19, v21, _ =	vpop (xrf1)  }
0x136: {  	v11 =	vperm.xlane v15, v4;
	v13 =	vsel vm1, v17, v13;
	v14, v15, _ =	vpop (xrf1);
	vm1 =	vgt.f32 v10, v19  }
0x137: {  	(xrf1) =	vsort.dscd.msk.f32 $0xffff, v12, v13;
	v10 =	vsel vm1, v10, v19;
	(erf) = vpow2.f32 v7;
	v7, v12, _ =	vpop (xrf1)  }
0x138: {  	v14 =	vperm.xlane v14, v4;
	(xrf1) =	vsort.dscd.msk.f32 $0xffff, v20, v1;
	v7 =	vperm.xlane v7, v4;
	v16, v17, _ =	vpop (xrf1)  }
0x139: {  	v11 =	vsel vm1, v11, v21;
	(xrf1) =	vsort.dscd.msk.f32 $0xffff, v18, v0;
	v12 =	vperm.xlane v12, v4;
	v18, v19, _ =	vpop (xrf1)  }
0x13a: {  	v15 =	vperm.xlane v15, v4;
	vm2 =	vgt.f32 v7, v18  }
0x13b: {  	vm1 =	vgt.f32 v14, v16;
	v12 =	vsel vm2, v12, v19  }
0x13c: {  	v13 =	vpop (erf);
	v15 =	vsel vm1, v15, v17;
	v7 =	vsel vm2, v7, v18  }
0x13d: {  	(xrf1) =	vsort.dscd.msk.f32 $0xffff, v10, v11;
	v10, v11, _ =	vpop (xrf1);
	v14 =	vsel vm1, v14, v16  }
0x13e: {  	v16, _, _ =	vpop (xrf2);
	(xrf1) =	vsort.dscd.msk.f32 $0xffff, v14, v15  }
0x13f: {  	v13 =	vnsel vm0, $0x0, v13;
	(xrf1) =	vsort.dscd.msk.f32 $0xffff, v7, v12;
	v7, v12, _ =	vpop (xrf1)  }
0x140: {  	(xrf2) =	vadd.scan.msk.f32 $0xffff, v13;
	v16 =	vbroadcast v16, $0xF;
	v14, v15, _ =	vpop (xrf1)  }
0x141: {  	v10 =	vperm.xlane v10, v4;
	v14 =	vperm.xlane v14, v4  }
0x142: {  	v11 =	vperm.xlane v11, v4;
	(erf) = vrcp.f32 v16  }
0x143: {  	v17 =	vpop (erf);
	vm1 =	vgt.f32 v10, v7  }
0x144: {  	v7 =	vsel vm1, v10, v7;
	v10 =	vsel vm1, v11, v12;
	v11 =	vperm.xlane v15, v4;
	v12, v15, _ =	vpop (xrf1)  }
0x145: {  	(xrf1) =	vsort.dscd.msk.f32 $0xffff, v7, v10;
	v10 =	vnsel vm0, $0x0, v17;
	vm1 =	vgt.f32 v14, v12  }
0x146: {  	(xrf2) =	vadd.scan.msk.f32 $0xffff, v10;
	v7 =	vsel vm1, v14, v12;
	v11 =	vsel vm1, v11, v15;
	v12, v14, _ =	vpop (xrf1)  }
0x147: {  	(xrf1) =	vsort.dscd.msk.f32 $0xffff, v7, v11;
	v7 =	vperm.xlane v12, v4  }
0x148: {  	v12, v15, _ =	vpop (xrf1)  }
0x149: {  	v14 =	vperm.xlane v14, v4;
	vm1 =	vgt.f32 v7, v12  }
0x14a: {  	v16, _, _ =	vpop (xrf2);
	v11 =	vld [tilespmem:s26+$0xFFFFFF20];
	v7 =	vsel vm1, v7, v12  }
0x14b: {  	v22 =	vpop (erf);
	v12 =	vsel vm1, v14, v15  }
0x14c: {  	v17 =	vld [tilespmem:s26+$0xFFFFFF30];
	v16 =	vbroadcast v16, $0xF;
	v18, v19, _ =	vpop (xrf1)  }
0x14d: {  	v14, v15, _ =	vpop (xrf1)  }
0x14e: {  	(xrf1) =	vsort.dscd.msk.f32 $0xffff, v7, v12;
	v12, v7, _ =	vpop (xrf1)  }
0x14f: {  	(xrf1) =	vsort.dscd.msk.f32 $0xffff, v11, v2;
	v11, v20, _ =	vpop (xrf1)  }
0x150: {  	(erf) = vrcp.f32 v16;
	v16, v21, _ =	vpop (xrf1)  }
0x151: {  	v8 =	vmul.f32 v22, v8;
	(xrf1) =	vsort.dscd.msk.f32 $0xffff, v17, v3;
	v17, _, _ =	vpop (xrf2)  }
0x152: {  	v16 =	vperm.xlane v16, v4;
	v17 =	vbroadcast v17, $0xF  }
0x153: {  	v14 =	vperm.xlane v14, v4;
	v21 =	vperm.xlane v21, v4  }
0x154: {  	s0 =	simm.s32 $0x20B0;
	v15 =	vperm.xlane v15, v4;
	(xrf0) =	vmax.scan.msk.f32 $0xffff, v12;
	vm1 =	vgt.f32 v16, v11  }
0x155: {  	s31 =	simm.s32 $0x2330;
	[tilespmem:s0+$0xFFFFFFF0] =	vst.msk $0xff, v8;
	v22, v23, _ =	vpop (xrf1);
	v8 =	vsel vm1, v16, v11;
	v11 =	vsel vm1, v21, v20;
	vm1 =	vgt.f32 v14, v18  }
0x156: {  	[tilespmem:s31+$0xFFFFFFF0] =	vst.msk $0xff, v5;
	v5 =	vperm.xlane v22, v4;
	(erf) = vrcp.f32 v17;
	v15 =	vsel vm1, v15, v19  }
0x157: {  	(xrf1) =	vsort.dscd.msk.f32 $0xffff, v8, v11;
	v11 =	vperm.xlane v23, v4;
	v16, v17, _ =	vpop (xrf1)  }
0x158: {  	v8 =	vld [tilespmem:s22+$0xFFFFFF80];
	v14 =	vsel vm1, v14, v18;
	vm1 =	vgt.f32 v5, v16  }
0x159: {  	(xrf1) =	vsort.dscd.msk.f32 $0xffff, v14, v15;
	v5 =	vsel vm1, v5, v16;
	v11 =	vsel vm1, v11, v17;
	v15 =	vpop (erf)  }
0x15a: {  	v18, _, _ =	vpop (xrf0);
	v14 =	vld [tilespmem:s22+$0xFFFFFFA0];
	(xrf1) =	vsort.dscd.msk.f32 $0xffff, v5, v11;
	v5 =	vmul.f32 v15, v13  }
0x15b: {  	v16 =	vbroadcast v18, $0xF;
	v17 =	vld [tilespmem:s22+$0xFFFFFF90];
	_ =	sdelay $0x1  }
0x15c: {  	v11 =	vld [tilespmem:s22+$0xFFFFFFB0];
	v12 =	vsub.f32 v12, v16;
	(xrf1) =	vsort.dscd.msk.f32 $0xffff, v8, v0;
	v13, v8, _ =	vpop (xrf1)  }
0x15d: {  	[tilespmem:s18+$0xFFFFFFF8] =	vst.msk $0xff, v5;
	(xrf0) =	vmax.scan.msk.f32 $0xffff, v13;
	v5, v15, _ =	vpop (xrf1)  }
0x15e: {  	(xrf1) =	vsort.dscd.msk.f32 $0xffff, v14, v2;
	[tilespmem:s17+$0xFFFFFFF8] =	vst.msk $0xff, v6;
	v6 =	vmul.f32 $1.442695020e+00, v12;
	v14 =	vpop (erf);
	v5 =	vperm.xlane v5, v4  }
0x15f: {  	v12 =	vld [tilespmem:s24+$0x20];
	(xrf1) =	vsort.dscd.msk.f32 $0xffff, v17, v1;
	v15 =	vperm.xlane v15, v4;
	v16, v17, _ =	vpop (xrf1)  }
0x160: {  	v10 =	vmul.f32 v14, v10;
	(erf) = vpow2.f32 v6;
	v6 =	vld [tilespmem:s24+$0x0];
	vm1 =	vgt.f32 v5, v16  }
0x161: {  	(xrf1) =	vsort.dscd.msk.f32 $0xffff, v11, v3;
	v11 =	vsel vm1, v15, v17  }
0x162: {  	v14 =	vld [tilespmem:s24+$0x30];
	[tilespmem:s13+$0x0] =	vst.msk $0xff, v10;
	v5 =	vsel vm1, v5, v16  }
0x163: {  	[tilespmem:s14+$0x0] =	vst.msk $0xff, v9;
	(xrf1) =	vsort.dscd.msk.f32 $0xffff, v5, v11;
	v5 =	vld [tilespmem:s24+$0x10]  }
0x164: {  	v10 =	vld [tilespmem:s28+$0x80];
	(xrf1) =	vsort.dscd.msk.f32 $0xffff, v12, v2;
	v11, _, _ =	vpop (xrf0)  }
0x165: {  	v19, v9, _ =	vpop (xrf1);
	(xrf1) =	vsort.dscd.msk.f32 $0xffff, v6, v0;
	v12 =	vbroadcast v11, $0xF  }
0x166: {  	(xrf0) =	vmax.scan.msk.f32 $0xffff, v19  }
0x167: {  	v15 =	vld [tilespmem:s28+$0x90];
	(xrf1) =	vsort.dscd.msk.f32 $0xffff, v14, v3;
	v12 =	vsub.f32 v13, v12  }
0x168: {  	v16 =	vld [tilespmem:s28+$0xA0];
	v14, v11, _ =	vpop (xrf1);
	(xrf1) =	vsort.dscd.msk.f32 $0xffff, v5, v1  }
0x169: {  	v6, v5, _ =	vpop (xrf1);
	(xrf1) =	vsort.dscd.msk.f32 $0xffff, v10, v0;
	v23 =	vmul.f32 $1.442695020e+00, v12  }
0x16a: {  	v22 =	vld [tilespmem:s28+$0xB0];
	v10 =	vpop (erf);
	(xrf0) =	vmax.scan.msk.f32 $0xffff, v6  }
0x16b: {  	v13, v17, _ =	vpop (xrf1);
	(erf) = vpow2.f32 v23  }
0x16c: {  	v12 =	vperm.xlane v14, v4;
	(xrf1) =	vsort.dscd.msk.f32 $0xffff, v15, v1;
	v18, _, _ =	vpop (xrf0)  }
0x16d: {  	v10 =	vnsel vm0, $0x0, v10;
	v15 =	vperm.xlane v13, v4;
	v13, v14, _ =	vpop (xrf1);
	(xrf1) =	vsort.dscd.msk.f32 $0xffff, v16, v2;
	v24 =	vbroadcast v18, $0xF  }
0x16e: {  	s30 =	simm.s32 $0x1C;
	(xrf2) =	vadd.scan.msk.f32 $0xffff, v10;
	v13 =	vperm.xlane v13, v4;
	v18 =	vperm.xlane v17, v4;
	v21, v20, _ =	vpop (xrf1)  }
0x16f: {  	s1 =	simm.s32 $0x1100;
	s29 =	simm.s32 $0x20B0;
	s28 =	simm.s32 $0x2330;
	(xrf1) =	vsort.dscd.msk.f32 $0xffff, v22, v3;
	vm1 =	vgt.f32 v15, v21;
	v17, v16, _ =	vpop (xrf1);
	v19 =	vsub.f32 v19, v24  }
.LBB2_2:
0x170: {  	v22 =	vld [tilespmem:s1+$0xFFFFFF10];
	v15 =	vsel vm1, v15, v21;
	v18 =	vsel vm1, v18, v20;
	v26 =	vperm.xlane v14, v4;
	v20, _, _ =	vpop (xrf0)  }
0x171: {  	vm1 =	vgt.f32 v13, v17;
	v21 =	vld [tilespmem:s1+$0xFFFFFF00];
	v23, v24, _ =	vpop (xrf1);
	(xrf1) =	vsort.dscd.msk.f32 $0xffff, v15, v18;
	v25 =	vmul.f32 $1.442695020e+00, v19;
	v18 =	vbroadcast v20, $0xF  }
0x172: {  	v11 =	vperm.xlane v11, v4;
	v27 =	vsel vm1, v13, v17;
	v20 =	vsel vm1, v26, v16;
	v16, v17, _ =	vpop (xrf1)  }
0x173: {  	vm1 =	vgt.f32 v12, v23;
	(xrf1) =	vsort.dscd.msk.f32 $0xffff, v27, v20;
	v13, v14, _ =	vpop (xrf1);
	(erf) = vpow2.f32 v25;
	v6 =	vsub.f32 v6, v18  }
0x174: {  	v25 =	vsel vm1, v12, v23;
	v16 =	vperm.xlane v16, v4;
	v17 =	vperm.xlane v17, v4;
	v15 =	vpop (erf)  }
0x175: {  	v13 =	vperm.xlane v13, v4;
	(xrf1) =	vsort.dscd.msk.f32 $0xffff, v22, v1;
	v22 =	vsel vm1, v11, v24;
	v18, v19, _ =	vpop (xrf1);
	v23 =	vmul.f32 $1.442695020e+00, v6  }
0x176: {  	v15 =	vnsel vm0, $0x0, v15;
	v24 =	vperm.xlane v14, v4;
	(xrf1) =	vsort.dscd.msk.f32 $0xffff, v21, v0;
	v20, v21, _ =	vpop (xrf1);
	vm2 =	vgt.f32 v16, v18  }
0x177: {  	(xrf1) =	vsort.dscd.msk.f32 $0xffff, v25, v22;
	vm1 =	vgt.f32 v13, v20;
	v11, v12, _ =	vpop (xrf1);
	(erf) = vpow2.f32 v23;
	v17 =	vsel vm2, v17, v19  }
0x178: {  	v16 =	vsel vm2, v16, v18;
	v6, _, _ =	vpop (xrf2);
	(xrf2) =	vadd.scan.msk.f32 $0xffff, v15;
	v20 =	vsel vm1, v13, v20  }
0x179: {  	v18 =	vsel vm1, v24, v21;
	v11 =	vperm.xlane v11, v4;
	(xrf1) =	vsort.dscd.msk.f32 $0xffff, v16, v17  }
0x17a: {  	v12 =	vperm.xlane v12, v4;
	(xrf1) =	vsort.dscd.msk.f32 $0xffff, v20, v18;
	v13, v14, _ =	vpop (xrf1)  }
0x17b: {  	v6 =	vbroadcast v6, $0xF;
	vm1 =	vgt.f32 v11, v13;
	v16, v17, _ =	vpop (xrf1)  }
0x17c: {  	v18 =	vpop (erf);
	v11 =	vsel vm1, v11, v13;
	v12 =	vsel vm1, v12, v14;
	v13 =	vperm.xlane v16, v4  }
0x17d: {  	v19 =	vperm.xlane v17, v4;
	(erf) = vrcp.f32 v6;
	v14, v16, _ =	vpop (xrf1);
	(xrf1) =	vsort.dscd.msk.f32 $0xffff, v11, v12  }
0x17e: {  	v11 =	vnsel vm0, $0x0, v18;
	vm1 =	vgt.f32 v13, v14  }
0x17f: {  	v12, v17, _ =	vpop (xrf1);
	(xrf2) =	vadd.scan.msk.f32 $0xffff, v11;
	v13 =	vsel vm1, v13, v14;
	v18 =	vsel vm1, v19, v16  }
0x180: {  	(xrf1) =	vsort.dscd.msk.f32 $0xffff, v13, v18;
	v6 =	vpop (erf);
	v17 =	vperm.xlane v17, v4  }
0x181: {  	v12 =	vperm.xlane v12, v4;
	v13 =	vld [tilespmem:s1+$0xFFFFFF20];
	v14, v16, _ =	vpop (xrf1);
	v6 =	vnsel vm0, $0x0, v6  }
0x182: {  	v18, _, _ =	vpop (xrf2);
	(xrf2) =	vadd.scan.msk.f32 $0xffff, v6  }
0x183: {  	vm1 =	vgt.f32 v12, v14;
	v19 =	vld [tilespmem:s1+$0xFFFFFF30];
	v20, v21, _ =	vpop (xrf1)  }
0x184: {  	v12 =	vsel vm1, v12, v14;
	v24 =	vsel vm1, v17, v16;
	v22, v23, _ =	vpop (xrf1)  }
0x185: {  	v18 =	vbroadcast v18, $0xF;
	v16, v17, _ =	vpop (xrf1);
	(xrf1) =	vsort.dscd.msk.f32 $0xffff, v12, v24  }
0x186: {  	(xrf1) =	vsort.dscd.msk.f32 $0xffff, v13, v2;
	v13 =	vpop (erf)  }
0x187: {  	(erf) = vrcp.f32 v18;
	v12, v14, _ =	vpop (xrf1)  }
0x188: {  	v18 =	vperm.xlane v22, v4;
	(xrf1) =	vsort.dscd.msk.f32 $0xffff, v19, v3;
	v19, v22, _ =	vpop (xrf1)  }
0x189: {  	v10 =	vmul.f32 v13, v10;
	(xrf0) =	vmax.scan.msk.f32 $0xffff, v16;
	v26 =	vperm.xlane v19, v4;
	v19, _, _ =	vpop (xrf2)  }
0x18a: {  	v22 =	vperm.xlane v22, v4;
	v27 =	vbroadcast v19, $0xF  }
0x18b: {  	s0 =	sadd.s32 $0x20, s0;
	v23 =	vperm.xlane v23, v4;
	vm1 =	vgt.f32 v18, v20;
	vm2 =	vgt.f32 v26, v12;
	v24, v25, _ =	vpop (xrf1)  }
0x18c: {  	s31 =	sadd.s32 $0x20, s31;
	[tilespmem:s0+$0xFFFFFFF0] =	vst.msk $0xff, v10;
	v10 =	vsel vm2, v26, v12;
	v12 =	vsel vm2, v22, v14;
	(erf) = vrcp.f32 v27;
	v13, _, _ =	vpop (xrf2)  }
0x18d: {  	[tilespmem:s31+$0xFFFFFFF0] =	vst.msk $0xff, v7;
	(xrf1) =	vsort.dscd.msk.f32 $0xffff, v10, v12;
	v10 =	vperm.xlane v24, v4;
	v12 =	vbroadcast v13, $0xF;
	v7 =	vmovc v17  }
0x18e: {  	v22 =	vsel vm1, v18, v20;
	v17 =	vperm.xlane v25, v4;
	v14 =	vld [tilespmem:s23+$0xFFFFFF80];
	v18, v19, _ =	vpop (xrf1)  }
0x18f: {  	v20 =	vsel vm1, v23, v21;
	v21, _, _ =	vpop (xrf0);
	vm1 =	vgt.f32 v10, v18;
	(erf) = vrcp.f32 v12  }
0x190: {  	(xrf1) =	vsort.dscd.msk.f32 $0xffff, v22, v20;
	v12 =	vld [tilespmem:s23+$0xFFFFFFA0];
	v13 =	vpop (erf);
	v10 =	vsel vm1, v10, v18;
	v17 =	vsel vm1, v17, v19  }
0x191: {  	v18 =	vbroadcast v21, $0xF;
	v19 =	vld [tilespmem:s23+$0xFFFFFF90];
	v20 =	vmul.f32 v13, v15;
	(xrf1) =	vsort.dscd.msk.f32 $0xffff, v10, v17  }
0x192: {  	v10 =	vld [tilespmem:s23+$0xFFFFFFB0]  }
0x193: {  	v15 =	vsub.f32 v16, v18;
	(xrf1) =	vsort.dscd.msk.f32 $0xffff, v14, v0;
	v14, v16, _ =	vpop (xrf1);
	[tilespmem:s19+$0xFFFFFFF8] =	vst.msk $0xff, v20  }
0x194: {  	v13, v17, _ =	vpop (xrf1);
	(xrf0) =	vmax.scan.msk.f32 $0xffff, v14;
	[tilespmem:s20+$0xFFFFFFF8] =	vst.msk $0xff, v8;
	v8 =	vmov v16  }
0x195: {  	v15 =	vmul.f32 $1.442695020e+00, v15;
	v13 =	vperm.xlane v13, v4;
	(xrf1) =	vsort.dscd.msk.f32 $0xffff, v12, v2;
	v12 =	vld [tilespmem:s21+$0x20];
	v16 =	vpop (erf)  }
0x196: {  	v17 =	vperm.xlane v17, v4;
	v18, v20, _ =	vpop (xrf1);
	(xrf1) =	vsort.dscd.msk.f32 $0xffff, v19, v1;
	v19 =	vld [tilespmem:s21+$0x0];
	v16 =	vmul.f32 v16, v11  }
0x197: {  	vm1 =	vgt.f32 v13, v18;
	(erf) = vpow2.f32 v15;
	(xrf1) =	vsort.dscd.msk.f32 $0xffff, v10, v3  }
0x198: {  	v10 =	vsel vm1, v13, v18;
	v17 =	vsel vm1, v17, v20;
	v15 =	vld [tilespmem:s21+$0x30];
	[tilespmem:s15+$0x0] =	vst.msk $0xff, v16;
	v11 =	vpop (erf)  }
0x199: {  	(xrf1) =	vsort.dscd.msk.f32 $0xffff, v10, v17;
	v10 =	vld [tilespmem:s21+$0x10];
	[tilespmem:s16+$0x0] =	vst.msk $0xff, v9;
	v6 =	vmul.f32 v11, v6  }
0x19a: {  	v13, _, _ =	vpop (xrf0)  }
0x19b: {  	v11 =	vbroadcast v13, $0xF  }
0x19c: {  	(xrf1) =	vsort.dscd.msk.f32 $0xffff, v12, v2;
	v12 =	vld [tilespmem:s25+$0x80]  }
0x19d: {  	(xrf1) =	vsort.dscd.msk.f32 $0xffff, v19, v0;
	v19, v9, _ =	vpop (xrf1);
	[tilespmem:s11+$0x8] =	vst.msk $0xff, v6;
	s11 =	smov.u32 s13;
	s13 =	smov.u32 s15;
	s15 =	smov.u32 s18  }
0x19e: {  	s18 =	smov.u32 s19;
	s19 =	smov.u32 s29;
	s29 =	smov.u32 s0;
	(xrf0) =	vmax.scan.msk.f32 $0xffff, v19;
	[tilespmem:s12+$0x8] =	vst.msk $0xff, v5  }
0x19f: {  	s30 =	sadd.s32 $0x4, s30;
	s12 =	smov.u32 s14;
	s14 =	smov.u32 s16;
	v17 =	vsub.f32 v14, v11;
	(xrf1) =	vsort.dscd.msk.f32 $0xffff, v15, v3;
	v13 =	vld [tilespmem:s25+$0x90]  }
0x1a0: {  	p0 =	slt.u32 s30, $0x3C;
	s16 =	smov.u32 s17;
	s17 =	smov.u32 s20;
	v16 =	vld [tilespmem:s25+$0xA0];
	v14, v11, _ =	vpop (xrf1);
	(xrf1) =	vsort.dscd.msk.f32 $0xffff, v10, v1  }
0x1a1: {  	s20 =	smov.u32 s28;
	s28 =	smov.u32 s31;
	v10 =	vmul.f32 $1.442695020e+00, v17;
	(xrf1) =	vsort.dscd.msk.f32 $0xffff, v12, v0;
	v6, v5, _ =	vpop (xrf1)  }
0x1a2: {  	v15 =	vpop (erf);
	v22 =	vld [tilespmem:s25+$0xB0];
	(xrf0) =	vmax.scan.msk.f32 $0xffff, v6;
	s25 =	smov.u32 s24;
	s24 =	smov.u32 s21;
	s21 =	smov.u32 s22  }
.Ltmp0:
0x1a3: {  	s22 =	smov.u32 s23;
	s23 =	smov.u32 s26;
	v17, v18, _ =	vpop (xrf1);
	(erf) = vpow2.f32 v10;
	(pc) =	sbr.rel @p0 .LBB2_2-.Ltmp0, $4  }
0x1a4: {  	v12 =	vperm.xlane v14, v4;
	s26 =	smov.u32 s1;
	v20, _, _ =	vpop (xrf0);
	(xrf1) =	vsort.dscd.msk.f32 $0xffff, v13, v1  }
0x1a5: {  	v10 =	vnsel vm0, $0x0, v15;
	v15 =	vperm.xlane v17, v4;
	v13, v14, _ =	vpop (xrf1);
	v23 =	vbroadcast v20, $0xF;
	(xrf1) =	vsort.dscd.msk.f32 $0xffff, v16, v2  }
0x1a6: {  	v18 =	vperm.xlane v18, v4;
	(xrf2) =	vadd.scan.msk.f32 $0xffff, v10;
	v13 =	vperm.xlane v13, v4;
	v21, v20, _ =	vpop (xrf1)  }
0x1a7: {  	s1 =	sadd.s32 $0x200, s1;
	vm1 =	vgt.f32 v15, v21;
	v17, v16, _ =	vpop (xrf1);
	v19 =	vsub.f32 v19, v23;
	(xrf1) =	vsort.dscd.msk.f32 $0xffff, v22, v3  }
0x1a8: {  	v14 =	vperm.xlane v14, v4  }
0x1a9: {  	v15 =	vsel vm1, v15, v21;
	v18 =	vsel vm1, v18, v20;
	vm1 =	vgt.f32 v13, v17  }
0x1aa: {  	v42, _, _ =	vpop (xrf0);
	v44 =	vmul.f32 $1.442695020e+00, v19;
	v14 =	vsel vm1, v14, v16  }
0x1ab: {  	v43, v22, _ =	vpop (xrf1);
	v13 =	vsel vm1, v13, v17  }
0x1ac: {  	(xrf1) =	vsort.dscd.msk.f32 $0xffff, v15, v18;
	v45 =	vbroadcast v42, $0xF;
	v47, v46, _ =	vpop (xrf1);
	(erf) = vpow2.f32 v44  }
0x1ad: {  	v11 =	vperm.xlane v11, v4;
	v48 =	vpop (erf)  }
0x1ae: {  	vm1 =	vgt.f32 v12, v43;
	(xrf1) =	vsort.dscd.msk.f32 $0xffff, v13, v14;
	v6 =	vsub.f32 v6, v45;
	v13, v14, _ =	vpop (xrf1)  }
0x1af: {  	v12 =	vsel vm1, v12, v43;
	v16 =	vperm.xlane v47, v4;
	v13 =	vperm.xlane v13, v4;
	v50, v49, _ =	vpop (xrf1)  }
0x1b0: {  	v11 =	vsel vm1, v11, v22;
	v17 =	vperm.xlane v46, v4;
	v14 =	vperm.xlane v14, v4;
	v51, v52, _ =	vpop (xrf1)  }
0x1b1: {  	v15 =	vnsel vm0, $0x0, v48;
	(xrf1) =	vsort.dscd.msk.f32 $0xffff, v12, v11;
	vm1 =	vgt.f32 v16, v50;
	vm2 =	vgt.f32 v13, v51  }
0x1b2: {  	(xrf2) =	vadd.scan.msk.f32 $0xffff, v15;
	v53 =	vsel vm1, v16, v50;
	v54 =	vsel vm1, v17, v49;
	v14 =	vsel vm2, v14, v52  }
0x1b3: {  	v13 =	vsel vm2, v13, v51;
	(xrf1) =	vsort.dscd.msk.f32 $0xffff, v53, v54  }
0x1b4: {  	v6 =	vmul.f32 $1.442695020e+00, v6;
	v11, v12, _ =	vpop (xrf1);
	(xrf1) =	vsort.dscd.msk.f32 $0xffff, v13, v14  }
0x1b5: {  	v57 =	vpop (erf)  }
0x1b6: {  	(erf) = vpow2.f32 v6;
	v11 =	vperm.xlane v11, v4;
	v13, v14, _ =	vpop (xrf1)  }
0x1b7: {  	v6 =	vperm.xlane v12, v4;
	v56, v55, _ =	vpop (xrf1)  }
0x1b8: {  	v61, _, _ =	vpop (xrf2);
	v17 =	vnsel vm0, $0x0, v57;
	vm1 =	vgt.f32 v11, v13;
	v12 =	vperm.xlane v56, v4  }
0x1b9: {  	(xrf2) =	vadd.scan.msk.f32 $0xffff, v17;
	v11 =	vsel vm1, v11, v13;
	v6 =	vsel vm1, v6, v14;
	v58 =	vperm.xlane v55, v4;
	v59, v60, _ =	vpop (xrf1)  }
0x1ba: {  	(xrf1) =	vsort.dscd.msk.f32 $0xffff, v11, v6;
	v6 =	vbroadcast v61, $0xF;
	v62, v63, _ =	vpop (xrf1);
	vm1 =	vgt.f32 v12, v59  }
0x1bb: {  	v11 =	vperm.xlane v62, v4;
	v12 =	vsel vm1, v12, v59;
	v13 =	vsel vm1, v58, v60  }
0x1bc: {  	(erf) = vrcp.f32 v6;
	(xrf1) =	vsort.dscd.msk.f32 $0xffff, v12, v13  }
0x1bd: {  	v22, _, _ =	vpop (xrf2)  }
0x1be: {  	v21 =	vperm.xlane v63, v4;
	v6, v20, _ =	vpop (xrf1)  }
0x1bf: {  	v24 =	vpop (erf);
	vm1 =	vgt.f32 v11, v6  }
0x1c0: {  	v25 =	vbroadcast v22, $0xF;
	v6 =	vsel vm1, v11, v6;
	v23 =	vsel vm1, v21, v20;
	v26, v11, _ =	vpop (xrf1)  }
0x1c1: {  	(xrf1) =	vsort.dscd.msk.f32 $0xffff, v6, v23;
	v27, v28, _ =	vpop (xrf1)  }
0x1c2: {  	(erf) = vrcp.f32 v25;
	v6 =	vnsel vm0, $0x0, v24;
	(xrf0) =	vmax.scan.msk.f32 $0xffff, v26;
	v29, v30, _ =	vpop (xrf1)  }
0x1c3: {  	(xrf2) =	vadd.scan.msk.f32 $0xffff, v6;
	v16 =	vperm.xlane v29, v4  }
0x1c4: {  	v31, _, _ =	vpop (xrf2);
	v18 =	vperm.xlane v30, v4  }
0x1c5: {  	v19 =	vbroadcast v31, $0xF;
	v32 =	vpop (erf);
	vm1 =	vgt.f32 v16, v27  }
0x1c6: {  	v10 =	vmul.f32 v32, v10;
	v12 =	vsel vm1, v16, v27;
	v13 =	vsel vm1, v18, v28  }
0x1c7: {  	s30 =	sadd.s32 $0x20, s0;
	(erf) = vrcp.f32 v19;
	(xrf1) =	vsort.dscd.msk.f32 $0xffff, v12, v13  }
0x1c8: {  	s31 =	sadd.s32 $0x20, s31;
	v33, v34, _ =	vpop (xrf1);
	[tilespmem:s30+$0xFFFFFFF0] =	vst.msk $0xff, v10  }
0x1c9: {  	v38, _, _ =	vpop (xrf0);
	v35 =	vperm.xlane v33, v4;
	[tilespmem:s31+$0xFFFFFFF0] =	vst.msk $0xff, v7  }
0x1ca: {  	v7 =	vperm.xlane v34, v4;
	v36 =	vld [tilespmem:s23+$0xFFFFFF80];
	v12, v13, _ =	vpop (xrf1)  }
0x1cb: {  	v37 =	vpop (erf);
	v42 =	vbroadcast v38, $0xF;
	v39 =	vld [tilespmem:s23+$0xFFFFFFA0];
	vm1 =	vgt.f32 v35, v12  }
0x1cc: {  	v40 =	vmul.f32 v37, v15;
	v43 =	vld [tilespmem:s23+$0xFFFFFF90];
	v10 =	vsel vm1, v35, v12;
	v7 =	vsel vm1, v7, v13  }
0x1cd: {  	v46 =	vsub.f32 v26, v42;
	v41, _, _ =	vpop (xrf2);
	(xrf1) =	vsort.dscd.msk.f32 $0xffff, v10, v7  }
0x1ce: {  	[tilespmem:s19+$0xFFFFFFF8] =	vst.msk $0xff, v40;
	v45 =	vbroadcast v41, $0xF;
	v7 =	vld [tilespmem:s23+$0xFFFFFFB0]  }
0x1cf: {  	[tilespmem:s20+$0xFFFFFFF8] =	vst.msk $0xff, v8;
	v47 =	vmul.f32 $1.442695020e+00, v46;
	(xrf1) =	vsort.dscd.msk.f32 $0xffff, v36, v0  }
0x1d0: {  	v8 =	vld [tilespmem:s21+$0x20];
	v48 =	vpop (erf);
	(erf) = vrcp.f32 v45;
	(xrf1) =	vsort.dscd.msk.f32 $0xffff, v39, v2  }
0x1d1: {  	(erf) = vpow2.f32 v47;
	v44, v10, _ =	vpop (xrf1);
	(xrf1) =	vsort.dscd.msk.f32 $0xffff, v43, v1  }
0x1d2: {  	v49 =	vld [tilespmem:s21+$0x0];
	v13 =	vmul.f32 v48, v17;
	(xrf0) =	vmax.scan.msk.f32 $0xffff, v44  }
0x1d3: {  	(xrf1) =	vsort.dscd.msk.f32 $0xffff, v7, v3;
	v7 =	vld [tilespmem:s21+$0x30]  }
0x1d4: {  	v50 =	vld [tilespmem:s21+$0x10];
	[tilespmem:s15+$0x0] =	vst.msk $0xff, v13  }
0x1d5: {  	[tilespmem:s16+$0x0] =	vst.msk $0xff, v9;
	(xrf1) =	vsort.dscd.msk.f32 $0xffff, v8, v2;
	v54, v12, _ =	vpop (xrf1)  }
0x1d6: {  	v52 =	vld [tilespmem:s25+$0x80];
	(xrf0) =	vmax.scan.msk.f32 $0xffff, v54  }
0x1d7: {  	v56 =	vld [tilespmem:s25+$0x90];
	(xrf1) =	vsort.dscd.msk.f32 $0xffff, v49, v0  }
0x1d8: {  	v51, _, _ =	vpop (xrf0);
	(xrf1) =	vsort.dscd.msk.f32 $0xffff, v7, v3  }
0x1d9: {  	v57 =	vld [tilespmem:s25+$0xA0];
	v8 =	vpop (erf);
	v53 =	vbroadcast v51, $0xF;
	(xrf1) =	vsort.dscd.msk.f32 $0xffff, v50, v1  }
0x1da: {  	v59 =	vld [tilespmem:s25+$0xB0];
	v60 =	vpop (erf)  }
0x1db: {  	(xrf1) =	vsort.dscd.msk.f32 $0xffff, v52, v0;
	v55 =	vsub.f32 v44, v53;
	v58, v7, _ =	vpop (xrf1)  }
0x1dc: {  	v61, _, _ =	vpop (xrf0);
	(xrf1) =	vsort.dscd.msk.f32 $0xffff, v56, v1  }
0x1dd: {  	v14 =	vmul.f32 $1.442695020e+00, v55;
	(xrf0) =	vmax.scan.msk.f32 $0xffff, v58;
	v63, v62, _ =	vpop (xrf1)  }
0x1de: {  	(xrf1) =	vsort.dscd.msk.f32 $0xffff, v57, v2;
	v24, v20, _ =	vpop (xrf1)  }
0x1df: {  	v18 =	vnsel vm0, $0x0, v60;
	(erf) = vpow2.f32 v14;
	v14 =	vbroadcast v61, $0xF;
	v26, v25, _ =	vpop (xrf1);
	(xrf1) =	vsort.dscd.msk.f32 $0xffff, v59, v3  }
0x1e0: {  	(xrf2) =	vadd.scan.msk.f32 $0xffff, v18  }
0x1e1: {  	v16 =	vperm.xlane v63, v4;
	v20 =	vperm.xlane v20, v4;
	v9 =	vsub.f32 v54, v14  }
0x1e2: {  	v27 =	vperm.xlane v62, v4;
	v28, v29, _ =	vpop (xrf1)  }
0x1e3: {  	v13 =	vperm.xlane v24, v4;
	vm1 =	vgt.f32 v16, v26;
	v31, v32, _ =	vpop (xrf1);
	v9 =	vmul.f32 $1.442695020e+00, v9  }
0x1e4: {  	v16 =	vsel vm1, v16, v26;
	v14 =	vsel vm1, v27, v25;
	v23, _, _ =	vpop (xrf0)  }
0x1e5: {  	vm1 =	vgt.f32 v13, v28;
	(xrf1) =	vsort.dscd.msk.f32 $0xffff, v16, v14;
	v24, v25, _ =	vpop (xrf1);
	v37 =	vperm.xlane v31, v4;
	(erf) = vpow2.f32 v9  }
0x1e6: {  	v33 =	vsel vm1, v13, v28;
	v36 =	vsel vm1, v20, v29;
	v40 =	vperm.xlane v32, v4;
	v19, v20, _ =	vpop (xrf1)  }
0x1e7: {  	v30 =	vbroadcast v23, $0xF;
	v38 =	vperm.xlane v24, v4;
	(xrf1) =	vsort.dscd.msk.f32 $0xffff, v33, v36;
	v42, v41, _ =	vpop (xrf1);
	vm2 =	vgt.f32 v37, v19  }
0x1e8: {  	v43 =	vperm.xlane v25, v4;
	v35 =	vpop (erf);
	v16 =	vsel vm2, v37, v19;
	v14 =	vsel vm2, v40, v20  }
0x1e9: {  	v34 =	vsub.f32 v58, v30;
	vm1 =	vgt.f32 v38, v42;
	v45, v44, _ =	vpop (xrf1);
	v13 =	vnsel vm0, $0x0, v35;
	(xrf1) =	vsort.dscd.msk.f32 $0xffff, v16, v14  }
0x1ea: {  	v46, _, _ =	vpop (xrf2);
	v15 =	vsel vm1, v38, v42;
	v47 =	vsel vm1, v43, v41;
	v48 =	vperm.xlane v45, v4;
	(xrf2) =	vadd.scan.msk.f32 $0xffff, v13  }
0x1eb: {  	v39 =	vmul.f32 $1.442695020e+00, v34;
	(xrf1) =	vsort.dscd.msk.f32 $0xffff, v15, v47;
	v49, v50, _ =	vpop (xrf1)  }
0x1ec: {  	v17 =	vbroadcast v46, $0xF;
	v51 =	vperm.xlane v44, v4;
	vm1 =	vgt.f32 v48, v49;
	v53, v52, _ =	vpop (xrf1)  }
0x1ed: {  	(erf) = vpow2.f32 v39;
	v9 =	vsel vm1, v48, v49;
	v55 =	vperm.xlane v53, v4;
	v58, v57, _ =	vpop (xrf1)  }
0x1ee: {  	v15 =	vsel vm1, v51, v50;
	v56 =	vperm.xlane v52, v4;
	v54 =	vpop (erf);
	(erf) = vrcp.f32 v17  }
0x1ef: {  	(xrf1) =	vsort.dscd.msk.f32 $0xffff, v9, v15;
	vm1 =	vgt.f32 v55, v58;
	v59 =	vnsel vm0, $0x0, v54  }
0x1f0: {  	v60 =	vsel vm1, v55, v58;
	v61 =	vsel vm1, v56, v57;
	(xrf2) =	vadd.scan.msk.f32 $0xffff, v59  }
0x1f1: {  	(xrf1) =	vsort.dscd.msk.f32 $0xffff, v60, v61;
	_ =	sdelay $0x1  }
0x1f2: {  	v9, v14, _ =	vpop (xrf1)  }
0x1f3: {  	v63, _, _ =	vpop (xrf2)  }
0x1f4: {  	v9 =	vperm.xlane v9, v4;
	v25, v24, _ =	vpop (xrf1);
	v17 =	vbroadcast v63, $0xF  }
0x1f5: {  	v14 =	vperm.xlane v14, v4;
	v62 =	vpop (erf)  }
0x1f6: {  	vm1 =	vgt.f32 v9, v25;
	v26 =	vpop (erf);
	(erf) = vrcp.f32 v17  }
0x1f7: {  	v9 =	vsel vm1, v9, v25;
	v14 =	vsel vm1, v14, v24;
	v28, v27, _ =	vpop (xrf1)  }
0x1f8: {  	(xrf1) =	vsort.dscd.msk.f32 $0xffff, v9, v14;
	v29, v30, _ =	vpop (xrf1)  }
0x1f9: {  	v31 =	vmul.f32 v26, v18;
	v32 =	vperm.xlane v29, v4;
	v33, _, _ =	vpop (xrf2)  }
0x1fa: {  	s0 =	sadd.s32 $0x20, s30;
	v34 =	vperm.xlane v30, v4;
	v18 =	vbroadcast v33, $0xF  }
0x1fb: {  	s1 =	sadd.s32 $0x20, s31;
	[tilespmem:s0+$0xFFFFFFF0] =	vst.msk $0xff, v31;
	vm1 =	vgt.f32 v32, v28  }
0x1fc: {  	v36, v35, _ =	vpop (xrf1);
	[tilespmem:s1+$0xFFFFFFF0] =	vst.msk $0xff, v11;
	v14 =	vsel vm1, v32, v28;
	v37 =	vsel vm1, v34, v27;
	(erf) = vrcp.f32 v18  }
0x1fd: {  	v38 =	vperm.xlane v36, v4;
	v39 =	vld [tilespmem:s26+$0xFFFFFF80];
	(xrf1) =	vsort.dscd.msk.f32 $0xffff, v14, v37  }
0x1fe: {  	v40 =	vperm.xlane v35, v4;
	v43 =	vld [tilespmem:s26+$0xFFFFFFA0];
	v42, v41, _ =	vpop (xrf1)  }
0x1ff: {  	v9 =	vnsel vm0, $0x0, v62;
	v44 =	vld [tilespmem:s26+$0xFFFFFF90];
	vm1 =	vgt.f32 v38, v42;
	v45 =	vpop (erf)  }
0x200: {  	(xrf2) =	vadd.scan.msk.f32 $0xffff, v9;
	v11 =	vsel vm1, v38, v42;
	v17 =	vsel vm1, v40, v41;
	v13 =	vmul.f32 v45, v13  }
0x201: {  	v46 =	vld [tilespmem:s26+$0xFFFFFFB0];
	(xrf1) =	vsort.dscd.msk.f32 $0xffff, v11, v17  }
0x202: {  	(xrf1) =	vsort.dscd.msk.f32 $0xffff, v39, v0;
	[tilespmem:s29+$0xFFFFFFF8] =	vst.msk $0xff, v13  }
0x203: {  	(xrf1) =	vsort.dscd.msk.f32 $0xffff, v43, v2;
	[tilespmem:s28+$0xFFFFFFF8] =	vst.msk $0xff, v10  }
0x204: {  	(xrf1) =	vsort.dscd.msk.f32 $0xffff, v44, v1;
	v10 =	vld [tilespmem:s22+$0x20]  }
0x205: {  	v48 =	vld [tilespmem:s22+$0x0];
	v47 =	vpop (erf)  }
0x206: {  	(xrf1) =	vsort.dscd.msk.f32 $0xffff, v46, v3;
	v49, v14, _ =	vpop (xrf1);
	v50 =	vld [tilespmem:s22+$0x30];
	v13 =	vmul.f32 v47, v59  }
0x207: {  	(xrf0) =	vmax.scan.msk.f32 $0xffff, v49  }
0x208: {  	v51 =	vld [tilespmem:s22+$0x10]  }
0x209: {  	[tilespmem:s18+$0x0] =	vst.msk $0xff, v13;
	(xrf1) =	vsort.dscd.msk.f32 $0xffff, v10, v2  }
0x20a: {  	v54, _, _ =	vpop (xrf2);
	[tilespmem:s17+$0x0] =	vst.msk $0xff, v12;
	(xrf1) =	vsort.dscd.msk.f32 $0xffff, v48, v0  }
0x20b: {  	v52 =	vld [tilespmem:s24+$0x80];
	v53, v13, _ =	vpop (xrf1);
	(xrf1) =	vsort.dscd.msk.f32 $0xffff, v50, v3  }
0x20c: {  	v16 =	vbroadcast v54, $0xF;
	v55 =	vld [tilespmem:s24+$0x90];
	(xrf0) =	vmax.scan.msk.f32 $0xffff, v53  }
0x20d: {  	v56 =	vld [tilespmem:s24+$0xA0];
	v58, _, _ =	vpop (xrf0);
	(xrf1) =	vsort.dscd.msk.f32 $0xffff, v51, v1  }
0x20e: {  	(erf) = vrcp.f32 v16;
	v59 =	vbroadcast v58, $0xF  }
0x20f: {  	v57 =	vld [tilespmem:s24+$0xB0];
	v60, v10, _ =	vpop (xrf1)  }
0x210: {  	v11 =	vsub.f32 v49, v59;
	(xrf1) =	vsort.dscd.msk.f32 $0xffff, v52, v0;
	v62, v61, _ =	vpop (xrf1)  }
0x211: {  	(xrf1) =	vsort.dscd.msk.f32 $0xffff, v55, v1;
	v63 =	vperm.xlane v62, v4;
	v27, v28, _ =	vpop (xrf1)  }
0x212: {  	v29 =	vperm.xlane v61, v4;
	v11 =	vmul.f32 $1.442695020e+00, v11;
	(xrf1) =	vsort.dscd.msk.f32 $0xffff, v56, v2;
	v31, v30, _ =	vpop (xrf1)  }
0x213: {  	v18 =	vperm.xlane v27, v4;
	v20 =	vperm.xlane v28, v4;
	v32, _, _ =	vpop (xrf0);
	vm1 =	vgt.f32 v63, v31  }
0x214: {  	(xrf1) =	vsort.dscd.msk.f32 $0xffff, v57, v3;
	v34, v33, _ =	vpop (xrf1);
	v16 =	vsel vm1, v63, v31;
	v15 =	vsel vm1, v29, v30  }
0x215: {  	(erf) = vpow2.f32 v11;
	v35 =	vbroadcast v32, $0xF;
	vm1 =	vgt.f32 v18, v34;
	(xrf1) =	vsort.dscd.msk.f32 $0xffff, v16, v15  }
0x216: {  	(xrf0) =	vmax.scan.msk.f32 $0xffff, v60;
	v36 =	vsel vm1, v18, v34;
	v37 =	vsel vm1, v20, v33  }
0x217: {  	v11 =	vpop (erf);
	v12 =	vsub.f32 v53, v35;
	(xrf1) =	vsort.dscd.msk.f32 $0xffff, v36, v37  }
0x218: {  	v40, v39, _ =	vpop (xrf1)  }
0x219: {  	v12 =	vmul.f32 $1.442695020e+00, v12;
	v41, v42, _ =	vpop (xrf1);
	v43 =	vperm.xlane v40, v4  }
0x21a: {  	v18 =	vperm.xlane v39, v4;
	v44 =	vperm.xlane v41, v4;
	v46, v45, _ =	vpop (xrf1)  }
0x21b: {  	(erf) = vpow2.f32 v12;
	v20 =	vperm.xlane v42, v4;
	v47, v48, _ =	vpop (xrf1);
	vm1 =	vgt.f32 v43, v46  }
0x21c: {  	vm2 =	vgt.f32 v44, v47;
	v12 =	vsel vm1, v43, v46;
	v18 =	vsel vm1, v18, v45  }
0x21d: {  	v38, _, _ =	vpop (xrf0);
	v16 =	vsel vm2, v44, v47;
	v20 =	vsel vm2, v20, v48;
	(xrf1) =	vsort.dscd.msk.f32 $0xffff, v12, v18  }
0x21e: {  	v49 =	vpop (erf);
	(xrf1) =	vsort.dscd.msk.f32 $0xffff, v16, v20  }
0x21f: {  	v55 =	vnsel vm0, $0x0, v49;
	v50, v51, _ =	vpop (xrf1)  }
0x220: {  	v15 =	vbroadcast v38, $0xF;
	(xrf2) =	vadd.scan.msk.f32 $0xffff, v55;
	v54, v53, _ =	vpop (xrf1)  }
0x221: {  	v52 =	vperm.xlane v50, v4;
	v57, v56, _ =	vpop (xrf1)  }
0x222: {  	v15 =	vsub.f32 v60, v15;
	v21 =	vperm.xlane v51, v4;
	v58, v59, _ =	vpop (xrf1)  }
0x223: {  	vm1 =	vgt.f32 v52, v54;
	v60 =	vperm.xlane v57, v4;
	v28 =	vperm.xlane v56, v4;
	v61, v62, _ =	vpop (xrf1)  }
0x224: {  	v12 =	vsel vm1, v52, v54;
	v18 =	vsel vm1, v21, v53;
	v63 =	vpop (erf);
	v17 =	vperm.xlane v61, v4  }
0x225: {  	(xrf1) =	vsort.dscd.msk.f32 $0xffff, v12, v18;
	vm1 =	vgt.f32 v60, v58;
	v29 =	vnsel vm0, $0x0, v63;
	v31, v30, _ =	vpop (xrf1);
	v20 =	vperm.xlane v62, v4  }
0x226: {  	v16 =	vsel vm1, v60, v58;
	v21 =	vsel vm1, v28, v59;
	(xrf2) =	vadd.scan.msk.f32 $0xffff, v29;
	vm1 =	vgt.f32 v17, v31  }
0x227: {  	(xrf1) =	vsort.dscd.msk.f32 $0xffff, v16, v21;
	v12 =	vsel vm1, v17, v31;
	v32 =	vsel vm1, v20, v30  }
0x228: {  	v15 =	vmul.f32 $1.442695020e+00, v15;
	(xrf1) =	vsort.dscd.msk.f32 $0xffff, v12, v32;
	_ =	sdelay $0x1  }
0x229: {  	(erf) = vpow2.f32 v15;
	v33, _, _ =	vpop (xrf2)  }
0x22a: {  	v35, v34, _ =	vpop (xrf1)  }
0x22b: {  	v36, v37, _ =	vpop (xrf1)  }
0x22c: {  	v12 =	vbroadcast v33, $0xF;
	v17 =	vperm.xlane v36, v4  }
0x22d: {  	v20 =	vperm.xlane v37, v4  }
0x22e: {  	(erf) = vrcp.f32 v12;
	vm1 =	vgt.f32 v17, v35  }
0x22f: {  	v38, _, _ =	vpop (xrf2);
	v16 =	vsel vm1, v20, v34  }
0x230: {  	v12 =	vbroadcast v38, $0xF;
	v15 =	vsel vm1, v17, v35  }
0x231: {  	(xrf1) =	vsort.dscd.msk.f32 $0xffff, v15, v16  }
0x232: {  	v39 =	vpop (erf);
	(erf) = vrcp.f32 v12  }
0x233: {  	v12 =	vnsel vm0, $0x0, v39;
	v15, v16, _ =	vpop (xrf1)  }
0x234: {  	(xrf2) =	vadd.scan.msk.f32 $0xffff, v12;
	v41, v40, _ =	vpop (xrf1)  }
0x235: {  	v42, v22, _ =	vpop (xrf1)  }
0x236: {  	(xrf0) =	vmax.scan.msk.f32 $0xffff, v42  }
0x237: {  	v43 =	vpop (erf);
	v15 =	vperm.xlane v15, v4  }
0x238: {  	v16 =	vperm.xlane v16, v4;
	v44 =	vmul.f32 v43, v55  }
0x239: {  	vm1 =	vgt.f32 v15, v41  }
0x23a: {  	[tilespmem:s30+$0xFFFFFFF8] =	vst.msk $0xff, v44;
	v15 =	vsel vm1, v15, v41;
	v16 =	vsel vm1, v16, v40  }
0x23b: {  	[tilespmem:s31+$0xFFFFFFF8] =	vst.msk $0xff, v14;
	(xrf1) =	vsort.dscd.msk.f32 $0xffff, v15, v16;
	v45 =	vpop (erf)  }
0x23c: {  	v47 =	vld [tilespmem:s23+$0x20];
	v46, _, _ =	vpop (xrf0)  }
0x23d: {  	v17 =	vld [tilespmem:s23+$0x0];
	v15 =	vmul.f32 v45, v29;
	v14 =	vbroadcast v46, $0xF  }
0x23e: {  	v48, _, _ =	vpop (xrf2)  }
0x23f: {  	v49 =	vld [tilespmem:s23+$0x30];
	[tilespmem:s19+$0x0] =	vst.msk $0xff, v15;
	v52, v21, _ =	vpop (xrf1);
	v14 =	vsub.f32 v42, v14  }
0x240: {  	v51 =	vld [tilespmem:s23+$0x10];
	v50 =	vbroadcast v48, $0xF;
	[tilespmem:s20+$0x0] =	vst.msk $0xff, v13;
	(xrf0) =	vmax.scan.msk.f32 $0xffff, v52  }
0x241: {  	(xrf1) =	vsort.dscd.msk.f32 $0xffff, v47, v2;
	v13 =	vld [tilespmem:s21+$0x80];
	v14 =	vmul.f32 $1.442695020e+00, v14  }
0x242: {  	(xrf1) =	vsort.dscd.msk.f32 $0xffff, v17, v0;
	(erf) = vrcp.f32 v50;
	v53 =	vld [tilespmem:s21+$0x90]  }
0x243: {  	v54 =	vld [tilespmem:s21+$0xA0];
	(erf) = vpow2.f32 v14  }
0x244: {  	(xrf1) =	vsort.dscd.msk.f32 $0xffff, v49, v3  }
0x245: {  	(xrf1) =	vsort.dscd.msk.f32 $0xffff, v51, v1  }
0x246: {  	v55 =	vld [tilespmem:s21+$0xB0];
	(xrf1) =	vsort.dscd.msk.f32 $0xffff, v13, v0;
	v56, _, _ =	vpop (xrf0)  }
0x247: {  	(xrf1) =	vsort.dscd.msk.f32 $0xffff, v53, v1;
	v14 =	vbroadcast v56, $0xF  }
0x248: {  	(xrf1) =	vsort.dscd.msk.f32 $0xffff, v54, v2  }
0x249: {  	v57, v13, _ =	vpop (xrf1)  }
0x24a: {  	(xrf0) =	vmax.scan.msk.f32 $0xffff, v57;
	v58 =	vsub.f32 v52, v14  }
0x24b: {  	(xrf1) =	vsort.dscd.msk.f32 $0xffff, v55, v3;
	v14 =	vpop (erf)  }
0x24c: {  	v16 =	vmul.f32 $1.442695020e+00, v58;
	v59 =	vpop (erf)  }
0x24d: {  	v17 =	vnsel vm0, $0x0, v59  }
0x24e: {  	(erf) = vpow2.f32 v16;
	(xrf2) =	vadd.scan.msk.f32 $0xffff, v17  }
0x24f: {  	v62, v61, _ =	vpop (xrf1)  }
0x250: {  	v31, v63, _ =	vpop (xrf1)  }
0x251: {  	v60, _, _ =	vpop (xrf0)  }
0x252: {  	v18 =	vperm.xlane v62, v4;
	v33, v32, _ =	vpop (xrf1)  }
0x253: {  	v20 =	vperm.xlane v31, v4;
	v16 =	vbroadcast v60, $0xF;
	v26, v27, _ =	vpop (xrf1)  }
0x254: {  	v34 =	vperm.xlane v61, v4;
	v23 =	vperm.xlane v63, v4;
	vm2 =	vgt.f32 v18, v33;
	v35, v28, _ =	vpop (xrf1)  }
0x255: {  	vm1 =	vgt.f32 v20, v26;
	v18 =	vsel vm2, v18, v33;
	v15 =	vsub.f32 v57, v16;
	v36, v29, _ =	vpop (xrf1)  }
0x256: {  	v20 =	vsel vm1, v20, v26;
	v16 =	vsel vm2, v34, v32;
	v19 =	vperm.xlane v35, v4;
	v37, v38, _ =	vpop (xrf1)  }
0x257: {  	v23 =	vsel vm1, v23, v27;
	(xrf1) =	vsort.dscd.msk.f32 $0xffff, v18, v16;
	v15 =	vmul.f32 $1.442695020e+00, v15;
	v39 =	vperm.xlane v28, v4;
	v40 =	vpop (erf)  }
0x258: {  	vm2 =	vgt.f32 v19, v36;
	v24 =	vperm.xlane v37, v4;
	v42 =	vperm.xlane v38, v4;
	v41, _, _ =	vpop (xrf2)  }
0x259: {  	(xrf1) =	vsort.dscd.msk.f32 $0xffff, v20, v23;
	v43, v44, _ =	vpop (xrf1);
	v19 =	vsel vm2, v19, v36;
	v16 =	vsel vm2, v39, v29;
	v26 =	vbroadcast v41, $0xF  }
0x25a: {  	(erf) = vpow2.f32 v15;
	v45 =	vnsel vm0, $0x0, v40;
	(xrf1) =	vsort.dscd.msk.f32 $0xffff, v19, v16;
	vm1 =	vgt.f32 v24, v43  }
0x25b: {  	(xrf2) =	vadd.scan.msk.f32 $0xffff, v45;
	v46 =	vsel vm1, v24, v43;
	v47 =	vsel vm1, v42, v44;
	(erf) = vrcp.f32 v26  }
0x25c: {  	(xrf1) =	vsort.dscd.msk.f32 $0xffff, v46, v47;
	_ =	sdelay $0x6  }
0x25d: {  	v48 =	vpop (erf)  }
0x25e: {  	v49 =	vpop (erf)  }
0x25f: {  	v50, v51, _ =	vpop (xrf1);
	v17 =	vmul.f32 v49, v17  }
0x260: {  	v52, _, _ =	vpop (xrf2)  }
0x261: {  	v23, v24, _ =	vpop (xrf1);
	v18 =	vbroadcast v52, $0xF;
	[tilespmem:s0+$0xFFFFFFF8] =	vst.msk $0xff, v17  }
0x262: {  	v53 =	vperm.xlane v23, v4;
	v54 =	vperm.xlane v24, v4;
	v56, v55, _ =	vpop (xrf1);
	[tilespmem:s1+$0xFFFFFFF8] =	vst.msk $0xff, v22  }
0x263: {  	(erf) = vrcp.f32 v18;
	v57 =	vperm.xlane v56, v4;
	v22 =	vld [tilespmem:s26+$0x20]  }
0x264: {  	v15 =	vnsel vm0, $0x0, v48;
	vm1 =	vgt.f32 v53, v50;
	v58 =	vperm.xlane v55, v4;
	v60, v59, _ =	vpop (xrf1);
	v61 =	vld [tilespmem:s26+$0x0]  }
0x265: {  	(xrf2) =	vadd.scan.msk.f32 $0xffff, v15;
	v62 =	vsel vm1, v54, v51;
	v17 =	vsel vm1, v53, v50;
	vm1 =	vgt.f32 v57, v60;
	v63 =	vld [tilespmem:s26+$0x30]  }
0x266: {  	(xrf1) =	vsort.dscd.msk.f32 $0xffff, v17, v62;
	v28 =	vsel vm1, v57, v60;
	v29 =	vsel vm1, v58, v59;
	v30 =	vld [tilespmem:s26+$0x10]  }
0x267: {  	(xrf1) =	vsort.dscd.msk.f32 $0xffff, v28, v29  }
0x268: {  	(xrf1) =	vsort.dscd.msk.f32 $0xffff, v22, v2  }
0x269: {  	(xrf1) =	vsort.dscd.msk.f32 $0xffff, v61, v0  }
0x26a: {  	(xrf1) =	vsort.dscd.msk.f32 $0xffff, v63, v3  }
0x26b: {  	(xrf1) =	vsort.dscd.msk.f32 $0xffff, v30, v1  }
0x26c: {  	v31 =	vpop (erf)  }
0x26d: {  	v16 =	vmul.f32 v31, v45;
	_ =	sdelay $0x1  }
0x26e: {  	[tilespmem:s29+$0x0] =	vst.msk $0xff, v16  }
0x26f: {  	[tilespmem:s28+$0x0] =	vst.msk $0xff, v21  }
0x270: {  	v32 =	vld [tilespmem:s22+$0x80]  }
0x271: {  	v33 =	vld [tilespmem:s22+$0x90]  }
0x272: {  	v34, _, _ =	vpop (xrf2);
	v35 =	vld [tilespmem:s22+$0xA0]  }
0x273: {  	v21 =	vld [tilespmem:s22+$0xB0];
	v36, v23, _ =	vpop (xrf1)  }
0x274: {  	(xrf0) =	vmax.scan.msk.f32 $0xffff, v36;
	v37, v16, _ =	vpop (xrf1)  }
0x275: {  	(xrf1) =	vsort.dscd.msk.f32 $0xffff, v32, v0;
	v39, v38, _ =	vpop (xrf1)  }
0x276: {  	(xrf1) =	vsort.dscd.msk.f32 $0xffff, v33, v1;
	v41, v40, _ =	vpop (xrf1);
	v17 =	vperm.xlane v39, v4  }
0x277: {  	(xrf1) =	vsort.dscd.msk.f32 $0xffff, v35, v2;
	v25 =	vperm.xlane v38, v4;
	v18 =	vperm.xlane v41, v4;
	v43, v42, _ =	vpop (xrf1)  }
0x278: {  	v19 =	vbroadcast v34, $0xF;
	(xrf1) =	vsort.dscd.msk.f32 $0xffff, v21, v3;
	v44 =	vperm.xlane v40, v4;
	v45, v46, _ =	vpop (xrf1);
	vm1 =	vgt.f32 v17, v43  }
0x279: {  	vm2 =	vgt.f32 v18, v45;
	v17 =	vsel vm1, v17, v43;
	v47 =	vsel vm1, v25, v42  }
0x27a: {  	(erf) = vrcp.f32 v19;
	v18 =	vsel vm2, v18, v45;
	v19 =	vsel vm2, v44, v46;
	(xrf1) =	vsort.dscd.msk.f32 $0xffff, v17, v47  }
0x27b: {  	v48, _, _ =	vpop (xrf0);
	(xrf1) =	vsort.dscd.msk.f32 $0xffff, v18, v19  }
0x27c: {  	v49 =	vbroadcast v48, $0xF  }
0x27d: {  	(xrf0) =	vmax.scan.msk.f32 $0xffff, v37  }
0x27e: {  	v17 =	vsub.f32 v36, v49;
	_ =	sdelay $0x1  }
0x27f: {  	v17 =	vmul.f32 $1.442695020e+00, v17;
	_ =	sdelay $0x1  }
0x280: {  	(erf) = vpow2.f32 v17  }
0x281: {  	v50, _, _ =	vpop (xrf0)  }
0x282: {  	v52, v51, _ =	vpop (xrf1)  }
0x283: {  	v53, v54, _ =	vpop (xrf1)  }
0x284: {  	v19 =	vperm.xlane v52, v4;
	v56, v55, _ =	vpop (xrf1)  }
0x285: {  	v20 =	vperm.xlane v51, v4;
	v58, v57, _ =	vpop (xrf1)  }
0x286: {  	vm1 =	vgt.f32 v19, v53;
	v60 =	vperm.xlane v56, v4;
	v59, v30, _ =	vpop (xrf1)  }
0x287: {  	v19 =	vsel vm1, v19, v53;
	v20 =	vsel vm1, v20, v54;
	v26 =	vperm.xlane v55, v4;
	v61, v62, _ =	vpop (xrf1)  }
0x288: {  	v18 =	vbroadcast v50, $0xF;
	v17 =	vpop (erf);
	(xrf1) =	vsort.dscd.msk.f32 $0xffff, v19, v20;
	vm1 =	vgt.f32 v60, v58;
	v22 =	vperm.xlane v61, v4  }
0x289: {  	v63 =	vpop (erf);
	v21 =	vsel vm1, v60, v58;
	v33 =	vsel vm1, v26, v57;
	v32 =	vperm.xlane v62, v4  }
0x28a: {  	v18 =	vsub.f32 v37, v18;
	v31 =	vnsel vm0, $0x0, v63;
	(xrf1) =	vsort.dscd.msk.f32 $0xffff, v21, v33;
	vm1 =	vgt.f32 v22, v59  }
0x28b: {  	(xrf2) =	vadd.scan.msk.f32 $0xffff, v31;
	v34 =	vsel vm1, v22, v59;
	v20 =	vsel vm1, v32, v30  }
0x28c: {  	v18 =	vmul.f32 $1.442695020e+00, v18;
	(xrf1) =	vsort.dscd.msk.f32 $0xffff, v34, v20;
	_ =	sdelay $0x1  }
0x28d: {  	(erf) = vpow2.f32 v18;
	_ =	sdelay $0x7  }
0x28e: {  	v35, _, _ =	vpop (xrf2)  }
0x28f: {  	v36 =	vpop (erf);
	v18 =	vbroadcast v35, $0xF  }
0x290: {  	v38, v37, _ =	vpop (xrf1)  }
0x291: {  	(erf) = vrcp.f32 v18;
	v18 =	vnsel vm0, $0x0, v36;
	v39, v24, _ =	vpop (xrf1)  }
0x292: {  	(xrf2) =	vadd.scan.msk.f32 $0xffff, v18;
	v40, v41, _ =	vpop (xrf1)  }
0x293: {  	(xrf0) =	vmax.scan.msk.f32 $0xffff, v40;
	_ =	sdelay $0x1  }
0x294: {  	v20 =	vperm.xlane v38, v4  }
0x295: {  	v21 =	vperm.xlane v37, v4  }
0x296: {  	vm1 =	vgt.f32 v20, v39  }
0x297: {  	v20 =	vsel vm1, v20, v39;
	v21 =	vsel vm1, v21, v24  }
0x298: {  	(xrf1) =	vsort.dscd.msk.f32 $0xffff, v20, v21;
	v43, _, _ =	vpop (xrf0)  }
0x299: {  	v42 =	vpop (erf);
	v44 =	vbroadcast v43, $0xF  }
0x29a: {  	v19 =	vmul.f32 v42, v31  }
0x29b: {  	v45, _, _ =	vpop (xrf2);
	v46 =	vsub.f32 v40, v44  }
0x29c: {  	v21 =	vbroadcast v45, $0xF;
	[tilespmem:s30+$0x0] =	vst.msk $0xff, v19  }
0x29d: {  	[tilespmem:s31+$0x0] =	vst.msk $0xff, v23;
	v19 =	vmul.f32 $1.442695020e+00, v46  }
0x29e: {  	(erf) = vrcp.f32 v21;
	v47 =	vld [tilespmem:s23+$0x80]  }
0x29f: {  	v48 =	vld [tilespmem:s23+$0x90];
	(erf) = vpow2.f32 v19  }
0x2a0: {  	v49 =	vld [tilespmem:s23+$0xA0];
	_ =	sdelay $0x1  }
0x2a1: {  	v50 =	vld [tilespmem:s23+$0xB0]  }
0x2a2: {  	(xrf1) =	vsort.dscd.msk.f32 $0xffff, v47, v0  }
0x2a3: {  	(xrf1) =	vsort.dscd.msk.f32 $0xffff, v48, v1  }
0x2a4: {  	(xrf1) =	vsort.dscd.msk.f32 $0xffff, v49, v2  }
0x2a5: {  	v51, v21, _ =	vpop (xrf1)  }
0x2a6: {  	(xrf1) =	vsort.dscd.msk.f32 $0xffff, v50, v3;
	v19 =	vpop (erf)  }
0x2a7: {  	(xrf0) =	vmax.scan.msk.f32 $0xffff, v51;
	v52 =	vpop (erf)  }
0x2a8: {  	v22 =	vnsel vm0, $0x0, v52  }
0x2a9: {  	(xrf2) =	vadd.scan.msk.f32 $0xffff, v22;
	_ =	sdelay $0x3  }
0x2aa: {  	v53, _, _ =	vpop (xrf0)  }
0x2ab: {  	v23 =	vbroadcast v53, $0xF;
	_ =	sdelay $0x1  }
0x2ac: {  	v20 =	vsub.f32 v51, v23;
	v54, v55, _ =	vpop (xrf1)  }
0x2ad: {  	v24 =	vperm.xlane v54, v4;
	v57, v56, _ =	vpop (xrf1)  }
0x2ae: {  	v20 =	vmul.f32 $1.442695020e+00, v20;
	v25 =	vperm.xlane v55, v4;
	v58, v59, _ =	vpop (xrf1)  }
0x2af: {  	vm1 =	vgt.f32 v24, v57;
	v60 =	vperm.xlane v58, v4;
	v62 =	vperm.xlane v59, v4;
	v61, _, _ =	vpop (xrf2)  }
0x2b0: {  	v33, v63, _ =	vpop (xrf1);
	v23 =	vsel vm1, v24, v57;
	v25 =	vsel vm1, v25, v56;
	v28 =	vbroadcast v61, $0xF  }
0x2b1: {  	(erf) = vpow2.f32 v20;
	(xrf1) =	vsort.dscd.msk.f32 $0xffff, v23, v25;
	vm1 =	vgt.f32 v60, v33  }
0x2b2: {  	v34 =	vsel vm1, v60, v33;
	v35 =	vsel vm1, v62, v63;
	(erf) = vrcp.f32 v28  }
0x2b3: {  	(xrf1) =	vsort.dscd.msk.f32 $0xffff, v34, v35;
	_ =	sdelay $0x6  }
0x2b4: {  	v36 =	vpop (erf)  }
0x2b5: {  	v37 =	vpop (erf)  }
0x2b6: {  	v22 =	vmul.f32 v37, v22;
	_ =	sdelay $0x1  }
0x2b7: {  	[tilespmem:s0+$0x0] =	vst.msk $0xff, v22  }
0x2b8: {  	v38, v23, _ =	vpop (xrf1);
	[tilespmem:s1+$0x0] =	vst.msk $0xff, v41  }
0x2b9: {  	v22 =	vperm.xlane v38, v4;
	v39 =	vld [tilespmem:s26+$0x80]  }
0x2ba: {  	v23 =	vperm.xlane v23, v4;
	v40, v41, _ =	vpop (xrf1);
	v42 =	vld [tilespmem:s26+$0x90]  }
0x2bb: {  	vm1 =	vgt.f32 v22, v40;
	v43 =	vld [tilespmem:s26+$0xA0]  }
0x2bc: {  	v22 =	vsel vm1, v22, v40;
	v23 =	vsel vm1, v23, v41  }
0x2bd: {  	v44 =	vld [tilespmem:s26+$0xB0];
	(xrf1) =	vsort.dscd.msk.f32 $0xffff, v22, v23  }
0x2be: {  	(xrf1) =	vsort.dscd.msk.f32 $0xffff, v39, v0  }
0x2bf: {  	(xrf1) =	vsort.dscd.msk.f32 $0xffff, v42, v1  }
0x2c0: {  	(xrf1) =	vsort.dscd.msk.f32 $0xffff, v43, v2;
	_ =	sdelay $0x1  }
0x2c1: {  	(xrf1) =	vsort.dscd.msk.f32 $0xffff, v44, v3;
	_ =	sdelay $0x8  }
0x2c2: {  	v22, v23, _ =	vpop (xrf1)  }
0x2c3: {  	v24, v45, _ =	vpop (xrf1)  }
0x2c4: {  	v24 =	vperm.xlane v24, v4;
	v46, v27, _ =	vpop (xrf1)  }
0x2c5: {  	v25 =	vperm.xlane v45, v4;
	v28, v47, _ =	vpop (xrf1)  }
0x2c6: {  	vm1 =	vgt.f32 v24, v46;
	v28 =	vperm.xlane v28, v4  }
0x2c7: {  	v48 =	vperm.xlane v47, v4;
	v49, v50, _ =	vpop (xrf1);
	v24 =	vsel vm1, v24, v46;
	v25 =	vsel vm1, v25, v27  }
0x2c8: {  	(xrf1) =	vsort.dscd.msk.f32 $0xffff, v24, v25;
	vm1 =	vgt.f32 v28, v49  }
0x2c9: {  	v51 =	vsel vm1, v28, v49;
	v52 =	vsel vm1, v48, v50  }
0x2ca: {  	(xrf1) =	vsort.dscd.msk.f32 $0xffff, v51, v52;
	_ =	sdelay $0x4  }
0x2cb: {  	v20 =	vnsel vm0, $0x0, v36  }
0x2cc: {  	(xrf2) =	vadd.scan.msk.f32 $0xffff, v20  }
0x2cd: {  	(xrf0) =	vmax.scan.msk.f32 $0xffff, v22;
	_ =	sdelay $0x4  }
0x2ce: {  	v24, v25, _ =	vpop (xrf1)  }
0x2cf: {  	v53, _, _ =	vpop (xrf0);
	v24 =	vperm.xlane v24, v4  }
0x2d0: {  	v26 =	vbroadcast v53, $0xF;
	v25 =	vperm.xlane v25, v4;
	v27, v28, _ =	vpop (xrf1)  }
0x2d1: {  	vm1 =	vgt.f32 v24, v27  }
0x2d2: {  	v54, _, _ =	vpop (xrf2);
	v22 =	vsub.f32 v22, v26;
	v24 =	vsel vm1, v24, v27;
	v25 =	vsel vm1, v25, v28  }
0x2d3: {  	v55 =	vbroadcast v54, $0xF;
	(xrf1) =	vsort.dscd.msk.f32 $0xffff, v24, v25  }
0x2d4: {  	v22 =	vmul.f32 $1.442695020e+00, v22  }
0x2d5: {  	(erf) = vrcp.f32 v55  }
0x2d6: {  	(erf) = vpow2.f32 v22;
	_ =	sdelay $0x7  }
0x2d7: {  	v56 =	vpop (erf)  }
0x2d8: {  	v57 =	vpop (erf)  }
0x2d9: {  	v24 =	vnsel vm0, $0x0, v57  }
0x2da: {  	(xrf2) =	vadd.scan.msk.f32 $0xffff, v24;
	v25, v58, _ =	vpop (xrf1)  }
0x2db: {  	(xrf0) =	vmax.scan.msk.f32 $0xffff, v25;
	_ =	sdelay $0x5  }
0x2dc: {  	v59, _, _ =	vpop (xrf0)  }
0x2dd: {  	v27 =	vbroadcast v59, $0xF;
	_ =	sdelay $0x1  }
0x2de: {  	v60, _, _ =	vpop (xrf2);
	v25 =	vsub.f32 v25, v27  }
0x2df: {  	v27 =	vbroadcast v60, $0xF  }
0x2e0: {  	v25 =	vmul.f32 $1.442695020e+00, v25  }
0x2e1: {  	(erf) = vrcp.f32 v27  }
0x2e2: {  	(erf) = vpow2.f32 v25;
	_ =	sdelay $0x7  }
0x2e3: {  	v61 =	vpop (erf)  }
0x2e4: {  	v62 =	vpop (erf)  }
0x2e5: {  	v27 =	vnsel vm0, $0x0, v62  }
0x2e6: {  	(xrf2) =	vadd.scan.msk.f32 $0xffff, v27;
	_ =	sdelay $0x8  }
0x2e7: {  	v6 =	vmul.f32 v8, v6  }
0x2e8: {  	v63, _, _ =	vpop (xrf2)  }
0x2e9: {  	[tilespmem:s11+$0x8] =	vst.msk $0xff, v6;
	v6 =	vmul.f32 v11, v9;
	v8 =	vbroadcast v63, $0xF  }
0x2ea: {  	[tilespmem:s12+$0x8] =	vst.msk $0xff, v5  }
0x2eb: {  	[tilespmem:s13+$0x8] =	vst.msk $0xff, v6;
	v5 =	vmul.f32 v14, v12;
	(erf) = vrcp.f32 v8  }
0x2ec: {  	[tilespmem:s14+$0x8] =	vst.msk $0xff, v7  }
0x2ed: {  	[tilespmem:s15+$0x8] =	vst.msk $0xff, v5;
	v5 =	vmul.f32 v17, v15  }
0x2ee: {  	[tilespmem:s16+$0x8] =	vst.msk $0xff, v10  }
0x2ef: {  	[tilespmem:s18+$0x8] =	vst.msk $0xff, v5;
	v5 =	vmul.f32 v19, v18  }
0x2f0: {  	[tilespmem:s17+$0x8] =	vst.msk $0xff, v13  }
0x2f1: {  	[tilespmem:s19+$0x8] =	vst.msk $0xff, v5;
	v5 =	vmul.f32 v56, v20  }
0x2f2: {  	[tilespmem:s20+$0x8] =	vst.msk $0xff, v16  }
0x2f3: {  	[tilespmem:s29+$0x8] =	vst.msk $0xff, v5;
	v5 =	vmul.f32 v61, v24  }
0x2f4: {  	[tilespmem:s28+$0x8] =	vst.msk $0xff, v21;
	v6 =	vpop (erf)  }
0x2f5: {  	[tilespmem:s30+$0x8] =	vst.msk $0xff, v5;
	v5 =	vmul.f32 v6, v27  }
0x2f6: {  	[tilespmem:s31+$0x8] =	vst.msk $0xff, v23  }
0x2f7: {  	[tilespmem:s0+$0x8] =	vst.msk $0xff, v5  }
0x2f8: {  	[tilespmem:s1+$0x8] =	vst.msk $0xff, v58  }
0x2f9: {  	[hbm4b:s4+s2] =	stream.linear.scatter [tilespmem:s8], [sflag:$0x1], $0x200, $0x38;
	[tilespmem:$0x2500] =	vst v63  }
0x2fa: {  	s10 =	sadd.s32 $0x1, s10;
	_ =	swait.ge [sflag:s7], $0x200  }
0x2fb: {  	p0 =	sne.s32 s10, s6;
	[sflag:s7] =	ssyncset.done $0x0  }
.Ltmp1:
0x2fc: {  	[sflag:s7] =	ssyncadd.s32 $0xFFFFFE00;
	(pc) =	sbr.rel @p0 .LBB2_1-.Ltmp1, $4  }
0x2fd: {  	[hbm4b:s5+s2] =	stream.linear.scatter [tilespmem:s9], [sflag:$0x1], $0x200, $0x38;
	[tilespmem:$0x2500] =	vst v63  }
0x2fe: {  	_ =	swait.ge [sflag:s7], $0x200  }
0x2ff: {  	[sflag:s7] =	ssyncset.done $0x0  }
0x300: {  	[sflag:s7] =	ssyncadd.s32 $0xFFFFFE00  }
0x301: {  	_ =	sfence.sel $0x180000  }
0x302: {  	[bflag:$0x0] =	sbarrier.arrive $0xFFFF  }
0x303: {  	_ =	strace $0x90000050  }
0x304: {  	s0 =	stileid.u32;
	[bflag:$0x2] =	sbarrier.arrive $0xFFFF  }
0x305: {  	p0 =	sne.s32 s0, $0x0;
	s0 =	rddreg [dreg:$0x3]  }
0x306: {  	s0 =	sadd.s32 @!p0 $0x100000, s0  }
0x307: {  	[sflag:s0] =	ssyncadd.tile.s32 @!p0 $0x1;
	_ =	shalt  }
.Lfunc_end2:
_tile_overlayer_lowered:
.L_overlay_start_2:
0x308: {  	(tag) =	ssettag $0x2  }
0x309: {  	s0 =	rddreg [dreg:$0x0];
	s2 =	stileid.u32  }
0x30a: {  	s1 =	rddreg [dreg:$0x1];
	p0 =	sne.s32 s2, $0x0  }
0x30b: {  	s3 =	rddreg [dreg:$0x2];
	[bflag:$0x3] =	sbarrier.arrive $0xFFFF;
	s2 =	simm.s32 @!p0 $0x1C01  }
0x30c: {  	[timem:s3], [sflag:s2] =	dma.local @!p0 [hbm:s0], s1  }
0x30d: {  	s0 =	simm.s32 @!p0 $0x1  }
0x30e: {  	_ =	swait.ge @!p0 [sflag:s0], s1  }
0x30f: {  	s1 =	ssub.s32 @!p0 $0x0, s1;
	[sflag:s0] =	ssyncset.done @!p0 $0x0  }
0x310: {  	[sflag:s0] =	ssyncadd.s32 @!p0 s1  }
0x311: {  	[bflag:$0x3] =	sbarrier.arrive $0xFFFF  }
0x312: {  	_ =	shalt  }

// kernel: kernel.16.cloned.1.call-start
scs
__scs_entry_jumppad:
0x0: {  	(pc) =	sbr.rel $0x88, $3  }
0x1: {  	(tag) =	ssettag $0x0;
	lr =	simm.s32 $0x1  }
0x2: {  	[smem:$0x3F9F] =	sst lr;
	_ =	strace $0xD0000000  }
0x3: {  	_ = 	snop  }
0x4: {  	_ = 	snop  }
0x5: {  	_ = 	snop  }
0x6: {  	_ = 	snop  }
0x7: {  	_ = 	snop  }
__scs_overlays_trampoline_lowered:
0x8: {  	[smem:$0x3FAE] =	sst s0  }
0x9: {  	[smem:$0x3FAF] =	sst s1  }
0xa: {  	[smem:$0x3FB0] =	sst s2  }
0xb: {  	[smem:$0x3FB1] =	sst s3  }
0xc: {  	[smem:$0x3FB2] =	sst s4  }
0xd: {  	[smem:$0x3FB3] =	sst s5  }
0xe: {  	[smem:$0x3FB4] =	sst s6  }
0xf: {  	[smem:$0x3FB5] =	sst s7  }
0x10: {  	[smem:$0x3FB6] =	sst s8  }
0x11: {  	[smem:$0x3FB7] =	sst s9;
	s0 =	simm.s32 @!p0 $0x0  }
0x12: {  	s1 =	sld [smem:$0x3F9D];
	s0 =	simm.s32 @p0 $0x1  }
0x13: {  	[smem:$0x3FB8] =	sst s0;
	s0 =	simm.s32 @!p1 $0x0  }
0x14: {  	s2 =	sld [smem:$0x3F9C];
	s0 =	simm.s32 @p1 $0x1  }
0x15: {  	[smem:$0x3FB9] =	sst s0;
	s0 =	simm.s32 @!p2 $0x0  }
0x16: {  	s3 =	sld [smem:$0x3FDB];
	s0 =	simm.s32 @p2 $0x1  }
0x17: {  	s4 =	simm.s32 $0x1BF5;
	[smem:$0x3FBB] =	sst s0  }
0x18: {  	s0 =	sld [smem:$0x3F9E];
	_ =	swait.ge [sflag:s4], $0x0  }
0x19: {  	s7 =	sld [smem:$0x3F9F]  }
0x1a: {  	s8 =	sadd.s32 $0xFFFFE003, lr  }
0x1b: {  	s9 =	sadd.s32 $0xFFFFFEF7, lr;
	s5 =	simm.s32 $0xFFFFFFFF;
	p2 =	slt.u32 s8, $0xFFFFF086  }
0x1c: {  	p1 =	slt.u32 s9, $0xF7A;
	s5 =	simm.s32 @!p2 $0x0  }
0x1d: {  	s5 =	simm.s32 @p1 $0x1;
	p0 =	seq.s32 s7, s2  }
0x1e: {  	s7 =	smul.u32 @!p0 $0xF7A, s2;
	p2 =	seq.s32 @!p0 s5, $0x0  }
0x1f: {  	s9 =	smul.u32 $0xF7A, s1;
	s8 =	simm.s32 @!p0 $0x1BF5;
	p2 =	por !p2, p0  }
0x20: {  	[sflag:s8] =	ssyncset.s32 @!p0 $0xFFFFF086;
	s6 =	sadd.s32 @!p0 s3, s7;
	s7 =	simm.s32 @!p0 $0x108  }
0x21: {  	s3 =	sadd.s32 s3, s9;
	s6 =	sadd.s32 @!p0 $0x88, s6;
	s7 =	simm.s32 @p2 $0x1082  }
0x22: {  	[simem:s7], [sflag:s8] =	dma.local @!p0 [hbm:s6], $0xF7A  }
0x23: {  	s9 =	sor.u32 $0xD0000000, s2;
	s6 =	simm.s32 $0x108;
	_ =	swait.ge @!p0 [sflag:s8], $0x0  }
0x24: {  	s3 =	sadd.s32 $0x88, s3;
	s6 =	simm.s32 @!p1 $0x1082;
	[sflag:s4] =	ssyncset.s32 $0xFFFFF086  }
0x25: {  	[simem:s6], [sflag:s4] =	dma.local [hbm:s3], $0xF7A  }
0x26: {  	[smem:$0x3F9F] =	sst s1;
	(tag) =	ssettag s2;
	_ =	strace s9  }
0x27: {  	s1 =	sld [smem:$0x3FAF]  }
0x28: {  	s2 =	sld [smem:$0x3FB0]  }
0x29: {  	s4 =	sld [smem:$0x3FB2]  }
0x2a: {  	p0 =	seq.s32 s5, $0x0;
	s5 =	sld [smem:$0x3FB3]  }
0x2b: {  	s6 =	sld [smem:$0x3FB4]  }
0x2c: {  	s7 =	sld [smem:$0x3FB5]  }
0x2d: {  	s3 =	simm.s32 $0x108;
	s8 =	sld [smem:$0x3FB6]  }
0x2e: {  	s3 =	simm.s32 @!p0 $0x1082;
	s9 =	sld [smem:$0x3FB7]  }
0x2f: {  	lr =	sadd.s32 s0, s3;
	s0 =	sld [smem:$0x3FAE]  }
0x30: {  	s3 =	sld [smem:$0x3FB1]  }
0x31: {  	[smem:$0x3FBA] =	sst s10  }
0x32: {  	s10 =	sld [smem:$0x3FB8];
	_ =	sdelay $0x3  }
0x33: {  	p0 =	seq.s32 s10, $0x1;
	s10 =	sld [smem:$0x3FBA];
	_ =	sdelay $0x3  }
0x34: {  	[smem:$0x3FBA] =	sst s10  }
0x35: {  	s10 =	sld [smem:$0x3FB9];
	_ =	sdelay $0x3  }
0x36: {  	p1 =	seq.s32 s10, $0x1;
	s10 =	sld [smem:$0x3FBA];
	_ =	sdelay $0x3  }
0x37: {  	[smem:$0x3FBA] =	sst s10  }
0x38: {  	s10 =	sld [smem:$0x3FBB]  }
0x39: {  	_ = 	snop;
	(pc) =	sbr.ind lr, $3  }
0x3a: {  	_ = 	snop  }
0x3b: {  	_ = 	snop  }
0x3c: {  	p2 =	seq.s32 s10, $0x1;
	s10 =	sld [smem:$0x3FBA]  }
0x3d: {  	_ =	shalt  }
0x3e: {  	_ =	shalt  }
0x3f: {  	_ =	shalt  }
0x40: {  	_ =	shalt  }
0x41: {  	_ =	shalt  }
0x42: {  	_ =	shalt  }
0x43: {  	_ =	shalt  }
0x44: {  	_ =	shalt  }
0x45: {  	_ =	shalt  }
0x46: {  	_ =	shalt  }
0x47: {  	_ =	shalt  }
0x48: {  	_ =	shalt  }
0x49: {  	_ =	shalt  }
0x4a: {  	_ =	shalt  }
0x4b: {  	_ =	shalt  }
0x4c: {  	_ =	shalt  }
0x4d: {  	_ =	shalt  }
0x4e: {  	_ =	shalt  }
0x4f: {  	_ =	shalt  }
0x50: {  	_ =	shalt  }
0x51: {  	_ =	shalt  }
0x52: {  	_ =	shalt  }
0x53: {  	_ =	shalt  }
0x54: {  	_ =	shalt  }
0x55: {  	_ =	shalt  }
0x56: {  	_ =	shalt  }
0x57: {  	_ =	shalt  }
0x58: {  	_ =	shalt  }
0x59: {  	_ =	shalt  }
0x5a: {  	_ =	shalt  }
0x5b: {  	_ =	shalt  }
0x5c: {  	_ =	shalt  }
0x5d: {  	_ =	shalt  }
0x5e: {  	_ =	shalt  }
0x5f: {  	_ =	shalt  }
0x60: {  	_ =	shalt  }
0x61: {  	_ =	shalt  }
0x62: {  	_ =	shalt  }
0x63: {  	_ =	shalt  }
0x64: {  	_ =	shalt  }
0x65: {  	_ =	shalt  }
0x66: {  	_ =	shalt  }
0x67: {  	_ =	shalt  }
0x68: {  	_ =	shalt  }
0x69: {  	_ =	shalt  }
0x6a: {  	_ =	shalt  }
0x6b: {  	_ =	shalt  }
0x6c: {  	_ =	shalt  }
0x6d: {  	_ =	shalt  }
0x6e: {  	_ =	shalt  }
0x6f: {  	_ =	shalt  }
0x70: {  	_ =	shalt  }
0x71: {  	_ =	shalt  }
0x72: {  	_ =	shalt  }
0x73: {  	_ =	shalt  }
0x74: {  	_ =	shalt  }
0x75: {  	_ =	shalt  }
0x76: {  	_ =	shalt  }
0x77: {  	_ =	shalt  }
0x78: {  	_ =	shalt  }
0x79: {  	_ =	shalt  }
0x7a: {  	_ =	shalt  }
0x7b: {  	_ =	shalt  }
0x7c: {  	_ =	shalt  }
0x7d: {  	_ =	shalt  }
0x7e: {  	_ =	shalt  }
0x7f: {  	_ =	shalt  }
0x80: {  	_ =	shalt  }
0x81: {  	_ =	shalt  }
0x82: {  	_ =	shalt  }
0x83: {  	_ =	shalt  }
0x84: {  	_ =	shalt  }
0x85: {  	_ =	shalt  }
0x86: {  	_ =	shalt  }
0x87: {  	_ =	shalt  }
.Lfunc_end0:
.L_simem_size_0:
called_computation.2_lowered:
.L_overlay_start_0:
0x88: {  	s2 =	sld [smem:$0x3FD9]  }
0x89: {  	s3 =	sld [smem:$0x3FFE];
	_ =	sdelay $0x1  }
0x8a: {  	s1 =	srdreg.scid  }
0x8b: {  	s0 =	sand.u32 $0x1, s1  }
0x8c: {  	s17 =	sshll.u32 s0, $0xA;
	s2 =	sadd.s32 s3, s2  }
0x8d: {  	s2 =	sadd.s32 s2, s17  }
0x8e: {  	[smem:$0x3FC6] =	sst s2  }
0x8f: {  	_ = 	snop  }
0x90: {  	(tm) =	ssettm $0x1  }
0x91: {  	s18 =	sld [smem:$0x3FFB];
	_ =	sdelay $0x3  }
0x92: {  	_ =	strace s18  }
0x93: {  	s2 =	sld [smem:$0x3FFC];
	_ =	sdelay $0x3  }
0x94: {  	_ =	strace s2  }
0x95: {  	s2 =	sld [smem:$0x3FFD];
	_ =	sdelay $0x3  }
0x96: {  	_ =	strace s2  }
0x97: {  	_ =	strace $0x8FFFFFFF  }
0x98: {  	s19 =	sld [smem:$0x3FDB];
	_ =	sdelay $0x1  }
0x99: {  	s20 =	simm.s32 $_scs_section_size  }
0x9a: {  	s4 =	simm.s32 $_size__tile_overlayer_lowered;
	s5 =	simm.s32 $_tile_overlayer_lowered  }
0x9b: {  	s6 =	simm.s32 $0x1BFF;
	s21 =	sshll.u32 s5, $0x1;
	s3 =	sadd.s32 s20, s19  }
0x9c: {  	s22 =	simm.s32 $0x0;
	s4 =	sshll.u32 s4, $0x1;
	s5 =	sadd.s32 s21, s3  }
0x9d: {  	[timem:s22], [sflag:s6] =	dma.local [hbm:s5], s4  }
0x9e: {  	_ =	swait.ge [sflag:s6], s4  }
0x9f: {  	s4 =	ssub.s32 $0x0, s4;
	[sflag:s6] =	ssyncset.done $0x0  }
0xa0: {  	[sflag:s6] =	ssyncadd.s32 s4;
	_ =	sdelay $0x1  }
0xa1: {  	s23 =	simm.s32 $0x1B8B  }
0xa2: {  	_ =	swait.ge [sflag:s23], $0x1  }
0xa3: {  	[sflag:s23] =	ssyncset.done $0x0  }
0xa4: {  	[sflag:s23] =	ssyncadd.s32 $0xFFFFFFFF  }
0xa5: {  	s4 =	sld [smem:$0x0]  }
0xa6: {  	s5 =	sand.u32 $0xFFFFFFFE, s1  }
0xa7: {  	p0 =	sne.s32 s1, s5  }
0xa8: {  	s5 =	sshll.u32 @p0 s5, $0xE  }
0xa9: {  	s5 =	sadd.s32 @p0 $0x11B8D, s5;
	s6 =	sshll.u32 @p0 s4, $0x11  }
0xaa: {  	s5 =	sor.u32 @p0 s6, s5  }
0xab: {  	[sflag:s5] =	ssyncadd.remote.s32 @p0 $0x1;
	_ =	sdelay $0x1  }
0xac: {  	s5 =	simm.s32 @p0 $0x1B8D  }
0xad: {  	_ =	swait.eq @p0 [sflag:s5], $0x1  }
0xae: {  	[sflag:s5] =	ssyncadd.s32 @p0 $0xFFFFFFFF  }
0xaf: {  	s6 =	sshll.u32 @!p0 s1, $0xE  }
0xb0: {  	s6 =	sor.u32 @!p0 $0x4000, s6;
	s5 =	simm.s32 @!p0 $0x1B8D  }
0xb1: {  	s4 =	sshll.u32 @!p0 s4, $0x11;
	s6 =	sadd.s32 @!p0 $0x11B8D, s6;
	_ =	swait.eq @!p0 [sflag:s5], $0x1  }
0xb2: {  	s4 =	sor.u32 @!p0 s4, s6;
	[sflag:s5] =	ssyncadd.s32 @!p0 $0xFFFFFFFF  }
0xb3: {  	s25 =	simm.s32 $0x1B8E;
	s24 =	sld [smem:$0x3FFE];
	[sflag:s4] =	ssyncadd.remote.s32 @!p0 $0x1  }
0xb4: {  	s26 =	simm.s32 $execute0_lowered;
	[smem:$0x3FD2] =	sst s25  }
0xb5: {  	s5 =	sshll.u32 s26, $0x1;
	_ =	strace $0x8000004C;
	[dreg:$0x1] =	wrdreg $0xFFFFFFFF  }
0xb6: {  	s28 =	simm.s32 $_size_execute0_lowered;
	s3 =	sadd.s32 s3, s5;
	[dreg:$0x0] =	wrdreg $0x0  }
0xb7: {  	s5 =	sshll.u32 s28, $0x1;
	[dreg:$0x2] =	wrdreg s3  }
0xb8: {  	[dreg:$0x3] =	wrdreg s5  }
0xb9: {  	[dreg:$0x4] =	wrdreg $0xC0  }
0xba: {  	_ =	task [dreg:s22], $0x5FFFF  }
0xbb: {  	[dreg:$0x1] =	wrdreg $0xFFFFFFFF  }
0xbc: {  	[dreg:$0x0] =	wrdreg $0x60  }
0xbd: {  	[dreg:$0x2] =	wrdreg s24  }
0xbe: {  	[dreg:$0x3] =	wrdreg $0xB  }
0xbf: {  	_ =	task.clear_ibuf [dreg:s22], $0x4FFFF;
	_ =	strace $0x9000004C  }
0xc0: {  	s29 =	simm.s32 $0xB;
	_ =	strace $0x8000004E  }
0xc1: {  	_ =	swait.ge [sflag:s29], $0x1  }
0xc2: {  	[sflag:s29] =	ssyncadd.s32 $0xFFFFFFFF  }
0xc3: {  	_ =	strace $0x9000004E  }
0xc4: {  	_ =	sfence  }
0xc5: {  	s30 =	sld [smem:$0x0];
	_ =	sdelay $0x2  }
0xc6: {  	s31 =	sshll.u32 s1, $0xD;
	s1 =	sshrl.u32 s1, $0x2  }
0xc7: {  	s4 =	sand.u32 $0x4000, s31;
	s1 =	sadd.s32 s1, s30  }
0xc8: {  	s0 =	sor.u32 s4, s0;
	s1 =	sshll.u32 s1, $0x11  }
0xc9: {  	s0 =	sor.u32 s1, s0  }
0xca: {  	s0 =	sadd.s32 $0x8F2B, s0  }
0xcb: {  	[sflag:s0] =	ssyncadd.remote.s32 $0x1  }
0xcc: {  	_ =	sfence.sel $0xFFFF  }
0xcd: {  	[dreg:$0x0] =	wrdreg $0xFFFFFFFF;
	(pc) =	sbr.abs _section_cstart, $3  }
0xce: {  	[dreg:$0x1] =	wrdreg $0xFFFFFFFF  }
0xcf: {  	_ =	task.clear_ibuf [dreg:s22], $0x2FFFF;
	_ =	strace $0x9FFFFFFF  }
0xd0: {  	(tm) =	ssettm $0x7FFFFFFF  }
0xd1: {  	_ =	shalt  }
tec
execute0_lowered:
.L_overlay_start_1:
0x0: {  	(tag) =	ssettag $0x1  }
0x1: {  	s0 =	rddreg [dreg:$0x0];
	s2 =	simm.s32 $0x0;
	s1 =	srdreg.scid  }
0x2: {  	s3 =	stileid.u32;
	s7 =	simm.s32 $0x1;
	s8 =	simm.s32 $0x2000  }
0x3: {  	s9 =	simm.s32 $0x2280;
	s1 =	sand.u32 $0x1, s1;
	s3 =	sshll.u32 s3, $0x1  }
0x4: {  	s10 =	simm.s32 $0x0;
	[smem:$0x7FF] =	sst s2;
	s3 =	sor.u32 s1, s3  }
0x5: {  	v0 =	vlaneseq.u32;
	_ =	strace $0x8000004D;
	s1 =	ssub.s32 $0x2, s1;
	s4 =	sshll.u32 s3, $0xA  }
0x6: {  	v4 =	vmul.u32 $0xFFFFFFFF, v0;
	s3 =	sshll.u32 s3, $0x6;
	s31 =	sshrl.u32 s1, $0x1;
	s4 =	sadd.s32 s4, s0  }
0x7: {  	vm0 =	vmmov $0xff;
	v1 =	vor.u32 $0x10, v0;
	s0 =	sadd.s32 s3, s0;
	s1 =	ssub.s32 s1, s31;
	s3 =	sadd.s32 $0x14C00, s4  }
0x8: {  	v2 =	vor.u32 $0x20, v0;
	v3 =	vor.u32 $0x30, v0;
	v4 =	vadd.s32 $0xF, v4;
	s4 =	sadd.s32 $0x1CC00, s0;
	s5 =	sadd.s32 $0x1D400, s0;
	s6 =	smax.u32 s1, $0x1  }
.LBB2_1:
0x9: {  	[tilespmem:s2], [sflag:$0x1] =	stream.linear.gather [hbm4b:s3+s2], $0x2000, $0x38;
	[tilespmem:$0x2500] =	vst v63  }
0xa: {  	_ =	swait.ge [sflag:s7], $0x2000  }
0xb: {  	[sflag:s7] =	ssyncset.done $0x0  }
0xc: {  	s26 =	simm.s32 $0x100;
	[sflag:s7] =	ssyncadd.s32 $0xFFFFE000  }
0xd: {  	v5 =	vld [tilespmem:s26+$0xFFFFFF10]  }
0xe: {  	v6 =	vld [tilespmem:s26+$0xFFFFFF00];
	_ =	sdelay $0x2  }
0xf: {  	v7 =	vld [tilespmem:s26+$0xFFFFFF20]  }
0x10: {  	(xrf1) =	vsort.dscd.msk.f32 $0xffff, v5, v1  }
0x11: {  	v5 =	vld [tilespmem:s26+$0xFFFFFF30];
	(xrf1) =	vsort.dscd.msk.f32 $0xffff, v6, v0;
	_ =	sdelay $0x2  }
0x12: {  	(xrf1) =	vsort.dscd.msk.f32 $0xffff, v7, v2;
	_ =	sdelay $0x1  }
0x13: {  	(xrf1) =	vsort.dscd.msk.f32 $0xffff, v5, v3;
	_ =	sdelay $0x7  }
0x14: {  	v5, v6, _ =	vpop (xrf1)  }
0x15: {  	v7, v8, _ =	vpop (xrf1)  }
0x16: {  	v8 =	vperm.xlane v8, v4  }
0x17: {  	v7 =	vperm.xlane v7, v4  }
0x18: {  	v9, v10, _ =	vpop (xrf1)  }
0x19: {  	v9 =	vperm.xlane v9, v4;
	vm1 =	vgt.f32 v7, v5  }
0x1a: {  	v5 =	vsel vm1, v7, v5;
	v6 =	vsel vm1, v8, v6;
	v7 =	vperm.xlane v10, v4;
	v8, v10, _ =	vpop (xrf1)  }
0x1b: {  	(xrf1) =	vsort.dscd.msk.f32 $0xffff, v5, v6;
	vm1 =	vgt.f32 v9, v8  }
0x1c: {  	v5 =	vsel vm1, v9, v8;
	v6 =	vsel vm1, v7, v10  }
0x1d: {  	(xrf1) =	vsort.dscd.msk.f32 $0xffff, v5, v6;
	_ =	sdelay $0x8  }
0x1e: {  	s28 =	simm.s32 $0x300  }
0x1f: {  	v5 =	vld [tilespmem:s28+$0xFFFFFF10]  }
0x20: {  	v6 =	vld [tilespmem:s28+$0xFFFFFF00]  }
0x21: {  	v7, v8, _ =	vpop (xrf1)  }
0x22: {  	v7 =	vperm.xlane v7, v4  }
0x23: {  	v8 =	vperm.xlane v8, v4;
	v9, v10, _ =	vpop (xrf1)  }
0x24: {  	(xrf1) =	vsort.dscd.msk.f32 $0xffff, v5, v1;
	vm1 =	vgt.f32 v7, v9  }
0x25: {  	(xrf1) =	vsort.dscd.msk.f32 $0xffff, v6, v0;
	v5 =	vsel vm1, v7, v9;
	v7 =	vsel vm1, v8, v10  }
0x26: {  	(xrf1) =	vsort.dscd.msk.f32 $0xffff, v5, v7;
	_ =	sdelay $0x6  }
0x27: {  	v5 =	vld [tilespmem:s28+$0xFFFFFF20]  }
0x28: {  	v6 =	vld [tilespmem:s28+$0xFFFFFF30];
	_ =	sdelay $0x3  }
0x29: {  	(xrf1) =	vsort.dscd.msk.f32 $0xffff, v5, v2;
	v5, v7, _ =	vpop (xrf1)  }
0x2a: {  	(xrf1) =	vsort.dscd.msk.f32 $0xffff, v6, v3;
	v6, v8, _ =	vpop (xrf1)  }
0x2b: {  	v9, v10, _ =	vpop (xrf1)  }
0x2c: {  	(xrf0) =	vmax.scan.msk.f32 $0xffff, v9;
	_ =	sdelay $0x5  }
0x2d: {  	v11, _, _ =	vpop (xrf0)  }
0x2e: {  	v11 =	vbroadcast v11, $0xF;
	_ =	sdelay $0x1  }
0x2f: {  	v6 =	vperm.xlane v6, v4;
	_ =	sdelay $0x1  }
0x30: {  	v8 =	vperm.xlane v8, v4;
	vm1 =	vgt.f32 v6, v5;
	v9 =	vsub.f32 v9, v11;
	v11, v12, _ =	vpop (xrf1)  }
0x31: {  	v5 =	vsel vm1, v6, v5;
	v6 =	vperm.xlane v11, v4  }
0x32: {  	v7 =	vsel vm1, v8, v7;
	v8 =	vmul.f32 $1.442695020e+00, v9;
	v9 =	vperm.xlane v12, v4;
	v11, v12, _ =	vpop (xrf1)  }
0x33: {  	(xrf1) =	vsort.dscd.msk.f32 $0xffff, v5, v7;
	vm1 =	vgt.f32 v6, v11  }
0x34: {  	(erf) = vpow2.f32 v8;
	v5 =	vsel vm1, v6, v11;
	v6 =	vsel vm1, v9, v12  }
0x35: {  	(xrf1) =	vsort.dscd.msk.f32 $0xffff, v5, v6;
	_ =	sdelay $0x7  }
0x36: {  	v5 =	vpop (erf)  }
0x37: {  	s25 =	simm.s32 $0x500;
	v5 =	vnsel vm0, $0x0, v5  }
0x38: {  	v6 =	vld [tilespmem:s25+$0xFFFFFF10];
	(xrf2) =	vadd.scan.msk.f32 $0xffff, v5  }
0x39: {  	v7 =	vld [tilespmem:s25+$0xFFFFFF00]  }
0x3a: {  	v8, v9, _ =	vpop (xrf1)  }
0x3b: {  	v8 =	vperm.xlane v8, v4  }
0x3c: {  	v9 =	vperm.xlane v9, v4;
	v11, v12, _ =	vpop (xrf1)  }
0x3d: {  	(xrf1) =	vsort.dscd.msk.f32 $0xffff, v6, v1;
	vm1 =	vgt.f32 v8, v11  }
0x3e: {  	(xrf1) =	vsort.dscd.msk.f32 $0xffff, v7, v0;
	v6 =	vsel vm1, v8, v11;
	v8 =	vsel vm1, v9, v12  }
0x3f: {  	(xrf1) =	vsort.dscd.msk.f32 $0xffff, v6, v8;
	_ =	sdelay $0x2  }
0x40: {  	v6, _, _ =	vpop (xrf2)  }
0x41: {  	v6 =	vbroadcast v6, $0xF;
	_ =	sdelay $0x1  }
0x42: {  	(erf) = vrcp.f32 v6;
	_ =	sdelay $0x5  }
0x43: {  	v11 =	vld [tilespmem:s25+$0xFFFFFF20];
	v6, v7, _ =	vpop (xrf1)  }
0x44: {  	v8, v9, _ =	vpop (xrf1)  }
0x45: {  	v15 =	vld [tilespmem:s25+$0xFFFFFF30];
	v12, v13, _ =	vpop (xrf1)  }
0x46: {  	v14 =	vpop (erf)  }
0x47: {  	(xrf0) =	vmax.scan.msk.f32 $0xffff, v12;
	v5 =	vmul.f32 v14, v5  }
0x48: {  	s11 =	simm.s32 $0x2010;
	(xrf1) =	vsort.dscd.msk.f32 $0xffff, v11, v2  }
0x49: {  	s12 =	simm.s32 $0x2290;
	[tilespmem:s11+$0xFFFFFFF0] =	vst.msk $0xff, v5  }
0x4a: {  	(xrf1) =	vsort.dscd.msk.f32 $0xffff, v15, v3;
	v5 =	vperm.xlane v8, v4;
	[tilespmem:s12+$0xFFFFFFF0] =	vst.msk $0xff, v10  }
0x4b: {  	v8 =	vperm.xlane v9, v4;
	v9 =	vld [tilespmem:s26+$0xFFFFFF80]  }
0x4c: {  	vm1 =	vgt.f32 v5, v6;
	v10 =	vld [tilespmem:s26+$0xFFFFFFA0]  }
0x4d: {  	v5 =	vsel vm1, v5, v6;
	v6 =	vsel vm1, v8, v7;
	v8 =	vld [tilespmem:s26+$0xFFFFFF90];
	v7, _, _ =	vpop (xrf0)  }
0x4e: {  	(xrf1) =	vsort.dscd.msk.f32 $0xffff, v5, v6;
	v5 =	vbroadcast v7, $0xF  }
0x4f: {  	v6 =	vld [tilespmem:s26+$0xFFFFFFB0]  }
0x50: {  	v5 =	vsub.f32 v12, v5;
	(xrf1) =	vsort.dscd.msk.f32 $0xffff, v9, v0  }
0x51: {  	(xrf1) =	vsort.dscd.msk.f32 $0xffff, v10, v2  }
0x52: {  	v5 =	vmul.f32 $1.442695020e+00, v5;
	(xrf1) =	vsort.dscd.msk.f32 $0xffff, v8, v1;
	_ =	sdelay $0x1  }
0x53: {  	(xrf1) =	vsort.dscd.msk.f32 $0xffff, v6, v3;
	(erf) = vpow2.f32 v5;
	_ =	sdelay $0x1  }
0x54: {  	v5, v6, _ =	vpop (xrf1)  }
0x55: {  	v5 =	vperm.xlane v5, v4  }
0x56: {  	v7, v8, _ =	vpop (xrf1)  }
0x57: {  	v6 =	vperm.xlane v6, v4;
	vm1 =	vgt.f32 v5, v7  }
0x58: {  	v5 =	vsel vm1, v5, v7  }
0x59: {  	v6 =	vsel vm1, v6, v8  }
0x5a: {  	v7, v8, _ =	vpop (xrf1)  }
0x5b: {  	(xrf1) =	vsort.dscd.msk.f32 $0xffff, v5, v6;
	v5 =	vpop (erf)  }
0x5c: {  	v6, v9, _ =	vpop (xrf1)  }
0x5d: {  	v6 =	vperm.xlane v6, v4;
	v10, v11, _ =	vpop (xrf1)  }
0x5e: {  	v9 =	vperm.xlane v9, v4;
	v12, v14, _ =	vpop (xrf1)  }
0x5f: {  	v5 =	vnsel vm0, $0x0, v5;
	v10 =	vperm.xlane v10, v4;
	vm1 =	vgt.f32 v6, v12  }
0x60: {  	(xrf2) =	vadd.scan.msk.f32 $0xffff, v5;
	v11 =	vperm.xlane v11, v4;
	v15, v16, _ =	vpop (xrf1);
	v6 =	vsel vm1, v6, v12;
	v9 =	vsel vm1, v9, v14  }
0x61: {  	vm1 =	vgt.f32 v10, v15;
	(xrf1) =	vsort.dscd.msk.f32 $0xffff, v6, v9  }
0x62: {  	v6 =	vsel vm1, v10, v15;
	v9 =	vsel vm1, v11, v16  }
0x63: {  	(xrf1) =	vsort.dscd.msk.f32 $0xffff, v6, v9  }
0x64: {  	s24 =	simm.s32 $0x700  }
0x65: {  	v6 =	vld [tilespmem:s24+$0xFFFFFF10];
	_ =	sdelay $0x1  }
0x66: {  	v9 =	vld [tilespmem:s24+$0xFFFFFF00]  }
0x67: {  	v7 =	vperm.xlane v7, v4  }
0x68: {  	v10, v11, _ =	vpop (xrf1)  }
0x69: {  	v8 =	vperm.xlane v8, v4;
	(xrf1) =	vsort.dscd.msk.f32 $0xffff, v6, v1;
	v6, _, _ =	vpop (xrf2);
	vm1 =	vgt.f32 v7, v10  }
0x6a: {  	v6 =	vbroadcast v6, $0xF;
	v7 =	vsel vm1, v7, v10  }
0x6b: {  	(xrf1) =	vsort.dscd.msk.f32 $0xffff, v9, v0;
	v8 =	vsel vm1, v8, v11  }
0x6c: {  	(xrf1) =	vsort.dscd.msk.f32 $0xffff, v7, v8;
	(erf) = vrcp.f32 v6;
	_ =	sdelay $0x1  }
0x6d: {  	v6, v7, _ =	vpop (xrf1)  }
0x6e: {  	v6 =	vperm.xlane v6, v4  }
0x6f: {  	v8, v9, _ =	vpop (xrf1);
	v7 =	vperm.xlane v7, v4  }
0x70: {  	vm1 =	vgt.f32 v6, v8  }
0x71: {  	v7 =	vsel vm1, v7, v9  }
0x72: {  	v6 =	vsel vm1, v6, v8  }
0x73: {  	(xrf1) =	vsort.dscd.msk.f32 $0xffff, v6, v7;
	v6 =	vld [tilespmem:s24+$0xFFFFFF20]  }
0x74: {  	v8 =	vld [tilespmem:s24+$0xFFFFFF30];
	v7 =	vpop (erf)  }
0x75: {  	v5 =	vmul.f32 v7, v5;
	_ =	sdelay $0x1  }
0x76: {  	v7, v9, _ =	vpop (xrf1)  }
0x77: {  	s13 =	simm.s32 $0x2030;
	v10, v11, _ =	vpop (xrf1);
	(xrf1) =	vsort.dscd.msk.f32 $0xffff, v6, v2  }
0x78: {  	[tilespmem:s13+$0xFFFFFFF0] =	vst.msk $0xff, v5;
	(xrf1) =	vsort.dscd.msk.f32 $0xffff, v8, v3;
	v5, v12, _ =	vpop (xrf1)  }
0x79: {  	s14 =	simm.s32 $0x22B0;
	v6 =	vperm.xlane v10, v4;
	(xrf0) =	vmax.scan.msk.f32 $0xffff, v5  }
0x7a: {  	[tilespmem:s14+$0xFFFFFFF0] =	vst.msk $0xff, v13;
	v8 =	vperm.xlane v11, v4  }
0x7b: {  	v10 =	vld [tilespmem:s28+$0xFFFFFF80];
	vm1 =	vgt.f32 v6, v7  }
0x7c: {  	v11 =	vld [tilespmem:s28+$0xFFFFFFA0];
	v6 =	vsel vm1, v6, v7;
	v7 =	vsel vm1, v8, v9  }
0x7d: {  	v13 =	vld [tilespmem:s28+$0xFFFFFF90];
	_ =	sdelay $0x1  }
0x7e: {  	(xrf1) =	vsort.dscd.msk.f32 $0xffff, v6, v7;
	v6 =	vld [tilespmem:s28+$0xFFFFFFB0];
	v7, _, _ =	vpop (xrf0)  }
0x7f: {  	(xrf1) =	vsort.dscd.msk.f32 $0xffff, v10, v0;
	v7 =	vbroadcast v7, $0xF  }
0x80: {  	(xrf1) =	vsort.dscd.msk.f32 $0xffff, v11, v2  }
0x81: {  	v8, v9, _ =	vpop (xrf1);
	(xrf1) =	vsort.dscd.msk.f32 $0xffff, v13, v1;
	v5 =	vsub.f32 v5, v7  }
0x82: {  	(xrf0) =	vmax.scan.msk.f32 $0xffff, v8  }
0x83: {  	(xrf1) =	vsort.dscd.msk.f32 $0xffff, v6, v3;
	v5 =	vmul.f32 $1.442695020e+00, v5  }
0x84: {  	v6, v7, _ =	vpop (xrf1)  }
0x85: {  	(erf) = vpow2.f32 v5;
	v5 =	vperm.xlane v6, v4  }
0x86: {  	v7 =	vperm.xlane v7, v4;
	v10, v11, _ =	vpop (xrf1)  }
0x87: {  	vm1 =	vgt.f32 v5, v10  }
0x88: {  	v6, _, _ =	vpop (xrf0);
	v7 =	vsel vm1, v7, v11  }
0x89: {  	v6 =	vbroadcast v6, $0xF;
	v5 =	vsel vm1, v5, v10  }
0x8a: {  	(xrf1) =	vsort.dscd.msk.f32 $0xffff, v5, v7  }
0x8b: {  	v6 =	vsub.f32 v8, v6  }
0x8c: {  	v5, v7, _ =	vpop (xrf1)  }
0x8d: {  	v6 =	vmul.f32 $1.442695020e+00, v6;
	v8, v10, _ =	vpop (xrf1)  }
0x8e: {  	v8 =	vperm.xlane v8, v4;
	v11, v13, _ =	vpop (xrf1)  }
0x8f: {  	(erf) = vpow2.f32 v6;
	v6 =	vperm.xlane v10, v4;
	v10, v14, _ =	vpop (xrf1)  }
0x90: {  	v15 =	vpop (erf);
	v11 =	vperm.xlane v11, v4;
	vm1 =	vgt.f32 v8, v10  }
0x91: {  	v16, v17, _ =	vpop (xrf1);
	v8 =	vsel vm1, v8, v10;
	v6 =	vsel vm1, v6, v14;
	v10 =	vperm.xlane v13, v4  }
0x92: {  	s21 =	simm.s32 $0x900;
	v13 =	vnsel vm0, $0x0, v15;
	vm1 =	vgt.f32 v11, v16;
	(xrf1) =	vsort.dscd.msk.f32 $0xffff, v8, v6  }
0x93: {  	(xrf2) =	vadd.scan.msk.f32 $0xffff, v13;
	v8 =	vsel vm1, v10, v17;
	v10 =	vld [tilespmem:s21+$0xFFFFFF10];
	_ =	sdelay $0x1  }
0x94: {  	v6 =	vsel vm1, v11, v16  }
0x95: {  	(xrf1) =	vsort.dscd.msk.f32 $0xffff, v6, v8  }
0x96: {  	v5 =	vperm.xlane v5, v4;
	v6 =	vld [tilespmem:s21+$0xFFFFFF00]  }
0x97: {  	(xrf1) =	vsort.dscd.msk.f32 $0xffff, v10, v1;
	v10, v11, _ =	vpop (xrf1)  }
0x98: {  	v8 =	vpop (erf);
	vm1 =	vgt.f32 v5, v10  }
0x99: {  	v7 =	vperm.xlane v7, v4;
	v8 =	vnsel vm0, $0x0, v8;
	v5 =	vsel vm1, v5, v10  }
0x9a: {  	(xrf2) =	vadd.scan.msk.f32 $0xffff, v8  }
0x9b: {  	(xrf1) =	vsort.dscd.msk.f32 $0xffff, v6, v0;
	v7 =	vsel vm1, v7, v11  }
0x9c: {  	(xrf1) =	vsort.dscd.msk.f32 $0xffff, v5, v7;
	v5, _, _ =	vpop (xrf2)  }
0x9d: {  	v5 =	vbroadcast v5, $0xF;
	_ =	sdelay $0x2  }
0x9e: {  	(erf) = vrcp.f32 v5  }
0x9f: {  	v5, v6, _ =	vpop (xrf1)  }
0xa0: {  	v5 =	vperm.xlane v5, v4  }
0xa1: {  	v7 =	vld [tilespmem:s21+$0xFFFFFF20];
	v10, v11, _ =	vpop (xrf1);
	v6 =	vperm.xlane v6, v4  }
0xa2: {  	vm1 =	vgt.f32 v5, v10  }
0xa3: {  	v14 =	vld [tilespmem:s21+$0xFFFFFF30];
	v15, _, _ =	vpop (xrf2);
	v5 =	vsel vm1, v5, v10;
	v6 =	vsel vm1, v6, v11  }
0xa4: {  	(xrf1) =	vsort.dscd.msk.f32 $0xffff, v5, v6;
	v5 =	vbroadcast v15, $0xF;
	_ =	sdelay $0x1  }
0xa5: {  	(xrf1) =	vsort.dscd.msk.f32 $0xffff, v7, v2;
	(erf) = vrcp.f32 v5  }
0xa6: {  	v7 =	vpop (erf)  }
0xa7: {  	(xrf1) =	vsort.dscd.msk.f32 $0xffff, v14, v3;
	v5, v6, _ =	vpop (xrf1)  }
0xa8: {  	v13 =	vmul.f32 v7, v13;
	v10, v11, _ =	vpop (xrf1)  }
0xa9: {  	s15 =	simm.s32 $0x2050;
	v14, v7, _ =	vpop (xrf1)  }
0xaa: {  	s16 =	simm.s32 $0x22D0;
	[tilespmem:s15+$0xFFFFFFF0] =	vst.msk $0xff, v13;
	v10 =	vperm.xlane v10, v4;
	(xrf0) =	vmax.scan.msk.f32 $0xffff, v14  }
0xab: {  	[tilespmem:s16+$0xFFFFFFF0] =	vst.msk $0xff, v12  }
0xac: {  	v11 =	vperm.xlane v11, v4;
	v12 =	vld [tilespmem:s25+$0xFFFFFF80];
	vm1 =	vgt.f32 v10, v5  }
0xad: {  	v5 =	vsel vm1, v10, v5  }
0xae: {  	v15 =	vpop (erf)  }
0xaf: {  	v13 =	vld [tilespmem:s25+$0xFFFFFFA0];
	v6 =	vsel vm1, v11, v6;
	v8 =	vmul.f32 v15, v8  }
0xb0: {  	v10 =	vld [tilespmem:s25+$0xFFFFFF90];
	(xrf1) =	vsort.dscd.msk.f32 $0xffff, v5, v6;
	v11, _, _ =	vpop (xrf0)  }
0xb1: {  	(xrf1) =	vsort.dscd.msk.f32 $0xffff, v12, v0;
	v12, v5, _ =	vpop (xrf1);
	[tilespmem:s11+$0xFFFFFFF8] =	vst.msk $0xff, v8  }
0xb2: {  	v6 =	vld [tilespmem:s25+$0xFFFFFFB0];
	(xrf0) =	vmax.scan.msk.f32 $0xffff, v12;
	[tilespmem:s12+$0xFFFFFFF8] =	vst.msk $0xff, v9;
	v9 =	vbroadcast v11, $0xF  }
0xb3: {  	v8, v15, _ =	vpop (xrf1)  }
0xb4: {  	(xrf1) =	vsort.dscd.msk.f32 $0xffff, v13, v2;
	v8 =	vperm.xlane v8, v4;
	v9 =	vsub.f32 v14, v9  }
0xb5: {  	(xrf1) =	vsort.dscd.msk.f32 $0xffff, v10, v1;
	v11 =	vld [tilespmem:s26+$0x20];
	v13 =	vperm.xlane v15, v4;
	v15, v16, _ =	vpop (xrf1)  }
0xb6: {  	v10 =	vld [tilespmem:s26+$0x0];
	vm1 =	vgt.f32 v8, v15  }
0xb7: {  	(xrf1) =	vsort.dscd.msk.f32 $0xffff, v6, v3;
	v6 =	vsel vm1, v8, v15;
	v8 =	vsel vm1, v13, v16;
	v13 =	vld [tilespmem:s26+$0x30]  }
0xb8: {  	(xrf1) =	vsort.dscd.msk.f32 $0xffff, v6, v8;
	v6 =	vld [tilespmem:s26+$0x10];
	v8 =	vmul.f32 $1.442695020e+00, v9;
	v9, _, _ =	vpop (xrf0)  }
0xb9: {  	v9 =	vbroadcast v9, $0xF  }
0xba: {  	(xrf1) =	vsort.dscd.msk.f32 $0xffff, v11, v2  }
0xbb: {  	(xrf1) =	vsort.dscd.msk.f32 $0xffff, v10, v0;
	(erf) = vpow2.f32 v8;
	v8 =	vsub.f32 v12, v9  }
0xbc: {  	(xrf1) =	vsort.dscd.msk.f32 $0xffff, v13, v3  }
0xbd: {  	(xrf1) =	vsort.dscd.msk.f32 $0xffff, v6, v1;
	v6 =	vmul.f32 $1.442695020e+00, v8;
	_ =	sdelay $0x2  }
0xbe: {  	v8, v9, _ =	vpop (xrf1)  }
0xbf: {  	(erf) = vpow2.f32 v6;
	v6, v10, _ =	vpop (xrf1)  }
0xc0: {  	v6 =	vperm.xlane v6, v4;
	v11, v12, _ =	vpop (xrf1)  }
0xc1: {  	v10 =	vperm.xlane v10, v4;
	v13, v14, _ =	vpop (xrf1)  }
0xc2: {  	v15 =	vpop (erf);
	v11 =	vperm.xlane v11, v4;
	vm1 =	vgt.f32 v6, v13  }
0xc3: {  	v12 =	vperm.xlane v12, v4;
	v17, v18, _ =	vpop (xrf1);
	v6 =	vsel vm1, v6, v13;
	v10 =	vsel vm1, v10, v14  }
0xc4: {  	s22 =	simm.s32 $0xB00;
	v14 =	vnsel vm0, $0x0, v15;
	vm1 =	vgt.f32 v11, v17;
	(xrf1) =	vsort.dscd.msk.f32 $0xffff, v6, v10  }
0xc5: {  	v16 =	vld [tilespmem:s22+$0xFFFFFF10];
	(xrf2) =	vadd.scan.msk.f32 $0xffff, v14;
	v10 =	vsel vm1, v12, v18  }
0xc6: {  	v13 =	vld [tilespmem:s22+$0xFFFFFF00];
	v6 =	vperm.xlane v9, v4;
	v9 =	vsel vm1, v11, v17  }
0xc7: {  	v8 =	vperm.xlane v8, v4;
	v15, v19, _ =	vpop (xrf1)  }
0xc8: {  	(xrf1) =	vsort.dscd.msk.f32 $0xffff, v9, v10;
	v11, v12, _ =	vpop (xrf1)  }
0xc9: {  	vm1 =	vgt.f32 v8, v15;
	v11 =	vperm.xlane v11, v4;
	v9, v10, _ =	vpop (xrf1)  }
0xca: {  	v8 =	vsel vm1, v8, v15;
	(xrf1) =	vsort.dscd.msk.f32 $0xffff, v16, v1;
	v6 =	vsel vm1, v6, v19;
	v16, v17, _ =	vpop (xrf1)  }
0xcb: {  	v15 =	vpop (erf);
	v12 =	vperm.xlane v12, v4;
	(xrf1) =	vsort.dscd.msk.f32 $0xffff, v13, v0;
	vm1 =	vgt.f32 v11, v16  }
0xcc: {  	v13 =	vnsel vm0, $0x0, v15;
	v9 =	vperm.xlane v9, v4;
	(xrf1) =	vsort.dscd.msk.f32 $0xffff, v8, v6;
	v6 =	vsel vm1, v11, v16  }
0xcd: {  	v10 =	vperm.xlane v10, v4;
	(xrf2) =	vadd.scan.msk.f32 $0xffff, v13;
	v15, v18, _ =	vpop (xrf1)  }
0xce: {  	vm2 =	vgt.f32 v9, v15;
	v8 =	vsel vm1, v12, v17  }
0xcf: {  	v9 =	vsel vm2, v9, v15;
	v10 =	vsel vm2, v10, v18;
	(xrf1) =	vsort.dscd.msk.f32 $0xffff, v6, v8;
	v6, _, _ =	vpop (xrf2)  }
0xd0: {  	(xrf1) =	vsort.dscd.msk.f32 $0xffff, v9, v10;
	v6 =	vbroadcast v6, $0xF;
	_ =	sdelay $0x3  }
0xd1: {  	(erf) = vrcp.f32 v6;
	v6, v8, _ =	vpop (xrf1)  }
0xd2: {  	v6 =	vperm.xlane v6, v4  }
0xd3: {  	v10, v11, _ =	vpop (xrf1);
	v8 =	vperm.xlane v8, v4  }
0xd4: {  	v12, _, _ =	vpop (xrf2);
	vm1 =	vgt.f32 v6, v10  }
0xd5: {  	v9 =	vld [tilespmem:s22+$0xFFFFFF20];
	v16, v17, _ =	vpop (xrf1);
	v6 =	vsel vm1, v6, v10;
	v8 =	vsel vm1, v8, v11  }
0xd6: {  	v15 =	vld [tilespmem:s22+$0xFFFFFF30];
	v10, v11, _ =	vpop (xrf1);
	(xrf1) =	vsort.dscd.msk.f32 $0xffff, v6, v8;
	v8 =	vbroadcast v12, $0xF;
	_ =	sdelay $0x2  }
0xd7: {  	v12, v6, _ =	vpop (xrf1)  }
0xd8: {  	(erf) = vrcp.f32 v8;
	(xrf1) =	vsort.dscd.msk.f32 $0xffff, v9, v2;
	v8, v9, _ =	vpop (xrf1)  }
0xd9: {  	(xrf1) =	vsort.dscd.msk.f32 $0xffff, v15, v3;
	v15, v18, _ =	vpop (xrf1)  }
0xda: {  	v19 =	vpop (erf);
	(xrf0) =	vmax.scan.msk.f32 $0xffff, v12;
	v15 =	vperm.xlane v15, v4  }
0xdb: {  	v14 =	vmul.f32 v19, v14;
	v18 =	vperm.xlane v18, v4  }
0xdc: {  	s18 =	simm.s32 $0x2070;
	vm1 =	vgt.f32 v15, v8  }
0xdd: {  	s17 =	simm.s32 $0x22F0;
	v10 =	vperm.xlane v10, v4;
	[tilespmem:s18+$0xFFFFFFF0] =	vst.msk $0xff, v14;
	v9 =	vsel vm1, v18, v9  }
0xde: {  	[tilespmem:s17+$0xFFFFFFF0] =	vst.msk $0xff, v7;
	v7 =	vperm.xlane v11, v4  }
0xdf: {  	v8 =	vsel vm1, v15, v8;
	vm1 =	vgt.f32 v10, v16  }
0xe0: {  	(xrf1) =	vsort.dscd.msk.f32 $0xffff, v8, v9;
	v8 =	vld [tilespmem:s24+$0xFFFFFF80];
	v10 =	vsel vm1, v10, v16;
	v7 =	vsel vm1, v7, v17;
	v9, _, _ =	vpop (xrf0)  }
0xe1: {  	v11 =	vld [tilespmem:s24+$0xFFFFFFA0];
	v14 =	vpop (erf);
	(xrf1) =	vsort.dscd.msk.f32 $0xffff, v10, v7;
	v7 =	vbroadcast v9, $0xF  }
0xe2: {  	v10 =	vmul.f32 v14, v13;
	v9 =	vld [tilespmem:s24+$0xFFFFFF90];
	_ =	sdelay $0x2  }
0xe3: {  	v13 =	vld [tilespmem:s24+$0xFFFFFFB0];
	v12 =	vsub.f32 v12, v7;
	(xrf1) =	vsort.dscd.msk.f32 $0xffff, v8, v0  }
0xe4: {  	(xrf1) =	vsort.dscd.msk.f32 $0xffff, v11, v2;
	v14, v7, _ =	vpop (xrf1)  }
0xe5: {  	[tilespmem:s13+$0xFFFFFFF8] =	vst.msk $0xff, v10;
	(xrf1) =	vsort.dscd.msk.f32 $0xffff, v9, v1;
	v8, v10, _ =	vpop (xrf1)  }
0xe6: {  	[tilespmem:s14+$0xFFFFFFF8] =	vst.msk $0xff, v5;
	(xrf0) =	vmax.scan.msk.f32 $0xffff, v14;
	v5 =	vperm.xlane v8, v4  }
0xe7: {  	v11 =	vld [tilespmem:s28+$0x20];
	v8 =	vmul.f32 $1.442695020e+00, v12;
	v10 =	vperm.xlane v10, v4;
	v12, v15, _ =	vpop (xrf1)  }
0xe8: {  	v9 =	vld [tilespmem:s28+$0x0];
	(xrf1) =	vsort.dscd.msk.f32 $0xffff, v13, v3;
	vm1 =	vgt.f32 v5, v12  }
0xe9: {  	(erf) = vpow2.f32 v8;
	v8 =	vsel vm1, v10, v15;
	v10 =	vld [tilespmem:s28+$0x30]  }
0xea: {  	v5 =	vsel vm1, v5, v12  }
0xeb: {  	(xrf1) =	vsort.dscd.msk.f32 $0xffff, v5, v8;
	v5 =	vld [tilespmem:s28+$0x10]  }
0xec: {  	(xrf1) =	vsort.dscd.msk.f32 $0xffff, v11, v2;
	v8, _, _ =	vpop (xrf0)  }
0xed: {  	(xrf1) =	vsort.dscd.msk.f32 $0xffff, v9, v0;
	v11 =	vbroadcast v8, $0xF  }
0xee: {  	v9, v8, _ =	vpop (xrf1);
	(xrf1) =	vsort.dscd.msk.f32 $0xffff, v10, v3  }
0xef: {  	(xrf0) =	vmax.scan.msk.f32 $0xffff, v9;
	v11 =	vsub.f32 v14, v11  }
0xf0: {  	(xrf1) =	vsort.dscd.msk.f32 $0xffff, v5, v1;
	v5, v10, _ =	vpop (xrf1)  }
0xf1: {  	v13, v14, _ =	vpop (xrf1);
	v11 =	vmul.f32 $1.442695020e+00, v11  }
0xf2: {  	v12 =	vpop (erf)  }
0xf3: {  	v15, v16, _ =	vpop (xrf1)  }
0xf4: {  	v13 =	vperm.xlane v13, v4;
	v14 =	vperm.xlane v14, v4;
	v17, v18, _ =	vpop (xrf1)  }
0xf5: {  	v12 =	vnsel vm0, $0x0, v12;
	v15 =	vperm.xlane v15, v4;
	(erf) = vpow2.f32 v11;
	v11, _, _ =	vpop (xrf0)  }
0xf6: {  	v16 =	vperm.xlane v16, v4;
	vm1 =	vgt.f32 v13, v17;
	v19, v20, _ =	vpop (xrf1);
	v11 =	vbroadcast v11, $0xF  }
0xf7: {  	s23 =	simm.s32 $0xD00;
	(xrf2) =	vadd.scan.msk.f32 $0xffff, v12;
	v13 =	vsel vm1, v13, v17;
	v14 =	vsel vm1, v14, v18;
	vm1 =	vgt.f32 v15, v19  }
0xf8: {  	(xrf1) =	vsort.dscd.msk.f32 $0xffff, v13, v14;
	v14 =	vsel vm1, v16, v20;
	v9 =	vsub.f32 v9, v11;
	v11 =	vld [tilespmem:s23+$0xFFFFFF10]  }
0xf9: {  	v17 =	vld [tilespmem:s23+$0xFFFFFF00];
	v13 =	vsel vm1, v15, v19  }
0xfa: {  	v5 =	vperm.xlane v5, v4;
	v18, v21, _ =	vpop (xrf1)  }
0xfb: {  	(xrf1) =	vsort.dscd.msk.f32 $0xffff, v13, v14;
	v15, v16, _ =	vpop (xrf1);
	v9 =	vmul.f32 $1.442695020e+00, v9  }
0xfc: {  	v10 =	vperm.xlane v10, v4;
	vm1 =	vgt.f32 v5, v18;
	v13, v14, _ =	vpop (xrf1);
	v15 =	vperm.xlane v15, v4  }
0xfd: {  	v5 =	vsel vm1, v5, v18;
	(erf) = vpow2.f32 v9;
	(xrf1) =	vsort.dscd.msk.f32 $0xffff, v11, v1;
	v11 =	vperm.xlane v13, v4;
	v13, v18, _ =	vpop (xrf1)  }
0xfe: {  	v10 =	vsel vm1, v10, v21;
	(xrf1) =	vsort.dscd.msk.f32 $0xffff, v17, v0;
	vm1 =	vgt.f32 v15, v13  }
0xff: {  	v16 =	vperm.xlane v16, v4;
	v9 =	vpop (erf);
	(xrf1) =	vsort.dscd.msk.f32 $0xffff, v5, v10;
	v5 =	vsel vm1, v15, v13  }
0x100: {  	v14 =	vperm.xlane v14, v4;
	v17, v19, _ =	vpop (xrf1);
	v9 =	vnsel vm0, $0x0, v9  }
0x101: {  	vm2 =	vgt.f32 v11, v17;
	v10 =	vsel vm1, v16, v18;
	(xrf2) =	vadd.scan.msk.f32 $0xffff, v9  }
0x102: {  	v11 =	vsel vm2, v11, v17;
	v13 =	vsel vm2, v14, v19;
	(xrf1) =	vsort.dscd.msk.f32 $0xffff, v5, v10;
	v5, _, _ =	vpop (xrf2)  }
0x103: {  	(xrf1) =	vsort.dscd.msk.f32 $0xffff, v11, v13;
	v5 =	vbroadcast v5, $0xF;
	_ =	sdelay $0x2  }
0x104: {  	v10 =	vpop (erf);
	(erf) = vrcp.f32 v5  }
0x105: {  	v5, v11, _ =	vpop (xrf1)  }
0x106: {  	v10 =	vnsel vm0, $0x0, v10;
	v5 =	vperm.xlane v5, v4  }
0x107: {  	(xrf2) =	vadd.scan.msk.f32 $0xffff, v10;
	v14, v15, _ =	vpop (xrf1);
	v11 =	vperm.xlane v11, v4  }
0x108: {  	v13 =	vld [tilespmem:s23+$0xFFFFFF20];
	vm1 =	vgt.f32 v5, v14  }
0x109: {  	v16, _, _ =	vpop (xrf2);
	v14 =	vsel vm1, v5, v14;
	v11 =	vsel vm1, v11, v15  }
0x10a: {  	v17 =	vld [tilespmem:s23+$0xFFFFFF30];
	v18, v19, _ =	vpop (xrf1);
	(xrf1) =	vsort.dscd.msk.f32 $0xffff, v14, v11;
	v11 =	vbroadcast v16, $0xF  }
0x10b: {  	v20, v21, _ =	vpop (xrf1)  }
0x10c: {  	v15, v5, _ =	vpop (xrf1)  }
0x10d: {  	(xrf1) =	vsort.dscd.msk.f32 $0xffff, v13, v2;
	v13 =	vpop (erf)  }
0x10e: {  	(erf) = vrcp.f32 v11;
	v11, v14, _ =	vpop (xrf1)  }
0x10f: {  	(xrf1) =	vsort.dscd.msk.f32 $0xffff, v17, v3;
	v16, v17, _ =	vpop (xrf1)  }
0x110: {  	(xrf0) =	vmax.scan.msk.f32 $0xffff, v15;
	v12 =	vmul.f32 v13, v12;
	v13 =	vperm.xlane v16, v4  }
0x111: {  	v16, _, _ =	vpop (xrf2);
	v17 =	vperm.xlane v17, v4  }
0x112: {  	s19 =	simm.s32 $0x2090;
	v16 =	vbroadcast v16, $0xF;
	vm1 =	vgt.f32 v13, v11  }
0x113: {  	s20 =	simm.s32 $0x2310;
	[tilespmem:s19+$0xFFFFFFF0] =	vst.msk $0xff, v12;
	v11 =	vsel vm1, v13, v11;
	v12 =	vsel vm1, v17, v14;
	v13 =	vperm.xlane v20, v4  }
0x114: {  	[tilespmem:s20+$0xFFFFFFF0] =	vst.msk $0xff, v6;
	v6 =	vperm.xlane v21, v4  }
0x115: {  	(erf) = vrcp.f32 v16;
	vm1 =	vgt.f32 v13, v18  }
0x116: {  	(xrf1) =	vsort.dscd.msk.f32 $0xffff, v11, v12;
	v11 =	vld [tilespmem:s21+$0xFFFFFF80];
	v12, _, _ =	vpop (xrf0);
	v13 =	vsel vm1, v13, v18;
	v6 =	vsel vm1, v6, v19  }
0x117: {  	v14 =	vld [tilespmem:s21+$0xFFFFFFA0];
	(xrf1) =	vsort.dscd.msk.f32 $0xffff, v13, v6;
	v6 =	vbroadcast v12, $0xF  }
0x118: {  	v16 =	vpop (erf)  }
0x119: {  	v9 =	vmul.f32 v16, v9  }
0x11a: {  	v12 =	vld [tilespmem:s21+$0xFFFFFF90];
	v15 =	vsub.f32 v15, v6  }
0x11b: {  	(xrf1) =	vsort.dscd.msk.f32 $0xffff, v11, v0  }
0x11c: {  	v13 =	vld [tilespmem:s21+$0xFFFFFFB0];
	(xrf1) =	vsort.dscd.msk.f32 $0xffff, v14, v2;
	v11, v6, _ =	vpop (xrf1)  }
0x11d: {  	[tilespmem:s15+$0xFFFFFFF8] =	vst.msk $0xff, v9;
	v9, v16, _ =	vpop (xrf1);
	(xrf0) =	vmax.scan.msk.f32 $0xffff, v11  }
0x11e: {  	[tilespmem:s16+$0xFFFFFFF8] =	vst.msk $0xff, v7;
	v7 =	vperm.xlane v9, v4;
	v9 =	vmul.f32 $1.442695020e+00, v15;
	v15 =	vpop (erf)  }
0x11f: {  	v14 =	vld [tilespmem:s25+$0x20];
	(xrf1) =	vsort.dscd.msk.f32 $0xffff, v12, v1;
	v16 =	vperm.xlane v16, v4;
	v17, v18, _ =	vpop (xrf1)  }
0x120: {  	v12 =	vld [tilespmem:s25+$0x0];
	v10 =	vmul.f32 v15, v10;
	vm1 =	vgt.f32 v7, v17  }
0x121: {  	(xrf1) =	vsort.dscd.msk.f32 $0xffff, v13, v3;
	(erf) = vpow2.f32 v9;
	v9 =	vsel vm1, v16, v18  }
0x122: {  	v13 =	vld [tilespmem:s25+$0x30];
	v7 =	vsel vm1, v7, v17;
	[tilespmem:s11+$0x0] =	vst.msk $0xff, v10  }
0x123: {  	(xrf1) =	vsort.dscd.msk.f32 $0xffff, v7, v9;
	v7 =	vld [tilespmem:s25+$0x10];
	[tilespmem:s12+$0x0] =	vst.msk $0xff, v8;
	v8, _, _ =	vpop (xrf0)  }
0x124: {  	(xrf1) =	vsort.dscd.msk.f32 $0xffff, v14, v2;
	v8 =	vbroadcast v8, $0xF  }
0x125: {  	v10 =	vld [tilespmem:s26+$0x80];
	(xrf1) =	vsort.dscd.msk.f32 $0xffff, v12, v0;
	v12, v9, _ =	vpop (xrf1)  }
0x126: {  	v14 =	vld [tilespmem:s26+$0x90];
	(xrf0) =	vmax.scan.msk.f32 $0xffff, v12;
	v8 =	vsub.f32 v11, v8  }
0x127: {  	(xrf1) =	vsort.dscd.msk.f32 $0xffff, v13, v3  }
0x128: {  	v11 =	vld [tilespmem:s26+$0xA0];
	(xrf1) =	vsort.dscd.msk.f32 $0xffff, v7, v1;
	v7 =	vmul.f32 $1.442695020e+00, v8  }
0x129: {  	v13, v15, _ =	vpop (xrf1)  }
0x12a: {  	v16, v17, _ =	vpop (xrf1);
	(xrf1) =	vsort.dscd.msk.f32 $0xffff, v10, v0;
	v10 =	vld [tilespmem:s26+$0xB0]  }
0x12b: {  	(xrf1) =	vsort.dscd.msk.f32 $0xffff, v14, v1;
	v14 =	vperm.xlane v16, v4;
	v16, v18, _ =	vpop (xrf1)  }
0x12c: {  	(erf) = vpow2.f32 v7;
	v7, _, _ =	vpop (xrf0)  }
0x12d: {  	(xrf1) =	vsort.dscd.msk.f32 $0xffff, v11, v2;
	v11 =	vperm.xlane v17, v4;
	v17, v19, _ =	vpop (xrf1);
	v7 =	vbroadcast v7, $0xF  }
0x12e: {  	v8 =	vpop (erf);
	v16 =	vperm.xlane v16, v4;
	vm1 =	vgt.f32 v14, v17  }
0x12f: {  	v8 =	vnsel vm0, $0x0, v8;
	(xrf1) =	vsort.dscd.msk.f32 $0xffff, v10, v3;
	v10 =	vperm.xlane v13, v4;
	v7 =	vsub.f32 v12, v7;
	v12, v13, _ =	vpop (xrf1)  }
0x130: {  	s26 =	simm.s32 $0xF00;
	v14 =	vsel vm1, v14, v17;
	v11 =	vsel vm1, v11, v19;
	vm1 =	vgt.f32 v16, v12  }
0x131: {  	v20 =	vld [tilespmem:s26+$0xFFFFFF10];
	v17 =	vperm.xlane v18, v4;
	v7 =	vmul.f32 $1.442695020e+00, v7;
	v12 =	vsel vm1, v16, v12  }
0x132: {  	(xrf2) =	vadd.scan.msk.f32 $0xffff, v8;
	v18 =	vld [tilespmem:s26+$0xFFFFFF00]  }
0x133: {  	(xrf1) =	vsort.dscd.msk.f32 $0xffff, v14, v11;
	v19, v21, _ =	vpop (xrf1)  }
0x134: {  	v11 =	vperm.xlane v15, v4;
	v13 =	vsel vm1, v17, v13;
	v14, v15, _ =	vpop (xrf1);
	vm1 =	vgt.f32 v10, v19  }
0x135: {  	(xrf1) =	vsort.dscd.msk.f32 $0xffff, v12, v13;
	v10 =	vsel vm1, v10, v19;
	(erf) = vpow2.f32 v7;
	v7, v12, _ =	vpop (xrf1)  }
0x136: {  	v14 =	vperm.xlane v14, v4;
	(xrf1) =	vsort.dscd.msk.f32 $0xffff, v20, v1;
	v7 =	vperm.xlane v7, v4;
	v16, v17, _ =	vpop (xrf1)  }
0x137: {  	v11 =	vsel vm1, v11, v21;
	(xrf1) =	vsort.dscd.msk.f32 $0xffff, v18, v0;
	v12 =	vperm.xlane v12, v4;
	v18, v19, _ =	vpop (xrf1)  }
0x138: {  	v15 =	vperm.xlane v15, v4;
	vm2 =	vgt.f32 v7, v18  }
0x139: {  	vm1 =	vgt.f32 v14, v16;
	v12 =	vsel vm2, v12, v19  }
0x13a: {  	v13 =	vpop (erf);
	v15 =	vsel vm1, v15, v17;
	v7 =	vsel vm2, v7, v18  }
0x13b: {  	(xrf1) =	vsort.dscd.msk.f32 $0xffff, v10, v11;
	v10, v11, _ =	vpop (xrf1);
	v14 =	vsel vm1, v14, v16  }
0x13c: {  	v16, _, _ =	vpop (xrf2);
	(xrf1) =	vsort.dscd.msk.f32 $0xffff, v14, v15  }
0x13d: {  	v13 =	vnsel vm0, $0x0, v13;
	(xrf1) =	vsort.dscd.msk.f32 $0xffff, v7, v12;
	v7, v12, _ =	vpop (xrf1)  }
0x13e: {  	(xrf2) =	vadd.scan.msk.f32 $0xffff, v13;
	v16 =	vbroadcast v16, $0xF;
	v14, v15, _ =	vpop (xrf1)  }
0x13f: {  	v10 =	vperm.xlane v10, v4;
	v14 =	vperm.xlane v14, v4  }
0x140: {  	v11 =	vperm.xlane v11, v4;
	(erf) = vrcp.f32 v16  }
0x141: {  	v17 =	vpop (erf);
	vm1 =	vgt.f32 v10, v7  }
0x142: {  	v7 =	vsel vm1, v10, v7;
	v10 =	vsel vm1, v11, v12;
	v11 =	vperm.xlane v15, v4;
	v12, v15, _ =	vpop (xrf1)  }
0x143: {  	(xrf1) =	vsort.dscd.msk.f32 $0xffff, v7, v10;
	v10 =	vnsel vm0, $0x0, v17;
	vm1 =	vgt.f32 v14, v12  }
0x144: {  	(xrf2) =	vadd.scan.msk.f32 $0xffff, v10;
	v7 =	vsel vm1, v14, v12;
	v11 =	vsel vm1, v11, v15;
	v12, v14, _ =	vpop (xrf1)  }
0x145: {  	(xrf1) =	vsort.dscd.msk.f32 $0xffff, v7, v11;
	v7 =	vperm.xlane v12, v4  }
0x146: {  	v12, v15, _ =	vpop (xrf1)  }
0x147: {  	v14 =	vperm.xlane v14, v4;
	vm1 =	vgt.f32 v7, v12  }
0x148: {  	v16, _, _ =	vpop (xrf2);
	v11 =	vld [tilespmem:s26+$0xFFFFFF20];
	v7 =	vsel vm1, v7, v12  }
0x149: {  	v22 =	vpop (erf);
	v12 =	vsel vm1, v14, v15  }
0x14a: {  	v17 =	vld [tilespmem:s26+$0xFFFFFF30];
	v16 =	vbroadcast v16, $0xF;
	v18, v19, _ =	vpop (xrf1)  }
0x14b: {  	v14, v15, _ =	vpop (xrf1)  }
0x14c: {  	(xrf1) =	vsort.dscd.msk.f32 $0xffff, v7, v12;
	v12, v7, _ =	vpop (xrf1)  }
0x14d: {  	(xrf1) =	vsort.dscd.msk.f32 $0xffff, v11, v2;
	v11, v20, _ =	vpop (xrf1)  }
0x14e: {  	(erf) = vrcp.f32 v16;
	v16, v21, _ =	vpop (xrf1)  }
0x14f: {  	v8 =	vmul.f32 v22, v8;
	(xrf1) =	vsort.dscd.msk.f32 $0xffff, v17, v3;
	v17, _, _ =	vpop (xrf2)  }
0x150: {  	v16 =	vperm.xlane v16, v4;
	v17 =	vbroadcast v17, $0xF  }
0x151: {  	v14 =	vperm.xlane v14, v4;
	v21 =	vperm.xlane v21, v4  }
0x152: {  	s0 =	simm.s32 $0x20B0;
	v15 =	vperm.xlane v15, v4;
	(xrf0) =	vmax.scan.msk.f32 $0xffff, v12;
	vm1 =	vgt.f32 v16, v11  }
0x153: {  	s31 =	simm.s32 $0x2330;
	[tilespmem:s0+$0xFFFFFFF0] =	vst.msk $0xff, v8;
	v22, v23, _ =	vpop (xrf1);
	v8 =	vsel vm1, v16, v11;
	v11 =	vsel vm1, v21, v20;
	vm1 =	vgt.f32 v14, v18  }
0x154: {  	[tilespmem:s31+$0xFFFFFFF0] =	vst.msk $0xff, v5;
	v5 =	vperm.xlane v22, v4;
	(erf) = vrcp.f32 v17;
	v15 =	vsel vm1, v15, v19  }
0x155: {  	(xrf1) =	vsort.dscd.msk.f32 $0xffff, v8, v11;
	v11 =	vperm.xlane v23, v4;
	v16, v17, _ =	vpop (xrf1)  }
0x156: {  	v8 =	vld [tilespmem:s22+$0xFFFFFF80];
	v14 =	vsel vm1, v14, v18;
	vm1 =	vgt.f32 v5, v16  }
0x157: {  	(xrf1) =	vsort.dscd.msk.f32 $0xffff, v14, v15;
	v5 =	vsel vm1, v5, v16;
	v11 =	vsel vm1, v11, v17;
	v15 =	vpop (erf)  }
0x158: {  	v18, _, _ =	vpop (xrf0);
	v14 =	vld [tilespmem:s22+$0xFFFFFFA0];
	(xrf1) =	vsort.dscd.msk.f32 $0xffff, v5, v11;
	v5 =	vmul.f32 v15, v13  }
0x159: {  	v16 =	vbroadcast v18, $0xF;
	v17 =	vld [tilespmem:s22+$0xFFFFFF90];
	_ =	sdelay $0x1  }
0x15a: {  	v11 =	vld [tilespmem:s22+$0xFFFFFFB0];
	v12 =	vsub.f32 v12, v16;
	(xrf1) =	vsort.dscd.msk.f32 $0xffff, v8, v0;
	v13, v8, _ =	vpop (xrf1)  }
0x15b: {  	[tilespmem:s18+$0xFFFFFFF8] =	vst.msk $0xff, v5;
	(xrf0) =	vmax.scan.msk.f32 $0xffff, v13;
	v5, v15, _ =	vpop (xrf1)  }
0x15c: {  	(xrf1) =	vsort.dscd.msk.f32 $0xffff, v14, v2;
	[tilespmem:s17+$0xFFFFFFF8] =	vst.msk $0xff, v6;
	v6 =	vmul.f32 $1.442695020e+00, v12;
	v14 =	vpop (erf);
	v5 =	vperm.xlane v5, v4  }
0x15d: {  	v12 =	vld [tilespmem:s24+$0x20];
	(xrf1) =	vsort.dscd.msk.f32 $0xffff, v17, v1;
	v15 =	vperm.xlane v15, v4;
	v16, v17, _ =	vpop (xrf1)  }
0x15e: {  	v10 =	vmul.f32 v14, v10;
	(erf) = vpow2.f32 v6;
	v6 =	vld [tilespmem:s24+$0x0];
	vm1 =	vgt.f32 v5, v16  }
0x15f: {  	(xrf1) =	vsort.dscd.msk.f32 $0xffff, v11, v3;
	v11 =	vsel vm1, v15, v17  }
0x160: {  	v14 =	vld [tilespmem:s24+$0x30];
	[tilespmem:s13+$0x0] =	vst.msk $0xff, v10;
	v5 =	vsel vm1, v5, v16  }
0x161: {  	[tilespmem:s14+$0x0] =	vst.msk $0xff, v9;
	(xrf1) =	vsort.dscd.msk.f32 $0xffff, v5, v11;
	v5 =	vld [tilespmem:s24+$0x10]  }
0x162: {  	v10 =	vld [tilespmem:s28+$0x80];
	(xrf1) =	vsort.dscd.msk.f32 $0xffff, v12, v2;
	v11, _, _ =	vpop (xrf0)  }
0x163: {  	v19, v9, _ =	vpop (xrf1);
	(xrf1) =	vsort.dscd.msk.f32 $0xffff, v6, v0;
	v12 =	vbroadcast v11, $0xF  }
0x164: {  	(xrf0) =	vmax.scan.msk.f32 $0xffff, v19  }
0x165: {  	v15 =	vld [tilespmem:s28+$0x90];
	(xrf1) =	vsort.dscd.msk.f32 $0xffff, v14, v3;
	v12 =	vsub.f32 v13, v12  }
0x166: {  	v16 =	vld [tilespmem:s28+$0xA0];
	v14, v11, _ =	vpop (xrf1);
	(xrf1) =	vsort.dscd.msk.f32 $0xffff, v5, v1  }
0x167: {  	v6, v5, _ =	vpop (xrf1);
	(xrf1) =	vsort.dscd.msk.f32 $0xffff, v10, v0;
	v23 =	vmul.f32 $1.442695020e+00, v12  }
0x168: {  	v22 =	vld [tilespmem:s28+$0xB0];
	v10 =	vpop (erf);
	(xrf0) =	vmax.scan.msk.f32 $0xffff, v6  }
0x169: {  	v13, v17, _ =	vpop (xrf1);
	(erf) = vpow2.f32 v23  }
0x16a: {  	v12 =	vperm.xlane v14, v4;
	(xrf1) =	vsort.dscd.msk.f32 $0xffff, v15, v1;
	v18, _, _ =	vpop (xrf0)  }
0x16b: {  	v10 =	vnsel vm0, $0x0, v10;
	v15 =	vperm.xlane v13, v4;
	v13, v14, _ =	vpop (xrf1);
	(xrf1) =	vsort.dscd.msk.f32 $0xffff, v16, v2;
	v24 =	vbroadcast v18, $0xF  }
0x16c: {  	s30 =	simm.s32 $0x1C;
	(xrf2) =	vadd.scan.msk.f32 $0xffff, v10;
	v13 =	vperm.xlane v13, v4;
	v18 =	vperm.xlane v17, v4;
	v21, v20, _ =	vpop (xrf1)  }
0x16d: {  	s1 =	simm.s32 $0x1100;
	s29 =	simm.s32 $0x20B0;
	s28 =	simm.s32 $0x2330;
	(xrf1) =	vsort.dscd.msk.f32 $0xffff, v22, v3;
	vm1 =	vgt.f32 v15, v21;
	v17, v16, _ =	vpop (xrf1);
	v19 =	vsub.f32 v19, v24  }
.LBB2_2:
0x16e: {  	v22 =	vld [tilespmem:s1+$0xFFFFFF10];
	v15 =	vsel vm1, v15, v21;
	v18 =	vsel vm1, v18, v20;
	v26 =	vperm.xlane v14, v4;
	v20, _, _ =	vpop (xrf0)  }
0x16f: {  	vm1 =	vgt.f32 v13, v17;
	v21 =	vld [tilespmem:s1+$0xFFFFFF00];
	v23, v24, _ =	vpop (xrf1);
	(xrf1) =	vsort.dscd.msk.f32 $0xffff, v15, v18;
	v25 =	vmul.f32 $1.442695020e+00, v19;
	v18 =	vbroadcast v20, $0xF  }
0x170: {  	v11 =	vperm.xlane v11, v4;
	v27 =	vsel vm1, v13, v17;
	v20 =	vsel vm1, v26, v16;
	v16, v17, _ =	vpop (xrf1)  }
0x171: {  	vm1 =	vgt.f32 v12, v23;
	(xrf1) =	vsort.dscd.msk.f32 $0xffff, v27, v20;
	v13, v14, _ =	vpop (xrf1);
	(erf) = vpow2.f32 v25;
	v6 =	vsub.f32 v6, v18  }
0x172: {  	v25 =	vsel vm1, v12, v23;
	v16 =	vperm.xlane v16, v4;
	v17 =	vperm.xlane v17, v4;
	v15 =	vpop (erf)  }
0x173: {  	v13 =	vperm.xlane v13, v4;
	(xrf1) =	vsort.dscd.msk.f32 $0xffff, v22, v1;
	v22 =	vsel vm1, v11, v24;
	v18, v19, _ =	vpop (xrf1);
	v23 =	vmul.f32 $1.442695020e+00, v6  }
0x174: {  	v15 =	vnsel vm0, $0x0, v15;
	v24 =	vperm.xlane v14, v4;
	(xrf1) =	vsort.dscd.msk.f32 $0xffff, v21, v0;
	v20, v21, _ =	vpop (xrf1);
	vm2 =	vgt.f32 v16, v18  }
0x175: {  	(xrf1) =	vsort.dscd.msk.f32 $0xffff, v25, v22;
	vm1 =	vgt.f32 v13, v20;
	v11, v12, _ =	vpop (xrf1);
	(erf) = vpow2.f32 v23;
	v17 =	vsel vm2, v17, v19  }
0x176: {  	v16 =	vsel vm2, v16, v18;
	v6, _, _ =	vpop (xrf2);
	(xrf2) =	vadd.scan.msk.f32 $0xffff, v15;
	v20 =	vsel vm1, v13, v20  }
0x177: {  	v18 =	vsel vm1, v24, v21;
	v11 =	vperm.xlane v11, v4;
	(xrf1) =	vsort.dscd.msk.f32 $0xffff, v16, v17  }
0x178: {  	v12 =	vperm.xlane v12, v4;
	(xrf1) =	vsort.dscd.msk.f32 $0xffff, v20, v18;
	v13, v14, _ =	vpop (xrf1)  }
0x179: {  	v6 =	vbroadcast v6, $0xF;
	vm1 =	vgt.f32 v11, v13;
	v16, v17, _ =	vpop (xrf1)  }
0x17a: {  	v18 =	vpop (erf);
	v11 =	vsel vm1, v11, v13;
	v12 =	vsel vm1, v12, v14;
	v13 =	vperm.xlane v16, v4  }
0x17b: {  	v19 =	vperm.xlane v17, v4;
	(erf) = vrcp.f32 v6;
	v14, v16, _ =	vpop (xrf1);
	(xrf1) =	vsort.dscd.msk.f32 $0xffff, v11, v12  }
0x17c: {  	v11 =	vnsel vm0, $0x0, v18;
	vm1 =	vgt.f32 v13, v14  }
0x17d: {  	v12, v17, _ =	vpop (xrf1);
	(xrf2) =	vadd.scan.msk.f32 $0xffff, v11;
	v13 =	vsel vm1, v13, v14;
	v18 =	vsel vm1, v19, v16  }
0x17e: {  	(xrf1) =	vsort.dscd.msk.f32 $0xffff, v13, v18;
	v6 =	vpop (erf);
	v17 =	vperm.xlane v17, v4  }
0x17f: {  	v12 =	vperm.xlane v12, v4;
	v13 =	vld [tilespmem:s1+$0xFFFFFF20];
	v14, v16, _ =	vpop (xrf1);
	v6 =	vnsel vm0, $0x0, v6  }
0x180: {  	v18, _, _ =	vpop (xrf2);
	(xrf2) =	vadd.scan.msk.f32 $0xffff, v6  }
0x181: {  	vm1 =	vgt.f32 v12, v14;
	v19 =	vld [tilespmem:s1+$0xFFFFFF30];
	v20, v21, _ =	vpop (xrf1)  }
0x182: {  	v12 =	vsel vm1, v12, v14;
	v24 =	vsel vm1, v17, v16;
	v22, v23, _ =	vpop (xrf1)  }
0x183: {  	v18 =	vbroadcast v18, $0xF;
	v16, v17, _ =	vpop (xrf1);
	(xrf1) =	vsort.dscd.msk.f32 $0xffff, v12, v24  }
0x184: {  	(xrf1) =	vsort.dscd.msk.f32 $0xffff, v13, v2;
	v13 =	vpop (erf)  }
0x185: {  	(erf) = vrcp.f32 v18;
	v12, v14, _ =	vpop (xrf1)  }
0x186: {  	v18 =	vperm.xlane v22, v4;
	(xrf1) =	vsort.dscd.msk.f32 $0xffff, v19, v3;
	v19, v22, _ =	vpop (xrf1)  }
0x187: {  	v10 =	vmul.f32 v13, v10;
	(xrf0) =	vmax.scan.msk.f32 $0xffff, v16;
	v26 =	vperm.xlane v19, v4;
	v19, _, _ =	vpop (xrf2)  }
0x188: {  	v22 =	vperm.xlane v22, v4;
	v27 =	vbroadcast v19, $0xF  }
0x189: {  	s0 =	sadd.s32 $0x20, s0;
	v23 =	vperm.xlane v23, v4;
	vm1 =	vgt.f32 v18, v20;
	vm2 =	vgt.f32 v26, v12;
	v24, v25, _ =	vpop (xrf1)  }
0x18a: {  	s31 =	sadd.s32 $0x20, s31;
	[tilespmem:s0+$0xFFFFFFF0] =	vst.msk $0xff, v10;
	v10 =	vsel vm2, v26, v12;
	v12 =	vsel vm2, v22, v14;
	(erf) = vrcp.f32 v27;
	v13, _, _ =	vpop (xrf2)  }
0x18b: {  	[tilespmem:s31+$0xFFFFFFF0] =	vst.msk $0xff, v7;
	(xrf1) =	vsort.dscd.msk.f32 $0xffff, v10, v12;
	v10 =	vperm.xlane v24, v4;
	v12 =	vbroadcast v13, $0xF;
	v7 =	vmovc v17  }
0x18c: {  	v22 =	vsel vm1, v18, v20;
	v17 =	vperm.xlane v25, v4;
	v14 =	vld [tilespmem:s23+$0xFFFFFF80];
	v18, v19, _ =	vpop (xrf1)  }
0x18d: {  	v20 =	vsel vm1, v23, v21;
	v21, _, _ =	vpop (xrf0);
	vm1 =	vgt.f32 v10, v18;
	(erf) = vrcp.f32 v12  }
0x18e: {  	(xrf1) =	vsort.dscd.msk.f32 $0xffff, v22, v20;
	v12 =	vld [tilespmem:s23+$0xFFFFFFA0];
	v13 =	vpop (erf);
	v10 =	vsel vm1, v10, v18;
	v17 =	vsel vm1, v17, v19  }
0x18f: {  	v18 =	vbroadcast v21, $0xF;
	v19 =	vld [tilespmem:s23+$0xFFFFFF90];
	v20 =	vmul.f32 v13, v15;
	(xrf1) =	vsort.dscd.msk.f32 $0xffff, v10, v17  }
0x190: {  	v10 =	vld [tilespmem:s23+$0xFFFFFFB0]  }
0x191: {  	v15 =	vsub.f32 v16, v18;
	(xrf1) =	vsort.dscd.msk.f32 $0xffff, v14, v0;
	v14, v16, _ =	vpop (xrf1);
	[tilespmem:s19+$0xFFFFFFF8] =	vst.msk $0xff, v20  }
0x192: {  	v13, v17, _ =	vpop (xrf1);
	(xrf0) =	vmax.scan.msk.f32 $0xffff, v14;
	[tilespmem:s20+$0xFFFFFFF8] =	vst.msk $0xff, v8;
	v8 =	vmov v16  }
0x193: {  	v15 =	vmul.f32 $1.442695020e+00, v15;
	v13 =	vperm.xlane v13, v4;
	(xrf1) =	vsort.dscd.msk.f32 $0xffff, v12, v2;
	v12 =	vld [tilespmem:s21+$0x20];
	v16 =	vpop (erf)  }
0x194: {  	v17 =	vperm.xlane v17, v4;
	v18, v20, _ =	vpop (xrf1);
	(xrf1) =	vsort.dscd.msk.f32 $0xffff, v19, v1;
	v19 =	vld [tilespmem:s21+$0x0];
	v16 =	vmul.f32 v16, v11  }
0x195: {  	vm1 =	vgt.f32 v13, v18;
	(erf) = vpow2.f32 v15;
	(xrf1) =	vsort.dscd.msk.f32 $0xffff, v10, v3  }
0x196: {  	v10 =	vsel vm1, v13, v18;
	v17 =	vsel vm1, v17, v20;
	v15 =	vld [tilespmem:s21+$0x30];
	[tilespmem:s15+$0x0] =	vst.msk $0xff, v16;
	v11 =	vpop (erf)  }
0x197: {  	(xrf1) =	vsort.dscd.msk.f32 $0xffff, v10, v17;
	v10 =	vld [tilespmem:s21+$0x10];
	[tilespmem:s16+$0x0] =	vst.msk $0xff, v9;
	v6 =	vmul.f32 v11, v6  }
0x198: {  	v13, _, _ =	vpop (xrf0)  }
0x199: {  	v11 =	vbroadcast v13, $0xF  }
0x19a: {  	(xrf1) =	vsort.dscd.msk.f32 $0xffff, v12, v2;
	v12 =	vld [tilespmem:s25+$0x80]  }
0x19b: {  	(xrf1) =	vsort.dscd.msk.f32 $0xffff, v19, v0;
	v19, v9, _ =	vpop (xrf1);
	[tilespmem:s11+$0x8] =	vst.msk $0xff, v6;
	s11 =	smov.u32 s13;
	s13 =	smov.u32 s15;
	s15 =	smov.u32 s18  }
0x19c: {  	s18 =	smov.u32 s19;
	s19 =	smov.u32 s29;
	s29 =	smov.u32 s0;
	(xrf0) =	vmax.scan.msk.f32 $0xffff, v19;
	[tilespmem:s12+$0x8] =	vst.msk $0xff, v5  }
0x19d: {  	s30 =	sadd.s32 $0x4, s30;
	s12 =	smov.u32 s14;
	s14 =	smov.u32 s16;
	v17 =	vsub.f32 v14, v11;
	(xrf1) =	vsort.dscd.msk.f32 $0xffff, v15, v3;
	v13 =	vld [tilespmem:s25+$0x90]  }
0x19e: {  	p0 =	slt.u32 s30, $0x3C;
	s16 =	smov.u32 s17;
	s17 =	smov.u32 s20;
	v16 =	vld [tilespmem:s25+$0xA0];
	v14, v11, _ =	vpop (xrf1);
	(xrf1) =	vsort.dscd.msk.f32 $0xffff, v10, v1  }
0x19f: {  	s20 =	smov.u32 s28;
	s28 =	smov.u32 s31;
	v10 =	vmul.f32 $1.442695020e+00, v17;
	(xrf1) =	vsort.dscd.msk.f32 $0xffff, v12, v0;
	v6, v5, _ =	vpop (xrf1)  }
0x1a0: {  	v15 =	vpop (erf);
	v22 =	vld [tilespmem:s25+$0xB0];
	(xrf0) =	vmax.scan.msk.f32 $0xffff, v6;
	s25 =	smov.u32 s24;
	s24 =	smov.u32 s21;
	s21 =	smov.u32 s22  }
.Ltmp0:
0x1a1: {  	s22 =	smov.u32 s23;
	s23 =	smov.u32 s26;
	v17, v18, _ =	vpop (xrf1);
	(erf) = vpow2.f32 v10;
	(pc) =	sbr.rel @p0 .LBB2_2-.Ltmp0, $4  }
0x1a2: {  	v12 =	vperm.xlane v14, v4;
	s26 =	smov.u32 s1;
	v20, _, _ =	vpop (xrf0);
	(xrf1) =	vsort.dscd.msk.f32 $0xffff, v13, v1  }
0x1a3: {  	v10 =	vnsel vm0, $0x0, v15;
	v15 =	vperm.xlane v17, v4;
	v13, v14, _ =	vpop (xrf1);
	v23 =	vbroadcast v20, $0xF;
	(xrf1) =	vsort.dscd.msk.f32 $0xffff, v16, v2  }
0x1a4: {  	v18 =	vperm.xlane v18, v4;
	(xrf2) =	vadd.scan.msk.f32 $0xffff, v10;
	v13 =	vperm.xlane v13, v4;
	v21, v20, _ =	vpop (xrf1)  }
0x1a5: {  	s1 =	sadd.s32 $0x200, s1;
	vm1 =	vgt.f32 v15, v21;
	v17, v16, _ =	vpop (xrf1);
	v19 =	vsub.f32 v19, v23;
	(xrf1) =	vsort.dscd.msk.f32 $0xffff, v22, v3  }
0x1a6: {  	v14 =	vperm.xlane v14, v4  }
0x1a7: {  	v15 =	vsel vm1, v15, v21;
	v18 =	vsel vm1, v18, v20;
	vm1 =	vgt.f32 v13, v17  }
0x1a8: {  	v42, _, _ =	vpop (xrf0);
	v44 =	vmul.f32 $1.442695020e+00, v19;
	v14 =	vsel vm1, v14, v16  }
0x1a9: {  	v43, v22, _ =	vpop (xrf1);
	v13 =	vsel vm1, v13, v17  }
0x1aa: {  	(xrf1) =	vsort.dscd.msk.f32 $0xffff, v15, v18;
	v45 =	vbroadcast v42, $0xF;
	v47, v46, _ =	vpop (xrf1);
	(erf) = vpow2.f32 v44  }
0x1ab: {  	v11 =	vperm.xlane v11, v4;
	v48 =	vpop (erf)  }
0x1ac: {  	vm1 =	vgt.f32 v12, v43;
	(xrf1) =	vsort.dscd.msk.f32 $0xffff, v13, v14;
	v6 =	vsub.f32 v6, v45;
	v13, v14, _ =	vpop (xrf1)  }
0x1ad: {  	v12 =	vsel vm1, v12, v43;
	v16 =	vperm.xlane v47, v4;
	v13 =	vperm.xlane v13, v4;
	v50, v49, _ =	vpop (xrf1)  }
0x1ae: {  	v11 =	vsel vm1, v11, v22;
	v17 =	vperm.xlane v46, v4;
	v14 =	vperm.xlane v14, v4;
	v51, v52, _ =	vpop (xrf1)  }
0x1af: {  	v15 =	vnsel vm0, $0x0, v48;
	(xrf1) =	vsort.dscd.msk.f32 $0xffff, v12, v11;
	vm1 =	vgt.f32 v16, v50;
	vm2 =	vgt.f32 v13, v51  }
0x1b0: {  	(xrf2) =	vadd.scan.msk.f32 $0xffff, v15;
	v53 =	vsel vm1, v16, v50;
	v54 =	vsel vm1, v17, v49;
	v14 =	vsel vm2, v14, v52  }
0x1b1: {  	v13 =	vsel vm2, v13, v51;
	(xrf1) =	vsort.dscd.msk.f32 $0xffff, v53, v54  }
0x1b2: {  	v6 =	vmul.f32 $1.442695020e+00, v6;
	v11, v12, _ =	vpop (xrf1);
	(xrf1) =	vsort.dscd.msk.f32 $0xffff, v13, v14  }
0x1b3: {  	v57 =	vpop (erf)  }
0x1b4: {  	(erf) = vpow2.f32 v6;
	v11 =	vperm.xlane v11, v4;
	v13, v14, _ =	vpop (xrf1)  }
0x1b5: {  	v6 =	vperm.xlane v12, v4;
	v56, v55, _ =	vpop (xrf1)  }
0x1b6: {  	v61, _, _ =	vpop (xrf2);
	v17 =	vnsel vm0, $0x0, v57;
	vm1 =	vgt.f32 v11, v13;
	v12 =	vperm.xlane v56, v4  }
0x1b7: {  	(xrf2) =	vadd.scan.msk.f32 $0xffff, v17;
	v11 =	vsel vm1, v11, v13;
	v6 =	vsel vm1, v6, v14;
	v58 =	vperm.xlane v55, v4;
	v59, v60, _ =	vpop (xrf1)  }
0x1b8: {  	(xrf1) =	vsort.dscd.msk.f32 $0xffff, v11, v6;
	v6 =	vbroadcast v61, $0xF;
	v62, v63, _ =	vpop (xrf1);
	vm1 =	vgt.f32 v12, v59  }
0x1b9: {  	v11 =	vperm.xlane v62, v4;
	v12 =	vsel vm1, v12, v59;
	v13 =	vsel vm1, v58, v60  }
0x1ba: {  	(erf) = vrcp.f32 v6;
	(xrf1) =	vsort.dscd.msk.f32 $0xffff, v12, v13  }
0x1bb: {  	v22, _, _ =	vpop (xrf2)  }
0x1bc: {  	v21 =	vperm.xlane v63, v4;
	v6, v20, _ =	vpop (xrf1)  }
0x1bd: {  	v24 =	vpop (erf);
	vm1 =	vgt.f32 v11, v6  }
0x1be: {  	v25 =	vbroadcast v22, $0xF;
	v6 =	vsel vm1, v11, v6;
	v23 =	vsel vm1, v21, v20;
	v26, v11, _ =	vpop (xrf1)  }
0x1bf: {  	(xrf1) =	vsort.dscd.msk.f32 $0xffff, v6, v23;
	v27, v28, _ =	vpop (xrf1)  }
0x1c0: {  	(erf) = vrcp.f32 v25;
	v6 =	vnsel vm0, $0x0, v24;
	(xrf0) =	vmax.scan.msk.f32 $0xffff, v26;
	v29, v30, _ =	vpop (xrf1)  }
0x1c1: {  	(xrf2) =	vadd.scan.msk.f32 $0xffff, v6;
	v16 =	vperm.xlane v29, v4  }
0x1c2: {  	v31, _, _ =	vpop (xrf2);
	v18 =	vperm.xlane v30, v4  }
0x1c3: {  	v19 =	vbroadcast v31, $0xF;
	v32 =	vpop (erf);
	vm1 =	vgt.f32 v16, v27  }
0x1c4: {  	v10 =	vmul.f32 v32, v10;
	v12 =	vsel vm1, v16, v27;
	v13 =	vsel vm1, v18, v28  }
0x1c5: {  	s30 =	sadd.s32 $0x20, s0;
	(erf) = vrcp.f32 v19;
	(xrf1) =	vsort.dscd.msk.f32 $0xffff, v12, v13  }
0x1c6: {  	s31 =	sadd.s32 $0x20, s31;
	v33, v34, _ =	vpop (xrf1);
	[tilespmem:s30+$0xFFFFFFF0] =	vst.msk $0xff, v10  }
0x1c7: {  	v38, _, _ =	vpop (xrf0);
	v35 =	vperm.xlane v33, v4;
	[tilespmem:s31+$0xFFFFFFF0] =	vst.msk $0xff, v7  }
0x1c8: {  	v7 =	vperm.xlane v34, v4;
	v36 =	vld [tilespmem:s23+$0xFFFFFF80];
	v12, v13, _ =	vpop (xrf1)  }
0x1c9: {  	v37 =	vpop (erf);
	v42 =	vbroadcast v38, $0xF;
	v39 =	vld [tilespmem:s23+$0xFFFFFFA0];
	vm1 =	vgt.f32 v35, v12  }
0x1ca: {  	v40 =	vmul.f32 v37, v15;
	v43 =	vld [tilespmem:s23+$0xFFFFFF90];
	v10 =	vsel vm1, v35, v12;
	v7 =	vsel vm1, v7, v13  }
0x1cb: {  	v46 =	vsub.f32 v26, v42;
	v41, _, _ =	vpop (xrf2);
	(xrf1) =	vsort.dscd.msk.f32 $0xffff, v10, v7  }
0x1cc: {  	[tilespmem:s19+$0xFFFFFFF8] =	vst.msk $0xff, v40;
	v45 =	vbroadcast v41, $0xF;
	v7 =	vld [tilespmem:s23+$0xFFFFFFB0]  }
0x1cd: {  	[tilespmem:s20+$0xFFFFFFF8] =	vst.msk $0xff, v8;
	v47 =	vmul.f32 $1.442695020e+00, v46;
	(xrf1) =	vsort.dscd.msk.f32 $0xffff, v36, v0  }
0x1ce: {  	v8 =	vld [tilespmem:s21+$0x20];
	v48 =	vpop (erf);
	(erf) = vrcp.f32 v45;
	(xrf1) =	vsort.dscd.msk.f32 $0xffff, v39, v2  }
0x1cf: {  	(erf) = vpow2.f32 v47;
	v44, v10, _ =	vpop (xrf1);
	(xrf1) =	vsort.dscd.msk.f32 $0xffff, v43, v1  }
0x1d0: {  	v49 =	vld [tilespmem:s21+$0x0];
	v13 =	vmul.f32 v48, v17;
	(xrf0) =	vmax.scan.msk.f32 $0xffff, v44  }
0x1d1: {  	(xrf1) =	vsort.dscd.msk.f32 $0xffff, v7, v3;
	v7 =	vld [tilespmem:s21+$0x30]  }
0x1d2: {  	v50 =	vld [tilespmem:s21+$0x10];
	[tilespmem:s15+$0x0] =	vst.msk $0xff, v13  }
0x1d3: {  	[tilespmem:s16+$0x0] =	vst.msk $0xff, v9;
	(xrf1) =	vsort.dscd.msk.f32 $0xffff, v8, v2;
	v54, v12, _ =	vpop (xrf1)  }
0x1d4: {  	v52 =	vld [tilespmem:s25+$0x80];
	(xrf0) =	vmax.scan.msk.f32 $0xffff, v54  }
0x1d5: {  	v56 =	vld [tilespmem:s25+$0x90];
	(xrf1) =	vsort.dscd.msk.f32 $0xffff, v49, v0  }
0x1d6: {  	v51, _, _ =	vpop (xrf0);
	(xrf1) =	vsort.dscd.msk.f32 $0xffff, v7, v3  }
0x1d7: {  	v57 =	vld [tilespmem:s25+$0xA0];
	v8 =	vpop (erf);
	v53 =	vbroadcast v51, $0xF;
	(xrf1) =	vsort.dscd.msk.f32 $0xffff, v50, v1  }
0x1d8: {  	v59 =	vld [tilespmem:s25+$0xB0];
	v60 =	vpop (erf)  }
0x1d9: {  	(xrf1) =	vsort.dscd.msk.f32 $0xffff, v52, v0;
	v55 =	vsub.f32 v44, v53;
	v58, v7, _ =	vpop (xrf1)  }
0x1da: {  	v61, _, _ =	vpop (xrf0);
	(xrf1) =	vsort.dscd.msk.f32 $0xffff, v56, v1  }
0x1db: {  	v14 =	vmul.f32 $1.442695020e+00, v55;
	(xrf0) =	vmax.scan.msk.f32 $0xffff, v58;
	v63, v62, _ =	vpop (xrf1)  }
0x1dc: {  	(xrf1) =	vsort.dscd.msk.f32 $0xffff, v57, v2;
	v24, v20, _ =	vpop (xrf1)  }
0x1dd: {  	v18 =	vnsel vm0, $0x0, v60;
	(erf) = vpow2.f32 v14;
	v14 =	vbroadcast v61, $0xF;
	v26, v25, _ =	vpop (xrf1);
	(xrf1) =	vsort.dscd.msk.f32 $0xffff, v59, v3  }
0x1de: {  	(xrf2) =	vadd.scan.msk.f32 $0xffff, v18  }
0x1df: {  	v16 =	vperm.xlane v63, v4;
	v20 =	vperm.xlane v20, v4;
	v9 =	vsub.f32 v54, v14  }
0x1e0: {  	v27 =	vperm.xlane v62, v4;
	v28, v29, _ =	vpop (xrf1)  }
0x1e1: {  	v13 =	vperm.xlane v24, v4;
	vm1 =	vgt.f32 v16, v26;
	v31, v32, _ =	vpop (xrf1);
	v9 =	vmul.f32 $1.442695020e+00, v9  }
0x1e2: {  	v16 =	vsel vm1, v16, v26;
	v14 =	vsel vm1, v27, v25;
	v23, _, _ =	vpop (xrf0)  }
0x1e3: {  	vm1 =	vgt.f32 v13, v28;
	(xrf1) =	vsort.dscd.msk.f32 $0xffff, v16, v14;
	v24, v25, _ =	vpop (xrf1);
	v37 =	vperm.xlane v31, v4;
	(erf) = vpow2.f32 v9  }
0x1e4: {  	v33 =	vsel vm1, v13, v28;
	v36 =	vsel vm1, v20, v29;
	v40 =	vperm.xlane v32, v4;
	v19, v20, _ =	vpop (xrf1)  }
0x1e5: {  	v30 =	vbroadcast v23, $0xF;
	v38 =	vperm.xlane v24, v4;
	(xrf1) =	vsort.dscd.msk.f32 $0xffff, v33, v36;
	v42, v41, _ =	vpop (xrf1);
	vm2 =	vgt.f32 v37, v19  }
0x1e6: {  	v43 =	vperm.xlane v25, v4;
	v35 =	vpop (erf);
	v16 =	vsel vm2, v37, v19;
	v14 =	vsel vm2, v40, v20  }
0x1e7: {  	v34 =	vsub.f32 v58, v30;
	vm1 =	vgt.f32 v38, v42;
	v45, v44, _ =	vpop (xrf1);
	v13 =	vnsel vm0, $0x0, v35;
	(xrf1) =	vsort.dscd.msk.f32 $0xffff, v16, v14  }
0x1e8: {  	v46, _, _ =	vpop (xrf2);
	v15 =	vsel vm1, v38, v42;
	v47 =	vsel vm1, v43, v41;
	v48 =	vperm.xlane v45, v4;
	(xrf2) =	vadd.scan.msk.f32 $0xffff, v13  }
0x1e9: {  	v39 =	vmul.f32 $1.442695020e+00, v34;
	(xrf1) =	vsort.dscd.msk.f32 $0xffff, v15, v47;
	v49, v50, _ =	vpop (xrf1)  }
0x1ea: {  	v17 =	vbroadcast v46, $0xF;
	v51 =	vperm.xlane v44, v4;
	vm1 =	vgt.f32 v48, v49;
	v53, v52, _ =	vpop (xrf1)  }
0x1eb: {  	(erf) = vpow2.f32 v39;
	v9 =	vsel vm1, v48, v49;
	v55 =	vperm.xlane v53, v4;
	v58, v57, _ =	vpop (xrf1)  }
0x1ec: {  	v15 =	vsel vm1, v51, v50;
	v56 =	vperm.xlane v52, v4;
	v54 =	vpop (erf);
	(erf) = vrcp.f32 v17  }
0x1ed: {  	(xrf1) =	vsort.dscd.msk.f32 $0xffff, v9, v15;
	vm1 =	vgt.f32 v55, v58;
	v59 =	vnsel vm0, $0x0, v54  }
0x1ee: {  	v60 =	vsel vm1, v55, v58;
	v61 =	vsel vm1, v56, v57;
	(xrf2) =	vadd.scan.msk.f32 $0xffff, v59  }
0x1ef: {  	(xrf1) =	vsort.dscd.msk.f32 $0xffff, v60, v61;
	_ =	sdelay $0x1  }
0x1f0: {  	v9, v14, _ =	vpop (xrf1)  }
0x1f1: {  	v63, _, _ =	vpop (xrf2)  }
0x1f2: {  	v9 =	vperm.xlane v9, v4;
	v25, v24, _ =	vpop (xrf1);
	v17 =	vbroadcast v63, $0xF  }
0x1f3: {  	v14 =	vperm.xlane v14, v4;
	v62 =	vpop (erf)  }
0x1f4: {  	vm1 =	vgt.f32 v9, v25;
	v26 =	vpop (erf);
	(erf) = vrcp.f32 v17  }
0x1f5: {  	v9 =	vsel vm1, v9, v25;
	v14 =	vsel vm1, v14, v24;
	v28, v27, _ =	vpop (xrf1)  }
0x1f6: {  	(xrf1) =	vsort.dscd.msk.f32 $0xffff, v9, v14;
	v29, v30, _ =	vpop (xrf1)  }
0x1f7: {  	v31 =	vmul.f32 v26, v18;
	v32 =	vperm.xlane v29, v4;
	v33, _, _ =	vpop (xrf2)  }
0x1f8: {  	s0 =	sadd.s32 $0x20, s30;
	v34 =	vperm.xlane v30, v4;
	v18 =	vbroadcast v33, $0xF  }
0x1f9: {  	s1 =	sadd.s32 $0x20, s31;
	[tilespmem:s0+$0xFFFFFFF0] =	vst.msk $0xff, v31;
	vm1 =	vgt.f32 v32, v28  }
0x1fa: {  	v36, v35, _ =	vpop (xrf1);
	[tilespmem:s1+$0xFFFFFFF0] =	vst.msk $0xff, v11;
	v14 =	vsel vm1, v32, v28;
	v37 =	vsel vm1, v34, v27;
	(erf) = vrcp.f32 v18  }
0x1fb: {  	v38 =	vperm.xlane v36, v4;
	v39 =	vld [tilespmem:s26+$0xFFFFFF80];
	(xrf1) =	vsort.dscd.msk.f32 $0xffff, v14, v37  }
0x1fc: {  	v40 =	vperm.xlane v35, v4;
	v43 =	vld [tilespmem:s26+$0xFFFFFFA0];
	v42, v41, _ =	vpop (xrf1)  }
0x1fd: {  	v9 =	vnsel vm0, $0x0, v62;
	v44 =	vld [tilespmem:s26+$0xFFFFFF90];
	vm1 =	vgt.f32 v38, v42;
	v45 =	vpop (erf)  }
0x1fe: {  	(xrf2) =	vadd.scan.msk.f32 $0xffff, v9;
	v11 =	vsel vm1, v38, v42;
	v17 =	vsel vm1, v40, v41;
	v13 =	vmul.f32 v45, v13  }
0x1ff: {  	v46 =	vld [tilespmem:s26+$0xFFFFFFB0];
	(xrf1) =	vsort.dscd.msk.f32 $0xffff, v11, v17  }
0x200: {  	(xrf1) =	vsort.dscd.msk.f32 $0xffff, v39, v0;
	[tilespmem:s29+$0xFFFFFFF8] =	vst.msk $0xff, v13  }
0x201: {  	(xrf1) =	vsort.dscd.msk.f32 $0xffff, v43, v2;
	[tilespmem:s28+$0xFFFFFFF8] =	vst.msk $0xff, v10  }
0x202: {  	(xrf1) =	vsort.dscd.msk.f32 $0xffff, v44, v1;
	v10 =	vld [tilespmem:s22+$0x20]  }
0x203: {  	v48 =	vld [tilespmem:s22+$0x0];
	v47 =	vpop (erf)  }
0x204: {  	(xrf1) =	vsort.dscd.msk.f32 $0xffff, v46, v3;
	v49, v14, _ =	vpop (xrf1);
	v50 =	vld [tilespmem:s22+$0x30];
	v13 =	vmul.f32 v47, v59  }
0x205: {  	(xrf0) =	vmax.scan.msk.f32 $0xffff, v49  }
0x206: {  	v51 =	vld [tilespmem:s22+$0x10]  }
0x207: {  	[tilespmem:s18+$0x0] =	vst.msk $0xff, v13;
	(xrf1) =	vsort.dscd.msk.f32 $0xffff, v10, v2  }
0x208: {  	v54, _, _ =	vpop (xrf2);
	[tilespmem:s17+$0x0] =	vst.msk $0xff, v12;
	(xrf1) =	vsort.dscd.msk.f32 $0xffff, v48, v0  }
0x209: {  	v52 =	vld [tilespmem:s24+$0x80];
	v53, v13, _ =	vpop (xrf1);
	(xrf1) =	vsort.dscd.msk.f32 $0xffff, v50, v3  }
0x20a: {  	v16 =	vbroadcast v54, $0xF;
	v55 =	vld [tilespmem:s24+$0x90];
	(xrf0) =	vmax.scan.msk.f32 $0xffff, v53  }
0x20b: {  	v56 =	vld [tilespmem:s24+$0xA0];
	v58, _, _ =	vpop (xrf0);
	(xrf1) =	vsort.dscd.msk.f32 $0xffff, v51, v1  }
0x20c: {  	(erf) = vrcp.f32 v16;
	v59 =	vbroadcast v58, $0xF  }
0x20d: {  	v57 =	vld [tilespmem:s24+$0xB0];
	v60, v10, _ =	vpop (xrf1)  }
0x20e: {  	v11 =	vsub.f32 v49, v59;
	(xrf1) =	vsort.dscd.msk.f32 $0xffff, v52, v0;
	v62, v61, _ =	vpop (xrf1)  }
0x20f: {  	(xrf1) =	vsort.dscd.msk.f32 $0xffff, v55, v1;
	v63 =	vperm.xlane v62, v4;
	v27, v28, _ =	vpop (xrf1)  }
0x210: {  	v29 =	vperm.xlane v61, v4;
	v11 =	vmul.f32 $1.442695020e+00, v11;
	(xrf1) =	vsort.dscd.msk.f32 $0xffff, v56, v2;
	v31, v30, _ =	vpop (xrf1)  }
0x211: {  	v18 =	vperm.xlane v27, v4;
	v20 =	vperm.xlane v28, v4;
	v32, _, _ =	vpop (xrf0);
	vm1 =	vgt.f32 v63, v31  }
0x212: {  	(xrf1) =	vsort.dscd.msk.f32 $0xffff, v57, v3;
	v34, v33, _ =	vpop (xrf1);
	v16 =	vsel vm1, v63, v31;
	v15 =	vsel vm1, v29, v30  }
0x213: {  	(erf) = vpow2.f32 v11;
	v35 =	vbroadcast v32, $0xF;
	vm1 =	vgt.f32 v18, v34;
	(xrf1) =	vsort.dscd.msk.f32 $0xffff, v16, v15  }
0x214: {  	(xrf0) =	vmax.scan.msk.f32 $0xffff, v60;
	v36 =	vsel vm1, v18, v34;
	v37 =	vsel vm1, v20, v33  }
0x215: {  	v11 =	vpop (erf);
	v12 =	vsub.f32 v53, v35;
	(xrf1) =	vsort.dscd.msk.f32 $0xffff, v36, v37  }
0x216: {  	v40, v39, _ =	vpop (xrf1)  }
0x217: {  	v12 =	vmul.f32 $1.442695020e+00, v12;
	v41, v42, _ =	vpop (xrf1);
	v43 =	vperm.xlane v40, v4  }
0x218: {  	v18 =	vperm.xlane v39, v4;
	v44 =	vperm.xlane v41, v4;
	v46, v45, _ =	vpop (xrf1)  }
0x219: {  	(erf) = vpow2.f32 v12;
	v20 =	vperm.xlane v42, v4;
	v47, v48, _ =	vpop (xrf1);
	vm1 =	vgt.f32 v43, v46  }
0x21a: {  	vm2 =	vgt.f32 v44, v47;
	v12 =	vsel vm1, v43, v46;
	v18 =	vsel vm1, v18, v45  }
0x21b: {  	v38, _, _ =	vpop (xrf0);
	v16 =	vsel vm2, v44, v47;
	v20 =	vsel vm2, v20, v48;
	(xrf1) =	vsort.dscd.msk.f32 $0xffff, v12, v18  }
0x21c: {  	v49 =	vpop (erf);
	(xrf1) =	vsort.dscd.msk.f32 $0xffff, v16, v20  }
0x21d: {  	v55 =	vnsel vm0, $0x0, v49;
	v50, v51, _ =	vpop (xrf1)  }
0x21e: {  	v15 =	vbroadcast v38, $0xF;
	(xrf2) =	vadd.scan.msk.f32 $0xffff, v55;
	v54, v53, _ =	vpop (xrf1)  }
0x21f: {  	v52 =	vperm.xlane v50, v4;
	v57, v56, _ =	vpop (xrf1)  }
0x220: {  	v15 =	vsub.f32 v60, v15;
	v21 =	vperm.xlane v51, v4;
	v58, v59, _ =	vpop (xrf1)  }
0x221: {  	vm1 =	vgt.f32 v52, v54;
	v60 =	vperm.xlane v57, v4;
	v28 =	vperm.xlane v56, v4;
	v61, v62, _ =	vpop (xrf1)  }
0x222: {  	v12 =	vsel vm1, v52, v54;
	v18 =	vsel vm1, v21, v53;
	v63 =	vpop (erf);
	v17 =	vperm.xlane v61, v4  }
0x223: {  	(xrf1) =	vsort.dscd.msk.f32 $0xffff, v12, v18;
	vm1 =	vgt.f32 v60, v58;
	v29 =	vnsel vm0, $0x0, v63;
	v31, v30, _ =	vpop (xrf1);
	v20 =	vperm.xlane v62, v4  }
0x224: {  	v16 =	vsel vm1, v60, v58;
	v21 =	vsel vm1, v28, v59;
	(xrf2) =	vadd.scan.msk.f32 $0xffff, v29;
	vm1 =	vgt.f32 v17, v31  }
0x225: {  	(xrf1) =	vsort.dscd.msk.f32 $0xffff, v16, v21;
	v12 =	vsel vm1, v17, v31;
	v32 =	vsel vm1, v20, v30  }
0x226: {  	v15 =	vmul.f32 $1.442695020e+00, v15;
	(xrf1) =	vsort.dscd.msk.f32 $0xffff, v12, v32;
	_ =	sdelay $0x1  }
0x227: {  	(erf) = vpow2.f32 v15;
	v33, _, _ =	vpop (xrf2)  }
0x228: {  	v35, v34, _ =	vpop (xrf1)  }
0x229: {  	v36, v37, _ =	vpop (xrf1)  }
0x22a: {  	v12 =	vbroadcast v33, $0xF;
	v17 =	vperm.xlane v36, v4  }
0x22b: {  	v20 =	vperm.xlane v37, v4  }
0x22c: {  	(erf) = vrcp.f32 v12;
	vm1 =	vgt.f32 v17, v35  }
0x22d: {  	v38, _, _ =	vpop (xrf2);
	v16 =	vsel vm1, v20, v34  }
0x22e: {  	v12 =	vbroadcast v38, $0xF;
	v15 =	vsel vm1, v17, v35  }
0x22f: {  	(xrf1) =	vsort.dscd.msk.f32 $0xffff, v15, v16  }
0x230: {  	v39 =	vpop (erf);
	(erf) = vrcp.f32 v12  }
0x231: {  	v12 =	vnsel vm0, $0x0, v39;
	v15, v16, _ =	vpop (xrf1)  }
0x232: {  	(xrf2) =	vadd.scan.msk.f32 $0xffff, v12;
	v41, v40, _ =	vpop (xrf1)  }
0x233: {  	v42, v22, _ =	vpop (xrf1)  }
0x234: {  	(xrf0) =	vmax.scan.msk.f32 $0xffff, v42  }
0x235: {  	v43 =	vpop (erf);
	v15 =	vperm.xlane v15, v4  }
0x236: {  	v16 =	vperm.xlane v16, v4;
	v44 =	vmul.f32 v43, v55  }
0x237: {  	vm1 =	vgt.f32 v15, v41  }
0x238: {  	[tilespmem:s30+$0xFFFFFFF8] =	vst.msk $0xff, v44;
	v15 =	vsel vm1, v15, v41;
	v16 =	vsel vm1, v16, v40  }
0x239: {  	[tilespmem:s31+$0xFFFFFFF8] =	vst.msk $0xff, v14;
	(xrf1) =	vsort.dscd.msk.f32 $0xffff, v15, v16;
	v45 =	vpop (erf)  }
0x23a: {  	v47 =	vld [tilespmem:s23+$0x20];
	v46, _, _ =	vpop (xrf0)  }
0x23b: {  	v17 =	vld [tilespmem:s23+$0x0];
	v15 =	vmul.f32 v45, v29;
	v14 =	vbroadcast v46, $0xF  }
0x23c: {  	v48, _, _ =	vpop (xrf2)  }
0x23d: {  	v49 =	vld [tilespmem:s23+$0x30];
	[tilespmem:s19+$0x0] =	vst.msk $0xff, v15;
	v52, v21, _ =	vpop (xrf1);
	v14 =	vsub.f32 v42, v14  }
0x23e: {  	v51 =	vld [tilespmem:s23+$0x10];
	v50 =	vbroadcast v48, $0xF;
	[tilespmem:s20+$0x0] =	vst.msk $0xff, v13;
	(xrf0) =	vmax.scan.msk.f32 $0xffff, v52  }
0x23f: {  	(xrf1) =	vsort.dscd.msk.f32 $0xffff, v47, v2;
	v13 =	vld [tilespmem:s21+$0x80];
	v14 =	vmul.f32 $1.442695020e+00, v14  }
0x240: {  	(xrf1) =	vsort.dscd.msk.f32 $0xffff, v17, v0;
	(erf) = vrcp.f32 v50;
	v53 =	vld [tilespmem:s21+$0x90]  }
0x241: {  	v54 =	vld [tilespmem:s21+$0xA0];
	(erf) = vpow2.f32 v14  }
0x242: {  	(xrf1) =	vsort.dscd.msk.f32 $0xffff, v49, v3  }
0x243: {  	(xrf1) =	vsort.dscd.msk.f32 $0xffff, v51, v1  }
0x244: {  	v55 =	vld [tilespmem:s21+$0xB0];
	(xrf1) =	vsort.dscd.msk.f32 $0xffff, v13, v0;
	v56, _, _ =	vpop (xrf0)  }
0x245: {  	(xrf1) =	vsort.dscd.msk.f32 $0xffff, v53, v1;
	v14 =	vbroadcast v56, $0xF  }
0x246: {  	(xrf1) =	vsort.dscd.msk.f32 $0xffff, v54, v2  }
0x247: {  	v57, v13, _ =	vpop (xrf1)  }
0x248: {  	(xrf0) =	vmax.scan.msk.f32 $0xffff, v57;
	v58 =	vsub.f32 v52, v14  }
0x249: {  	(xrf1) =	vsort.dscd.msk.f32 $0xffff, v55, v3;
	v14 =	vpop (erf)  }
0x24a: {  	v16 =	vmul.f32 $1.442695020e+00, v58;
	v59 =	vpop (erf)  }
0x24b: {  	v17 =	vnsel vm0, $0x0, v59  }
0x24c: {  	(erf) = vpow2.f32 v16;
	(xrf2) =	vadd.scan.msk.f32 $0xffff, v17  }
0x24d: {  	v62, v61, _ =	vpop (xrf1)  }
0x24e: {  	v31, v63, _ =	vpop (xrf1)  }
0x24f: {  	v60, _, _ =	vpop (xrf0)  }
0x250: {  	v18 =	vperm.xlane v62, v4;
	v33, v32, _ =	vpop (xrf1)  }
0x251: {  	v20 =	vperm.xlane v31, v4;
	v16 =	vbroadcast v60, $0xF;
	v26, v27, _ =	vpop (xrf1)  }
0x252: {  	v34 =	vperm.xlane v61, v4;
	v23 =	vperm.xlane v63, v4;
	vm2 =	vgt.f32 v18, v33;
	v35, v28, _ =	vpop (xrf1)  }
0x253: {  	vm1 =	vgt.f32 v20, v26;
	v18 =	vsel vm2, v18, v33;
	v15 =	vsub.f32 v57, v16;
	v36, v29, _ =	vpop (xrf1)  }
0x254: {  	v20 =	vsel vm1, v20, v26;
	v16 =	vsel vm2, v34, v32;
	v19 =	vperm.xlane v35, v4;
	v37, v38, _ =	vpop (xrf1)  }
0x255: {  	v23 =	vsel vm1, v23, v27;
	(xrf1) =	vsort.dscd.msk.f32 $0xffff, v18, v16;
	v15 =	vmul.f32 $1.442695020e+00, v15;
	v39 =	vperm.xlane v28, v4;
	v40 =	vpop (erf)  }
0x256: {  	vm2 =	vgt.f32 v19, v36;
	v24 =	vperm.xlane v37, v4;
	v42 =	vperm.xlane v38, v4;
	v41, _, _ =	vpop (xrf2)  }
0x257: {  	(xrf1) =	vsort.dscd.msk.f32 $0xffff, v20, v23;
	v43, v44, _ =	vpop (xrf1);
	v19 =	vsel vm2, v19, v36;
	v16 =	vsel vm2, v39, v29;
	v26 =	vbroadcast v41, $0xF  }
0x258: {  	(erf) = vpow2.f32 v15;
	v45 =	vnsel vm0, $0x0, v40;
	(xrf1) =	vsort.dscd.msk.f32 $0xffff, v19, v16;
	vm1 =	vgt.f32 v24, v43  }
0x259: {  	(xrf2) =	vadd.scan.msk.f32 $0xffff, v45;
	v46 =	vsel vm1, v24, v43;
	v47 =	vsel vm1, v42, v44;
	(erf) = vrcp.f32 v26  }
0x25a: {  	(xrf1) =	vsort.dscd.msk.f32 $0xffff, v46, v47;
	_ =	sdelay $0x6  }
0x25b: {  	v48 =	vpop (erf)  }
0x25c: {  	v49 =	vpop (erf)  }
0x25d: {  	v50, v51, _ =	vpop (xrf1);
	v17 =	vmul.f32 v49, v17  }
0x25e: {  	v52, _, _ =	vpop (xrf2)  }
0x25f: {  	v23, v24, _ =	vpop (xrf1);
	v18 =	vbroadcast v52, $0xF;
	[tilespmem:s0+$0xFFFFFFF8] =	vst.msk $0xff, v17  }
0x260: {  	v53 =	vperm.xlane v23, v4;
	v54 =	vperm.xlane v24, v4;
	v56, v55, _ =	vpop (xrf1);
	[tilespmem:s1+$0xFFFFFFF8] =	vst.msk $0xff, v22  }
0x261: {  	(erf) = vrcp.f32 v18;
	v57 =	vperm.xlane v56, v4;
	v22 =	vld [tilespmem:s26+$0x20]  }
0x262: {  	v15 =	vnsel vm0, $0x0, v48;
	vm1 =	vgt.f32 v53, v50;
	v58 =	vperm.xlane v55, v4;
	v60, v59, _ =	vpop (xrf1);
	v61 =	vld [tilespmem:s26+$0x0]  }
0x263: {  	(xrf2) =	vadd.scan.msk.f32 $0xffff, v15;
	v62 =	vsel vm1, v54, v51;
	v17 =	vsel vm1, v53, v50;
	vm1 =	vgt.f32 v57, v60;
	v63 =	vld [tilespmem:s26+$0x30]  }
0x264: {  	(xrf1) =	vsort.dscd.msk.f32 $0xffff, v17, v62;
	v28 =	vsel vm1, v57, v60;
	v29 =	vsel vm1, v58, v59;
	v30 =	vld [tilespmem:s26+$0x10]  }
0x265: {  	(xrf1) =	vsort.dscd.msk.f32 $0xffff, v28, v29  }
0x266: {  	(xrf1) =	vsort.dscd.msk.f32 $0xffff, v22, v2  }
0x267: {  	(xrf1) =	vsort.dscd.msk.f32 $0xffff, v61, v0  }
0x268: {  	(xrf1) =	vsort.dscd.msk.f32 $0xffff, v63, v3  }
0x269: {  	(xrf1) =	vsort.dscd.msk.f32 $0xffff, v30, v1  }
0x26a: {  	v31 =	vpop (erf)  }
0x26b: {  	v16 =	vmul.f32 v31, v45;
	_ =	sdelay $0x1  }
0x26c: {  	[tilespmem:s29+$0x0] =	vst.msk $0xff, v16  }
0x26d: {  	[tilespmem:s28+$0x0] =	vst.msk $0xff, v21  }
0x26e: {  	v32 =	vld [tilespmem:s22+$0x80]  }
0x26f: {  	v33 =	vld [tilespmem:s22+$0x90]  }
0x270: {  	v34, _, _ =	vpop (xrf2);
	v35 =	vld [tilespmem:s22+$0xA0]  }
0x271: {  	v21 =	vld [tilespmem:s22+$0xB0];
	v36, v23, _ =	vpop (xrf1)  }
0x272: {  	(xrf0) =	vmax.scan.msk.f32 $0xffff, v36;
	v37, v16, _ =	vpop (xrf1)  }
0x273: {  	(xrf1) =	vsort.dscd.msk.f32 $0xffff, v32, v0;
	v39, v38, _ =	vpop (xrf1)  }
0x274: {  	(xrf1) =	vsort.dscd.msk.f32 $0xffff, v33, v1;
	v41, v40, _ =	vpop (xrf1);
	v17 =	vperm.xlane v39, v4  }
0x275: {  	(xrf1) =	vsort.dscd.msk.f32 $0xffff, v35, v2;
	v25 =	vperm.xlane v38, v4;
	v18 =	vperm.xlane v41, v4;
	v43, v42, _ =	vpop (xrf1)  }
0x276: {  	v19 =	vbroadcast v34, $0xF;
	(xrf1) =	vsort.dscd.msk.f32 $0xffff, v21, v3;
	v44 =	vperm.xlane v40, v4;
	v45, v46, _ =	vpop (xrf1);
	vm1 =	vgt.f32 v17, v43  }
0x277: {  	vm2 =	vgt.f32 v18, v45;
	v17 =	vsel vm1, v17, v43;
	v47 =	vsel vm1, v25, v42  }
0x278: {  	(erf) = vrcp.f32 v19;
	v18 =	vsel vm2, v18, v45;
	v19 =	vsel vm2, v44, v46;
	(xrf1) =	vsort.dscd.msk.f32 $0xffff, v17, v47  }
0x279: {  	v48, _, _ =	vpop (xrf0);
	(xrf1) =	vsort.dscd.msk.f32 $0xffff, v18, v19  }
0x27a: {  	v49 =	vbroadcast v48, $0xF  }
0x27b: {  	(xrf0) =	vmax.scan.msk.f32 $0xffff, v37  }
0x27c: {  	v17 =	vsub.f32 v36, v49;
	_ =	sdelay $0x1  }
0x27d: {  	v17 =	vmul.f32 $1.442695020e+00, v17;
	_ =	sdelay $0x1  }
0x27e: {  	(erf) = vpow2.f32 v17  }
0x27f: {  	v50, _, _ =	vpop (xrf0)  }
0x280: {  	v52, v51, _ =	vpop (xrf1)  }
0x281: {  	v53, v54, _ =	vpop (xrf1)  }
0x282: {  	v19 =	vperm.xlane v52, v4;
	v56, v55, _ =	vpop (xrf1)  }
0x283: {  	v20 =	vperm.xlane v51, v4;
	v58, v57, _ =	vpop (xrf1)  }
0x284: {  	vm1 =	vgt.f32 v19, v53;
	v60 =	vperm.xlane v56, v4;
	v59, v30, _ =	vpop (xrf1)  }
0x285: {  	v19 =	vsel vm1, v19, v53;
	v20 =	vsel vm1, v20, v54;
	v26 =	vperm.xlane v55, v4;
	v61, v62, _ =	vpop (xrf1)  }
0x286: {  	v18 =	vbroadcast v50, $0xF;
	v17 =	vpop (erf);
	(xrf1) =	vsort.dscd.msk.f32 $0xffff, v19, v20;
	vm1 =	vgt.f32 v60, v58;
	v22 =	vperm.xlane v61, v4  }
0x287: {  	v63 =	vpop (erf);
	v21 =	vsel vm1, v60, v58;
	v33 =	vsel vm1, v26, v57;
	v32 =	vperm.xlane v62, v4  }
0x288: {  	v18 =	vsub.f32 v37, v18;
	v31 =	vnsel vm0, $0x0, v63;
	(xrf1) =	vsort.dscd.msk.f32 $0xffff, v21, v33;
	vm1 =	vgt.f32 v22, v59  }
0x289: {  	(xrf2) =	vadd.scan.msk.f32 $0xffff, v31;
	v34 =	vsel vm1, v22, v59;
	v20 =	vsel vm1, v32, v30  }
0x28a: {  	v18 =	vmul.f32 $1.442695020e+00, v18;
	(xrf1) =	vsort.dscd.msk.f32 $0xffff, v34, v20;
	_ =	sdelay $0x1  }
0x28b: {  	(erf) = vpow2.f32 v18;
	_ =	sdelay $0x7  }
0x28c: {  	v35, _, _ =	vpop (xrf2)  }
0x28d: {  	v36 =	vpop (erf);
	v18 =	vbroadcast v35, $0xF  }
0x28e: {  	v38, v37, _ =	vpop (xrf1)  }
0x28f: {  	(erf) = vrcp.f32 v18;
	v18 =	vnsel vm0, $0x0, v36;
	v39, v24, _ =	vpop (xrf1)  }
0x290: {  	(xrf2) =	vadd.scan.msk.f32 $0xffff, v18;
	v40, v41, _ =	vpop (xrf1)  }
0x291: {  	(xrf0) =	vmax.scan.msk.f32 $0xffff, v40;
	_ =	sdelay $0x1  }
0x292: {  	v20 =	vperm.xlane v38, v4  }
0x293: {  	v21 =	vperm.xlane v37, v4  }
0x294: {  	vm1 =	vgt.f32 v20, v39  }
0x295: {  	v20 =	vsel vm1, v20, v39;
	v21 =	vsel vm1, v21, v24  }
0x296: {  	(xrf1) =	vsort.dscd.msk.f32 $0xffff, v20, v21;
	v43, _, _ =	vpop (xrf0)  }
0x297: {  	v42 =	vpop (erf);
	v44 =	vbroadcast v43, $0xF  }
0x298: {  	v19 =	vmul.f32 v42, v31  }
0x299: {  	v45, _, _ =	vpop (xrf2);
	v46 =	vsub.f32 v40, v44  }
0x29a: {  	v21 =	vbroadcast v45, $0xF;
	[tilespmem:s30+$0x0] =	vst.msk $0xff, v19  }
0x29b: {  	[tilespmem:s31+$0x0] =	vst.msk $0xff, v23;
	v19 =	vmul.f32 $1.442695020e+00, v46  }
0x29c: {  	(erf) = vrcp.f32 v21;
	v47 =	vld [tilespmem:s23+$0x80]  }
0x29d: {  	v48 =	vld [tilespmem:s23+$0x90];
	(erf) = vpow2.f32 v19  }
0x29e: {  	v49 =	vld [tilespmem:s23+$0xA0];
	_ =	sdelay $0x1  }
0x29f: {  	v50 =	vld [tilespmem:s23+$0xB0]  }
0x2a0: {  	(xrf1) =	vsort.dscd.msk.f32 $0xffff, v47, v0  }
0x2a1: {  	(xrf1) =	vsort.dscd.msk.f32 $0xffff, v48, v1  }
0x2a2: {  	(xrf1) =	vsort.dscd.msk.f32 $0xffff, v49, v2  }
0x2a3: {  	v51, v21, _ =	vpop (xrf1)  }
0x2a4: {  	(xrf1) =	vsort.dscd.msk.f32 $0xffff, v50, v3;
	v19 =	vpop (erf)  }
0x2a5: {  	(xrf0) =	vmax.scan.msk.f32 $0xffff, v51;
	v52 =	vpop (erf)  }
0x2a6: {  	v22 =	vnsel vm0, $0x0, v52  }
0x2a7: {  	(xrf2) =	vadd.scan.msk.f32 $0xffff, v22;
	_ =	sdelay $0x3  }
0x2a8: {  	v53, _, _ =	vpop (xrf0)  }
0x2a9: {  	v23 =	vbroadcast v53, $0xF;
	_ =	sdelay $0x1  }
0x2aa: {  	v20 =	vsub.f32 v51, v23;
	v54, v55, _ =	vpop (xrf1)  }
0x2ab: {  	v24 =	vperm.xlane v54, v4;
	v57, v56, _ =	vpop (xrf1)  }
0x2ac: {  	v20 =	vmul.f32 $1.442695020e+00, v20;
	v25 =	vperm.xlane v55, v4;
	v58, v59, _ =	vpop (xrf1)  }
0x2ad: {  	vm1 =	vgt.f32 v24, v57;
	v60 =	vperm.xlane v58, v4;
	v62 =	vperm.xlane v59, v4;
	v61, _, _ =	vpop (xrf2)  }
0x2ae: {  	v33, v63, _ =	vpop (xrf1);
	v23 =	vsel vm1, v24, v57;
	v25 =	vsel vm1, v25, v56;
	v28 =	vbroadcast v61, $0xF  }
0x2af: {  	(erf) = vpow2.f32 v20;
	(xrf1) =	vsort.dscd.msk.f32 $0xffff, v23, v25;
	vm1 =	vgt.f32 v60, v33  }
0x2b0: {  	v34 =	vsel vm1, v60, v33;
	v35 =	vsel vm1, v62, v63;
	(erf) = vrcp.f32 v28  }
0x2b1: {  	(xrf1) =	vsort.dscd.msk.f32 $0xffff, v34, v35;
	_ =	sdelay $0x6  }
0x2b2: {  	v36 =	vpop (erf)  }
0x2b3: {  	v37 =	vpop (erf)  }
0x2b4: {  	v22 =	vmul.f32 v37, v22;
	_ =	sdelay $0x1  }
0x2b5: {  	[tilespmem:s0+$0x0] =	vst.msk $0xff, v22  }
0x2b6: {  	v38, v23, _ =	vpop (xrf1);
	[tilespmem:s1+$0x0] =	vst.msk $0xff, v41  }
0x2b7: {  	v22 =	vperm.xlane v38, v4;
	v39 =	vld [tilespmem:s26+$0x80]  }
0x2b8: {  	v23 =	vperm.xlane v23, v4;
	v40, v41, _ =	vpop (xrf1);
	v42 =	vld [tilespmem:s26+$0x90]  }
0x2b9: {  	vm1 =	vgt.f32 v22, v40;
	v43 =	vld [tilespmem:s26+$0xA0]  }
0x2ba: {  	v22 =	vsel vm1, v22, v40;
	v23 =	vsel vm1, v23, v41  }
0x2bb: {  	v44 =	vld [tilespmem:s26+$0xB0];
	(xrf1) =	vsort.dscd.msk.f32 $0xffff, v22, v23  }
0x2bc: {  	(xrf1) =	vsort.dscd.msk.f32 $0xffff, v39, v0  }
0x2bd: {  	(xrf1) =	vsort.dscd.msk.f32 $0xffff, v42, v1  }
0x2be: {  	(xrf1) =	vsort.dscd.msk.f32 $0xffff, v43, v2;
	_ =	sdelay $0x1  }
0x2bf: {  	(xrf1) =	vsort.dscd.msk.f32 $0xffff, v44, v3;
	_ =	sdelay $0x8  }
0x2c0: {  	v22, v23, _ =	vpop (xrf1)  }
0x2c1: {  	v24, v45, _ =	vpop (xrf1)  }
0x2c2: {  	v24 =	vperm.xlane v24, v4;
	v46, v27, _ =	vpop (xrf1)  }
0x2c3: {  	v25 =	vperm.xlane v45, v4;
	v28, v47, _ =	vpop (xrf1)  }
0x2c4: {  	vm1 =	vgt.f32 v24, v46;
	v28 =	vperm.xlane v28, v4  }
0x2c5: {  	v48 =	vperm.xlane v47, v4;
	v49, v50, _ =	vpop (xrf1);
	v24 =	vsel vm1, v24, v46;
	v25 =	vsel vm1, v25, v27  }
0x2c6: {  	(xrf1) =	vsort.dscd.msk.f32 $0xffff, v24, v25;
	vm1 =	vgt.f32 v28, v49  }
0x2c7: {  	v51 =	vsel vm1, v28, v49;
	v52 =	vsel vm1, v48, v50  }
0x2c8: {  	(xrf1) =	vsort.dscd.msk.f32 $0xffff, v51, v52;
	_ =	sdelay $0x4  }
0x2c9: {  	v20 =	vnsel vm0, $0x0, v36  }
0x2ca: {  	(xrf2) =	vadd.scan.msk.f32 $0xffff, v20  }
0x2cb: {  	(xrf0) =	vmax.scan.msk.f32 $0xffff, v22;
	_ =	sdelay $0x4  }
0x2cc: {  	v24, v25, _ =	vpop (xrf1)  }
0x2cd: {  	v53, _, _ =	vpop (xrf0);
	v24 =	vperm.xlane v24, v4  }
0x2ce: {  	v26 =	vbroadcast v53, $0xF;
	v25 =	vperm.xlane v25, v4;
	v27, v28, _ =	vpop (xrf1)  }
0x2cf: {  	vm1 =	vgt.f32 v24, v27  }
0x2d0: {  	v54, _, _ =	vpop (xrf2);
	v22 =	vsub.f32 v22, v26;
	v24 =	vsel vm1, v24, v27;
	v25 =	vsel vm1, v25, v28  }
0x2d1: {  	v55 =	vbroadcast v54, $0xF;
	(xrf1) =	vsort.dscd.msk.f32 $0xffff, v24, v25  }
0x2d2: {  	v22 =	vmul.f32 $1.442695020e+00, v22  }
0x2d3: {  	(erf) = vrcp.f32 v55  }
0x2d4: {  	(erf) = vpow2.f32 v22;
	_ =	sdelay $0x7  }
0x2d5: {  	v56 =	vpop (erf)  }
0x2d6: {  	v57 =	vpop (erf)  }
0x2d7: {  	v24 =	vnsel vm0, $0x0, v57  }
0x2d8: {  	(xrf2) =	vadd.scan.msk.f32 $0xffff, v24;
	v25, v58, _ =	vpop (xrf1)  }
0x2d9: {  	(xrf0) =	vmax.scan.msk.f32 $0xffff, v25;
	_ =	sdelay $0x5  }
0x2da: {  	v59, _, _ =	vpop (xrf0)  }
0x2db: {  	v27 =	vbroadcast v59, $0xF;
	_ =	sdelay $0x1  }
0x2dc: {  	v60, _, _ =	vpop (xrf2);
	v25 =	vsub.f32 v25, v27  }
0x2dd: {  	v27 =	vbroadcast v60, $0xF  }
0x2de: {  	v25 =	vmul.f32 $1.442695020e+00, v25  }
0x2df: {  	(erf) = vrcp.f32 v27  }
0x2e0: {  	(erf) = vpow2.f32 v25;
	_ =	sdelay $0x7  }
0x2e1: {  	v61 =	vpop (erf)  }
0x2e2: {  	v62 =	vpop (erf)  }
0x2e3: {  	v27 =	vnsel vm0, $0x0, v62  }
0x2e4: {  	(xrf2) =	vadd.scan.msk.f32 $0xffff, v27;
	_ =	sdelay $0x8  }
0x2e5: {  	v6 =	vmul.f32 v8, v6  }
0x2e6: {  	v63, _, _ =	vpop (xrf2)  }
0x2e7: {  	[tilespmem:s11+$0x8] =	vst.msk $0xff, v6;
	v6 =	vmul.f32 v11, v9;
	v8 =	vbroadcast v63, $0xF  }
0x2e8: {  	[tilespmem:s12+$0x8] =	vst.msk $0xff, v5  }
0x2e9: {  	[tilespmem:s13+$0x8] =	vst.msk $0xff, v6;
	v5 =	vmul.f32 v14, v12;
	(erf) = vrcp.f32 v8  }
0x2ea: {  	[tilespmem:s14+$0x8] =	vst.msk $0xff, v7  }
0x2eb: {  	[tilespmem:s15+$0x8] =	vst.msk $0xff, v5;
	v5 =	vmul.f32 v17, v15  }
0x2ec: {  	[tilespmem:s16+$0x8] =	vst.msk $0xff, v10  }
0x2ed: {  	[tilespmem:s18+$0x8] =	vst.msk $0xff, v5;
	v5 =	vmul.f32 v19, v18  }
0x2ee: {  	[tilespmem:s17+$0x8] =	vst.msk $0xff, v13  }
0x2ef: {  	[tilespmem:s19+$0x8] =	vst.msk $0xff, v5;
	v5 =	vmul.f32 v56, v20  }
0x2f0: {  	[tilespmem:s20+$0x8] =	vst.msk $0xff, v16  }
0x2f1: {  	[tilespmem:s29+$0x8] =	vst.msk $0xff, v5;
	v5 =	vmul.f32 v61, v24  }
0x2f2: {  	[tilespmem:s28+$0x8] =	vst.msk $0xff, v21;
	v6 =	vpop (erf)  }
0x2f3: {  	[tilespmem:s30+$0x8] =	vst.msk $0xff, v5;
	v5 =	vmul.f32 v6, v27  }
0x2f4: {  	[tilespmem:s31+$0x8] =	vst.msk $0xff, v23  }
0x2f5: {  	[tilespmem:s0+$0x8] =	vst.msk $0xff, v5  }
0x2f6: {  	[tilespmem:s1+$0x8] =	vst.msk $0xff, v58  }
0x2f7: {  	[hbm4b:s4+s2] =	stream.linear.scatter [tilespmem:s8], [sflag:$0x1], $0x200, $0x38;
	[tilespmem:$0x2500] =	vst v63  }
0x2f8: {  	s10 =	sadd.s32 $0x1, s10;
	_ =	swait.ge [sflag:s7], $0x200  }
0x2f9: {  	p0 =	sne.s32 s10, s6;
	[sflag:s7] =	ssyncset.done $0x0  }
.Ltmp1:
0x2fa: {  	[sflag:s7] =	ssyncadd.s32 $0xFFFFFE00;
	(pc) =	sbr.rel @p0 .LBB2_1-.Ltmp1, $4  }
0x2fb: {  	[hbm4b:s5+s2] =	stream.linear.scatter [tilespmem:s9], [sflag:$0x1], $0x200, $0x38;
	[tilespmem:$0x2500] =	vst v63  }
0x2fc: {  	_ =	swait.ge [sflag:s7], $0x200  }
0x2fd: {  	[sflag:s7] =	ssyncset.done $0x0  }
0x2fe: {  	[sflag:s7] =	ssyncadd.s32 $0xFFFFFE00  }
0x2ff: {  	_ =	sfence.sel $0x180000  }
0x300: {  	[bflag:$0x0] =	sbarrier.arrive $0xFFFF  }
0x301: {  	_ =	strace $0x9000004D  }
0x302: {  	s0 =	stileid.u32;
	[bflag:$0x2] =	sbarrier.arrive $0xFFFF  }
0x303: {  	p0 =	sne.s32 s0, $0x0;
	s0 =	rddreg [dreg:$0x1]  }
0x304: {  	s0 =	sadd.s32 @!p0 $0x100000, s0  }
0x305: {  	[sflag:s0] =	ssyncadd.tile.s32 @!p0 $0x1;
	_ =	shalt  }
.Lfunc_end2:
_tile_overlayer_lowered:
.L_overlay_start_2:
0x306: {  	(tag) =	ssettag $0x2  }
0x307: {  	s0 =	rddreg [dreg:$0x0];
	s2 =	stileid.u32  }
0x308: {  	s1 =	rddreg [dreg:$0x1];
	p0 =	sne.s32 s2, $0x0  }
0x309: {  	s3 =	rddreg [dreg:$0x2];
	[bflag:$0x3] =	sbarrier.arrive $0xFFFF;
	s2 =	simm.s32 @!p0 $0x1C01  }
0x30a: {  	[timem:s3], [sflag:s2] =	dma.local @!p0 [hbm:s0], s1  }
0x30b: {  	s0 =	simm.s32 @!p0 $0x1  }
0x30c: {  	_ =	swait.ge @!p0 [sflag:s0], s1  }
0x30d: {  	s1 =	ssub.s32 @!p0 $0x0, s1;
	[sflag:s0] =	ssyncset.done @!p0 $0x0  }
0x30e: {  	[sflag:s0] =	ssyncadd.s32 @!p0 s1  }
0x30f: {  	[bflag:$0x3] =	sbarrier.arrive $0xFFFF  }
0x310: {  	_ =	shalt  }

// kernel: kernel.19.cloned.1.call-start
scs
__scs_entry_jumppad:
0x0: {  	(pc) =	sbr.rel $0x88, $3  }
0x1: {  	(tag) =	ssettag $0x0;
	lr =	simm.s32 $0x1  }
0x2: {  	[smem:$0x3F9F] =	sst lr;
	_ =	strace $0xD0000000  }
0x3: {  	_ = 	snop  }
0x4: {  	_ = 	snop  }
0x5: {  	_ = 	snop  }
0x6: {  	_ = 	snop  }
0x7: {  	_ = 	snop  }
__scs_overlays_trampoline_lowered:
0x8: {  	[smem:$0x3FAE] =	sst s0  }
0x9: {  	[smem:$0x3FAF] =	sst s1  }
0xa: {  	[smem:$0x3FB0] =	sst s2  }
0xb: {  	[smem:$0x3FB1] =	sst s3  }
0xc: {  	[smem:$0x3FB2] =	sst s4  }
0xd: {  	[smem:$0x3FB3] =	sst s5  }
0xe: {  	[smem:$0x3FB4] =	sst s6  }
0xf: {  	[smem:$0x3FB5] =	sst s7  }
0x10: {  	[smem:$0x3FB6] =	sst s8  }
0x11: {  	[smem:$0x3FB7] =	sst s9;
	s0 =	simm.s32 @!p0 $0x0  }
0x12: {  	s1 =	sld [smem:$0x3F9D];
	s0 =	simm.s32 @p0 $0x1  }
0x13: {  	[smem:$0x3FB8] =	sst s0;
	s0 =	simm.s32 @!p1 $0x0  }
0x14: {  	s2 =	sld [smem:$0x3F9C];
	s0 =	simm.s32 @p1 $0x1  }
0x15: {  	[smem:$0x3FB9] =	sst s0;
	s0 =	simm.s32 @!p2 $0x0  }
0x16: {  	s3 =	sld [smem:$0x3FDB];
	s0 =	simm.s32 @p2 $0x1  }
0x17: {  	s4 =	simm.s32 $0x1BF5;
	[smem:$0x3FBB] =	sst s0  }
0x18: {  	s0 =	sld [smem:$0x3F9E];
	_ =	swait.ge [sflag:s4], $0x0  }
0x19: {  	s7 =	sld [smem:$0x3F9F]  }
0x1a: {  	s8 =	sadd.s32 $0xFFFFE003, lr  }
0x1b: {  	s9 =	sadd.s32 $0xFFFFFEF7, lr;
	s5 =	simm.s32 $0xFFFFFFFF;
	p2 =	slt.u32 s8, $0xFFFFF086  }
0x1c: {  	p1 =	slt.u32 s9, $0xF7A;
	s5 =	simm.s32 @!p2 $0x0  }
0x1d: {  	s5 =	simm.s32 @p1 $0x1;
	p0 =	seq.s32 s7, s2  }
0x1e: {  	s7 =	smul.u32 @!p0 $0xF7A, s2;
	p2 =	seq.s32 @!p0 s5, $0x0  }
0x1f: {  	s9 =	smul.u32 $0xF7A, s1;
	s8 =	simm.s32 @!p0 $0x1BF5;
	p2 =	por !p2, p0  }
0x20: {  	[sflag:s8] =	ssyncset.s32 @!p0 $0xFFFFF086;
	s6 =	sadd.s32 @!p0 s3, s7;
	s7 =	simm.s32 @!p0 $0x108  }
0x21: {  	s3 =	sadd.s32 s3, s9;
	s6 =	sadd.s32 @!p0 $0x88, s6;
	s7 =	simm.s32 @p2 $0x1082  }
0x22: {  	[simem:s7], [sflag:s8] =	dma.local @!p0 [hbm:s6], $0xF7A  }
0x23: {  	s9 =	sor.u32 $0xD0000000, s2;
	s6 =	simm.s32 $0x108;
	_ =	swait.ge @!p0 [sflag:s8], $0x0  }
0x24: {  	s3 =	sadd.s32 $0x88, s3;
	s6 =	simm.s32 @!p1 $0x1082;
	[sflag:s4] =	ssyncset.s32 $0xFFFFF086  }
0x25: {  	[simem:s6], [sflag:s4] =	dma.local [hbm:s3], $0xF7A  }
0x26: {  	[smem:$0x3F9F] =	sst s1;
	(tag) =	ssettag s2;
	_ =	strace s9  }
0x27: {  	s1 =	sld [smem:$0x3FAF]  }
0x28: {  	s2 =	sld [smem:$0x3FB0]  }
0x29: {  	s4 =	sld [smem:$0x3FB2]  }
0x2a: {  	p0 =	seq.s32 s5, $0x0;
	s5 =	sld [smem:$0x3FB3]  }
0x2b: {  	s6 =	sld [smem:$0x3FB4]  }
0x2c: {  	s7 =	sld [smem:$0x3FB5]  }
0x2d: {  	s3 =	simm.s32 $0x108;
	s8 =	sld [smem:$0x3FB6]  }
0x2e: {  	s3 =	simm.s32 @!p0 $0x1082;
	s9 =	sld [smem:$0x3FB7]  }
0x2f: {  	lr =	sadd.s32 s0, s3;
	s0 =	sld [smem:$0x3FAE]  }
0x30: {  	s3 =	sld [smem:$0x3FB1]  }
0x31: {  	[smem:$0x3FBA] =	sst s10  }
0x32: {  	s10 =	sld [smem:$0x3FB8];
	_ =	sdelay $0x3  }
0x33: {  	p0 =	seq.s32 s10, $0x1;
	s10 =	sld [smem:$0x3FBA];
	_ =	sdelay $0x3  }
0x34: {  	[smem:$0x3FBA] =	sst s10  }
0x35: {  	s10 =	sld [smem:$0x3FB9];
	_ =	sdelay $0x3  }
0x36: {  	p1 =	seq.s32 s10, $0x1;
	s10 =	sld [smem:$0x3FBA];
	_ =	sdelay $0x3  }
0x37: {  	[smem:$0x3FBA] =	sst s10  }
0x38: {  	s10 =	sld [smem:$0x3FBB]  }
0x39: {  	_ = 	snop;
	(pc) =	sbr.ind lr, $3  }
0x3a: {  	_ = 	snop  }
0x3b: {  	_ = 	snop  }
0x3c: {  	p2 =	seq.s32 s10, $0x1;
	s10 =	sld [smem:$0x3FBA]  }
0x3d: {  	_ =	shalt  }
0x3e: {  	_ =	shalt  }
0x3f: {  	_ =	shalt  }
0x40: {  	_ =	shalt  }
0x41: {  	_ =	shalt  }
0x42: {  	_ =	shalt  }
0x43: {  	_ =	shalt  }
0x44: {  	_ =	shalt  }
0x45: {  	_ =	shalt  }
0x46: {  	_ =	shalt  }
0x47: {  	_ =	shalt  }
0x48: {  	_ =	shalt  }
0x49: {  	_ =	shalt  }
0x4a: {  	_ =	shalt  }
0x4b: {  	_ =	shalt  }
0x4c: {  	_ =	shalt  }
0x4d: {  	_ =	shalt  }
0x4e: {  	_ =	shalt  }
0x4f: {  	_ =	shalt  }
0x50: {  	_ =	shalt  }
0x51: {  	_ =	shalt  }
0x52: {  	_ =	shalt  }
0x53: {  	_ =	shalt  }
0x54: {  	_ =	shalt  }
0x55: {  	_ =	shalt  }
0x56: {  	_ =	shalt  }
0x57: {  	_ =	shalt  }
0x58: {  	_ =	shalt  }
0x59: {  	_ =	shalt  }
0x5a: {  	_ =	shalt  }
0x5b: {  	_ =	shalt  }
0x5c: {  	_ =	shalt  }
0x5d: {  	_ =	shalt  }
0x5e: {  	_ =	shalt  }
0x5f: {  	_ =	shalt  }
0x60: {  	_ =	shalt  }
0x61: {  	_ =	shalt  }
0x62: {  	_ =	shalt  }
0x63: {  	_ =	shalt  }
0x64: {  	_ =	shalt  }
0x65: {  	_ =	shalt  }
0x66: {  	_ =	shalt  }
0x67: {  	_ =	shalt  }
0x68: {  	_ =	shalt  }
0x69: {  	_ =	shalt  }
0x6a: {  	_ =	shalt  }
0x6b: {  	_ =	shalt  }
0x6c: {  	_ =	shalt  }
0x6d: {  	_ =	shalt  }
0x6e: {  	_ =	shalt  }
0x6f: {  	_ =	shalt  }
0x70: {  	_ =	shalt  }
0x71: {  	_ =	shalt  }
0x72: {  	_ =	shalt  }
0x73: {  	_ =	shalt  }
0x74: {  	_ =	shalt  }
0x75: {  	_ =	shalt  }
0x76: {  	_ =	shalt  }
0x77: {  	_ =	shalt  }
0x78: {  	_ =	shalt  }
0x79: {  	_ =	shalt  }
0x7a: {  	_ =	shalt  }
0x7b: {  	_ =	shalt  }
0x7c: {  	_ =	shalt  }
0x7d: {  	_ =	shalt  }
0x7e: {  	_ =	shalt  }
0x7f: {  	_ =	shalt  }
0x80: {  	_ =	shalt  }
0x81: {  	_ =	shalt  }
0x82: {  	_ =	shalt  }
0x83: {  	_ =	shalt  }
0x84: {  	_ =	shalt  }
0x85: {  	_ =	shalt  }
0x86: {  	_ =	shalt  }
0x87: {  	_ =	shalt  }
.Lfunc_end0:
.L_simem_size_0:
called_computation.3_lowered:
.L_overlay_start_0:
0x88: {  	s2 =	sld [smem:$0x3FD9]  }
0x89: {  	s3 =	sld [smem:$0x3FFE];
	_ =	sdelay $0x1  }
0x8a: {  	s1 =	srdreg.scid  }
0x8b: {  	s0 =	sand.u32 $0x1, s1  }
0x8c: {  	s17 =	sshll.u32 s0, $0xA;
	s2 =	sadd.s32 s3, s2  }
0x8d: {  	s2 =	sadd.s32 s2, s17  }
0x8e: {  	[smem:$0x3FC6] =	sst s2  }
0x8f: {  	_ = 	snop  }
0x90: {  	(tm) =	ssettm $0x1  }
0x91: {  	s18 =	sld [smem:$0x3FFB];
	_ =	sdelay $0x3  }
0x92: {  	_ =	strace s18  }
0x93: {  	s2 =	sld [smem:$0x3FFC];
	_ =	sdelay $0x3  }
0x94: {  	_ =	strace s2  }
0x95: {  	s2 =	sld [smem:$0x3FFD];
	_ =	sdelay $0x3  }
0x96: {  	_ =	strace s2  }
0x97: {  	_ =	strace $0x8FFFFFFF  }
0x98: {  	s19 =	sld [smem:$0x3FDB];
	_ =	sdelay $0x1  }
0x99: {  	s20 =	simm.s32 $_scs_section_size  }
0x9a: {  	s4 =	simm.s32 $_size__tile_overlayer_lowered;
	s5 =	simm.s32 $_tile_overlayer_lowered  }
0x9b: {  	s6 =	simm.s32 $0x1BFF;
	s21 =	sshll.u32 s5, $0x1;
	s3 =	sadd.s32 s20, s19  }
0x9c: {  	s22 =	simm.s32 $0x0;
	s4 =	sshll.u32 s4, $0x1;
	s5 =	sadd.s32 s21, s3  }
0x9d: {  	[timem:s22], [sflag:s6] =	dma.local [hbm:s5], s4  }
0x9e: {  	_ =	swait.ge [sflag:s6], s4  }
0x9f: {  	s4 =	ssub.s32 $0x0, s4;
	[sflag:s6] =	ssyncset.done $0x0  }
0xa0: {  	[sflag:s6] =	ssyncadd.s32 s4;
	_ =	sdelay $0x1  }
0xa1: {  	s23 =	simm.s32 $0x1B8B  }
0xa2: {  	_ =	swait.ge [sflag:s23], $0x1  }
0xa3: {  	[sflag:s23] =	ssyncset.done $0x0  }
0xa4: {  	[sflag:s23] =	ssyncadd.s32 $0xFFFFFFFF  }
0xa5: {  	s4 =	sld [smem:$0x0]  }
0xa6: {  	s5 =	sand.u32 $0xFFFFFFFE, s1  }
0xa7: {  	p0 =	sne.s32 s1, s5  }
0xa8: {  	s5 =	sshll.u32 @p0 s5, $0xE  }
0xa9: {  	s5 =	sadd.s32 @p0 $0x11B8D, s5;
	s6 =	sshll.u32 @p0 s4, $0x11  }
0xaa: {  	s5 =	sor.u32 @p0 s6, s5  }
0xab: {  	[sflag:s5] =	ssyncadd.remote.s32 @p0 $0x1;
	_ =	sdelay $0x1  }
0xac: {  	s5 =	simm.s32 @p0 $0x1B8D  }
0xad: {  	_ =	swait.eq @p0 [sflag:s5], $0x1  }
0xae: {  	[sflag:s5] =	ssyncadd.s32 @p0 $0xFFFFFFFF  }
0xaf: {  	s6 =	sshll.u32 @!p0 s1, $0xE  }
0xb0: {  	s6 =	sor.u32 @!p0 $0x4000, s6;
	s5 =	simm.s32 @!p0 $0x1B8D  }
0xb1: {  	s4 =	sshll.u32 @!p0 s4, $0x11;
	s6 =	sadd.s32 @!p0 $0x11B8D, s6;
	_ =	swait.eq @!p0 [sflag:s5], $0x1  }
0xb2: {  	s4 =	sor.u32 @!p0 s4, s6;
	[sflag:s5] =	ssyncadd.s32 @!p0 $0xFFFFFFFF  }
0xb3: {  	s25 =	simm.s32 $0x1B8E;
	s24 =	sld [smem:$0x3FFE];
	[sflag:s4] =	ssyncadd.remote.s32 @!p0 $0x1  }
0xb4: {  	s26 =	simm.s32 $execute0_lowered;
	[smem:$0x3FD2] =	sst s25  }
0xb5: {  	s5 =	sshll.u32 s26, $0x1;
	_ =	strace $0x80000049;
	[dreg:$0x1] =	wrdreg $0xFFFFFFFF  }
0xb6: {  	s28 =	simm.s32 $_size_execute0_lowered;
	s3 =	sadd.s32 s3, s5;
	[dreg:$0x0] =	wrdreg $0x0  }
0xb7: {  	s5 =	sshll.u32 s28, $0x1;
	[dreg:$0x2] =	wrdreg s3  }
0xb8: {  	[dreg:$0x3] =	wrdreg s5  }
0xb9: {  	[dreg:$0x4] =	wrdreg $0xC0  }
0xba: {  	_ =	task [dreg:s22], $0x5FFFF  }
0xbb: {  	[dreg:$0x1] =	wrdreg $0xFFFFFFFF  }
0xbc: {  	[dreg:$0x0] =	wrdreg $0x60  }
0xbd: {  	[dreg:$0x2] =	wrdreg s24  }
0xbe: {  	[dreg:$0x3] =	wrdreg $0xC  }
0xbf: {  	_ =	task.clear_ibuf [dreg:s22], $0x4FFFF;
	_ =	strace $0x90000049  }
0xc0: {  	s29 =	simm.s32 $0xC;
	_ =	strace $0x8000004B  }
0xc1: {  	_ =	swait.ge [sflag:s29], $0x1  }
0xc2: {  	[sflag:s29] =	ssyncadd.s32 $0xFFFFFFFF  }
0xc3: {  	_ =	strace $0x9000004B  }
0xc4: {  	_ =	sfence  }
0xc5: {  	s30 =	sld [smem:$0x0];
	_ =	sdelay $0x2  }
0xc6: {  	s31 =	sshll.u32 s1, $0xD;
	s1 =	sshrl.u32 s1, $0x2  }
0xc7: {  	s4 =	sand.u32 $0x4000, s31;
	s1 =	sadd.s32 s1, s30  }
0xc8: {  	s0 =	sor.u32 s4, s0;
	s1 =	sshll.u32 s1, $0x11  }
0xc9: {  	s0 =	sor.u32 s1, s0  }
0xca: {  	s0 =	sadd.s32 $0x8F2B, s0  }
0xcb: {  	[sflag:s0] =	ssyncadd.remote.s32 $0x1  }
0xcc: {  	_ =	sfence.sel $0xFFFF  }
0xcd: {  	[dreg:$0x0] =	wrdreg $0xFFFFFFFF;
	(pc) =	sbr.abs _section_cstart, $3  }
0xce: {  	[dreg:$0x1] =	wrdreg $0xFFFFFFFF  }
0xcf: {  	_ =	task.clear_ibuf [dreg:s22], $0x2FFFF;
	_ =	strace $0x9FFFFFFF  }
0xd0: {  	(tm) =	ssettm $0x7FFFFFFF  }
0xd1: {  	_ =	shalt  }
tec
execute0_lowered:
.L_overlay_start_1:
0x0: {  	(tag) =	ssettag $0x1  }
0x1: {  	s0 =	rddreg [dreg:$0x0];
	s2 =	simm.s32 $0x0;
	s1 =	srdreg.scid  }
0x2: {  	s3 =	stileid.u32;
	s7 =	simm.s32 $0x1;
	s8 =	simm.s32 $0x2000  }
0x3: {  	s9 =	simm.s32 $0x2280;
	s1 =	sand.u32 $0x1, s1;
	s3 =	sshll.u32 s3, $0x1  }
0x4: {  	s10 =	simm.s32 $0x0;
	[smem:$0x7FF] =	sst s2;
	s3 =	sor.u32 s1, s3  }
0x5: {  	v0 =	vlaneseq.u32;
	_ =	strace $0x8000004A;
	s1 =	ssub.s32 $0x2, s1;
	s4 =	sshll.u32 s3, $0xA  }
0x6: {  	v4 =	vmul.u32 $0xFFFFFFFF, v0;
	s3 =	sshll.u32 s3, $0x6;
	s31 =	sshrl.u32 s1, $0x1;
	s4 =	sadd.s32 s4, s0  }
0x7: {  	vm0 =	vmmov $0xff;
	v1 =	vor.u32 $0x10, v0;
	s0 =	sadd.s32 s3, s0;
	s1 =	ssub.s32 s1, s31;
	s3 =	sadd.s32 $0xBC00, s4  }
0x8: {  	v2 =	vor.u32 $0x20, v0;
	v3 =	vor.u32 $0x30, v0;
	v4 =	vadd.s32 $0xF, v4;
	s4 =	sadd.s32 $0x13C00, s0;
	s5 =	sadd.s32 $0x14400, s0;
	s6 =	smax.u32 s1, $0x1  }
.LBB2_1:
0x9: {  	[tilespmem:s2], [sflag:$0x1] =	stream.linear.gather [hbm4b:s3+s2], $0x2000, $0x38;
	[tilespmem:$0x2500] =	vst v63  }
0xa: {  	_ =	swait.ge [sflag:s7], $0x2000  }
0xb: {  	[sflag:s7] =	ssyncset.done $0x0  }
0xc: {  	s26 =	simm.s32 $0x100;
	[sflag:s7] =	ssyncadd.s32 $0xFFFFE000  }
0xd: {  	v5 =	vld [tilespmem:s26+$0xFFFFFF10]  }
0xe: {  	v6 =	vld [tilespmem:s26+$0xFFFFFF00];
	_ =	sdelay $0x2  }
0xf: {  	v7 =	vld [tilespmem:s26+$0xFFFFFF20]  }
0x10: {  	(xrf1) =	vsort.dscd.msk.f32 $0xffff, v5, v1  }
0x11: {  	v5 =	vld [tilespmem:s26+$0xFFFFFF30];
	(xrf1) =	vsort.dscd.msk.f32 $0xffff, v6, v0;
	_ =	sdelay $0x2  }
0x12: {  	(xrf1) =	vsort.dscd.msk.f32 $0xffff, v7, v2;
	_ =	sdelay $0x1  }
0x13: {  	(xrf1) =	vsort.dscd.msk.f32 $0xffff, v5, v3;
	_ =	sdelay $0x7  }
0x14: {  	v5, v6, _ =	vpop (xrf1)  }
0x15: {  	v7, v8, _ =	vpop (xrf1)  }
0x16: {  	v8 =	vperm.xlane v8, v4  }
0x17: {  	v7 =	vperm.xlane v7, v4  }
0x18: {  	v9, v10, _ =	vpop (xrf1)  }
0x19: {  	v9 =	vperm.xlane v9, v4;
	vm1 =	vgt.f32 v7, v5  }
0x1a: {  	v5 =	vsel vm1, v7, v5;
	v6 =	vsel vm1, v8, v6;
	v7 =	vperm.xlane v10, v4;
	v8, v10, _ =	vpop (xrf1)  }
0x1b: {  	(xrf1) =	vsort.dscd.msk.f32 $0xffff, v5, v6;
	vm1 =	vgt.f32 v9, v8  }
0x1c: {  	v5 =	vsel vm1, v9, v8;
	v6 =	vsel vm1, v7, v10  }
0x1d: {  	(xrf1) =	vsort.dscd.msk.f32 $0xffff, v5, v6;
	_ =	sdelay $0x8  }
0x1e: {  	s28 =	simm.s32 $0x300  }
0x1f: {  	v5 =	vld [tilespmem:s28+$0xFFFFFF10]  }
0x20: {  	v6 =	vld [tilespmem:s28+$0xFFFFFF00]  }
0x21: {  	v7, v8, _ =	vpop (xrf1)  }
0x22: {  	v7 =	vperm.xlane v7, v4  }
0x23: {  	v8 =	vperm.xlane v8, v4;
	v9, v10, _ =	vpop (xrf1)  }
0x24: {  	(xrf1) =	vsort.dscd.msk.f32 $0xffff, v5, v1;
	vm1 =	vgt.f32 v7, v9  }
0x25: {  	(xrf1) =	vsort.dscd.msk.f32 $0xffff, v6, v0;
	v5 =	vsel vm1, v7, v9;
	v7 =	vsel vm1, v8, v10  }
0x26: {  	(xrf1) =	vsort.dscd.msk.f32 $0xffff, v5, v7;
	_ =	sdelay $0x6  }
0x27: {  	v5 =	vld [tilespmem:s28+$0xFFFFFF20]  }
0x28: {  	v6 =	vld [tilespmem:s28+$0xFFFFFF30];
	_ =	sdelay $0x3  }
0x29: {  	(xrf1) =	vsort.dscd.msk.f32 $0xffff, v5, v2;
	v5, v7, _ =	vpop (xrf1)  }
0x2a: {  	(xrf1) =	vsort.dscd.msk.f32 $0xffff, v6, v3;
	v6, v8, _ =	vpop (xrf1)  }
0x2b: {  	v9, v10, _ =	vpop (xrf1)  }
0x2c: {  	(xrf0) =	vmax.scan.msk.f32 $0xffff, v9;
	_ =	sdelay $0x5  }
0x2d: {  	v11, _, _ =	vpop (xrf0)  }
0x2e: {  	v11 =	vbroadcast v11, $0xF;
	_ =	sdelay $0x1  }
0x2f: {  	v6 =	vperm.xlane v6, v4;
	_ =	sdelay $0x1  }
0x30: {  	v8 =	vperm.xlane v8, v4;
	vm1 =	vgt.f32 v6, v5;
	v9 =	vsub.f32 v9, v11;
	v11, v12, _ =	vpop (xrf1)  }
0x31: {  	v5 =	vsel vm1, v6, v5;
	v6 =	vperm.xlane v11, v4  }
0x32: {  	v7 =	vsel vm1, v8, v7;
	v8 =	vmul.f32 $1.442695020e+00, v9;
	v9 =	vperm.xlane v12, v4;
	v11, v12, _ =	vpop (xrf1)  }
0x33: {  	(xrf1) =	vsort.dscd.msk.f32 $0xffff, v5, v7;
	vm1 =	vgt.f32 v6, v11  }
0x34: {  	(erf) = vpow2.f32 v8;
	v5 =	vsel vm1, v6, v11;
	v6 =	vsel vm1, v9, v12  }
0x35: {  	(xrf1) =	vsort.dscd.msk.f32 $0xffff, v5, v6;
	_ =	sdelay $0x7  }
0x36: {  	v5 =	vpop (erf)  }
0x37: {  	s25 =	simm.s32 $0x500;
	v5 =	vnsel vm0, $0x0, v5  }
0x38: {  	v6 =	vld [tilespmem:s25+$0xFFFFFF10];
	(xrf2) =	vadd.scan.msk.f32 $0xffff, v5  }
0x39: {  	v7 =	vld [tilespmem:s25+$0xFFFFFF00]  }
0x3a: {  	v8, v9, _ =	vpop (xrf1)  }
0x3b: {  	v8 =	vperm.xlane v8, v4  }
0x3c: {  	v9 =	vperm.xlane v9, v4;
	v11, v12, _ =	vpop (xrf1)  }
0x3d: {  	(xrf1) =	vsort.dscd.msk.f32 $0xffff, v6, v1;
	vm1 =	vgt.f32 v8, v11  }
0x3e: {  	(xrf1) =	vsort.dscd.msk.f32 $0xffff, v7, v0;
	v6 =	vsel vm1, v8, v11;
	v8 =	vsel vm1, v9, v12  }
0x3f: {  	(xrf1) =	vsort.dscd.msk.f32 $0xffff, v6, v8;
	_ =	sdelay $0x2  }
0x40: {  	v6, _, _ =	vpop (xrf2)  }
0x41: {  	v6 =	vbroadcast v6, $0xF;
	_ =	sdelay $0x1  }
0x42: {  	(erf) = vrcp.f32 v6;
	_ =	sdelay $0x5  }
0x43: {  	v11 =	vld [tilespmem:s25+$0xFFFFFF20];
	v6, v7, _ =	vpop (xrf1)  }
0x44: {  	v8, v9, _ =	vpop (xrf1)  }
0x45: {  	v15 =	vld [tilespmem:s25+$0xFFFFFF30];
	v12, v13, _ =	vpop (xrf1)  }
0x46: {  	v14 =	vpop (erf)  }
0x47: {  	(xrf0) =	vmax.scan.msk.f32 $0xffff, v12;
	v5 =	vmul.f32 v14, v5  }
0x48: {  	s11 =	simm.s32 $0x2010;
	(xrf1) =	vsort.dscd.msk.f32 $0xffff, v11, v2  }
0x49: {  	s12 =	simm.s32 $0x2290;
	[tilespmem:s11+$0xFFFFFFF0] =	vst.msk $0xff, v5  }
0x4a: {  	(xrf1) =	vsort.dscd.msk.f32 $0xffff, v15, v3;
	v5 =	vperm.xlane v8, v4;
	[tilespmem:s12+$0xFFFFFFF0] =	vst.msk $0xff, v10  }
0x4b: {  	v8 =	vperm.xlane v9, v4;
	v9 =	vld [tilespmem:s26+$0xFFFFFF80]  }
0x4c: {  	vm1 =	vgt.f32 v5, v6;
	v10 =	vld [tilespmem:s26+$0xFFFFFFA0]  }
0x4d: {  	v5 =	vsel vm1, v5, v6;
	v6 =	vsel vm1, v8, v7;
	v8 =	vld [tilespmem:s26+$0xFFFFFF90];
	v7, _, _ =	vpop (xrf0)  }
0x4e: {  	(xrf1) =	vsort.dscd.msk.f32 $0xffff, v5, v6;
	v5 =	vbroadcast v7, $0xF  }
0x4f: {  	v6 =	vld [tilespmem:s26+$0xFFFFFFB0]  }
0x50: {  	v5 =	vsub.f32 v12, v5;
	(xrf1) =	vsort.dscd.msk.f32 $0xffff, v9, v0  }
0x51: {  	(xrf1) =	vsort.dscd.msk.f32 $0xffff, v10, v2  }
0x52: {  	v5 =	vmul.f32 $1.442695020e+00, v5;
	(xrf1) =	vsort.dscd.msk.f32 $0xffff, v8, v1;
	_ =	sdelay $0x1  }
0x53: {  	(xrf1) =	vsort.dscd.msk.f32 $0xffff, v6, v3;
	(erf) = vpow2.f32 v5;
	_ =	sdelay $0x1  }
0x54: {  	v5, v6, _ =	vpop (xrf1)  }
0x55: {  	v5 =	vperm.xlane v5, v4  }
0x56: {  	v7, v8, _ =	vpop (xrf1)  }
0x57: {  	v6 =	vperm.xlane v6, v4;
	vm1 =	vgt.f32 v5, v7  }
0x58: {  	v5 =	vsel vm1, v5, v7  }
0x59: {  	v6 =	vsel vm1, v6, v8  }
0x5a: {  	v7, v8, _ =	vpop (xrf1)  }
0x5b: {  	(xrf1) =	vsort.dscd.msk.f32 $0xffff, v5, v6;
	v5 =	vpop (erf)  }
0x5c: {  	v6, v9, _ =	vpop (xrf1)  }
0x5d: {  	v6 =	vperm.xlane v6, v4;
	v10, v11, _ =	vpop (xrf1)  }
0x5e: {  	v9 =	vperm.xlane v9, v4;
	v12, v14, _ =	vpop (xrf1)  }
0x5f: {  	v5 =	vnsel vm0, $0x0, v5;
	v10 =	vperm.xlane v10, v4;
	vm1 =	vgt.f32 v6, v12  }
0x60: {  	(xrf2) =	vadd.scan.msk.f32 $0xffff, v5;
	v11 =	vperm.xlane v11, v4;
	v15, v16, _ =	vpop (xrf1);
	v6 =	vsel vm1, v6, v12;
	v9 =	vsel vm1, v9, v14  }
0x61: {  	vm1 =	vgt.f32 v10, v15;
	(xrf1) =	vsort.dscd.msk.f32 $0xffff, v6, v9  }
0x62: {  	v6 =	vsel vm1, v10, v15;
	v9 =	vsel vm1, v11, v16  }
0x63: {  	(xrf1) =	vsort.dscd.msk.f32 $0xffff, v6, v9  }
0x64: {  	s24 =	simm.s32 $0x700  }
0x65: {  	v6 =	vld [tilespmem:s24+$0xFFFFFF10];
	_ =	sdelay $0x1  }
0x66: {  	v9 =	vld [tilespmem:s24+$0xFFFFFF00]  }
0x67: {  	v7 =	vperm.xlane v7, v4  }
0x68: {  	v10, v11, _ =	vpop (xrf1)  }
0x69: {  	v8 =	vperm.xlane v8, v4;
	(xrf1) =	vsort.dscd.msk.f32 $0xffff, v6, v1;
	v6, _, _ =	vpop (xrf2);
	vm1 =	vgt.f32 v7, v10  }
0x6a: {  	v6 =	vbroadcast v6, $0xF;
	v7 =	vsel vm1, v7, v10  }
0x6b: {  	(xrf1) =	vsort.dscd.msk.f32 $0xffff, v9, v0;
	v8 =	vsel vm1, v8, v11  }
0x6c: {  	(xrf1) =	vsort.dscd.msk.f32 $0xffff, v7, v8;
	(erf) = vrcp.f32 v6;
	_ =	sdelay $0x1  }
0x6d: {  	v6, v7, _ =	vpop (xrf1)  }
0x6e: {  	v6 =	vperm.xlane v6, v4  }
0x6f: {  	v8, v9, _ =	vpop (xrf1);
	v7 =	vperm.xlane v7, v4  }
0x70: {  	vm1 =	vgt.f32 v6, v8  }
0x71: {  	v7 =	vsel vm1, v7, v9  }
0x72: {  	v6 =	vsel vm1, v6, v8  }
0x73: {  	(xrf1) =	vsort.dscd.msk.f32 $0xffff, v6, v7;
	v6 =	vld [tilespmem:s24+$0xFFFFFF20]  }
0x74: {  	v8 =	vld [tilespmem:s24+$0xFFFFFF30];
	v7 =	vpop (erf)  }
0x75: {  	v5 =	vmul.f32 v7, v5;
	_ =	sdelay $0x1  }
0x76: {  	v7, v9, _ =	vpop (xrf1)  }
0x77: {  	s13 =	simm.s32 $0x2030;
	v10, v11, _ =	vpop (xrf1);
	(xrf1) =	vsort.dscd.msk.f32 $0xffff, v6, v2  }
0x78: {  	[tilespmem:s13+$0xFFFFFFF0] =	vst.msk $0xff, v5;
	(xrf1) =	vsort.dscd.msk.f32 $0xffff, v8, v3;
	v5, v12, _ =	vpop (xrf1)  }
0x79: {  	s14 =	simm.s32 $0x22B0;
	v6 =	vperm.xlane v10, v4;
	(xrf0) =	vmax.scan.msk.f32 $0xffff, v5  }
0x7a: {  	[tilespmem:s14+$0xFFFFFFF0] =	vst.msk $0xff, v13;
	v8 =	vperm.xlane v11, v4  }
0x7b: {  	v10 =	vld [tilespmem:s28+$0xFFFFFF80];
	vm1 =	vgt.f32 v6, v7  }
0x7c: {  	v11 =	vld [tilespmem:s28+$0xFFFFFFA0];
	v6 =	vsel vm1, v6, v7;
	v7 =	vsel vm1, v8, v9  }
0x7d: {  	v13 =	vld [tilespmem:s28+$0xFFFFFF90];
	_ =	sdelay $0x1  }
0x7e: {  	(xrf1) =	vsort.dscd.msk.f32 $0xffff, v6, v7;
	v6 =	vld [tilespmem:s28+$0xFFFFFFB0];
	v7, _, _ =	vpop (xrf0)  }
0x7f: {  	(xrf1) =	vsort.dscd.msk.f32 $0xffff, v10, v0;
	v7 =	vbroadcast v7, $0xF  }
0x80: {  	(xrf1) =	vsort.dscd.msk.f32 $0xffff, v11, v2  }
0x81: {  	v8, v9, _ =	vpop (xrf1);
	(xrf1) =	vsort.dscd.msk.f32 $0xffff, v13, v1;
	v5 =	vsub.f32 v5, v7  }
0x82: {  	(xrf0) =	vmax.scan.msk.f32 $0xffff, v8  }
0x83: {  	(xrf1) =	vsort.dscd.msk.f32 $0xffff, v6, v3;
	v5 =	vmul.f32 $1.442695020e+00, v5  }
0x84: {  	v6, v7, _ =	vpop (xrf1)  }
0x85: {  	(erf) = vpow2.f32 v5;
	v5 =	vperm.xlane v6, v4  }
0x86: {  	v7 =	vperm.xlane v7, v4;
	v10, v11, _ =	vpop (xrf1)  }
0x87: {  	vm1 =	vgt.f32 v5, v10  }
0x88: {  	v6, _, _ =	vpop (xrf0);
	v7 =	vsel vm1, v7, v11  }
0x89: {  	v6 =	vbroadcast v6, $0xF;
	v5 =	vsel vm1, v5, v10  }
0x8a: {  	(xrf1) =	vsort.dscd.msk.f32 $0xffff, v5, v7  }
0x8b: {  	v6 =	vsub.f32 v8, v6  }
0x8c: {  	v5, v7, _ =	vpop (xrf1)  }
0x8d: {  	v6 =	vmul.f32 $1.442695020e+00, v6;
	v8, v10, _ =	vpop (xrf1)  }
0x8e: {  	v8 =	vperm.xlane v8, v4;
	v11, v13, _ =	vpop (xrf1)  }
0x8f: {  	(erf) = vpow2.f32 v6;
	v6 =	vperm.xlane v10, v4;
	v10, v14, _ =	vpop (xrf1)  }
0x90: {  	v15 =	vpop (erf);
	v11 =	vperm.xlane v11, v4;
	vm1 =	vgt.f32 v8, v10  }
0x91: {  	v16, v17, _ =	vpop (xrf1);
	v8 =	vsel vm1, v8, v10;
	v6 =	vsel vm1, v6, v14;
	v10 =	vperm.xlane v13, v4  }
0x92: {  	s21 =	simm.s32 $0x900;
	v13 =	vnsel vm0, $0x0, v15;
	vm1 =	vgt.f32 v11, v16;
	(xrf1) =	vsort.dscd.msk.f32 $0xffff, v8, v6  }
0x93: {  	(xrf2) =	vadd.scan.msk.f32 $0xffff, v13;
	v8 =	vsel vm1, v10, v17;
	v10 =	vld [tilespmem:s21+$0xFFFFFF10];
	_ =	sdelay $0x1  }
0x94: {  	v6 =	vsel vm1, v11, v16  }
0x95: {  	(xrf1) =	vsort.dscd.msk.f32 $0xffff, v6, v8  }
0x96: {  	v5 =	vperm.xlane v5, v4;
	v6 =	vld [tilespmem:s21+$0xFFFFFF00]  }
0x97: {  	(xrf1) =	vsort.dscd.msk.f32 $0xffff, v10, v1;
	v10, v11, _ =	vpop (xrf1)  }
0x98: {  	v8 =	vpop (erf);
	vm1 =	vgt.f32 v5, v10  }
0x99: {  	v7 =	vperm.xlane v7, v4;
	v8 =	vnsel vm0, $0x0, v8;
	v5 =	vsel vm1, v5, v10  }
0x9a: {  	(xrf2) =	vadd.scan.msk.f32 $0xffff, v8  }
0x9b: {  	(xrf1) =	vsort.dscd.msk.f32 $0xffff, v6, v0;
	v7 =	vsel vm1, v7, v11  }
0x9c: {  	(xrf1) =	vsort.dscd.msk.f32 $0xffff, v5, v7;
	v5, _, _ =	vpop (xrf2)  }
0x9d: {  	v5 =	vbroadcast v5, $0xF;
	_ =	sdelay $0x2  }
0x9e: {  	(erf) = vrcp.f32 v5  }
0x9f: {  	v5, v6, _ =	vpop (xrf1)  }
0xa0: {  	v5 =	vperm.xlane v5, v4  }
0xa1: {  	v7 =	vld [tilespmem:s21+$0xFFFFFF20];
	v10, v11, _ =	vpop (xrf1);
	v6 =	vperm.xlane v6, v4  }
0xa2: {  	vm1 =	vgt.f32 v5, v10  }
0xa3: {  	v14 =	vld [tilespmem:s21+$0xFFFFFF30];
	v15, _, _ =	vpop (xrf2);
	v5 =	vsel vm1, v5, v10;
	v6 =	vsel vm1, v6, v11  }
0xa4: {  	(xrf1) =	vsort.dscd.msk.f32 $0xffff, v5, v6;
	v5 =	vbroadcast v15, $0xF;
	_ =	sdelay $0x1  }
0xa5: {  	(xrf1) =	vsort.dscd.msk.f32 $0xffff, v7, v2;
	(erf) = vrcp.f32 v5  }
0xa6: {  	v7 =	vpop (erf)  }
0xa7: {  	(xrf1) =	vsort.dscd.msk.f32 $0xffff, v14, v3;
	v5, v6, _ =	vpop (xrf1)  }
0xa8: {  	v13 =	vmul.f32 v7, v13;
	v10, v11, _ =	vpop (xrf1)  }
0xa9: {  	s15 =	simm.s32 $0x2050;
	v14, v7, _ =	vpop (xrf1)  }
0xaa: {  	s16 =	simm.s32 $0x22D0;
	[tilespmem:s15+$0xFFFFFFF0] =	vst.msk $0xff, v13;
	v10 =	vperm.xlane v10, v4;
	(xrf0) =	vmax.scan.msk.f32 $0xffff, v14  }
0xab: {  	[tilespmem:s16+$0xFFFFFFF0] =	vst.msk $0xff, v12  }
0xac: {  	v11 =	vperm.xlane v11, v4;
	v12 =	vld [tilespmem:s25+$0xFFFFFF80];
	vm1 =	vgt.f32 v10, v5  }
0xad: {  	v5 =	vsel vm1, v10, v5  }
0xae: {  	v15 =	vpop (erf)  }
0xaf: {  	v13 =	vld [tilespmem:s25+$0xFFFFFFA0];
	v6 =	vsel vm1, v11, v6;
	v8 =	vmul.f32 v15, v8  }
0xb0: {  	v10 =	vld [tilespmem:s25+$0xFFFFFF90];
	(xrf1) =	vsort.dscd.msk.f32 $0xffff, v5, v6;
	v11, _, _ =	vpop (xrf0)  }
0xb1: {  	(xrf1) =	vsort.dscd.msk.f32 $0xffff, v12, v0;
	v12, v5, _ =	vpop (xrf1);
	[tilespmem:s11+$0xFFFFFFF8] =	vst.msk $0xff, v8  }
0xb2: {  	v6 =	vld [tilespmem:s25+$0xFFFFFFB0];
	(xrf0) =	vmax.scan.msk.f32 $0xffff, v12;
	[tilespmem:s12+$0xFFFFFFF8] =	vst.msk $0xff, v9;
	v9 =	vbroadcast v11, $0xF  }
0xb3: {  	v8, v15, _ =	vpop (xrf1)  }
0xb4: {  	(xrf1) =	vsort.dscd.msk.f32 $0xffff, v13, v2;
	v8 =	vperm.xlane v8, v4;
	v9 =	vsub.f32 v14, v9  }
0xb5: {  	(xrf1) =	vsort.dscd.msk.f32 $0xffff, v10, v1;
	v11 =	vld [tilespmem:s26+$0x20];
	v13 =	vperm.xlane v15, v4;
	v15, v16, _ =	vpop (xrf1)  }
0xb6: {  	v10 =	vld [tilespmem:s26+$0x0];
	vm1 =	vgt.f32 v8, v15  }
0xb7: {  	(xrf1) =	vsort.dscd.msk.f32 $0xffff, v6, v3;
	v6 =	vsel vm1, v8, v15;
	v8 =	vsel vm1, v13, v16;
	v13 =	vld [tilespmem:s26+$0x30]  }
0xb8: {  	(xrf1) =	vsort.dscd.msk.f32 $0xffff, v6, v8;
	v6 =	vld [tilespmem:s26+$0x10];
	v8 =	vmul.f32 $1.442695020e+00, v9;
	v9, _, _ =	vpop (xrf0)  }
0xb9: {  	v9 =	vbroadcast v9, $0xF  }
0xba: {  	(xrf1) =	vsort.dscd.msk.f32 $0xffff, v11, v2  }
0xbb: {  	(xrf1) =	vsort.dscd.msk.f32 $0xffff, v10, v0;
	(erf) = vpow2.f32 v8;
	v8 =	vsub.f32 v12, v9  }
0xbc: {  	(xrf1) =	vsort.dscd.msk.f32 $0xffff, v13, v3  }
0xbd: {  	(xrf1) =	vsort.dscd.msk.f32 $0xffff, v6, v1;
	v6 =	vmul.f32 $1.442695020e+00, v8;
	_ =	sdelay $0x2  }
0xbe: {  	v8, v9, _ =	vpop (xrf1)  }
0xbf: {  	(erf) = vpow2.f32 v6;
	v6, v10, _ =	vpop (xrf1)  }
0xc0: {  	v6 =	vperm.xlane v6, v4;
	v11, v12, _ =	vpop (xrf1)  }
0xc1: {  	v10 =	vperm.xlane v10, v4;
	v13, v14, _ =	vpop (xrf1)  }
0xc2: {  	v15 =	vpop (erf);
	v11 =	vperm.xlane v11, v4;
	vm1 =	vgt.f32 v6, v13  }
0xc3: {  	v12 =	vperm.xlane v12, v4;
	v17, v18, _ =	vpop (xrf1);
	v6 =	vsel vm1, v6, v13;
	v10 =	vsel vm1, v10, v14  }
0xc4: {  	s22 =	simm.s32 $0xB00;
	v14 =	vnsel vm0, $0x0, v15;
	vm1 =	vgt.f32 v11, v17;
	(xrf1) =	vsort.dscd.msk.f32 $0xffff, v6, v10  }
0xc5: {  	v16 =	vld [tilespmem:s22+$0xFFFFFF10];
	(xrf2) =	vadd.scan.msk.f32 $0xffff, v14;
	v10 =	vsel vm1, v12, v18  }
0xc6: {  	v13 =	vld [tilespmem:s22+$0xFFFFFF00];
	v6 =	vperm.xlane v9, v4;
	v9 =	vsel vm1, v11, v17  }
0xc7: {  	v8 =	vperm.xlane v8, v4;
	v15, v19, _ =	vpop (xrf1)  }
0xc8: {  	(xrf1) =	vsort.dscd.msk.f32 $0xffff, v9, v10;
	v11, v12, _ =	vpop (xrf1)  }
0xc9: {  	vm1 =	vgt.f32 v8, v15;
	v11 =	vperm.xlane v11, v4;
	v9, v10, _ =	vpop (xrf1)  }
0xca: {  	v8 =	vsel vm1, v8, v15;
	(xrf1) =	vsort.dscd.msk.f32 $0xffff, v16, v1;
	v6 =	vsel vm1, v6, v19;
	v16, v17, _ =	vpop (xrf1)  }
0xcb: {  	v15 =	vpop (erf);
	v12 =	vperm.xlane v12, v4;
	(xrf1) =	vsort.dscd.msk.f32 $0xffff, v13, v0;
	vm1 =	vgt.f32 v11, v16  }
0xcc: {  	v13 =	vnsel vm0, $0x0, v15;
	v9 =	vperm.xlane v9, v4;
	(xrf1) =	vsort.dscd.msk.f32 $0xffff, v8, v6;
	v6 =	vsel vm1, v11, v16  }
0xcd: {  	v10 =	vperm.xlane v10, v4;
	(xrf2) =	vadd.scan.msk.f32 $0xffff, v13;
	v15, v18, _ =	vpop (xrf1)  }
0xce: {  	vm2 =	vgt.f32 v9, v15;
	v8 =	vsel vm1, v12, v17  }
0xcf: {  	v9 =	vsel vm2, v9, v15;
	v10 =	vsel vm2, v10, v18;
	(xrf1) =	vsort.dscd.msk.f32 $0xffff, v6, v8;
	v6, _, _ =	vpop (xrf2)  }
0xd0: {  	(xrf1) =	vsort.dscd.msk.f32 $0xffff, v9, v10;
	v6 =	vbroadcast v6, $0xF;
	_ =	sdelay $0x3  }
0xd1: {  	(erf) = vrcp.f32 v6;
	v6, v8, _ =	vpop (xrf1)  }
0xd2: {  	v6 =	vperm.xlane v6, v4  }
0xd3: {  	v10, v11, _ =	vpop (xrf1);
	v8 =	vperm.xlane v8, v4  }
0xd4: {  	v12, _, _ =	vpop (xrf2);
	vm1 =	vgt.f32 v6, v10  }
0xd5: {  	v9 =	vld [tilespmem:s22+$0xFFFFFF20];
	v16, v17, _ =	vpop (xrf1);
	v6 =	vsel vm1, v6, v10;
	v8 =	vsel vm1, v8, v11  }
0xd6: {  	v15 =	vld [tilespmem:s22+$0xFFFFFF30];
	v10, v11, _ =	vpop (xrf1);
	(xrf1) =	vsort.dscd.msk.f32 $0xffff, v6, v8;
	v8 =	vbroadcast v12, $0xF;
	_ =	sdelay $0x2  }
0xd7: {  	v12, v6, _ =	vpop (xrf1)  }
0xd8: {  	(erf) = vrcp.f32 v8;
	(xrf1) =	vsort.dscd.msk.f32 $0xffff, v9, v2;
	v8, v9, _ =	vpop (xrf1)  }
0xd9: {  	(xrf1) =	vsort.dscd.msk.f32 $0xffff, v15, v3;
	v15, v18, _ =	vpop (xrf1)  }
0xda: {  	v19 =	vpop (erf);
	(xrf0) =	vmax.scan.msk.f32 $0xffff, v12;
	v15 =	vperm.xlane v15, v4  }
0xdb: {  	v14 =	vmul.f32 v19, v14;
	v18 =	vperm.xlane v18, v4  }
0xdc: {  	s18 =	simm.s32 $0x2070;
	vm1 =	vgt.f32 v15, v8  }
0xdd: {  	s17 =	simm.s32 $0x22F0;
	v10 =	vperm.xlane v10, v4;
	[tilespmem:s18+$0xFFFFFFF0] =	vst.msk $0xff, v14;
	v9 =	vsel vm1, v18, v9  }
0xde: {  	[tilespmem:s17+$0xFFFFFFF0] =	vst.msk $0xff, v7;
	v7 =	vperm.xlane v11, v4  }
0xdf: {  	v8 =	vsel vm1, v15, v8;
	vm1 =	vgt.f32 v10, v16  }
0xe0: {  	(xrf1) =	vsort.dscd.msk.f32 $0xffff, v8, v9;
	v8 =	vld [tilespmem:s24+$0xFFFFFF80];
	v10 =	vsel vm1, v10, v16;
	v7 =	vsel vm1, v7, v17;
	v9, _, _ =	vpop (xrf0)  }
0xe1: {  	v11 =	vld [tilespmem:s24+$0xFFFFFFA0];
	v14 =	vpop (erf);
	(xrf1) =	vsort.dscd.msk.f32 $0xffff, v10, v7;
	v7 =	vbroadcast v9, $0xF  }
0xe2: {  	v10 =	vmul.f32 v14, v13;
	v9 =	vld [tilespmem:s24+$0xFFFFFF90];
	_ =	sdelay $0x2  }
0xe3: {  	v13 =	vld [tilespmem:s24+$0xFFFFFFB0];
	v12 =	vsub.f32 v12, v7;
	(xrf1) =	vsort.dscd.msk.f32 $0xffff, v8, v0  }
0xe4: {  	(xrf1) =	vsort.dscd.msk.f32 $0xffff, v11, v2;
	v14, v7, _ =	vpop (xrf1)  }
0xe5: {  	[tilespmem:s13+$0xFFFFFFF8] =	vst.msk $0xff, v10;
	(xrf1) =	vsort.dscd.msk.f32 $0xffff, v9, v1;
	v8, v10, _ =	vpop (xrf1)  }
0xe6: {  	[tilespmem:s14+$0xFFFFFFF8] =	vst.msk $0xff, v5;
	(xrf0) =	vmax.scan.msk.f32 $0xffff, v14;
	v5 =	vperm.xlane v8, v4  }
0xe7: {  	v11 =	vld [tilespmem:s28+$0x20];
	v8 =	vmul.f32 $1.442695020e+00, v12;
	v10 =	vperm.xlane v10, v4;
	v12, v15, _ =	vpop (xrf1)  }
0xe8: {  	v9 =	vld [tilespmem:s28+$0x0];
	(xrf1) =	vsort.dscd.msk.f32 $0xffff, v13, v3;
	vm1 =	vgt.f32 v5, v12  }
0xe9: {  	(erf) = vpow2.f32 v8;
	v8 =	vsel vm1, v10, v15;
	v10 =	vld [tilespmem:s28+$0x30]  }
0xea: {  	v5 =	vsel vm1, v5, v12  }
0xeb: {  	(xrf1) =	vsort.dscd.msk.f32 $0xffff, v5, v8;
	v5 =	vld [tilespmem:s28+$0x10]  }
0xec: {  	(xrf1) =	vsort.dscd.msk.f32 $0xffff, v11, v2;
	v8, _, _ =	vpop (xrf0)  }
0xed: {  	(xrf1) =	vsort.dscd.msk.f32 $0xffff, v9, v0;
	v11 =	vbroadcast v8, $0xF  }
0xee: {  	v9, v8, _ =	vpop (xrf1);
	(xrf1) =	vsort.dscd.msk.f32 $0xffff, v10, v3  }
0xef: {  	(xrf0) =	vmax.scan.msk.f32 $0xffff, v9;
	v11 =	vsub.f32 v14, v11  }
0xf0: {  	(xrf1) =	vsort.dscd.msk.f32 $0xffff, v5, v1;
	v5, v10, _ =	vpop (xrf1)  }
0xf1: {  	v13, v14, _ =	vpop (xrf1);
	v11 =	vmul.f32 $1.442695020e+00, v11  }
0xf2: {  	v12 =	vpop (erf)  }
0xf3: {  	v15, v16, _ =	vpop (xrf1)  }
0xf4: {  	v13 =	vperm.xlane v13, v4;
	v14 =	vperm.xlane v14, v4;
	v17, v18, _ =	vpop (xrf1)  }
0xf5: {  	v12 =	vnsel vm0, $0x0, v12;
	v15 =	vperm.xlane v15, v4;
	(erf) = vpow2.f32 v11;
	v11, _, _ =	vpop (xrf0)  }
0xf6: {  	v16 =	vperm.xlane v16, v4;
	vm1 =	vgt.f32 v13, v17;
	v19, v20, _ =	vpop (xrf1);
	v11 =	vbroadcast v11, $0xF  }
0xf7: {  	s23 =	simm.s32 $0xD00;
	(xrf2) =	vadd.scan.msk.f32 $0xffff, v12;
	v13 =	vsel vm1, v13, v17;
	v14 =	vsel vm1, v14, v18;
	vm1 =	vgt.f32 v15, v19  }
0xf8: {  	(xrf1) =	vsort.dscd.msk.f32 $0xffff, v13, v14;
	v14 =	vsel vm1, v16, v20;
	v9 =	vsub.f32 v9, v11;
	v11 =	vld [tilespmem:s23+$0xFFFFFF10]  }
0xf9: {  	v17 =	vld [tilespmem:s23+$0xFFFFFF00];
	v13 =	vsel vm1, v15, v19  }
0xfa: {  	v5 =	vperm.xlane v5, v4;
	v18, v21, _ =	vpop (xrf1)  }
0xfb: {  	(xrf1) =	vsort.dscd.msk.f32 $0xffff, v13, v14;
	v15, v16, _ =	vpop (xrf1);
	v9 =	vmul.f32 $1.442695020e+00, v9  }
0xfc: {  	v10 =	vperm.xlane v10, v4;
	vm1 =	vgt.f32 v5, v18;
	v13, v14, _ =	vpop (xrf1);
	v15 =	vperm.xlane v15, v4  }
0xfd: {  	v5 =	vsel vm1, v5, v18;
	(erf) = vpow2.f32 v9;
	(xrf1) =	vsort.dscd.msk.f32 $0xffff, v11, v1;
	v11 =	vperm.xlane v13, v4;
	v13, v18, _ =	vpop (xrf1)  }
0xfe: {  	v10 =	vsel vm1, v10, v21;
	(xrf1) =	vsort.dscd.msk.f32 $0xffff, v17, v0;
	vm1 =	vgt.f32 v15, v13  }
0xff: {  	v16 =	vperm.xlane v16, v4;
	v9 =	vpop (erf);
	(xrf1) =	vsort.dscd.msk.f32 $0xffff, v5, v10;
	v5 =	vsel vm1, v15, v13  }
0x100: {  	v14 =	vperm.xlane v14, v4;
	v17, v19, _ =	vpop (xrf1);
	v9 =	vnsel vm0, $0x0, v9  }
0x101: {  	vm2 =	vgt.f32 v11, v17;
	v10 =	vsel vm1, v16, v18;
	(xrf2) =	vadd.scan.msk.f32 $0xffff, v9  }
0x102: {  	v11 =	vsel vm2, v11, v17;
	v13 =	vsel vm2, v14, v19;
	(xrf1) =	vsort.dscd.msk.f32 $0xffff, v5, v10;
	v5, _, _ =	vpop (xrf2)  }
0x103: {  	(xrf1) =	vsort.dscd.msk.f32 $0xffff, v11, v13;
	v5 =	vbroadcast v5, $0xF;
	_ =	sdelay $0x2  }
0x104: {  	v10 =	vpop (erf);
	(erf) = vrcp.f32 v5  }
0x105: {  	v5, v11, _ =	vpop (xrf1)  }
0x106: {  	v10 =	vnsel vm0, $0x0, v10;
	v5 =	vperm.xlane v5, v4  }
0x107: {  	(xrf2) =	vadd.scan.msk.f32 $0xffff, v10;
	v14, v15, _ =	vpop (xrf1);
	v11 =	vperm.xlane v11, v4  }
0x108: {  	v13 =	vld [tilespmem:s23+$0xFFFFFF20];
	vm1 =	vgt.f32 v5, v14  }
0x109: {  	v16, _, _ =	vpop (xrf2);
	v14 =	vsel vm1, v5, v14;
	v11 =	vsel vm1, v11, v15  }
0x10a: {  	v17 =	vld [tilespmem:s23+$0xFFFFFF30];
	v18, v19, _ =	vpop (xrf1);
	(xrf1) =	vsort.dscd.msk.f32 $0xffff, v14, v11;
	v11 =	vbroadcast v16, $0xF  }
0x10b: {  	v20, v21, _ =	vpop (xrf1)  }
0x10c: {  	v15, v5, _ =	vpop (xrf1)  }
0x10d: {  	(xrf1) =	vsort.dscd.msk.f32 $0xffff, v13, v2;
	v13 =	vpop (erf)  }
0x10e: {  	(erf) = vrcp.f32 v11;
	v11, v14, _ =	vpop (xrf1)  }
0x10f: {  	(xrf1) =	vsort.dscd.msk.f32 $0xffff, v17, v3;
	v16, v17, _ =	vpop (xrf1)  }
0x110: {  	(xrf0) =	vmax.scan.msk.f32 $0xffff, v15;
	v12 =	vmul.f32 v13, v12;
	v13 =	vperm.xlane v16, v4  }
0x111: {  	v16, _, _ =	vpop (xrf2);
	v17 =	vperm.xlane v17, v4  }
0x112: {  	s19 =	simm.s32 $0x2090;
	v16 =	vbroadcast v16, $0xF;
	vm1 =	vgt.f32 v13, v11  }
0x113: {  	s20 =	simm.s32 $0x2310;
	[tilespmem:s19+$0xFFFFFFF0] =	vst.msk $0xff, v12;
	v11 =	vsel vm1, v13, v11;
	v12 =	vsel vm1, v17, v14;
	v13 =	vperm.xlane v20, v4  }
0x114: {  	[tilespmem:s20+$0xFFFFFFF0] =	vst.msk $0xff, v6;
	v6 =	vperm.xlane v21, v4  }
0x115: {  	(erf) = vrcp.f32 v16;
	vm1 =	vgt.f32 v13, v18  }
0x116: {  	(xrf1) =	vsort.dscd.msk.f32 $0xffff, v11, v12;
	v11 =	vld [tilespmem:s21+$0xFFFFFF80];
	v12, _, _ =	vpop (xrf0);
	v13 =	vsel vm1, v13, v18;
	v6 =	vsel vm1, v6, v19  }
0x117: {  	v14 =	vld [tilespmem:s21+$0xFFFFFFA0];
	(xrf1) =	vsort.dscd.msk.f32 $0xffff, v13, v6;
	v6 =	vbroadcast v12, $0xF  }
0x118: {  	v16 =	vpop (erf)  }
0x119: {  	v9 =	vmul.f32 v16, v9  }
0x11a: {  	v12 =	vld [tilespmem:s21+$0xFFFFFF90];
	v15 =	vsub.f32 v15, v6  }
0x11b: {  	(xrf1) =	vsort.dscd.msk.f32 $0xffff, v11, v0  }
0x11c: {  	v13 =	vld [tilespmem:s21+$0xFFFFFFB0];
	(xrf1) =	vsort.dscd.msk.f32 $0xffff, v14, v2;
	v11, v6, _ =	vpop (xrf1)  }
0x11d: {  	[tilespmem:s15+$0xFFFFFFF8] =	vst.msk $0xff, v9;
	v9, v16, _ =	vpop (xrf1);
	(xrf0) =	vmax.scan.msk.f32 $0xffff, v11  }
0x11e: {  	[tilespmem:s16+$0xFFFFFFF8] =	vst.msk $0xff, v7;
	v7 =	vperm.xlane v9, v4;
	v9 =	vmul.f32 $1.442695020e+00, v15;
	v15 =	vpop (erf)  }
0x11f: {  	v14 =	vld [tilespmem:s25+$0x20];
	(xrf1) =	vsort.dscd.msk.f32 $0xffff, v12, v1;
	v16 =	vperm.xlane v16, v4;
	v17, v18, _ =	vpop (xrf1)  }
0x120: {  	v12 =	vld [tilespmem:s25+$0x0];
	v10 =	vmul.f32 v15, v10;
	vm1 =	vgt.f32 v7, v17  }
0x121: {  	(xrf1) =	vsort.dscd.msk.f32 $0xffff, v13, v3;
	(erf) = vpow2.f32 v9;
	v9 =	vsel vm1, v16, v18  }
0x122: {  	v13 =	vld [tilespmem:s25+$0x30];
	v7 =	vsel vm1, v7, v17;
	[tilespmem:s11+$0x0] =	vst.msk $0xff, v10  }
0x123: {  	(xrf1) =	vsort.dscd.msk.f32 $0xffff, v7, v9;
	v7 =	vld [tilespmem:s25+$0x10];
	[tilespmem:s12+$0x0] =	vst.msk $0xff, v8;
	v8, _, _ =	vpop (xrf0)  }
0x124: {  	(xrf1) =	vsort.dscd.msk.f32 $0xffff, v14, v2;
	v8 =	vbroadcast v8, $0xF  }
0x125: {  	v10 =	vld [tilespmem:s26+$0x80];
	(xrf1) =	vsort.dscd.msk.f32 $0xffff, v12, v0;
	v12, v9, _ =	vpop (xrf1)  }
0x126: {  	v14 =	vld [tilespmem:s26+$0x90];
	(xrf0) =	vmax.scan.msk.f32 $0xffff, v12;
	v8 =	vsub.f32 v11, v8  }
0x127: {  	(xrf1) =	vsort.dscd.msk.f32 $0xffff, v13, v3  }
0x128: {  	v11 =	vld [tilespmem:s26+$0xA0];
	(xrf1) =	vsort.dscd.msk.f32 $0xffff, v7, v1;
	v7 =	vmul.f32 $1.442695020e+00, v8  }
0x129: {  	v13, v15, _ =	vpop (xrf1)  }
0x12a: {  	v16, v17, _ =	vpop (xrf1);
	(xrf1) =	vsort.dscd.msk.f32 $0xffff, v10, v0;
	v10 =	vld [tilespmem:s26+$0xB0]  }
0x12b: {  	(xrf1) =	vsort.dscd.msk.f32 $0xffff, v14, v1;
	v14 =	vperm.xlane v16, v4;
	v16, v18, _ =	vpop (xrf1)  }
0x12c: {  	(erf) = vpow2.f32 v7;
	v7, _, _ =	vpop (xrf0)  }
0x12d: {  	(xrf1) =	vsort.dscd.msk.f32 $0xffff, v11, v2;
	v11 =	vperm.xlane v17, v4;
	v17, v19, _ =	vpop (xrf1);
	v7 =	vbroadcast v7, $0xF  }
0x12e: {  	v8 =	vpop (erf);
	v16 =	vperm.xlane v16, v4;
	vm1 =	vgt.f32 v14, v17  }
0x12f: {  	v8 =	vnsel vm0, $0x0, v8;
	(xrf1) =	vsort.dscd.msk.f32 $0xffff, v10, v3;
	v10 =	vperm.xlane v13, v4;
	v7 =	vsub.f32 v12, v7;
	v12, v13, _ =	vpop (xrf1)  }
0x130: {  	s26 =	simm.s32 $0xF00;
	v14 =	vsel vm1, v14, v17;
	v11 =	vsel vm1, v11, v19;
	vm1 =	vgt.f32 v16, v12  }
0x131: {  	v20 =	vld [tilespmem:s26+$0xFFFFFF10];
	v17 =	vperm.xlane v18, v4;
	v7 =	vmul.f32 $1.442695020e+00, v7;
	v12 =	vsel vm1, v16, v12  }
0x132: {  	(xrf2) =	vadd.scan.msk.f32 $0xffff, v8;
	v18 =	vld [tilespmem:s26+$0xFFFFFF00]  }
0x133: {  	(xrf1) =	vsort.dscd.msk.f32 $0xffff, v14, v11;
	v19, v21, _ =	vpop (xrf1)  }
0x134: {  	v11 =	vperm.xlane v15, v4;
	v13 =	vsel vm1, v17, v13;
	v14, v15, _ =	vpop (xrf1);
	vm1 =	vgt.f32 v10, v19  }
0x135: {  	(xrf1) =	vsort.dscd.msk.f32 $0xffff, v12, v13;
	v10 =	vsel vm1, v10, v19;
	(erf) = vpow2.f32 v7;
	v7, v12, _ =	vpop (xrf1)  }
0x136: {  	v14 =	vperm.xlane v14, v4;
	(xrf1) =	vsort.dscd.msk.f32 $0xffff, v20, v1;
	v7 =	vperm.xlane v7, v4;
	v16, v17, _ =	vpop (xrf1)  }
0x137: {  	v11 =	vsel vm1, v11, v21;
	(xrf1) =	vsort.dscd.msk.f32 $0xffff, v18, v0;
	v12 =	vperm.xlane v12, v4;
	v18, v19, _ =	vpop (xrf1)  }
0x138: {  	v15 =	vperm.xlane v15, v4;
	vm2 =	vgt.f32 v7, v18  }
0x139: {  	vm1 =	vgt.f32 v14, v16;
	v12 =	vsel vm2, v12, v19  }
0x13a: {  	v13 =	vpop (erf);
	v15 =	vsel vm1, v15, v17;
	v7 =	vsel vm2, v7, v18  }
0x13b: {  	(xrf1) =	vsort.dscd.msk.f32 $0xffff, v10, v11;
	v10, v11, _ =	vpop (xrf1);
	v14 =	vsel vm1, v14, v16  }
0x13c: {  	v16, _, _ =	vpop (xrf2);
	(xrf1) =	vsort.dscd.msk.f32 $0xffff, v14, v15  }
0x13d: {  	v13 =	vnsel vm0, $0x0, v13;
	(xrf1) =	vsort.dscd.msk.f32 $0xffff, v7, v12;
	v7, v12, _ =	vpop (xrf1)  }
0x13e: {  	(xrf2) =	vadd.scan.msk.f32 $0xffff, v13;
	v16 =	vbroadcast v16, $0xF;
	v14, v15, _ =	vpop (xrf1)  }
0x13f: {  	v10 =	vperm.xlane v10, v4;
	v14 =	vperm.xlane v14, v4  }
0x140: {  	v11 =	vperm.xlane v11, v4;
	(erf) = vrcp.f32 v16  }
0x141: {  	v17 =	vpop (erf);
	vm1 =	vgt.f32 v10, v7  }
0x142: {  	v7 =	vsel vm1, v10, v7;
	v10 =	vsel vm1, v11, v12;
	v11 =	vperm.xlane v15, v4;
	v12, v15, _ =	vpop (xrf1)  }
0x143: {  	(xrf1) =	vsort.dscd.msk.f32 $0xffff, v7, v10;
	v10 =	vnsel vm0, $0x0, v17;
	vm1 =	vgt.f32 v14, v12  }
0x144: {  	(xrf2) =	vadd.scan.msk.f32 $0xffff, v10;
	v7 =	vsel vm1, v14, v12;
	v11 =	vsel vm1, v11, v15;
	v12, v14, _ =	vpop (xrf1)  }
0x145: {  	(xrf1) =	vsort.dscd.msk.f32 $0xffff, v7, v11;
	v7 =	vperm.xlane v12, v4  }
0x146: {  	v12, v15, _ =	vpop (xrf1)  }
0x147: {  	v14 =	vperm.xlane v14, v4;
	vm1 =	vgt.f32 v7, v12  }
0x148: {  	v16, _, _ =	vpop (xrf2);
	v11 =	vld [tilespmem:s26+$0xFFFFFF20];
	v7 =	vsel vm1, v7, v12  }
0x149: {  	v22 =	vpop (erf);
	v12 =	vsel vm1, v14, v15  }
0x14a: {  	v17 =	vld [tilespmem:s26+$0xFFFFFF30];
	v16 =	vbroadcast v16, $0xF;
	v18, v19, _ =	vpop (xrf1)  }
0x14b: {  	v14, v15, _ =	vpop (xrf1)  }
0x14c: {  	(xrf1) =	vsort.dscd.msk.f32 $0xffff, v7, v12;
	v12, v7, _ =	vpop (xrf1)  }
0x14d: {  	(xrf1) =	vsort.dscd.msk.f32 $0xffff, v11, v2;
	v11, v20, _ =	vpop (xrf1)  }
0x14e: {  	(erf) = vrcp.f32 v16;
	v16, v21, _ =	vpop (xrf1)  }
0x14f: {  	v8 =	vmul.f32 v22, v8;
	(xrf1) =	vsort.dscd.msk.f32 $0xffff, v17, v3;
	v17, _, _ =	vpop (xrf2)  }
0x150: {  	v16 =	vperm.xlane v16, v4;
	v17 =	vbroadcast v17, $0xF  }
0x151: {  	v14 =	vperm.xlane v14, v4;
	v21 =	vperm.xlane v21, v4  }
0x152: {  	s0 =	simm.s32 $0x20B0;
	v15 =	vperm.xlane v15, v4;
	(xrf0) =	vmax.scan.msk.f32 $0xffff, v12;
	vm1 =	vgt.f32 v16, v11  }
0x153: {  	s31 =	simm.s32 $0x2330;
	[tilespmem:s0+$0xFFFFFFF0] =	vst.msk $0xff, v8;
	v22, v23, _ =	vpop (xrf1);
	v8 =	vsel vm1, v16, v11;
	v11 =	vsel vm1, v21, v20;
	vm1 =	vgt.f32 v14, v18  }
0x154: {  	[tilespmem:s31+$0xFFFFFFF0] =	vst.msk $0xff, v5;
	v5 =	vperm.xlane v22, v4;
	(erf) = vrcp.f32 v17;
	v15 =	vsel vm1, v15, v19  }
0x155: {  	(xrf1) =	vsort.dscd.msk.f32 $0xffff, v8, v11;
	v11 =	vperm.xlane v23, v4;
	v16, v17, _ =	vpop (xrf1)  }
0x156: {  	v8 =	vld [tilespmem:s22+$0xFFFFFF80];
	v14 =	vsel vm1, v14, v18;
	vm1 =	vgt.f32 v5, v16  }
0x157: {  	(xrf1) =	vsort.dscd.msk.f32 $0xffff, v14, v15;
	v5 =	vsel vm1, v5, v16;
	v11 =	vsel vm1, v11, v17;
	v15 =	vpop (erf)  }
0x158: {  	v18, _, _ =	vpop (xrf0);
	v14 =	vld [tilespmem:s22+$0xFFFFFFA0];
	(xrf1) =	vsort.dscd.msk.f32 $0xffff, v5, v11;
	v5 =	vmul.f32 v15, v13  }
0x159: {  	v16 =	vbroadcast v18, $0xF;
	v17 =	vld [tilespmem:s22+$0xFFFFFF90];
	_ =	sdelay $0x1  }
0x15a: {  	v11 =	vld [tilespmem:s22+$0xFFFFFFB0];
	v12 =	vsub.f32 v12, v16;
	(xrf1) =	vsort.dscd.msk.f32 $0xffff, v8, v0;
	v13, v8, _ =	vpop (xrf1)  }
0x15b: {  	[tilespmem:s18+$0xFFFFFFF8] =	vst.msk $0xff, v5;
	(xrf0) =	vmax.scan.msk.f32 $0xffff, v13;
	v5, v15, _ =	vpop (xrf1)  }
0x15c: {  	(xrf1) =	vsort.dscd.msk.f32 $0xffff, v14, v2;
	[tilespmem:s17+$0xFFFFFFF8] =	vst.msk $0xff, v6;
	v6 =	vmul.f32 $1.442695020e+00, v12;
	v14 =	vpop (erf);
	v5 =	vperm.xlane v5, v4  }
0x15d: {  	v12 =	vld [tilespmem:s24+$0x20];
	(xrf1) =	vsort.dscd.msk.f32 $0xffff, v17, v1;
	v15 =	vperm.xlane v15, v4;
	v16, v17, _ =	vpop (xrf1)  }
0x15e: {  	v10 =	vmul.f32 v14, v10;
	(erf) = vpow2.f32 v6;
	v6 =	vld [tilespmem:s24+$0x0];
	vm1 =	vgt.f32 v5, v16  }
0x15f: {  	(xrf1) =	vsort.dscd.msk.f32 $0xffff, v11, v3;
	v11 =	vsel vm1, v15, v17  }
0x160: {  	v14 =	vld [tilespmem:s24+$0x30];
	[tilespmem:s13+$0x0] =	vst.msk $0xff, v10;
	v5 =	vsel vm1, v5, v16  }
0x161: {  	[tilespmem:s14+$0x0] =	vst.msk $0xff, v9;
	(xrf1) =	vsort.dscd.msk.f32 $0xffff, v5, v11;
	v5 =	vld [tilespmem:s24+$0x10]  }
0x162: {  	v10 =	vld [tilespmem:s28+$0x80];
	(xrf1) =	vsort.dscd.msk.f32 $0xffff, v12, v2;
	v11, _, _ =	vpop (xrf0)  }
0x163: {  	v19, v9, _ =	vpop (xrf1);
	(xrf1) =	vsort.dscd.msk.f32 $0xffff, v6, v0;
	v12 =	vbroadcast v11, $0xF  }
0x164: {  	(xrf0) =	vmax.scan.msk.f32 $0xffff, v19  }
0x165: {  	v15 =	vld [tilespmem:s28+$0x90];
	(xrf1) =	vsort.dscd.msk.f32 $0xffff, v14, v3;
	v12 =	vsub.f32 v13, v12  }
0x166: {  	v16 =	vld [tilespmem:s28+$0xA0];
	v14, v11, _ =	vpop (xrf1);
	(xrf1) =	vsort.dscd.msk.f32 $0xffff, v5, v1  }
0x167: {  	v6, v5, _ =	vpop (xrf1);
	(xrf1) =	vsort.dscd.msk.f32 $0xffff, v10, v0;
	v23 =	vmul.f32 $1.442695020e+00, v12  }
0x168: {  	v22 =	vld [tilespmem:s28+$0xB0];
	v10 =	vpop (erf);
	(xrf0) =	vmax.scan.msk.f32 $0xffff, v6  }
0x169: {  	v13, v17, _ =	vpop (xrf1);
	(erf) = vpow2.f32 v23  }
0x16a: {  	v12 =	vperm.xlane v14, v4;
	(xrf1) =	vsort.dscd.msk.f32 $0xffff, v15, v1;
	v18, _, _ =	vpop (xrf0)  }
0x16b: {  	v10 =	vnsel vm0, $0x0, v10;
	v15 =	vperm.xlane v13, v4;
	v13, v14, _ =	vpop (xrf1);
	(xrf1) =	vsort.dscd.msk.f32 $0xffff, v16, v2;
	v24 =	vbroadcast v18, $0xF  }
0x16c: {  	s30 =	simm.s32 $0x1C;
	(xrf2) =	vadd.scan.msk.f32 $0xffff, v10;
	v13 =	vperm.xlane v13, v4;
	v18 =	vperm.xlane v17, v4;
	v21, v20, _ =	vpop (xrf1)  }
0x16d: {  	s1 =	simm.s32 $0x1100;
	s29 =	simm.s32 $0x20B0;
	s28 =	simm.s32 $0x2330;
	(xrf1) =	vsort.dscd.msk.f32 $0xffff, v22, v3;
	vm1 =	vgt.f32 v15, v21;
	v17, v16, _ =	vpop (xrf1);
	v19 =	vsub.f32 v19, v24  }
.LBB2_2:
0x16e: {  	v22 =	vld [tilespmem:s1+$0xFFFFFF10];
	v15 =	vsel vm1, v15, v21;
	v18 =	vsel vm1, v18, v20;
	v26 =	vperm.xlane v14, v4;
	v20, _, _ =	vpop (xrf0)  }
0x16f: {  	vm1 =	vgt.f32 v13, v17;
	v21 =	vld [tilespmem:s1+$0xFFFFFF00];
	v23, v24, _ =	vpop (xrf1);
	(xrf1) =	vsort.dscd.msk.f32 $0xffff, v15, v18;
	v25 =	vmul.f32 $1.442695020e+00, v19;
	v18 =	vbroadcast v20, $0xF  }
0x170: {  	v11 =	vperm.xlane v11, v4;
	v27 =	vsel vm1, v13, v17;
	v20 =	vsel vm1, v26, v16;
	v16, v17, _ =	vpop (xrf1)  }
0x171: {  	vm1 =	vgt.f32 v12, v23;
	(xrf1) =	vsort.dscd.msk.f32 $0xffff, v27, v20;
	v13, v14, _ =	vpop (xrf1);
	(erf) = vpow2.f32 v25;
	v6 =	vsub.f32 v6, v18  }
0x172: {  	v25 =	vsel vm1, v12, v23;
	v16 =	vperm.xlane v16, v4;
	v17 =	vperm.xlane v17, v4;
	v15 =	vpop (erf)  }
0x173: {  	v13 =	vperm.xlane v13, v4;
	(xrf1) =	vsort.dscd.msk.f32 $0xffff, v22, v1;
	v22 =	vsel vm1, v11, v24;
	v18, v19, _ =	vpop (xrf1);
	v23 =	vmul.f32 $1.442695020e+00, v6  }
0x174: {  	v15 =	vnsel vm0, $0x0, v15;
	v24 =	vperm.xlane v14, v4;
	(xrf1) =	vsort.dscd.msk.f32 $0xffff, v21, v0;
	v20, v21, _ =	vpop (xrf1);
	vm2 =	vgt.f32 v16, v18  }
0x175: {  	(xrf1) =	vsort.dscd.msk.f32 $0xffff, v25, v22;
	vm1 =	vgt.f32 v13, v20;
	v11, v12, _ =	vpop (xrf1);
	(erf) = vpow2.f32 v23;
	v17 =	vsel vm2, v17, v19  }
0x176: {  	v16 =	vsel vm2, v16, v18;
	v6, _, _ =	vpop (xrf2);
	(xrf2) =	vadd.scan.msk.f32 $0xffff, v15;
	v20 =	vsel vm1, v13, v20  }
0x177: {  	v18 =	vsel vm1, v24, v21;
	v11 =	vperm.xlane v11, v4;
	(xrf1) =	vsort.dscd.msk.f32 $0xffff, v16, v17  }
0x178: {  	v12 =	vperm.xlane v12, v4;
	(xrf1) =	vsort.dscd.msk.f32 $0xffff, v20, v18;
	v13, v14, _ =	vpop (xrf1)  }
0x179: {  	v6 =	vbroadcast v6, $0xF;
	vm1 =	vgt.f32 v11, v13;
	v16, v17, _ =	vpop (xrf1)  }
0x17a: {  	v18 =	vpop (erf);
	v11 =	vsel vm1, v11, v13;
	v12 =	vsel vm1, v12, v14;
	v13 =	vperm.xlane v16, v4  }
0x17b: {  	v19 =	vperm.xlane v17, v4;
	(erf) = vrcp.f32 v6;
	v14, v16, _ =	vpop (xrf1);
	(xrf1) =	vsort.dscd.msk.f32 $0xffff, v11, v12  }
0x17c: {  	v11 =	vnsel vm0, $0x0, v18;
	vm1 =	vgt.f32 v13, v14  }
0x17d: {  	v12, v17, _ =	vpop (xrf1);
	(xrf2) =	vadd.scan.msk.f32 $0xffff, v11;
	v13 =	vsel vm1, v13, v14;
	v18 =	vsel vm1, v19, v16  }
0x17e: {  	(xrf1) =	vsort.dscd.msk.f32 $0xffff, v13, v18;
	v6 =	vpop (erf);
	v17 =	vperm.xlane v17, v4  }
0x17f: {  	v12 =	vperm.xlane v12, v4;
	v13 =	vld [tilespmem:s1+$0xFFFFFF20];
	v14, v16, _ =	vpop (xrf1);
	v6 =	vnsel vm0, $0x0, v6  }
0x180: {  	v18, _, _ =	vpop (xrf2);
	(xrf2) =	vadd.scan.msk.f32 $0xffff, v6  }
0x181: {  	vm1 =	vgt.f32 v12, v14;
	v19 =	vld [tilespmem:s1+$0xFFFFFF30];
	v20, v21, _ =	vpop (xrf1)  }
0x182: {  	v12 =	vsel vm1, v12, v14;
	v24 =	vsel vm1, v17, v16;
	v22, v23, _ =	vpop (xrf1)  }
0x183: {  	v18 =	vbroadcast v18, $0xF;
	v16, v17, _ =	vpop (xrf1);
	(xrf1) =	vsort.dscd.msk.f32 $0xffff, v12, v24  }
0x184: {  	(xrf1) =	vsort.dscd.msk.f32 $0xffff, v13, v2;
	v13 =	vpop (erf)  }
0x185: {  	(erf) = vrcp.f32 v18;
	v12, v14, _ =	vpop (xrf1)  }
0x186: {  	v18 =	vperm.xlane v22, v4;
	(xrf1) =	vsort.dscd.msk.f32 $0xffff, v19, v3;
	v19, v22, _ =	vpop (xrf1)  }
0x187: {  	v10 =	vmul.f32 v13, v10;
	(xrf0) =	vmax.scan.msk.f32 $0xffff, v16;
	v26 =	vperm.xlane v19, v4;
	v19, _, _ =	vpop (xrf2)  }
0x188: {  	v22 =	vperm.xlane v22, v4;
	v27 =	vbroadcast v19, $0xF  }
0x189: {  	s0 =	sadd.s32 $0x20, s0;
	v23 =	vperm.xlane v23, v4;
	vm1 =	vgt.f32 v18, v20;
	vm2 =	vgt.f32 v26, v12;
	v24, v25, _ =	vpop (xrf1)  }
0x18a: {  	s31 =	sadd.s32 $0x20, s31;
	[tilespmem:s0+$0xFFFFFFF0] =	vst.msk $0xff, v10;
	v10 =	vsel vm2, v26, v12;
	v12 =	vsel vm2, v22, v14;
	(erf) = vrcp.f32 v27;
	v13, _, _ =	vpop (xrf2)  }
0x18b: {  	[tilespmem:s31+$0xFFFFFFF0] =	vst.msk $0xff, v7;
	(xrf1) =	vsort.dscd.msk.f32 $0xffff, v10, v12;
	v10 =	vperm.xlane v24, v4;
	v12 =	vbroadcast v13, $0xF;
	v7 =	vmovc v17  }
0x18c: {  	v22 =	vsel vm1, v18, v20;
	v17 =	vperm.xlane v25, v4;
	v14 =	vld [tilespmem:s23+$0xFFFFFF80];
	v18, v19, _ =	vpop (xrf1)  }
0x18d: {  	v20 =	vsel vm1, v23, v21;
	v21, _, _ =	vpop (xrf0);
	vm1 =	vgt.f32 v10, v18;
	(erf) = vrcp.f32 v12  }
0x18e: {  	(xrf1) =	vsort.dscd.msk.f32 $0xffff, v22, v20;
	v12 =	vld [tilespmem:s23+$0xFFFFFFA0];
	v13 =	vpop (erf);
	v10 =	vsel vm1, v10, v18;
	v17 =	vsel vm1, v17, v19  }
0x18f: {  	v18 =	vbroadcast v21, $0xF;
	v19 =	vld [tilespmem:s23+$0xFFFFFF90];
	v20 =	vmul.f32 v13, v15;
	(xrf1) =	vsort.dscd.msk.f32 $0xffff, v10, v17  }
0x190: {  	v10 =	vld [tilespmem:s23+$0xFFFFFFB0]  }
0x191: {  	v15 =	vsub.f32 v16, v18;
	(xrf1) =	vsort.dscd.msk.f32 $0xffff, v14, v0;
	v14, v16, _ =	vpop (xrf1);
	[tilespmem:s19+$0xFFFFFFF8] =	vst.msk $0xff, v20  }
0x192: {  	v13, v17, _ =	vpop (xrf1);
	(xrf0) =	vmax.scan.msk.f32 $0xffff, v14;
	[tilespmem:s20+$0xFFFFFFF8] =	vst.msk $0xff, v8;
	v8 =	vmov v16  }
0x193: {  	v15 =	vmul.f32 $1.442695020e+00, v15;
	v13 =	vperm.xlane v13, v4;
	(xrf1) =	vsort.dscd.msk.f32 $0xffff, v12, v2;
	v12 =	vld [tilespmem:s21+$0x20];
	v16 =	vpop (erf)  }
0x194: {  	v17 =	vperm.xlane v17, v4;
	v18, v20, _ =	vpop (xrf1);
	(xrf1) =	vsort.dscd.msk.f32 $0xffff, v19, v1;
	v19 =	vld [tilespmem:s21+$0x0];
	v16 =	vmul.f32 v16, v11  }
0x195: {  	vm1 =	vgt.f32 v13, v18;
	(erf) = vpow2.f32 v15;
	(xrf1) =	vsort.dscd.msk.f32 $0xffff, v10, v3  }
0x196: {  	v10 =	vsel vm1, v13, v18;
	v17 =	vsel vm1, v17, v20;
	v15 =	vld [tilespmem:s21+$0x30];
	[tilespmem:s15+$0x0] =	vst.msk $0xff, v16;
	v11 =	vpop (erf)  }
0x197: {  	(xrf1) =	vsort.dscd.msk.f32 $0xffff, v10, v17;
	v10 =	vld [tilespmem:s21+$0x10];
	[tilespmem:s16+$0x0] =	vst.msk $0xff, v9;
	v6 =	vmul.f32 v11, v6  }
0x198: {  	v13, _, _ =	vpop (xrf0)  }
0x199: {  	v11 =	vbroadcast v13, $0xF  }
0x19a: {  	(xrf1) =	vsort.dscd.msk.f32 $0xffff, v12, v2;
	v12 =	vld [tilespmem:s25+$0x80]  }
0x19b: {  	(xrf1) =	vsort.dscd.msk.f32 $0xffff, v19, v0;
	v19, v9, _ =	vpop (xrf1);
	[tilespmem:s11+$0x8] =	vst.msk $0xff, v6;
	s11 =	smov.u32 s13;
	s13 =	smov.u32 s15;
	s15 =	smov.u32 s18  }
0x19c: {  	s18 =	smov.u32 s19;
	s19 =	smov.u32 s29;
	s29 =	smov.u32 s0;
	(xrf0) =	vmax.scan.msk.f32 $0xffff, v19;
	[tilespmem:s12+$0x8] =	vst.msk $0xff, v5  }
0x19d: {  	s30 =	sadd.s32 $0x4, s30;
	s12 =	smov.u32 s14;
	s14 =	smov.u32 s16;
	v17 =	vsub.f32 v14, v11;
	(xrf1) =	vsort.dscd.msk.f32 $0xffff, v15, v3;
	v13 =	vld [tilespmem:s25+$0x90]  }
0x19e: {  	p0 =	slt.u32 s30, $0x3C;
	s16 =	smov.u32 s17;
	s17 =	smov.u32 s20;
	v16 =	vld [tilespmem:s25+$0xA0];
	v14, v11, _ =	vpop (xrf1);
	(xrf1) =	vsort.dscd.msk.f32 $0xffff, v10, v1  }
0x19f: {  	s20 =	smov.u32 s28;
	s28 =	smov.u32 s31;
	v10 =	vmul.f32 $1.442695020e+00, v17;
	(xrf1) =	vsort.dscd.msk.f32 $0xffff, v12, v0;
	v6, v5, _ =	vpop (xrf1)  }
0x1a0: {  	v15 =	vpop (erf);
	v22 =	vld [tilespmem:s25+$0xB0];
	(xrf0) =	vmax.scan.msk.f32 $0xffff, v6;
	s25 =	smov.u32 s24;
	s24 =	smov.u32 s21;
	s21 =	smov.u32 s22  }
.Ltmp0:
0x1a1: {  	s22 =	smov.u32 s23;
	s23 =	smov.u32 s26;
	v17, v18, _ =	vpop (xrf1);
	(erf) = vpow2.f32 v10;
	(pc) =	sbr.rel @p0 .LBB2_2-.Ltmp0, $4  }
0x1a2: {  	v12 =	vperm.xlane v14, v4;
	s26 =	smov.u32 s1;
	v20, _, _ =	vpop (xrf0);
	(xrf1) =	vsort.dscd.msk.f32 $0xffff, v13, v1  }
0x1a3: {  	v10 =	vnsel vm0, $0x0, v15;
	v15 =	vperm.xlane v17, v4;
	v13, v14, _ =	vpop (xrf1);
	v23 =	vbroadcast v20, $0xF;
	(xrf1) =	vsort.dscd.msk.f32 $0xffff, v16, v2  }
0x1a4: {  	v18 =	vperm.xlane v18, v4;
	(xrf2) =	vadd.scan.msk.f32 $0xffff, v10;
	v13 =	vperm.xlane v13, v4;
	v21, v20, _ =	vpop (xrf1)  }
0x1a5: {  	s1 =	sadd.s32 $0x200, s1;
	vm1 =	vgt.f32 v15, v21;
	v17, v16, _ =	vpop (xrf1);
	v19 =	vsub.f32 v19, v23;
	(xrf1) =	vsort.dscd.msk.f32 $0xffff, v22, v3  }
0x1a6: {  	v14 =	vperm.xlane v14, v4  }
0x1a7: {  	v15 =	vsel vm1, v15, v21;
	v18 =	vsel vm1, v18, v20;
	vm1 =	vgt.f32 v13, v17  }
0x1a8: {  	v42, _, _ =	vpop (xrf0);
	v44 =	vmul.f32 $1.442695020e+00, v19;
	v14 =	vsel vm1, v14, v16  }
0x1a9: {  	v43, v22, _ =	vpop (xrf1);
	v13 =	vsel vm1, v13, v17  }
0x1aa: {  	(xrf1) =	vsort.dscd.msk.f32 $0xffff, v15, v18;
	v45 =	vbroadcast v42, $0xF;
	v47, v46, _ =	vpop (xrf1);
	(erf) = vpow2.f32 v44  }
0x1ab: {  	v11 =	vperm.xlane v11, v4;
	v48 =	vpop (erf)  }
0x1ac: {  	vm1 =	vgt.f32 v12, v43;
	(xrf1) =	vsort.dscd.msk.f32 $0xffff, v13, v14;
	v6 =	vsub.f32 v6, v45;
	v13, v14, _ =	vpop (xrf1)  }
0x1ad: {  	v12 =	vsel vm1, v12, v43;
	v16 =	vperm.xlane v47, v4;
	v13 =	vperm.xlane v13, v4;
	v50, v49, _ =	vpop (xrf1)  }
0x1ae: {  	v11 =	vsel vm1, v11, v22;
	v17 =	vperm.xlane v46, v4;
	v14 =	vperm.xlane v14, v4;
	v51, v52, _ =	vpop (xrf1)  }
0x1af: {  	v15 =	vnsel vm0, $0x0, v48;
	(xrf1) =	vsort.dscd.msk.f32 $0xffff, v12, v11;
	vm1 =	vgt.f32 v16, v50;
	vm2 =	vgt.f32 v13, v51  }
0x1b0: {  	(xrf2) =	vadd.scan.msk.f32 $0xffff, v15;
	v53 =	vsel vm1, v16, v50;
	v54 =	vsel vm1, v17, v49;
	v14 =	vsel vm2, v14, v52  }
0x1b1: {  	v13 =	vsel vm2, v13, v51;
	(xrf1) =	vsort.dscd.msk.f32 $0xffff, v53, v54  }
0x1b2: {  	v6 =	vmul.f32 $1.442695020e+00, v6;
	v11, v12, _ =	vpop (xrf1);
	(xrf1) =	vsort.dscd.msk.f32 $0xffff, v13, v14  }
0x1b3: {  	v57 =	vpop (erf)  }
0x1b4: {  	(erf) = vpow2.f32 v6;
	v11 =	vperm.xlane v11, v4;
	v13, v14, _ =	vpop (xrf1)  }
0x1b5: {  	v6 =	vperm.xlane v12, v4;
	v56, v55, _ =	vpop (xrf1)  }
0x1b6: {  	v61, _, _ =	vpop (xrf2);
	v17 =	vnsel vm0, $0x0, v57;
	vm1 =	vgt.f32 v11, v13;
	v12 =	vperm.xlane v56, v4  }
0x1b7: {  	(xrf2) =	vadd.scan.msk.f32 $0xffff, v17;
	v11 =	vsel vm1, v11, v13;
	v6 =	vsel vm1, v6, v14;
	v58 =	vperm.xlane v55, v4;
	v59, v60, _ =	vpop (xrf1)  }
0x1b8: {  	(xrf1) =	vsort.dscd.msk.f32 $0xffff, v11, v6;
	v6 =	vbroadcast v61, $0xF;
	v62, v63, _ =	vpop (xrf1);
	vm1 =	vgt.f32 v12, v59  }
0x1b9: {  	v11 =	vperm.xlane v62, v4;
	v12 =	vsel vm1, v12, v59;
	v13 =	vsel vm1, v58, v60  }
0x1ba: {  	(erf) = vrcp.f32 v6;
	(xrf1) =	vsort.dscd.msk.f32 $0xffff, v12, v13  }
0x1bb: {  	v22, _, _ =	vpop (xrf2)  }
0x1bc: {  	v21 =	vperm.xlane v63, v4;
	v6, v20, _ =	vpop (xrf1)  }
0x1bd: {  	v24 =	vpop (erf);
	vm1 =	vgt.f32 v11, v6  }
0x1be: {  	v25 =	vbroadcast v22, $0xF;
	v6 =	vsel vm1, v11, v6;
	v23 =	vsel vm1, v21, v20;
	v26, v11, _ =	vpop (xrf1)  }
0x1bf: {  	(xrf1) =	vsort.dscd.msk.f32 $0xffff, v6, v23;
	v27, v28, _ =	vpop (xrf1)  }
0x1c0: {  	(erf) = vrcp.f32 v25;
	v6 =	vnsel vm0, $0x0, v24;
	(xrf0) =	vmax.scan.msk.f32 $0xffff, v26;
	v29, v30, _ =	vpop (xrf1)  }
0x1c1: {  	(xrf2) =	vadd.scan.msk.f32 $0xffff, v6;
	v16 =	vperm.xlane v29, v4  }
0x1c2: {  	v31, _, _ =	vpop (xrf2);
	v18 =	vperm.xlane v30, v4  }
0x1c3: {  	v19 =	vbroadcast v31, $0xF;
	v32 =	vpop (erf);
	vm1 =	vgt.f32 v16, v27  }
0x1c4: {  	v10 =	vmul.f32 v32, v10;
	v12 =	vsel vm1, v16, v27;
	v13 =	vsel vm1, v18, v28  }
0x1c5: {  	s30 =	sadd.s32 $0x20, s0;
	(erf) = vrcp.f32 v19;
	(xrf1) =	vsort.dscd.msk.f32 $0xffff, v12, v13  }
0x1c6: {  	s31 =	sadd.s32 $0x20, s31;
	v33, v34, _ =	vpop (xrf1);
	[tilespmem:s30+$0xFFFFFFF0] =	vst.msk $0xff, v10  }
0x1c7: {  	v38, _, _ =	vpop (xrf0);
	v35 =	vperm.xlane v33, v4;
	[tilespmem:s31+$0xFFFFFFF0] =	vst.msk $0xff, v7  }
0x1c8: {  	v7 =	vperm.xlane v34, v4;
	v36 =	vld [tilespmem:s23+$0xFFFFFF80];
	v12, v13, _ =	vpop (xrf1)  }
0x1c9: {  	v37 =	vpop (erf);
	v42 =	vbroadcast v38, $0xF;
	v39 =	vld [tilespmem:s23+$0xFFFFFFA0];
	vm1 =	vgt.f32 v35, v12  }
0x1ca: {  	v40 =	vmul.f32 v37, v15;
	v43 =	vld [tilespmem:s23+$0xFFFFFF90];
	v10 =	vsel vm1, v35, v12;
	v7 =	vsel vm1, v7, v13  }
0x1cb: {  	v46 =	vsub.f32 v26, v42;
	v41, _, _ =	vpop (xrf2);
	(xrf1) =	vsort.dscd.msk.f32 $0xffff, v10, v7  }
0x1cc: {  	[tilespmem:s19+$0xFFFFFFF8] =	vst.msk $0xff, v40;
	v45 =	vbroadcast v41, $0xF;
	v7 =	vld [tilespmem:s23+$0xFFFFFFB0]  }
0x1cd: {  	[tilespmem:s20+$0xFFFFFFF8] =	vst.msk $0xff, v8;
	v47 =	vmul.f32 $1.442695020e+00, v46;
	(xrf1) =	vsort.dscd.msk.f32 $0xffff, v36, v0  }
0x1ce: {  	v8 =	vld [tilespmem:s21+$0x20];
	v48 =	vpop (erf);
	(erf) = vrcp.f32 v45;
	(xrf1) =	vsort.dscd.msk.f32 $0xffff, v39, v2  }
0x1cf: {  	(erf) = vpow2.f32 v47;
	v44, v10, _ =	vpop (xrf1);
	(xrf1) =	vsort.dscd.msk.f32 $0xffff, v43, v1  }
0x1d0: {  	v49 =	vld [tilespmem:s21+$0x0];
	v13 =	vmul.f32 v48, v17;
	(xrf0) =	vmax.scan.msk.f32 $0xffff, v44  }
0x1d1: {  	(xrf1) =	vsort.dscd.msk.f32 $0xffff, v7, v3;
	v7 =	vld [tilespmem:s21+$0x30]  }
0x1d2: {  	v50 =	vld [tilespmem:s21+$0x10];
	[tilespmem:s15+$0x0] =	vst.msk $0xff, v13  }
0x1d3: {  	[tilespmem:s16+$0x0] =	vst.msk $0xff, v9;
	(xrf1) =	vsort.dscd.msk.f32 $0xffff, v8, v2;
	v54, v12, _ =	vpop (xrf1)  }
0x1d4: {  	v52 =	vld [tilespmem:s25+$0x80];
	(xrf0) =	vmax.scan.msk.f32 $0xffff, v54  }
0x1d5: {  	v56 =	vld [tilespmem:s25+$0x90];
	(xrf1) =	vsort.dscd.msk.f32 $0xffff, v49, v0  }
0x1d6: {  	v51, _, _ =	vpop (xrf0);
	(xrf1) =	vsort.dscd.msk.f32 $0xffff, v7, v3  }
0x1d7: {  	v57 =	vld [tilespmem:s25+$0xA0];
	v8 =	vpop (erf);
	v53 =	vbroadcast v51, $0xF;
	(xrf1) =	vsort.dscd.msk.f32 $0xffff, v50, v1  }
0x1d8: {  	v59 =	vld [tilespmem:s25+$0xB0];
	v60 =	vpop (erf)  }
0x1d9: {  	(xrf1) =	vsort.dscd.msk.f32 $0xffff, v52, v0;
	v55 =	vsub.f32 v44, v53;
	v58, v7, _ =	vpop (xrf1)  }
0x1da: {  	v61, _, _ =	vpop (xrf0);
	(xrf1) =	vsort.dscd.msk.f32 $0xffff, v56, v1  }
0x1db: {  	v14 =	vmul.f32 $1.442695020e+00, v55;
	(xrf0) =	vmax.scan.msk.f32 $0xffff, v58;
	v63, v62, _ =	vpop (xrf1)  }
0x1dc: {  	(xrf1) =	vsort.dscd.msk.f32 $0xffff, v57, v2;
	v24, v20, _ =	vpop (xrf1)  }
0x1dd: {  	v18 =	vnsel vm0, $0x0, v60;
	(erf) = vpow2.f32 v14;
	v14 =	vbroadcast v61, $0xF;
	v26, v25, _ =	vpop (xrf1);
	(xrf1) =	vsort.dscd.msk.f32 $0xffff, v59, v3  }
0x1de: {  	(xrf2) =	vadd.scan.msk.f32 $0xffff, v18  }
0x1df: {  	v16 =	vperm.xlane v63, v4;
	v20 =	vperm.xlane v20, v4;
	v9 =	vsub.f32 v54, v14  }
0x1e0: {  	v27 =	vperm.xlane v62, v4;
	v28, v29, _ =	vpop (xrf1)  }
0x1e1: {  	v13 =	vperm.xlane v24, v4;
	vm1 =	vgt.f32 v16, v26;
	v31, v32, _ =	vpop (xrf1);
	v9 =	vmul.f32 $1.442695020e+00, v9  }
0x1e2: {  	v16 =	vsel vm1, v16, v26;
	v14 =	vsel vm1, v27, v25;
	v23, _, _ =	vpop (xrf0)  }
0x1e3: {  	vm1 =	vgt.f32 v13, v28;
	(xrf1) =	vsort.dscd.msk.f32 $0xffff, v16, v14;
	v24, v25, _ =	vpop (xrf1);
	v37 =	vperm.xlane v31, v4;
	(erf) = vpow2.f32 v9  }
0x1e4: {  	v33 =	vsel vm1, v13, v28;
	v36 =	vsel vm1, v20, v29;
	v40 =	vperm.xlane v32, v4;
	v19, v20, _ =	vpop (xrf1)  }
0x1e5: {  	v30 =	vbroadcast v23, $0xF;
	v38 =	vperm.xlane v24, v4;
	(xrf1) =	vsort.dscd.msk.f32 $0xffff, v33, v36;
	v42, v41, _ =	vpop (xrf1);
	vm2 =	vgt.f32 v37, v19  }
0x1e6: {  	v43 =	vperm.xlane v25, v4;
	v35 =	vpop (erf);
	v16 =	vsel vm2, v37, v19;
	v14 =	vsel vm2, v40, v20  }
0x1e7: {  	v34 =	vsub.f32 v58, v30;
	vm1 =	vgt.f32 v38, v42;
	v45, v44, _ =	vpop (xrf1);
	v13 =	vnsel vm0, $0x0, v35;
	(xrf1) =	vsort.dscd.msk.f32 $0xffff, v16, v14  }
0x1e8: {  	v46, _, _ =	vpop (xrf2);
	v15 =	vsel vm1, v38, v42;
	v47 =	vsel vm1, v43, v41;
	v48 =	vperm.xlane v45, v4;
	(xrf2) =	vadd.scan.msk.f32 $0xffff, v13  }
0x1e9: {  	v39 =	vmul.f32 $1.442695020e+00, v34;
	(xrf1) =	vsort.dscd.msk.f32 $0xffff, v15, v47;
	v49, v50, _ =	vpop (xrf1)  }
0x1ea: {  	v17 =	vbroadcast v46, $0xF;
	v51 =	vperm.xlane v44, v4;
	vm1 =	vgt.f32 v48, v49;
	v53, v52, _ =	vpop (xrf1)  }
0x1eb: {  	(erf) = vpow2.f32 v39;
	v9 =	vsel vm1, v48, v49;
	v55 =	vperm.xlane v53, v4;
	v58, v57, _ =	vpop (xrf1)  }
0x1ec: {  	v15 =	vsel vm1, v51, v50;
	v56 =	vperm.xlane v52, v4;
	v54 =	vpop (erf);
	(erf) = vrcp.f32 v17  }
0x1ed: {  	(xrf1) =	vsort.dscd.msk.f32 $0xffff, v9, v15;
	vm1 =	vgt.f32 v55, v58;
	v59 =	vnsel vm0, $0x0, v54  }
0x1ee: {  	v60 =	vsel vm1, v55, v58;
	v61 =	vsel vm1, v56, v57;
	(xrf2) =	vadd.scan.msk.f32 $0xffff, v59  }
0x1ef: {  	(xrf1) =	vsort.dscd.msk.f32 $0xffff, v60, v61;
	_ =	sdelay $0x1  }
0x1f0: {  	v9, v14, _ =	vpop (xrf1)  }
0x1f1: {  	v63, _, _ =	vpop (xrf2)  }
0x1f2: {  	v9 =	vperm.xlane v9, v4;
	v25, v24, _ =	vpop (xrf1);
	v17 =	vbroadcast v63, $0xF  }
0x1f3: {  	v14 =	vperm.xlane v14, v4;
	v62 =	vpop (erf)  }
0x1f4: {  	vm1 =	vgt.f32 v9, v25;
	v26 =	vpop (erf);
	(erf) = vrcp.f32 v17  }
0x1f5: {  	v9 =	vsel vm1, v9, v25;
	v14 =	vsel vm1, v14, v24;
	v28, v27, _ =	vpop (xrf1)  }
0x1f6: {  	(xrf1) =	vsort.dscd.msk.f32 $0xffff, v9, v14;
	v29, v30, _ =	vpop (xrf1)  }
0x1f7: {  	v31 =	vmul.f32 v26, v18;
	v32 =	vperm.xlane v29, v4;
	v33, _, _ =	vpop (xrf2)  }
0x1f8: {  	s0 =	sadd.s32 $0x20, s30;
	v34 =	vperm.xlane v30, v4;
	v18 =	vbroadcast v33, $0xF  }
0x1f9: {  	s1 =	sadd.s32 $0x20, s31;
	[tilespmem:s0+$0xFFFFFFF0] =	vst.msk $0xff, v31;
	vm1 =	vgt.f32 v32, v28  }
0x1fa: {  	v36, v35, _ =	vpop (xrf1);
	[tilespmem:s1+$0xFFFFFFF0] =	vst.msk $0xff, v11;
	v14 =	vsel vm1, v32, v28;
	v37 =	vsel vm1, v34, v27;
	(erf) = vrcp.f32 v18  }
0x1fb: {  	v38 =	vperm.xlane v36, v4;
	v39 =	vld [tilespmem:s26+$0xFFFFFF80];
	(xrf1) =	vsort.dscd.msk.f32 $0xffff, v14, v37  }
0x1fc: {  	v40 =	vperm.xlane v35, v4;
	v43 =	vld [tilespmem:s26+$0xFFFFFFA0];
	v42, v41, _ =	vpop (xrf1)  }
0x1fd: {  	v9 =	vnsel vm0, $0x0, v62;
	v44 =	vld [tilespmem:s26+$0xFFFFFF90];
	vm1 =	vgt.f32 v38, v42;
	v45 =	vpop (erf)  }
0x1fe: {  	(xrf2) =	vadd.scan.msk.f32 $0xffff, v9;
	v11 =	vsel vm1, v38, v42;
	v17 =	vsel vm1, v40, v41;
	v13 =	vmul.f32 v45, v13  }
0x1ff: {  	v46 =	vld [tilespmem:s26+$0xFFFFFFB0];
	(xrf1) =	vsort.dscd.msk.f32 $0xffff, v11, v17  }
0x200: {  	(xrf1) =	vsort.dscd.msk.f32 $0xffff, v39, v0;
	[tilespmem:s29+$0xFFFFFFF8] =	vst.msk $0xff, v13  }
0x201: {  	(xrf1) =	vsort.dscd.msk.f32 $0xffff, v43, v2;
	[tilespmem:s28+$0xFFFFFFF8] =	vst.msk $0xff, v10  }
0x202: {  	(xrf1) =	vsort.dscd.msk.f32 $0xffff, v44, v1;
	v10 =	vld [tilespmem:s22+$0x20]  }
0x203: {  	v48 =	vld [tilespmem:s22+$0x0];
	v47 =	vpop (erf)  }
0x204: {  	(xrf1) =	vsort.dscd.msk.f32 $0xffff, v46, v3;
	v49, v14, _ =	vpop (xrf1);
	v50 =	vld [tilespmem:s22+$0x30];
	v13 =	vmul.f32 v47, v59  }
0x205: {  	(xrf0) =	vmax.scan.msk.f32 $0xffff, v49  }
0x206: {  	v51 =	vld [tilespmem:s22+$0x10]  }
0x207: {  	[tilespmem:s18+$0x0] =	vst.msk $0xff, v13;
	(xrf1) =	vsort.dscd.msk.f32 $0xffff, v10, v2  }
0x208: {  	v54, _, _ =	vpop (xrf2);
	[tilespmem:s17+$0x0] =	vst.msk $0xff, v12;
	(xrf1) =	vsort.dscd.msk.f32 $0xffff, v48, v0  }
0x209: {  	v52 =	vld [tilespmem:s24+$0x80];
	v53, v13, _ =	vpop (xrf1);
	(xrf1) =	vsort.dscd.msk.f32 $0xffff, v50, v3  }
0x20a: {  	v16 =	vbroadcast v54, $0xF;
	v55 =	vld [tilespmem:s24+$0x90];
	(xrf0) =	vmax.scan.msk.f32 $0xffff, v53  }
0x20b: {  	v56 =	vld [tilespmem:s24+$0xA0];
	v58, _, _ =	vpop (xrf0);
	(xrf1) =	vsort.dscd.msk.f32 $0xffff, v51, v1  }
0x20c: {  	(erf) = vrcp.f32 v16;
	v59 =	vbroadcast v58, $0xF  }
0x20d: {  	v57 =	vld [tilespmem:s24+$0xB0];
	v60, v10, _ =	vpop (xrf1)  }
0x20e: {  	v11 =	vsub.f32 v49, v59;
	(xrf1) =	vsort.dscd.msk.f32 $0xffff, v52, v0;
	v62, v61, _ =	vpop (xrf1)  }
0x20f: {  	(xrf1) =	vsort.dscd.msk.f32 $0xffff, v55, v1;
	v63 =	vperm.xlane v62, v4;
	v27, v28, _ =	vpop (xrf1)  }
0x210: {  	v29 =	vperm.xlane v61, v4;
	v11 =	vmul.f32 $1.442695020e+00, v11;
	(xrf1) =	vsort.dscd.msk.f32 $0xffff, v56, v2;
	v31, v30, _ =	vpop (xrf1)  }
0x211: {  	v18 =	vperm.xlane v27, v4;
	v20 =	vperm.xlane v28, v4;
	v32, _, _ =	vpop (xrf0);
	vm1 =	vgt.f32 v63, v31  }
0x212: {  	(xrf1) =	vsort.dscd.msk.f32 $0xffff, v57, v3;
	v34, v33, _ =	vpop (xrf1);
	v16 =	vsel vm1, v63, v31;
	v15 =	vsel vm1, v29, v30  }
0x213: {  	(erf) = vpow2.f32 v11;
	v35 =	vbroadcast v32, $0xF;
	vm1 =	vgt.f32 v18, v34;
	(xrf1) =	vsort.dscd.msk.f32 $0xffff, v16, v15  }
0x214: {  	(xrf0) =	vmax.scan.msk.f32 $0xffff, v60;
	v36 =	vsel vm1, v18, v34;
	v37 =	vsel vm1, v20, v33  }
0x215: {  	v11 =	vpop (erf);
	v12 =	vsub.f32 v53, v35;
	(xrf1) =	vsort.dscd.msk.f32 $0xffff, v36, v37  }
0x216: {  	v40, v39, _ =	vpop (xrf1)  }
0x217: {  	v12 =	vmul.f32 $1.442695020e+00, v12;
	v41, v42, _ =	vpop (xrf1);
	v43 =	vperm.xlane v40, v4  }
0x218: {  	v18 =	vperm.xlane v39, v4;
	v44 =	vperm.xlane v41, v4;
	v46, v45, _ =	vpop (xrf1)  }
0x219: {  	(erf) = vpow2.f32 v12;
	v20 =	vperm.xlane v42, v4;
	v47, v48, _ =	vpop (xrf1);
	vm1 =	vgt.f32 v43, v46  }
0x21a: {  	vm2 =	vgt.f32 v44, v47;
	v12 =	vsel vm1, v43, v46;
	v18 =	vsel vm1, v18, v45  }
0x21b: {  	v38, _, _ =	vpop (xrf0);
	v16 =	vsel vm2, v44, v47;
	v20 =	vsel vm2, v20, v48;
	(xrf1) =	vsort.dscd.msk.f32 $0xffff, v12, v18  }
0x21c: {  	v49 =	vpop (erf);
	(xrf1) =	vsort.dscd.msk.f32 $0xffff, v16, v20  }
0x21d: {  	v55 =	vnsel vm0, $0x0, v49;
	v50, v51, _ =	vpop (xrf1)  }
0x21e: {  	v15 =	vbroadcast v38, $0xF;
	(xrf2) =	vadd.scan.msk.f32 $0xffff, v55;
	v54, v53, _ =	vpop (xrf1)  }
0x21f: {  	v52 =	vperm.xlane v50, v4;
	v57, v56, _ =	vpop (xrf1)  }
0x220: {  	v15 =	vsub.f32 v60, v15;
	v21 =	vperm.xlane v51, v4;
	v58, v59, _ =	vpop (xrf1)  }
0x221: {  	vm1 =	vgt.f32 v52, v54;
	v60 =	vperm.xlane v57, v4;
	v28 =	vperm.xlane v56, v4;
	v61, v62, _ =	vpop (xrf1)  }
0x222: {  	v12 =	vsel vm1, v52, v54;
	v18 =	vsel vm1, v21, v53;
	v63 =	vpop (erf);
	v17 =	vperm.xlane v61, v4  }
0x223: {  	(xrf1) =	vsort.dscd.msk.f32 $0xffff, v12, v18;
	vm1 =	vgt.f32 v60, v58;
	v29 =	vnsel vm0, $0x0, v63;
	v31, v30, _ =	vpop (xrf1);
	v20 =	vperm.xlane v62, v4  }
0x224: {  	v16 =	vsel vm1, v60, v58;
	v21 =	vsel vm1, v28, v59;
	(xrf2) =	vadd.scan.msk.f32 $0xffff, v29;
	vm1 =	vgt.f32 v17, v31  }
0x225: {  	(xrf1) =	vsort.dscd.msk.f32 $0xffff, v16, v21;
	v12 =	vsel vm1, v17, v31;
	v32 =	vsel vm1, v20, v30  }
0x226: {  	v15 =	vmul.f32 $1.442695020e+00, v15;
	(xrf1) =	vsort.dscd.msk.f32 $0xffff, v12, v32;
	_ =	sdelay $0x1  }
0x227: {  	(erf) = vpow2.f32 v15;
	v33, _, _ =	vpop (xrf2)  }
0x228: {  	v35, v34, _ =	vpop (xrf1)  }
0x229: {  	v36, v37, _ =	vpop (xrf1)  }
0x22a: {  	v12 =	vbroadcast v33, $0xF;
	v17 =	vperm.xlane v36, v4  }
0x22b: {  	v20 =	vperm.xlane v37, v4  }
0x22c: {  	(erf) = vrcp.f32 v12;
	vm1 =	vgt.f32 v17, v35  }
0x22d: {  	v38, _, _ =	vpop (xrf2);
	v16 =	vsel vm1, v20, v34  }
0x22e: {  	v12 =	vbroadcast v38, $0xF;
	v15 =	vsel vm1, v17, v35  }
0x22f: {  	(xrf1) =	vsort.dscd.msk.f32 $0xffff, v15, v16  }
0x230: {  	v39 =	vpop (erf);
	(erf) = vrcp.f32 v12  }
0x231: {  	v12 =	vnsel vm0, $0x0, v39;
	v15, v16, _ =	vpop (xrf1)  }
0x232: {  	(xrf2) =	vadd.scan.msk.f32 $0xffff, v12;
	v41, v40, _ =	vpop (xrf1)  }
0x233: {  	v42, v22, _ =	vpop (xrf1)  }
0x234: {  	(xrf0) =	vmax.scan.msk.f32 $0xffff, v42  }
0x235: {  	v43 =	vpop (erf);
	v15 =	vperm.xlane v15, v4  }
0x236: {  	v16 =	vperm.xlane v16, v4;
	v44 =	vmul.f32 v43, v55  }
0x237: {  	vm1 =	vgt.f32 v15, v41  }
0x238: {  	[tilespmem:s30+$0xFFFFFFF8] =	vst.msk $0xff, v44;
	v15 =	vsel vm1, v15, v41;
	v16 =	vsel vm1, v16, v40  }
0x239: {  	[tilespmem:s31+$0xFFFFFFF8] =	vst.msk $0xff, v14;
	(xrf1) =	vsort.dscd.msk.f32 $0xffff, v15, v16;
	v45 =	vpop (erf)  }
0x23a: {  	v47 =	vld [tilespmem:s23+$0x20];
	v46, _, _ =	vpop (xrf0)  }
0x23b: {  	v17 =	vld [tilespmem:s23+$0x0];
	v15 =	vmul.f32 v45, v29;
	v14 =	vbroadcast v46, $0xF  }
0x23c: {  	v48, _, _ =	vpop (xrf2)  }
0x23d: {  	v49 =	vld [tilespmem:s23+$0x30];
	[tilespmem:s19+$0x0] =	vst.msk $0xff, v15;
	v52, v21, _ =	vpop (xrf1);
	v14 =	vsub.f32 v42, v14  }
0x23e: {  	v51 =	vld [tilespmem:s23+$0x10];
	v50 =	vbroadcast v48, $0xF;
	[tilespmem:s20+$0x0] =	vst.msk $0xff, v13;
	(xrf0) =	vmax.scan.msk.f32 $0xffff, v52  }
0x23f: {  	(xrf1) =	vsort.dscd.msk.f32 $0xffff, v47, v2;
	v13 =	vld [tilespmem:s21+$0x80];
	v14 =	vmul.f32 $1.442695020e+00, v14  }
0x240: {  	(xrf1) =	vsort.dscd.msk.f32 $0xffff, v17, v0;
	(erf) = vrcp.f32 v50;
	v53 =	vld [tilespmem:s21+$0x90]  }
0x241: {  	v54 =	vld [tilespmem:s21+$0xA0];
	(erf) = vpow2.f32 v14  }
0x242: {  	(xrf1) =	vsort.dscd.msk.f32 $0xffff, v49, v3  }
0x243: {  	(xrf1) =	vsort.dscd.msk.f32 $0xffff, v51, v1  }
0x244: {  	v55 =	vld [tilespmem:s21+$0xB0];
	(xrf1) =	vsort.dscd.msk.f32 $0xffff, v13, v0;
	v56, _, _ =	vpop (xrf0)  }
0x245: {  	(xrf1) =	vsort.dscd.msk.f32 $0xffff, v53, v1;
	v14 =	vbroadcast v56, $0xF  }
0x246: {  	(xrf1) =	vsort.dscd.msk.f32 $0xffff, v54, v2  }
0x247: {  	v57, v13, _ =	vpop (xrf1)  }
0x248: {  	(xrf0) =	vmax.scan.msk.f32 $0xffff, v57;
	v58 =	vsub.f32 v52, v14  }
0x249: {  	(xrf1) =	vsort.dscd.msk.f32 $0xffff, v55, v3;
	v14 =	vpop (erf)  }
0x24a: {  	v16 =	vmul.f32 $1.442695020e+00, v58;
	v59 =	vpop (erf)  }
0x24b: {  	v17 =	vnsel vm0, $0x0, v59  }
0x24c: {  	(erf) = vpow2.f32 v16;
	(xrf2) =	vadd.scan.msk.f32 $0xffff, v17  }
0x24d: {  	v62, v61, _ =	vpop (xrf1)  }
0x24e: {  	v31, v63, _ =	vpop (xrf1)  }
0x24f: {  	v60, _, _ =	vpop (xrf0)  }
0x250: {  	v18 =	vperm.xlane v62, v4;
	v33, v32, _ =	vpop (xrf1)  }
0x251: {  	v20 =	vperm.xlane v31, v4;
	v16 =	vbroadcast v60, $0xF;
	v26, v27, _ =	vpop (xrf1)  }
0x252: {  	v34 =	vperm.xlane v61, v4;
	v23 =	vperm.xlane v63, v4;
	vm2 =	vgt.f32 v18, v33;
	v35, v28, _ =	vpop (xrf1)  }
0x253: {  	vm1 =	vgt.f32 v20, v26;
	v18 =	vsel vm2, v18, v33;
	v15 =	vsub.f32 v57, v16;
	v36, v29, _ =	vpop (xrf1)  }
0x254: {  	v20 =	vsel vm1, v20, v26;
	v16 =	vsel vm2, v34, v32;
	v19 =	vperm.xlane v35, v4;
	v37, v38, _ =	vpop (xrf1)  }
0x255: {  	v23 =	vsel vm1, v23, v27;
	(xrf1) =	vsort.dscd.msk.f32 $0xffff, v18, v16;
	v15 =	vmul.f32 $1.442695020e+00, v15;
	v39 =	vperm.xlane v28, v4;
	v40 =	vpop (erf)  }
0x256: {  	vm2 =	vgt.f32 v19, v36;
	v24 =	vperm.xlane v37, v4;
	v42 =	vperm.xlane v38, v4;
	v41, _, _ =	vpop (xrf2)  }
0x257: {  	(xrf1) =	vsort.dscd.msk.f32 $0xffff, v20, v23;
	v43, v44, _ =	vpop (xrf1);
	v19 =	vsel vm2, v19, v36;
	v16 =	vsel vm2, v39, v29;
	v26 =	vbroadcast v41, $0xF  }
0x258: {  	(erf) = vpow2.f32 v15;
	v45 =	vnsel vm0, $0x0, v40;
	(xrf1) =	vsort.dscd.msk.f32 $0xffff, v19, v16;
	vm1 =	vgt.f32 v24, v43  }
0x259: {  	(xrf2) =	vadd.scan.msk.f32 $0xffff, v45;
	v46 =	vsel vm1, v24, v43;
	v47 =	vsel vm1, v42, v44;
	(erf) = vrcp.f32 v26  }
0x25a: {  	(xrf1) =	vsort.dscd.msk.f32 $0xffff, v46, v47;
	_ =	sdelay $0x6  }
0x25b: {  	v48 =	vpop (erf)  }
0x25c: {  	v49 =	vpop (erf)  }
0x25d: {  	v50, v51, _ =	vpop (xrf1);
	v17 =	vmul.f32 v49, v17  }
0x25e: {  	v52, _, _ =	vpop (xrf2)  }
0x25f: {  	v23, v24, _ =	vpop (xrf1);
	v18 =	vbroadcast v52, $0xF;
	[tilespmem:s0+$0xFFFFFFF8] =	vst.msk $0xff, v17  }
0x260: {  	v53 =	vperm.xlane v23, v4;
	v54 =	vperm.xlane v24, v4;
	v56, v55, _ =	vpop (xrf1);
	[tilespmem:s1+$0xFFFFFFF8] =	vst.msk $0xff, v22  }
0x261: {  	(erf) = vrcp.f32 v18;
	v57 =	vperm.xlane v56, v4;
	v22 =	vld [tilespmem:s26+$0x20]  }
0x262: {  	v15 =	vnsel vm0, $0x0, v48;
	vm1 =	vgt.f32 v53, v50;
	v58 =	vperm.xlane v55, v4;
	v60, v59, _ =	vpop (xrf1);
	v61 =	vld [tilespmem:s26+$0x0]  }
0x263: {  	(xrf2) =	vadd.scan.msk.f32 $0xffff, v15;
	v62 =	vsel vm1, v54, v51;
	v17 =	vsel vm1, v53, v50;
	vm1 =	vgt.f32 v57, v60;
	v63 =	vld [tilespmem:s26+$0x30]  }
0x264: {  	(xrf1) =	vsort.dscd.msk.f32 $0xffff, v17, v62;
	v28 =	vsel vm1, v57, v60;
	v29 =	vsel vm1, v58, v59;
	v30 =	vld [tilespmem:s26+$0x10]  }
0x265: {  	(xrf1) =	vsort.dscd.msk.f32 $0xffff, v28, v29  }
0x266: {  	(xrf1) =	vsort.dscd.msk.f32 $0xffff, v22, v2  }
0x267: {  	(xrf1) =	vsort.dscd.msk.f32 $0xffff, v61, v0  }
0x268: {  	(xrf1) =	vsort.dscd.msk.f32 $0xffff, v63, v3  }
0x269: {  	(xrf1) =	vsort.dscd.msk.f32 $0xffff, v30, v1  }
0x26a: {  	v31 =	vpop (erf)  }
0x26b: {  	v16 =	vmul.f32 v31, v45;
	_ =	sdelay $0x1  }
0x26c: {  	[tilespmem:s29+$0x0] =	vst.msk $0xff, v16  }
0x26d: {  	[tilespmem:s28+$0x0] =	vst.msk $0xff, v21  }
0x26e: {  	v32 =	vld [tilespmem:s22+$0x80]  }
0x26f: {  	v33 =	vld [tilespmem:s22+$0x90]  }
0x270: {  	v34, _, _ =	vpop (xrf2);
	v35 =	vld [tilespmem:s22+$0xA0]  }
0x271: {  	v21 =	vld [tilespmem:s22+$0xB0];
	v36, v23, _ =	vpop (xrf1)  }
0x272: {  	(xrf0) =	vmax.scan.msk.f32 $0xffff, v36;
	v37, v16, _ =	vpop (xrf1)  }
0x273: {  	(xrf1) =	vsort.dscd.msk.f32 $0xffff, v32, v0;
	v39, v38, _ =	vpop (xrf1)  }
0x274: {  	(xrf1) =	vsort.dscd.msk.f32 $0xffff, v33, v1;
	v41, v40, _ =	vpop (xrf1);
	v17 =	vperm.xlane v39, v4  }
0x275: {  	(xrf1) =	vsort.dscd.msk.f32 $0xffff, v35, v2;
	v25 =	vperm.xlane v38, v4;
	v18 =	vperm.xlane v41, v4;
	v43, v42, _ =	vpop (xrf1)  }
0x276: {  	v19 =	vbroadcast v34, $0xF;
	(xrf1) =	vsort.dscd.msk.f32 $0xffff, v21, v3;
	v44 =	vperm.xlane v40, v4;
	v45, v46, _ =	vpop (xrf1);
	vm1 =	vgt.f32 v17, v43  }
0x277: {  	vm2 =	vgt.f32 v18, v45;
	v17 =	vsel vm1, v17, v43;
	v47 =	vsel vm1, v25, v42  }
0x278: {  	(erf) = vrcp.f32 v19;
	v18 =	vsel vm2, v18, v45;
	v19 =	vsel vm2, v44, v46;
	(xrf1) =	vsort.dscd.msk.f32 $0xffff, v17, v47  }
0x279: {  	v48, _, _ =	vpop (xrf0);
	(xrf1) =	vsort.dscd.msk.f32 $0xffff, v18, v19  }
0x27a: {  	v49 =	vbroadcast v48, $0xF  }
0x27b: {  	(xrf0) =	vmax.scan.msk.f32 $0xffff, v37  }
0x27c: {  	v17 =	vsub.f32 v36, v49;
	_ =	sdelay $0x1  }
0x27d: {  	v17 =	vmul.f32 $1.442695020e+00, v17;
	_ =	sdelay $0x1  }
0x27e: {  	(erf) = vpow2.f32 v17  }
0x27f: {  	v50, _, _ =	vpop (xrf0)  }
0x280: {  	v52, v51, _ =	vpop (xrf1)  }
0x281: {  	v53, v54, _ =	vpop (xrf1)  }
0x282: {  	v19 =	vperm.xlane v52, v4;
	v56, v55, _ =	vpop (xrf1)  }
0x283: {  	v20 =	vperm.xlane v51, v4;
	v58, v57, _ =	vpop (xrf1)  }
0x284: {  	vm1 =	vgt.f32 v19, v53;
	v60 =	vperm.xlane v56, v4;
	v59, v30, _ =	vpop (xrf1)  }
0x285: {  	v19 =	vsel vm1, v19, v53;
	v20 =	vsel vm1, v20, v54;
	v26 =	vperm.xlane v55, v4;
	v61, v62, _ =	vpop (xrf1)  }
0x286: {  	v18 =	vbroadcast v50, $0xF;
	v17 =	vpop (erf);
	(xrf1) =	vsort.dscd.msk.f32 $0xffff, v19, v20;
	vm1 =	vgt.f32 v60, v58;
	v22 =	vperm.xlane v61, v4  }
0x287: {  	v63 =	vpop (erf);
	v21 =	vsel vm1, v60, v58;
	v33 =	vsel vm1, v26, v57;
	v32 =	vperm.xlane v62, v4  }
0x288: {  	v18 =	vsub.f32 v37, v18;
	v31 =	vnsel vm0, $0x0, v63;
	(xrf1) =	vsort.dscd.msk.f32 $0xffff, v21, v33;
	vm1 =	vgt.f32 v22, v59  }
0x289: {  	(xrf2) =	vadd.scan.msk.f32 $0xffff, v31;
	v34 =	vsel vm1, v22, v59;
	v20 =	vsel vm1, v32, v30  }
0x28a: {  	v18 =	vmul.f32 $1.442695020e+00, v18;
	(xrf1) =	vsort.dscd.msk.f32 $0xffff, v34, v20;
	_ =	sdelay $0x1  }
0x28b: {  	(erf) = vpow2.f32 v18;
	_ =	sdelay $0x7  }
0x28c: {  	v35, _, _ =	vpop (xrf2)  }
0x28d: {  	v36 =	vpop (erf);
	v18 =	vbroadcast v35, $0xF  }
0x28e: {  	v38, v37, _ =	vpop (xrf1)  }
0x28f: {  	(erf) = vrcp.f32 v18;
	v18 =	vnsel vm0, $0x0, v36;
	v39, v24, _ =	vpop (xrf1)  }
0x290: {  	(xrf2) =	vadd.scan.msk.f32 $0xffff, v18;
	v40, v41, _ =	vpop (xrf1)  }
0x291: {  	(xrf0) =	vmax.scan.msk.f32 $0xffff, v40;
	_ =	sdelay $0x1  }
0x292: {  	v20 =	vperm.xlane v38, v4  }
0x293: {  	v21 =	vperm.xlane v37, v4  }
0x294: {  	vm1 =	vgt.f32 v20, v39  }
0x295: {  	v20 =	vsel vm1, v20, v39;
	v21 =	vsel vm1, v21, v24  }
0x296: {  	(xrf1) =	vsort.dscd.msk.f32 $0xffff, v20, v21;
	v43, _, _ =	vpop (xrf0)  }
0x297: {  	v42 =	vpop (erf);
	v44 =	vbroadcast v43, $0xF  }
0x298: {  	v19 =	vmul.f32 v42, v31  }
0x299: {  	v45, _, _ =	vpop (xrf2);
	v46 =	vsub.f32 v40, v44  }
0x29a: {  	v21 =	vbroadcast v45, $0xF;
	[tilespmem:s30+$0x0] =	vst.msk $0xff, v19  }
0x29b: {  	[tilespmem:s31+$0x0] =	vst.msk $0xff, v23;
	v19 =	vmul.f32 $1.442695020e+00, v46  }
0x29c: {  	(erf) = vrcp.f32 v21;
	v47 =	vld [tilespmem:s23+$0x80]  }
0x29d: {  	v48 =	vld [tilespmem:s23+$0x90];
	(erf) = vpow2.f32 v19  }
0x29e: {  	v49 =	vld [tilespmem:s23+$0xA0];
	_ =	sdelay $0x1  }
0x29f: {  	v50 =	vld [tilespmem:s23+$0xB0]  }
0x2a0: {  	(xrf1) =	vsort.dscd.msk.f32 $0xffff, v47, v0  }
0x2a1: {  	(xrf1) =	vsort.dscd.msk.f32 $0xffff, v48, v1  }
0x2a2: {  	(xrf1) =	vsort.dscd.msk.f32 $0xffff, v49, v2  }
0x2a3: {  	v51, v21, _ =	vpop (xrf1)  }
0x2a4: {  	(xrf1) =	vsort.dscd.msk.f32 $0xffff, v50, v3;
	v19 =	vpop (erf)  }
0x2a5: {  	(xrf0) =	vmax.scan.msk.f32 $0xffff, v51;
	v52 =	vpop (erf)  }
0x2a6: {  	v22 =	vnsel vm0, $0x0, v52  }
0x2a7: {  	(xrf2) =	vadd.scan.msk.f32 $0xffff, v22;
	_ =	sdelay $0x3  }
0x2a8: {  	v53, _, _ =	vpop (xrf0)  }
0x2a9: {  	v23 =	vbroadcast v53, $0xF;
	_ =	sdelay $0x1  }
0x2aa: {  	v20 =	vsub.f32 v51, v23;
	v54, v55, _ =	vpop (xrf1)  }
0x2ab: {  	v24 =	vperm.xlane v54, v4;
	v57, v56, _ =	vpop (xrf1)  }
0x2ac: {  	v20 =	vmul.f32 $1.442695020e+00, v20;
	v25 =	vperm.xlane v55, v4;
	v58, v59, _ =	vpop (xrf1)  }
0x2ad: {  	vm1 =	vgt.f32 v24, v57;
	v60 =	vperm.xlane v58, v4;
	v62 =	vperm.xlane v59, v4;
	v61, _, _ =	vpop (xrf2)  }
0x2ae: {  	v33, v63, _ =	vpop (xrf1);
	v23 =	vsel vm1, v24, v57;
	v25 =	vsel vm1, v25, v56;
	v28 =	vbroadcast v61, $0xF  }
0x2af: {  	(erf) = vpow2.f32 v20;
	(xrf1) =	vsort.dscd.msk.f32 $0xffff, v23, v25;
	vm1 =	vgt.f32 v60, v33  }
0x2b0: {  	v34 =	vsel vm1, v60, v33;
	v35 =	vsel vm1, v62, v63;
	(erf) = vrcp.f32 v28  }
0x2b1: {  	(xrf1) =	vsort.dscd.msk.f32 $0xffff, v34, v35;
	_ =	sdelay $0x6  }
0x2b2: {  	v36 =	vpop (erf)  }
0x2b3: {  	v37 =	vpop (erf)  }
0x2b4: {  	v22 =	vmul.f32 v37, v22;
	_ =	sdelay $0x1  }
0x2b5: {  	[tilespmem:s0+$0x0] =	vst.msk $0xff, v22  }
0x2b6: {  	v38, v23, _ =	vpop (xrf1);
	[tilespmem:s1+$0x0] =	vst.msk $0xff, v41  }
0x2b7: {  	v22 =	vperm.xlane v38, v4;
	v39 =	vld [tilespmem:s26+$0x80]  }
0x2b8: {  	v23 =	vperm.xlane v23, v4;
	v40, v41, _ =	vpop (xrf1);
	v42 =	vld [tilespmem:s26+$0x90]  }
0x2b9: {  	vm1 =	vgt.f32 v22, v40;
	v43 =	vld [tilespmem:s26+$0xA0]  }
0x2ba: {  	v22 =	vsel vm1, v22, v40;
	v23 =	vsel vm1, v23, v41  }
0x2bb: {  	v44 =	vld [tilespmem:s26+$0xB0];
	(xrf1) =	vsort.dscd.msk.f32 $0xffff, v22, v23  }
0x2bc: {  	(xrf1) =	vsort.dscd.msk.f32 $0xffff, v39, v0  }
0x2bd: {  	(xrf1) =	vsort.dscd.msk.f32 $0xffff, v42, v1  }
0x2be: {  	(xrf1) =	vsort.dscd.msk.f32 $0xffff, v43, v2;
	_ =	sdelay $0x1  }
0x2bf: {  	(xrf1) =	vsort.dscd.msk.f32 $0xffff, v44, v3;
	_ =	sdelay $0x8  }
0x2c0: {  	v22, v23, _ =	vpop (xrf1)  }
0x2c1: {  	v24, v45, _ =	vpop (xrf1)  }
0x2c2: {  	v24 =	vperm.xlane v24, v4;
	v46, v27, _ =	vpop (xrf1)  }
0x2c3: {  	v25 =	vperm.xlane v45, v4;
	v28, v47, _ =	vpop (xrf1)  }
0x2c4: {  	vm1 =	vgt.f32 v24, v46;
	v28 =	vperm.xlane v28, v4  }
0x2c5: {  	v48 =	vperm.xlane v47, v4;
	v49, v50, _ =	vpop (xrf1);
	v24 =	vsel vm1, v24, v46;
	v25 =	vsel vm1, v25, v27  }
0x2c6: {  	(xrf1) =	vsort.dscd.msk.f32 $0xffff, v24, v25;
	vm1 =	vgt.f32 v28, v49  }
0x2c7: {  	v51 =	vsel vm1, v28, v49;
	v52 =	vsel vm1, v48, v50  }
0x2c8: {  	(xrf1) =	vsort.dscd.msk.f32 $0xffff, v51, v52;
	_ =	sdelay $0x4  }
0x2c9: {  	v20 =	vnsel vm0, $0x0, v36  }
0x2ca: {  	(xrf2) =	vadd.scan.msk.f32 $0xffff, v20  }
0x2cb: {  	(xrf0) =	vmax.scan.msk.f32 $0xffff, v22;
	_ =	sdelay $0x4  }
0x2cc: {  	v24, v25, _ =	vpop (xrf1)  }
0x2cd: {  	v53, _, _ =	vpop (xrf0);
	v24 =	vperm.xlane v24, v4  }
0x2ce: {  	v26 =	vbroadcast v53, $0xF;
	v25 =	vperm.xlane v25, v4;
	v27, v28, _ =	vpop (xrf1)  }
0x2cf: {  	vm1 =	vgt.f32 v24, v27  }
0x2d0: {  	v54, _, _ =	vpop (xrf2);
	v22 =	vsub.f32 v22, v26;
	v24 =	vsel vm1, v24, v27;
	v25 =	vsel vm1, v25, v28  }
0x2d1: {  	v55 =	vbroadcast v54, $0xF;
	(xrf1) =	vsort.dscd.msk.f32 $0xffff, v24, v25  }
0x2d2: {  	v22 =	vmul.f32 $1.442695020e+00, v22  }
0x2d3: {  	(erf) = vrcp.f32 v55  }
0x2d4: {  	(erf) = vpow2.f32 v22;
	_ =	sdelay $0x7  }
0x2d5: {  	v56 =	vpop (erf)  }
0x2d6: {  	v57 =	vpop (erf)  }
0x2d7: {  	v24 =	vnsel vm0, $0x0, v57  }
0x2d8: {  	(xrf2) =	vadd.scan.msk.f32 $0xffff, v24;
	v25, v58, _ =	vpop (xrf1)  }
0x2d9: {  	(xrf0) =	vmax.scan.msk.f32 $0xffff, v25;
	_ =	sdelay $0x5  }
0x2da: {  	v59, _, _ =	vpop (xrf0)  }
0x2db: {  	v27 =	vbroadcast v59, $0xF;
	_ =	sdelay $0x1  }
0x2dc: {  	v60, _, _ =	vpop (xrf2);
	v25 =	vsub.f32 v25, v27  }
0x2dd: {  	v27 =	vbroadcast v60, $0xF  }
0x2de: {  	v25 =	vmul.f32 $1.442695020e+00, v25  }
0x2df: {  	(erf) = vrcp.f32 v27  }
0x2e0: {  	(erf) = vpow2.f32 v25;
	_ =	sdelay $0x7  }
0x2e1: {  	v61 =	vpop (erf)  }
0x2e2: {  	v62 =	vpop (erf)  }
0x2e3: {  	v27 =	vnsel vm0, $0x0, v62  }
0x2e4: {  	(xrf2) =	vadd.scan.msk.f32 $0xffff, v27;
	_ =	sdelay $0x8  }
0x2e5: {  	v6 =	vmul.f32 v8, v6  }
0x2e6: {  	v63, _, _ =	vpop (xrf2)  }
0x2e7: {  	[tilespmem:s11+$0x8] =	vst.msk $0xff, v6;
	v6 =	vmul.f32 v11, v9;
	v8 =	vbroadcast v63, $0xF  }
0x2e8: {  	[tilespmem:s12+$0x8] =	vst.msk $0xff, v5  }
0x2e9: {  	[tilespmem:s13+$0x8] =	vst.msk $0xff, v6;
	v5 =	vmul.f32 v14, v12;
	(erf) = vrcp.f32 v8  }
0x2ea: {  	[tilespmem:s14+$0x8] =	vst.msk $0xff, v7  }
0x2eb: {  	[tilespmem:s15+$0x8] =	vst.msk $0xff, v5;
	v5 =	vmul.f32 v17, v15  }
0x2ec: {  	[tilespmem:s16+$0x8] =	vst.msk $0xff, v10  }
0x2ed: {  	[tilespmem:s18+$0x8] =	vst.msk $0xff, v5;
	v5 =	vmul.f32 v19, v18  }
0x2ee: {  	[tilespmem:s17+$0x8] =	vst.msk $0xff, v13  }
0x2ef: {  	[tilespmem:s19+$0x8] =	vst.msk $0xff, v5;
	v5 =	vmul.f32 v56, v20  }
0x2f0: {  	[tilespmem:s20+$0x8] =	vst.msk $0xff, v16  }
0x2f1: {  	[tilespmem:s29+$0x8] =	vst.msk $0xff, v5;
	v5 =	vmul.f32 v61, v24  }
0x2f2: {  	[tilespmem:s28+$0x8] =	vst.msk $0xff, v21;
	v6 =	vpop (erf)  }
0x2f3: {  	[tilespmem:s30+$0x8] =	vst.msk $0xff, v5;
	v5 =	vmul.f32 v6, v27  }
0x2f4: {  	[tilespmem:s31+$0x8] =	vst.msk $0xff, v23  }
0x2f5: {  	[tilespmem:s0+$0x8] =	vst.msk $0xff, v5  }
0x2f6: {  	[tilespmem:s1+$0x8] =	vst.msk $0xff, v58  }
0x2f7: {  	[hbm4b:s4+s2] =	stream.linear.scatter [tilespmem:s8], [sflag:$0x1], $0x200, $0x38;
	[tilespmem:$0x2500] =	vst v63  }
0x2f8: {  	s10 =	sadd.s32 $0x1, s10;
	_ =	swait.ge [sflag:s7], $0x200  }
0x2f9: {  	p0 =	sne.s32 s10, s6;
	[sflag:s7] =	ssyncset.done $0x0  }
.Ltmp1:
0x2fa: {  	[sflag:s7] =	ssyncadd.s32 $0xFFFFFE00;
	(pc) =	sbr.rel @p0 .LBB2_1-.Ltmp1, $4  }
0x2fb: {  	[hbm4b:s5+s2] =	stream.linear.scatter [tilespmem:s9], [sflag:$0x1], $0x200, $0x38;
	[tilespmem:$0x2500] =	vst v63  }
0x2fc: {  	_ =	swait.ge [sflag:s7], $0x200  }
0x2fd: {  	[sflag:s7] =	ssyncset.done $0x0  }
0x2fe: {  	[sflag:s7] =	ssyncadd.s32 $0xFFFFFE00  }
0x2ff: {  	_ =	sfence.sel $0x180000  }
0x300: {  	[bflag:$0x0] =	sbarrier.arrive $0xFFFF  }
0x301: {  	_ =	strace $0x9000004A  }
0x302: {  	s0 =	stileid.u32;
	[bflag:$0x2] =	sbarrier.arrive $0xFFFF  }
0x303: {  	p0 =	sne.s32 s0, $0x0;
	s0 =	rddreg [dreg:$0x1]  }
0x304: {  	s0 =	sadd.s32 @!p0 $0x100000, s0  }
0x305: {  	[sflag:s0] =	ssyncadd.tile.s32 @!p0 $0x1;
	_ =	shalt  }
.Lfunc_end2:
_tile_overlayer_lowered:
.L_overlay_start_2:
0x306: {  	(tag) =	ssettag $0x2  }
0x307: {  	s0 =	rddreg [dreg:$0x0];
	s2 =	stileid.u32  }
0x308: {  	s1 =	rddreg [dreg:$0x1];
	p0 =	sne.s32 s2, $0x0  }
0x309: {  	s3 =	rddreg [dreg:$0x2];
	[bflag:$0x3] =	sbarrier.arrive $0xFFFF;
	s2 =	simm.s32 @!p0 $0x1C01  }
0x30a: {  	[timem:s3], [sflag:s2] =	dma.local @!p0 [hbm:s0], s1  }
0x30b: {  	s0 =	simm.s32 @!p0 $0x1  }
0x30c: {  	_ =	swait.ge @!p0 [sflag:s0], s1  }
0x30d: {  	s1 =	ssub.s32 @!p0 $0x0, s1;
	[sflag:s0] =	ssyncset.done @!p0 $0x0  }
0x30e: {  	[sflag:s0] =	ssyncadd.s32 @!p0 s1  }
0x30f: {  	[bflag:$0x3] =	sbarrier.arrive $0xFFFF  }
0x310: {  	_ =	shalt  }

</sc_bundles>
